<compile_context>
chip_gen: v7x
topology: tpu7x:2x2x1
jax: 0.10.2.dev20260603
libtpu: 0.0.44.dev20260713+nightly
codegen_flags: <defaults>
</compile_context>

<pallas_src>
import jax
import jax.numpy as jnp
from jax import lax
from jax.experimental import pallas as pl
from jax.experimental.pallas import tpu as pltpu
from jax.experimental.pallas import tpu_sc as plsc

D = 128
B = 4096
S = 200
NUM_SEG = 2
N = B * S

NUM_CORES = 2
NUM_SUBCORES = 16
NUM_WORKERS = NUM_CORES * NUM_SUBCORES
PER_W = N // NUM_WORKERS
CHUNK = 128
CHUNKS_PER_W = PER_W // CHUNK
LANES = 16
VPR = D // LANES
DEPTH = 3


def _body(ids_hbm, seg_hbm, w_hbm, p_hbm, sg_hbm, out_hbm,
          ps_shared, pbuf_v, sg_v,
          ids0, ids1, ids2, segs0, segs1, segs2, psidx0, psidx1, psidx2,
          rows0, rows1, rows2, psrows0, psrows1, psrows2,
          gsem0, gsem1, gsem2, pssem0, pssem1, pssem2,
          isem0, isem1, isem2, ssem0, ssem1, ssem2,
          wsem0, wsem1, wsem2):
    ids_v = (ids0, ids1, ids2)
    segs_v = (segs0, segs1, segs2)
    psidx_v = (psidx0, psidx1, psidx2)
    rows_v = (rows0, rows1, rows2)
    psrows_v = (psrows0, psrows1, psrows2)
    gsem = (gsem0, gsem1, gsem2)
    pssem = (pssem0, pssem1, pssem2)
    isem = (isem0, isem1, isem2)
    ssem = (ssem0, ssem1, ssem2)
    wsem = (wsem0, wsem1, wsem2)

    cid = lax.axis_index("c")
    sid = lax.axis_index("s")
    wid = sid * NUM_CORES + cid
    wstart = wid * PER_W

    def chunk_base(n):
        return lax.rem(wstart + n * CHUNK, N)

    def fetch_ids(n, p):
        base = chunk_base(n)
        pltpu.async_copy(ids_hbm.at[pl.ds(base, CHUNK)], ids_v[p], isem[p])
        pltpu.async_copy(seg_hbm.at[pl.ds(base, CHUNK)], segs_v[p], ssem[p])

    def wait_ids(n, p):
        base = chunk_base(n)
        pltpu.make_async_copy(ids_hbm.at[pl.ds(base, CHUNK)], ids_v[p],
                              isem[p]).wait()
        pltpu.make_async_copy(seg_hbm.at[pl.ds(base, CHUNK)], segs_v[p],
                              ssem[p]).wait()

    def issue_gathers(n, p):
        base = chunk_base(n)
        pltpu.async_copy(w_hbm.at[ids_v[p]], rows_v[p], gsem[p])
        for k in range(CHUNK // LANES):
            sl = pl.ds(LANES * k, LANES)
            svec = lax.rem(jnp.full((LANES,), base + LANES * k, jnp.int32)
                           + lax.iota(jnp.int32, LANES), S)
            psidx_v[p][sl] = segs_v[p][sl] * S + svec
        pltpu.async_copy(ps_shared.at[psidx_v[p]], psrows_v[p], pssem[p])

    def wait_gathers(p):
        pltpu.make_async_copy(w_hbm.at[ids_v[p]], rows_v[p], gsem[p]).wait()
        pltpu.make_async_copy(ps_shared.at[psidx_v[p]], psrows_v[p],
                              pssem[p]).wait()

    def add_and_writeout(n, p):
        rv, pv = rows_v[p], psrows_v[p]
        base = chunk_base(n)

        @pl.loop(0, CHUNK)
        def _row(r):
            for j in range(VPR):
                sl = pl.ds(16 * j, 16)
                rv[r, sl] = rv[r, sl] + pv[r, sl]

        pltpu.async_copy(rv, out_hbm.at[pl.ds(base, CHUNK)], wsem[p])

    def wait_writeout(n, p):
        pltpu.make_async_copy(rows_v[p],
                              out_hbm.at[pl.ds(chunk_base(n), CHUNK)],
                              wsem[p]).wait()

    for i in range(DEPTH):
        fetch_ids(i, i)

    @pl.when(sid == 0)
    def _build():
        pltpu.sync_copy(p_hbm.at[pl.ds(0, S)], pbuf_v)
        pltpu.sync_copy(sg_hbm, sg_v)
        seg0 = [sg_v[0, pl.ds(16 * j, 16)] for j in range(VPR)]
        dseg = [sg_v[1, pl.ds(16 * j, 16)] - sg_v[0, pl.ds(16 * j, 16)]
                for j in range(VPR)]

        @pl.loop(0, S)
        def _add0(s):
            for j in range(VPR):
                sl = pl.ds(16 * j, 16)
                pbuf_v[s, sl] = pbuf_v[s, sl] + seg0[j]

        pltpu.sync_copy(pbuf_v, ps_shared.at[pl.ds(0, S)])

        @pl.loop(0, S)
        def _add1(s):
            for j in range(VPR):
                sl = pl.ds(16 * j, 16)
                pbuf_v[s, sl] = pbuf_v[s, sl] + dseg[j]

        pltpu.sync_copy(pbuf_v, ps_shared.at[pl.ds(S, S)])

    plsc.subcore_barrier()

    wait_ids(0, 0)
    issue_gathers(0, 0)
    wait_ids(1, 1)
    issue_gathers(1, 1)
    wait_gathers(0)
    fetch_ids(DEPTH, 0)
    add_and_writeout(0, 0)
    wait_ids(2, 2)
    issue_gathers(2, 2)
    wait_gathers(1)
    add_and_writeout(1, 1)

    def steady(n, p):
        q = (p + DEPTH - 1) % DEPTH
        r3 = (p + 1) % DEPTH
        fetch_ids(n + 1, r3)
        wait_writeout(n - DEPTH, p)
        wait_ids(n, p)
        issue_gathers(n, p)
        wait_gathers(q)
        add_and_writeout(n - 1, q)

    @pl.loop(1, (CHUNKS_PER_W - 3) // DEPTH + 1)
    def _grp(m):
        for b in range(DEPTH):
            steady(DEPTH * m + b, b)

    steady(CHUNKS_PER_W - 2, (CHUNKS_PER_W - 2) % DEPTH)
    steady(CHUNKS_PER_W - 1, (CHUNKS_PER_W - 1) % DEPTH)

    last = CHUNKS_PER_W - 1
    wait_writeout(last - 2, (last - 2) % DEPTH)
    wait_gathers(last % DEPTH)
    add_and_writeout(last, last % DEPTH)
    wait_ids(CHUNKS_PER_W, CHUNKS_PER_W % DEPTH)
    wait_writeout(last - 1, (last - 1) % DEPTH)
    wait_writeout(last, last % DEPTH)


@jax.jit
def _run(input_ids, segment_ids, word_embeddings, position_embeddings,
         segment_embeddings):
    ids = input_ids.reshape(N)
    segs = segment_ids.reshape(N)
    mesh = plsc.VectorSubcoreMesh(core_axis_name="c", subcore_axis_name="s",
                                  num_cores=NUM_CORES,
                                  num_subcores=NUM_SUBCORES)
    out = pl.kernel(
        _body,
        out_type=jax.ShapeDtypeStruct((N, D), jnp.float32),
        mesh=mesh,
        scratch_types=[
            pltpu.VMEM_SHARED((NUM_SEG * S, D), jnp.float32),
            pltpu.VMEM((S, D), jnp.float32),
            pltpu.VMEM((NUM_SEG, D), jnp.float32),
        ]
        + [pltpu.VMEM((CHUNK,), jnp.int32)] * 9
        + [pltpu.VMEM((CHUNK, D), jnp.float32)] * 6
        + [pltpu.SemaphoreType.DMA] * 15,
    )(ids, segs, word_embeddings, position_embeddings, segment_embeddings)
    return out.reshape(B, S, D)


def kernel(input_ids, segment_ids, word_embeddings, position_embeddings,
           segment_embeddings):
    return _run(input_ids, segment_ids, word_embeddings,
                position_embeddings, segment_embeddings)

# --- scband reference (transcript-rebuilt; emitter-appended) ---
"""Pipeline reference for scband-embedding-layer-48086453846719 (READ-ONLY COPY).

The authoritative reference and input builder live on the scoring server;
editing this copy changes nothing except your own understanding.
"""

import jax, jax.numpy as jnp
import numpy as np

VOCAB = 100000
D = 128
B = 4096
S = 200
MAX_POS = 512
NUM_SEG = 2


def setup_inputs(seed: int = 0) -> dict:
    key = jax.random.key(seed)
    k1, k2, k3, k4, k5 = jax.random.split(key, 5)
    input_ids = jax.random.randint(k1, (B, S), 0, VOCAB, dtype=jnp.int64 if jax.config.read('jax_enable_x64') else jnp.int32)
    segment_ids = jax.random.randint(k2, (B, S), 0, NUM_SEG, dtype=jnp.int64 if jax.config.read('jax_enable_x64') else jnp.int32)
    # embeddings_initializer='uniform' (torch nn.init.uniform_ default: U[0,1))
    word_embeddings = jax.random.uniform(k3, (VOCAB, D), dtype=jnp.float32)
    position_embeddings = jax.random.uniform(k4, (MAX_POS, D), dtype=jnp.float32)
    segment_embeddings = jax.random.uniform(k5, (NUM_SEG, D), dtype=jnp.float32)
    return {
        'input_ids': input_ids,
        'segment_ids': segment_ids,
        'word_embeddings': word_embeddings,
        'position_embeddings': position_embeddings,
        'segment_embeddings': segment_embeddings,
    }


def reference(input_ids, segment_ids, word_embeddings, position_embeddings, segment_embeddings):
    # word embedding lookup
    word_emb = jnp.take(word_embeddings, input_ids, axis=0)  # [B, S, D]
    # learned position embeddings: positions = offset + arange(seq_len)
    seq_len = input_ids.shape[1]
    position_ids = jnp.arange(seq_len)  # offset = 0
    pos_emb = jnp.take(position_embeddings, position_ids, axis=0)[None, :, :]  # [1, S, D]
    # segment embeddings
    seg_emb = jnp.take(segment_embeddings, segment_ids, axis=0)  # [B, S, D]
    return word_emb + pos_emb + seg_emb

if __name__ == "__main__":
    import jax
    _d = setup_inputs()
    print(jax.jit(kernel)(*tuple(_d.values())))

</pallas_src>

<mosaic_0001>
#map = affine_map<(d0, d1) -> (0)>
#map1 = affine_map<(d0, d1) -> (0, 0)>
module attributes {stable_mosaic.version = 14 : i64} {
  func.func @_body(%arg0: i32, %arg1: i32, %arg2: memref<819200xi32, #tpu.memory_space<hbm>>, %arg3: memref<819200xi32, #tpu.memory_space<hbm>>, %arg4: memref<100000x128xf32, #tpu.memory_space<hbm>>, %arg5: memref<512x128xf32, #tpu.memory_space<hbm>>, %arg6: memref<2x128xf32, #tpu.memory_space<hbm>>, %arg7: memref<819200x128xf32, #tpu.memory_space<hbm>>, %arg8: memref<400x128xf32, #tpu.memory_space<vmem_shared>>, %arg9: memref<200x128xf32, #tpu.memory_space<vmem>>, %arg10: memref<2x128xf32, #tpu.memory_space<vmem>>, %arg11: memref<128xi32, #tpu.memory_space<vmem>>, %arg12: memref<128xi32, #tpu.memory_space<vmem>>, %arg13: memref<128xi32, #tpu.memory_space<vmem>>, %arg14: memref<128xi32, #tpu.memory_space<vmem>>, %arg15: memref<128xi32, #tpu.memory_space<vmem>>, %arg16: memref<128xi32, #tpu.memory_space<vmem>>, %arg17: memref<128xi32, #tpu.memory_space<vmem>>, %arg18: memref<128xi32, #tpu.memory_space<vmem>>, %arg19: memref<128xi32, #tpu.memory_space<vmem>>, %arg20: memref<128x128xf32, #tpu.memory_space<vmem>>, %arg21: memref<128x128xf32, #tpu.memory_space<vmem>>, %arg22: memref<128x128xf32, #tpu.memory_space<vmem>>, %arg23: memref<128x128xf32, #tpu.memory_space<vmem>>, %arg24: memref<128x128xf32, #tpu.memory_space<vmem>>, %arg25: memref<128x128xf32, #tpu.memory_space<vmem>>, %arg26: memref<!tpu.dma_semaphore, #tpu.memory_space<semaphore_mem>>, %arg27: memref<!tpu.dma_semaphore, #tpu.memory_space<semaphore_mem>>, %arg28: memref<!tpu.dma_semaphore, #tpu.memory_space<semaphore_mem>>, %arg29: memref<!tpu.dma_semaphore, #tpu.memory_space<semaphore_mem>>, %arg30: memref<!tpu.dma_semaphore, #tpu.memory_space<semaphore_mem>>, %arg31: memref<!tpu.dma_semaphore, #tpu.memory_space<semaphore_mem>>, %arg32: memref<!tpu.dma_semaphore, #tpu.memory_space<semaphore_mem>>, %arg33: memref<!tpu.dma_semaphore, #tpu.memory_space<semaphore_mem>>, %arg34: memref<!tpu.dma_semaphore, #tpu.memory_space<semaphore_mem>>, %arg35: memref<!tpu.dma_semaphore, #tpu.memory_space<semaphore_mem>>, %arg36: memref<!tpu.dma_semaphore, #tpu.memory_space<semaphore_mem>>, %arg37: memref<!tpu.dma_semaphore, #tpu.memory_space<semaphore_mem>>, %arg38: memref<!tpu.dma_semaphore, #tpu.memory_space<semaphore_mem>>, %arg39: memref<!tpu.dma_semaphore, #tpu.memory_space<semaphore_mem>>, %arg40: memref<!tpu.dma_semaphore, #tpu.memory_space<semaphore_mem>>) attributes {dimension_semantics = [#tpu.dimension_semantics<core_parallel>, #tpu.dimension_semantics<subcore_parallel>], iteration_bounds = array<i64: 2, 16>, scalar_prefetch = 0 : i64, scratch_operands = 33 : i64, tpu.core_type = #tpu.core_type<sc_vector_subcore>, window_params = [{transform_indices = #map}, {transform_indices = #map}, {transform_indices = #map1}, {transform_indices = #map1}, {transform_indices = #map1}, {transform_indices = #map1}]} {
    %mul3A = arith.constant 2 : i32
    %mul3A_0 = arith.muli %arg1, %mul3A : i32
    %add3A = arith.addi %mul3A_0, %arg0 : i32
    %mul3A_1 = arith.constant 25600 : i32
    %mul3A_2 = arith.muli %add3A, %mul3A_1 : i32
    %add3A_3 = arith.constant 0 : i32
    %add3A_4 = arith.addi %mul3A_2, %add3A_3 : i32
    %rem3A = arith.constant 819200 : i32
    %rem3A_5 = arith.remsi %add3A_4, %rem3A : i32
    %dma_start3A = tpu.memref_slice %arg2[%rem3A_5] : memref<819200xi32, #tpu.memory_space<hbm>> -> memref<128xi32, #tpu.memory_space<hbm>>
    %dma_start3A_6 = tpu.memref_slice %arg2[%rem3A_5] : memref<819200xi32, #tpu.memory_space<hbm>> -> memref<128xi32, #tpu.memory_space<hbm>>
    tpu.enqueue_dma source(%dma_start3A_6 : memref<128xi32, #tpu.memory_space<hbm>>) target(%arg11 : memref<128xi32, #tpu.memory_space<vmem>>) target_semaphore(%arg32 : memref<!tpu.dma_semaphore, #tpu.memory_space<semaphore_mem>>)
    %dma_start3A_7 = tpu.memref_slice %arg3[%rem3A_5] : memref<819200xi32, #tpu.memory_space<hbm>> -> memref<128xi32, #tpu.memory_space<hbm>>
    %dma_start3A_8 = tpu.memref_slice %arg3[%rem3A_5] : memref<819200xi32, #tpu.memory_space<hbm>> -> memref<128xi32, #tpu.memory_space<hbm>>
    tpu.enqueue_dma source(%dma_start3A_8 : memref<128xi32, #tpu.memory_space<hbm>>) target(%arg14 : memref<128xi32, #tpu.memory_space<vmem>>) target_semaphore(%arg35 : memref<!tpu.dma_semaphore, #tpu.memory_space<semaphore_mem>>)
    %add3A_9 = arith.constant 128 : i32
    %add3A_10 = arith.addi %mul3A_2, %add3A_9 : i32
    %rem3A_11 = arith.constant 819200 : i32
    %rem3A_12 = arith.remsi %add3A_10, %rem3A_11 : i32
    %dma_start3A_13 = tpu.memref_slice %arg2[%rem3A_12] : memref<819200xi32, #tpu.memory_space<hbm>> -> memref<128xi32, #tpu.memory_space<hbm>>
    %dma_start3A_14 = tpu.memref_slice %arg2[%rem3A_12] : memref<819200xi32, #tpu.memory_space<hbm>> -> memref<128xi32, #tpu.memory_space<hbm>>
    tpu.enqueue_dma source(%dma_start3A_14 : memref<128xi32, #tpu.memory_space<hbm>>) target(%arg12 : memref<128xi32, #tpu.memory_space<vmem>>) target_semaphore(%arg33 : memref<!tpu.dma_semaphore, #tpu.memory_space<semaphore_mem>>)
    %dma_start3A_15 = tpu.memref_slice %arg3[%rem3A_12] : memref<819200xi32, #tpu.memory_space<hbm>> -> memref<128xi32, #tpu.memory_space<hbm>>
    %dma_start3A_16 = tpu.memref_slice %arg3[%rem3A_12] : memref<819200xi32, #tpu.memory_space<hbm>> -> memref<128xi32, #tpu.memory_space<hbm>>
    tpu.enqueue_dma source(%dma_start3A_16 : memref<128xi32, #tpu.memory_space<hbm>>) target(%arg15 : memref<128xi32, #tpu.memory_space<vmem>>) target_semaphore(%arg36 : memref<!tpu.dma_semaphore, #tpu.memory_space<semaphore_mem>>)
    %add3A_17 = arith.constant 256 : i32
    %add3A_18 = arith.addi %mul3A_2, %add3A_17 : i32
    %rem3A_19 = arith.constant 819200 : i32
    %rem3A_20 = arith.remsi %add3A_18, %rem3A_19 : i32
    %dma_start3A_21 = tpu.memref_slice %arg2[%rem3A_20] : memref<819200xi32, #tpu.memory_space<hbm>> -> memref<128xi32, #tpu.memory_space<hbm>>
    %dma_start3A_22 = tpu.memref_slice %arg2[%rem3A_20] : memref<819200xi32, #tpu.memory_space<hbm>> -> memref<128xi32, #tpu.memory_space<hbm>>
    tpu.enqueue_dma source(%dma_start3A_22 : memref<128xi32, #tpu.memory_space<hbm>>) target(%arg13 : memref<128xi32, #tpu.memory_space<vmem>>) target_semaphore(%arg34 : memref<!tpu.dma_semaphore, #tpu.memory_space<semaphore_mem>>)
    %dma_start3A_23 = tpu.memref_slice %arg3[%rem3A_20] : memref<819200xi32, #tpu.memory_space<hbm>> -> memref<128xi32, #tpu.memory_space<hbm>>
    %dma_start3A_24 = tpu.memref_slice %arg3[%rem3A_20] : memref<819200xi32, #tpu.memory_space<hbm>> -> memref<128xi32, #tpu.memory_space<hbm>>
    tpu.enqueue_dma source(%dma_start3A_24 : memref<128xi32, #tpu.memory_space<hbm>>) target(%arg16 : memref<128xi32, #tpu.memory_space<vmem>>) target_semaphore(%arg37 : memref<!tpu.dma_semaphore, #tpu.memory_space<semaphore_mem>>)
    %eq3A = arith.constant 0 : i32
    %eq3A_25 = arith.cmpi eq, %arg1, %eq3A : i32
    %convert_element_type3A = arith.extui %eq3A_25 : i1 to i32
    %cond3A = arith.constant 0 : i32
    %cond3A_26 = arith.cmpi ne, %convert_element_type3A, %cond3A : i32
    scf.if %cond3A_26 {
      "tpu.region"() ({
        %run_scoped3A = tpu.sem_alloc : memref<!tpu.dma_semaphore, #tpu.memory_space<semaphore_mem>>
        %dma_start3A_1180 = arith.constant 0 : i32
        %dma_start3A_1181 = arith.constant 0 : i32
        %dma_start3A_1182 = tpu.memref_slice %arg5[%dma_start3A_1180, %dma_start3A_1181] : memref<512x128xf32, #tpu.memory_space<hbm>> -> memref<200x128xf32, #tpu.memory_space<hbm>>
        %dma_start3A_1183 = arith.constant 0 : i32
        %dma_start3A_1184 = arith.constant 0 : i32
        %dma_start3A_1185 = tpu.memref_slice %arg5[%dma_start3A_1183, %dma_start3A_1184] : memref<512x128xf32, #tpu.memory_space<hbm>> -> memref<200x128xf32, #tpu.memory_space<hbm>>
        tpu.enqueue_dma source(%dma_start3A_1185 : memref<200x128xf32, #tpu.memory_space<hbm>>) target(%arg9 : memref<200x128xf32, #tpu.memory_space<vmem>>) target_semaphore(%run_scoped3A : memref<!tpu.dma_semaphore, #tpu.memory_space<semaphore_mem>>)
        %dma_wait3A_1186 = arith.constant 0 : i32
        %dma_wait3A_1187 = arith.constant 0 : i32
        %dma_wait3A_1188 = tpu.memref_slice %arg5[%dma_wait3A_1186, %dma_wait3A_1187] : memref<512x128xf32, #tpu.memory_space<hbm>> -> memref<200x128xf32, #tpu.memory_space<hbm>>
        %dma_wait3A_1189 = arith.constant 0 : i32
        %dma_wait3A_1190 = arith.constant 0 : i32
        %dma_wait3A_1191 = tpu.memref_slice %arg5[%dma_wait3A_1189, %dma_wait3A_1190] : memref<512x128xf32, #tpu.memory_space<hbm>> -> memref<200x128xf32, #tpu.memory_space<hbm>>
        tpu.wait_dma2 semaphore(%run_scoped3A : memref<!tpu.dma_semaphore, #tpu.memory_space<semaphore_mem>>) src(%dma_wait3A_1191 : memref<200x128xf32, #tpu.memory_space<hbm>>) dst(%arg9 : memref<200x128xf32, #tpu.memory_space<vmem>>)
        tpu.yield
      }) : () -> ()
      "tpu.region"() ({
        %run_scoped3A = tpu.sem_alloc : memref<!tpu.dma_semaphore, #tpu.memory_space<semaphore_mem>>
        tpu.enqueue_dma source(%arg6 : memref<2x128xf32, #tpu.memory_space<hbm>>) target(%arg10 : memref<2x128xf32, #tpu.memory_space<vmem>>) target_semaphore(%run_scoped3A : memref<!tpu.dma_semaphore, #tpu.memory_space<semaphore_mem>>)
        tpu.wait_dma2 semaphore(%run_scoped3A : memref<!tpu.dma_semaphore, #tpu.memory_space<semaphore_mem>>) src(%arg6 : memref<2x128xf32, #tpu.memory_space<hbm>>) dst(%arg10 : memref<2x128xf32, #tpu.memory_space<vmem>>)
        tpu.yield
      }) : () -> ()
      %get3A_1043 = arith.constant 0 : i32
      %get3A_1044 = arith.index_cast %get3A_1043 : i32 to index
      %get3A_1045 = arith.constant 0 : index
      %get3A_1046 = tpu.vector_load %arg10[%get3A_1044, %get3A_1045] {strides = array<i32>} : memref<2x128xf32, #tpu.memory_space<vmem>>, vector<1x16xf32>,
      %get3A_1047 = vector.shape_cast %get3A_1046 : vector<1x16xf32> to vector<16xf32>
      %get3A_1048 = arith.constant 0 : i32
      %get3A_1049 = arith.index_cast %get3A_1048 : i32 to index
      %get3A_1050 = arith.constant 16 : index
      %get3A_1051 = tpu.vector_load %arg10[%get3A_1049, %get3A_1050] {strides = array<i32>} : memref<2x128xf32, #tpu.memory_space<vmem>>, vector<1x16xf32>,
      %get3A_1052 = vector.shape_cast %get3A_1051 : vector<1x16xf32> to vector<16xf32>
      %get3A_1053 = arith.constant 0 : i32
      %get3A_1054 = arith.index_cast %get3A_1053 : i32 to index
      %get3A_1055 = arith.constant 32 : index
      %get3A_1056 = tpu.vector_load %arg10[%get3A_1054, %get3A_1055] {strides = array<i32>} : memref<2x128xf32, #tpu.memory_space<vmem>>, vector<1x16xf32>,
      %get3A_1057 = vector.shape_cast %get3A_1056 : vector<1x16xf32> to vector<16xf32>
      %get3A_1058 = arith.constant 0 : i32
      %get3A_1059 = arith.index_cast %get3A_1058 : i32 to index
      %get3A_1060 = arith.constant 48 : index
      %get3A_1061 = tpu.vector_load %arg10[%get3A_1059, %get3A_1060] {strides = array<i32>} : memref<2x128xf32, #tpu.memory_space<vmem>>, vector<1x16xf32>,
      %get3A_1062 = vector.shape_cast %get3A_1061 : vector<1x16xf32> to vector<16xf32>
      %get3A_1063 = arith.constant 0 : i32
      %get3A_1064 = arith.index_cast %get3A_1063 : i32 to index
      %get3A_1065 = arith.constant 64 : index
      %get3A_1066 = tpu.vector_load %arg10[%get3A_1064, %get3A_1065] {strides = array<i32>} : memref<2x128xf32, #tpu.memory_space<vmem>>, vector<1x16xf32>,
      %get3A_1067 = vector.shape_cast %get3A_1066 : vector<1x16xf32> to vector<16xf32>
      %get3A_1068 = arith.constant 0 : i32
      %get3A_1069 = arith.index_cast %get3A_1068 : i32 to index
      %get3A_1070 = arith.constant 80 : index
      %get3A_1071 = tpu.vector_load %arg10[%get3A_1069, %get3A_1070] {strides = array<i32>} : memref<2x128xf32, #tpu.memory_space<vmem>>, vector<1x16xf32>,
      %get3A_1072 = vector.shape_cast %get3A_1071 : vector<1x16xf32> to vector<16xf32>
      %get3A_1073 = arith.constant 0 : i32
      %get3A_1074 = arith.index_cast %get3A_1073 : i32 to index
      %get3A_1075 = arith.constant 96 : index
      %get3A_1076 = tpu.vector_load %arg10[%get3A_1074, %get3A_1075] {strides = array<i32>} : memref<2x128xf32, #tpu.memory_space<vmem>>, vector<1x16xf32>,
      %get3A_1077 = vector.shape_cast %get3A_1076 : vector<1x16xf32> to vector<16xf32>
      %get3A_1078 = arith.constant 0 : i32
      %get3A_1079 = arith.index_cast %get3A_1078 : i32 to index
      %get3A_1080 = arith.constant 112 : index
      %get3A_1081 = tpu.vector_load %arg10[%get3A_1079, %get3A_1080] {strides = array<i32>} : memref<2x128xf32, #tpu.memory_space<vmem>>, vector<1x16xf32>,
      %get3A_1082 = vector.shape_cast %get3A_1081 : vector<1x16xf32> to vector<16xf32>
      %get3A_1083 = arith.constant 1 : i32
      %get3A_1084 = arith.index_cast %get3A_1083 : i32 to index
      %get3A_1085 = arith.constant 0 : index
      %get3A_1086 = tpu.vector_load %arg10[%get3A_1084, %get3A_1085] {strides = array<i32>} : memref<2x128xf32, #tpu.memory_space<vmem>>, vector<1x16xf32>,
      %get3A_1087 = vector.shape_cast %get3A_1086 : vector<1x16xf32> to vector<16xf32>
      %get3A_1088 = arith.constant 0 : i32
      %get3A_1089 = arith.index_cast %get3A_1088 : i32 to index
      %get3A_1090 = arith.constant 0 : index
      %get3A_1091 = tpu.vector_load %arg10[%get3A_1089, %get3A_1090] {strides = array<i32>} : memref<2x128xf32, #tpu.memory_space<vmem>>, vector<1x16xf32>,
      %get3A_1092 = vector.shape_cast %get3A_1091 : vector<1x16xf32> to vector<16xf32>
      %sub3A = arith.subf %get3A_1087, %get3A_1092 : vector<16xf32>
      %get3A_1093 = arith.constant 1 : i32
      %get3A_1094 = arith.index_cast %get3A_1093 : i32 to index
      %get3A_1095 = arith.constant 16 : index
      %get3A_1096 = tpu.vector_load %arg10[%get3A_1094, %get3A_1095] {strides = array<i32>} : memref<2x128xf32, #tpu.memory_space<vmem>>, vector<1x16xf32>,
      %get3A_1097 = vector.shape_cast %get3A_1096 : vector<1x16xf32> to vector<16xf32>
      %get3A_1098 = arith.constant 0 : i32
      %get3A_1099 = arith.index_cast %get3A_1098 : i32 to index
      %get3A_1100 = arith.constant 16 : index
      %get3A_1101 = tpu.vector_load %arg10[%get3A_1099, %get3A_1100] {strides = array<i32>} : memref<2x128xf32, #tpu.memory_space<vmem>>, vector<1x16xf32>,
      %get3A_1102 = vector.shape_cast %get3A_1101 : vector<1x16xf32> to vector<16xf32>
      %sub3A_1103 = arith.subf %get3A_1097, %get3A_1102 : vector<16xf32>
      %get3A_1104 = arith.constant 1 : i32
      %get3A_1105 = arith.index_cast %get3A_1104 : i32 to index
      %get3A_1106 = arith.constant 32 : index
      %get3A_1107 = tpu.vector_load %arg10[%get3A_1105, %get3A_1106] {strides = array<i32>} : memref<2x128xf32, #tpu.memory_space<vmem>>, vector<1x16xf32>,
      %get3A_1108 = vector.shape_cast %get3A_1107 : vector<1x16xf32> to vector<16xf32>
      %get3A_1109 = arith.constant 0 : i32
      %get3A_1110 = arith.index_cast %get3A_1109 : i32 to index
      %get3A_1111 = arith.constant 32 : index
      %get3A_1112 = tpu.vector_load %arg10[%get3A_1110, %get3A_1111] {strides = array<i32>} : memref<2x128xf32, #tpu.memory_space<vmem>>, vector<1x16xf32>,
      %get3A_1113 = vector.shape_cast %get3A_1112 : vector<1x16xf32> to vector<16xf32>
      %sub3A_1114 = arith.subf %get3A_1108, %get3A_1113 : vector<16xf32>
      %get3A_1115 = arith.constant 1 : i32
      %get3A_1116 = arith.index_cast %get3A_1115 : i32 to index
      %get3A_1117 = arith.constant 48 : index
      %get3A_1118 = tpu.vector_load %arg10[%get3A_1116, %get3A_1117] {strides = array<i32>} : memref<2x128xf32, #tpu.memory_space<vmem>>, vector<1x16xf32>,
      %get3A_1119 = vector.shape_cast %get3A_1118 : vector<1x16xf32> to vector<16xf32>
      %get3A_1120 = arith.constant 0 : i32
      %get3A_1121 = arith.index_cast %get3A_1120 : i32 to index
      %get3A_1122 = arith.constant 48 : index
      %get3A_1123 = tpu.vector_load %arg10[%get3A_1121, %get3A_1122] {strides = array<i32>} : memref<2x128xf32, #tpu.memory_space<vmem>>, vector<1x16xf32>,
      %get3A_1124 = vector.shape_cast %get3A_1123 : vector<1x16xf32> to vector<16xf32>
      %sub3A_1125 = arith.subf %get3A_1119, %get3A_1124 : vector<16xf32>
      %get3A_1126 = arith.constant 1 : i32
      %get3A_1127 = arith.index_cast %get3A_1126 : i32 to index
      %get3A_1128 = arith.constant 64 : index
      %get3A_1129 = tpu.vector_load %arg10[%get3A_1127, %get3A_1128] {strides = array<i32>} : memref<2x128xf32, #tpu.memory_space<vmem>>, vector<1x16xf32>,
      %get3A_1130 = vector.shape_cast %get3A_1129 : vector<1x16xf32> to vector<16xf32>
      %get3A_1131 = arith.constant 0 : i32
      %get3A_1132 = arith.index_cast %get3A_1131 : i32 to index
      %get3A_1133 = arith.constant 64 : index
      %get3A_1134 = tpu.vector_load %arg10[%get3A_1132, %get3A_1133] {strides = array<i32>} : memref<2x128xf32, #tpu.memory_space<vmem>>, vector<1x16xf32>,
      %get3A_1135 = vector.shape_cast %get3A_1134 : vector<1x16xf32> to vector<16xf32>
      %sub3A_1136 = arith.subf %get3A_1130, %get3A_1135 : vector<16xf32>
      %get3A_1137 = arith.constant 1 : i32
      %get3A_1138 = arith.index_cast %get3A_1137 : i32 to index
      %get3A_1139 = arith.constant 80 : index
      %get3A_1140 = tpu.vector_load %arg10[%get3A_1138, %get3A_1139] {strides = array<i32>} : memref<2x128xf32, #tpu.memory_space<vmem>>, vector<1x16xf32>,
      %get3A_1141 = vector.shape_cast %get3A_1140 : vector<1x16xf32> to vector<16xf32>
      %get3A_1142 = arith.constant 0 : i32
      %get3A_1143 = arith.index_cast %get3A_1142 : i32 to index
      %get3A_1144 = arith.constant 80 : index
      %get3A_1145 = tpu.vector_load %arg10[%get3A_1143, %get3A_1144] {strides = array<i32>} : memref<2x128xf32, #tpu.memory_space<vmem>>, vector<1x16xf32>,
      %get3A_1146 = vector.shape_cast %get3A_1145 : vector<1x16xf32> to vector<16xf32>
      %sub3A_1147 = arith.subf %get3A_1141, %get3A_1146 : vector<16xf32>
      %get3A_1148 = arith.constant 1 : i32
      %get3A_1149 = arith.index_cast %get3A_1148 : i32 to index
      %get3A_1150 = arith.constant 96 : index
      %get3A_1151 = tpu.vector_load %arg10[%get3A_1149, %get3A_1150] {strides = array<i32>} : memref<2x128xf32, #tpu.memory_space<vmem>>, vector<1x16xf32>,
      %get3A_1152 = vector.shape_cast %get3A_1151 : vector<1x16xf32> to vector<16xf32>
      %get3A_1153 = arith.constant 0 : i32
      %get3A_1154 = arith.index_cast %get3A_1153 : i32 to index
      %get3A_1155 = arith.constant 96 : index
      %get3A_1156 = tpu.vector_load %arg10[%get3A_1154, %get3A_1155] {strides = array<i32>} : memref<2x128xf32, #tpu.memory_space<vmem>>, vector<1x16xf32>,
      %get3A_1157 = vector.shape_cast %get3A_1156 : vector<1x16xf32> to vector<16xf32>
      %sub3A_1158 = arith.subf %get3A_1152, %get3A_1157 : vector<16xf32>
      %get3A_1159 = arith.constant 1 : i32
      %get3A_1160 = arith.index_cast %get3A_1159 : i32 to index
      %get3A_1161 = arith.constant 112 : index
      %get3A_1162 = tpu.vector_load %arg10[%get3A_1160, %get3A_1161] {strides = array<i32>} : memref<2x128xf32, #tpu.memory_space<vmem>>, vector<1x16xf32>,
      %get3A_1163 = vector.shape_cast %get3A_1162 : vector<1x16xf32> to vector<16xf32>
      %get3A_1164 = arith.constant 0 : i32
      %get3A_1165 = arith.index_cast %get3A_1164 : i32 to index
      %get3A_1166 = arith.constant 112 : index
      %get3A_1167 = tpu.vector_load %arg10[%get3A_1165, %get3A_1166] {strides = array<i32>} : memref<2x128xf32, #tpu.memory_space<vmem>>, vector<1x16xf32>,
      %get3A_1168 = vector.shape_cast %get3A_1167 : vector<1x16xf32> to vector<16xf32>
      %sub3A_1169 = arith.subf %get3A_1163, %get3A_1168 : vector<16xf32>
      %scan3A_1170 = arith.constant 0 : i32
      %scan3A_1171 = arith.constant 200 : i32
      %scan3A_1172 = arith.addi %scan3A_1170, %scan3A_1171 : i32
      %scan3A_1173 = arith.constant 1 : i32
      scf.for %scan3A_1180 = %scan3A_1170 to %scan3A_1172 step %scan3A_1173  : i32 {
        %mul3A_1181 = arith.constant 1 : i32
        %mul3A_1182 = arith.muli %scan3A_1180, %mul3A_1181 : i32
        %add3A_1183 = arith.constant 0 : i32
        %add3A_1184 = arith.addi %add3A_1183, %mul3A_1182 : i32
        %get3A_1185 = arith.index_cast %add3A_1184 : i32 to index
        %get3A_1186 = arith.constant 0 : index
        %get3A_1187 = tpu.vector_load %arg9[%get3A_1185, %get3A_1186] {strides = array<i32>} : memref<200x128xf32, #tpu.memory_space<vmem>>, vector<1x16xf32>,
        %get3A_1188 = vector.shape_cast %get3A_1187 : vector<1x16xf32> to vector<16xf32>
        %add3A_1189 = arith.addf %get3A_1188, %get3A_1047 : vector<16xf32>
        %swap3A_1190 = arith.index_cast %add3A_1184 : i32 to index
        %swap3A_1191 = arith.constant 0 : index
        %swap3A_1192 = tpu.vector_load %arg9[%swap3A_1190, %swap3A_1191] {strides = array<i32>} : memref<200x128xf32, #tpu.memory_space<vmem>>, vector<1x16xf32>,
        %swap3A_1193 = vector.shape_cast %swap3A_1192 : vector<1x16xf32> to vector<16xf32>
        %swap3A_1194 = vector.shape_cast %add3A_1189 : vector<16xf32> to vector<1x16xf32>
        tpu.vector_store %arg9[%swap3A_1190, %swap3A_1191], %swap3A_1194 {strides = array<i32>} : memref<200x128xf32, #tpu.memory_space<vmem>>, vector<1x16xf32>,
        %get3A_1195 = arith.index_cast %add3A_1184 : i32 to index
        %get3A_1196 = arith.constant 16 : index
        %get3A_1197 = tpu.vector_load %arg9[%get3A_1195, %get3A_1196] {strides = array<i32>} : memref<200x128xf32, #tpu.memory_space<vmem>>, vector<1x16xf32>,
        %get3A_1198 = vector.shape_cast %get3A_1197 : vector<1x16xf32> to vector<16xf32>
        %add3A_1199 = arith.addf %get3A_1198, %get3A_1052 : vector<16xf32>
        %swap3A_1200 = arith.index_cast %add3A_1184 : i32 to index
        %swap3A_1201 = arith.constant 16 : index
        %swap3A_1202 = tpu.vector_load %arg9[%swap3A_1200, %swap3A_1201] {strides = array<i32>} : memref<200x128xf32, #tpu.memory_space<vmem>>, vector<1x16xf32>,
        %swap3A_1203 = vector.shape_cast %swap3A_1202 : vector<1x16xf32> to vector<16xf32>
        %swap3A_1204 = vector.shape_cast %add3A_1199 : vector<16xf32> to vector<1x16xf32>
        tpu.vector_store %arg9[%swap3A_1200, %swap3A_1201], %swap3A_1204 {strides = array<i32>} : memref<200x128xf32, #tpu.memory_space<vmem>>, vector<1x16xf32>,
        %get3A_1205 = arith.index_cast %add3A_1184 : i32 to index
        %get3A_1206 = arith.constant 32 : index
        %get3A_1207 = tpu.vector_load %arg9[%get3A_1205, %get3A_1206] {strides = array<i32>} : memref<200x128xf32, #tpu.memory_space<vmem>>, vector<1x16xf32>,
        %get3A_1208 = vector.shape_cast %get3A_1207 : vector<1x16xf32> to vector<16xf32>
        %add3A_1209 = arith.addf %get3A_1208, %get3A_1057 : vector<16xf32>
        %swap3A_1210 = arith.index_cast %add3A_1184 : i32 to index
        %swap3A_1211 = arith.constant 32 : index
        %swap3A_1212 = tpu.vector_load %arg9[%swap3A_1210, %swap3A_1211] {strides = array<i32>} : memref<200x128xf32, #tpu.memory_space<vmem>>, vector<1x16xf32>,
        %swap3A_1213 = vector.shape_cast %swap3A_1212 : vector<1x16xf32> to vector<16xf32>
        %swap3A_1214 = vector.shape_cast %add3A_1209 : vector<16xf32> to vector<1x16xf32>
        tpu.vector_store %arg9[%swap3A_1210, %swap3A_1211], %swap3A_1214 {strides = array<i32>} : memref<200x128xf32, #tpu.memory_space<vmem>>, vector<1x16xf32>,
        %get3A_1215 = arith.index_cast %add3A_1184 : i32 to index
        %get3A_1216 = arith.constant 48 : index
        %get3A_1217 = tpu.vector_load %arg9[%get3A_1215, %get3A_1216] {strides = array<i32>} : memref<200x128xf32, #tpu.memory_space<vmem>>, vector<1x16xf32>,
        %get3A_1218 = vector.shape_cast %get3A_1217 : vector<1x16xf32> to vector<16xf32>
        %add3A_1219 = arith.addf %get3A_1218, %get3A_1062 : vector<16xf32>
        %swap3A_1220 = arith.index_cast %add3A_1184 : i32 to index
        %swap3A_1221 = arith.constant 48 : index
        %swap3A_1222 = tpu.vector_load %arg9[%swap3A_1220, %swap3A_1221] {strides = array<i32>} : memref<200x128xf32, #tpu.memory_space<vmem>>, vector<1x16xf32>,
        %swap3A_1223 = vector.shape_cast %swap3A_1222 : vector<1x16xf32> to vector<16xf32>
        %swap3A_1224 = vector.shape_cast %add3A_1219 : vector<16xf32> to vector<1x16xf32>
        tpu.vector_store %arg9[%swap3A_1220, %swap3A_1221], %swap3A_1224 {strides = array<i32>} : memref<200x128xf32, #tpu.memory_space<vmem>>, vector<1x16xf32>,
        %get3A_1225 = arith.index_cast %add3A_1184 : i32 to index
        %get3A_1226 = arith.constant 64 : index
        %get3A_1227 = tpu.vector_load %arg9[%get3A_1225, %get3A_1226] {strides = array<i32>} : memref<200x128xf32, #tpu.memory_space<vmem>>, vector<1x16xf32>,
        %get3A_1228 = vector.shape_cast %get3A_1227 : vector<1x16xf32> to vector<16xf32>
        %add3A_1229 = arith.addf %get3A_1228, %get3A_1067 : vector<16xf32>
        %swap3A_1230 = arith.index_cast %add3A_1184 : i32 to index
        %swap3A_1231 = arith.constant 64 : index
        %swap3A_1232 = tpu.vector_load %arg9[%swap3A_1230, %swap3A_1231] {strides = array<i32>} : memref<200x128xf32, #tpu.memory_space<vmem>>, vector<1x16xf32>,
        %swap3A_1233 = vector.shape_cast %swap3A_1232 : vector<1x16xf32> to vector<16xf32>
        %swap3A_1234 = vector.shape_cast %add3A_1229 : vector<16xf32> to vector<1x16xf32>
        tpu.vector_store %arg9[%swap3A_1230, %swap3A_1231], %swap3A_1234 {strides = array<i32>} : memref<200x128xf32, #tpu.memory_space<vmem>>, vector<1x16xf32>,
        %get3A_1235 = arith.index_cast %add3A_1184 : i32 to index
        %get3A_1236 = arith.constant 80 : index
        %get3A_1237 = tpu.vector_load %arg9[%get3A_1235, %get3A_1236] {strides = array<i32>} : memref<200x128xf32, #tpu.memory_space<vmem>>, vector<1x16xf32>,
        %get3A_1238 = vector.shape_cast %get3A_1237 : vector<1x16xf32> to vector<16xf32>
        %add3A_1239 = arith.addf %get3A_1238, %get3A_1072 : vector<16xf32>
        %swap3A_1240 = arith.index_cast %add3A_1184 : i32 to index
        %swap3A_1241 = arith.constant 80 : index
        %swap3A_1242 = tpu.vector_load %arg9[%swap3A_1240, %swap3A_1241] {strides = array<i32>} : memref<200x128xf32, #tpu.memory_space<vmem>>, vector<1x16xf32>,
        %swap3A_1243 = vector.shape_cast %swap3A_1242 : vector<1x16xf32> to vector<16xf32>
        %swap3A_1244 = vector.shape_cast %add3A_1239 : vector<16xf32> to vector<1x16xf32>
        tpu.vector_store %arg9[%swap3A_1240, %swap3A_1241], %swap3A_1244 {strides = array<i32>} : memref<200x128xf32, #tpu.memory_space<vmem>>, vector<1x16xf32>,
        %get3A_1245 = arith.index_cast %add3A_1184 : i32 to index
        %get3A_1246 = arith.constant 96 : index
        %get3A_1247 = tpu.vector_load %arg9[%get3A_1245, %get3A_1246] {strides = array<i32>} : memref<200x128xf32, #tpu.memory_space<vmem>>, vector<1x16xf32>,
        %get3A_1248 = vector.shape_cast %get3A_1247 : vector<1x16xf32> to vector<16xf32>
        %add3A_1249 = arith.addf %get3A_1248, %get3A_1077 : vector<16xf32>
        %swap3A_1250 = arith.index_cast %add3A_1184 : i32 to index
        %swap3A_1251 = arith.constant 96 : index
        %swap3A_1252 = tpu.vector_load %arg9[%swap3A_1250, %swap3A_1251] {strides = array<i32>} : memref<200x128xf32, #tpu.memory_space<vmem>>, vector<1x16xf32>,
        %swap3A_1253 = vector.shape_cast %swap3A_1252 : vector<1x16xf32> to vector<16xf32>
        %swap3A_1254 = vector.shape_cast %add3A_1249 : vector<16xf32> to vector<1x16xf32>
        tpu.vector_store %arg9[%swap3A_1250, %swap3A_1251], %swap3A_1254 {strides = array<i32>} : memref<200x128xf32, #tpu.memory_space<vmem>>, vector<1x16xf32>,
        %get3A_1255 = arith.index_cast %add3A_1184 : i32 to index
        %get3A_1256 = arith.constant 112 : index
        %get3A_1257 = tpu.vector_load %arg9[%get3A_1255, %get3A_1256] {strides = array<i32>} : memref<200x128xf32, #tpu.memory_space<vmem>>, vector<1x16xf32>,
        %get3A_1258 = vector.shape_cast %get3A_1257 : vector<1x16xf32> to vector<16xf32>
        %add3A_1259 = arith.addf %get3A_1258, %get3A_1082 : vector<16xf32>
        %swap3A_1260 = arith.index_cast %add3A_1184 : i32 to index
        %swap3A_1261 = arith.constant 112 : index
        %swap3A_1262 = tpu.vector_load %arg9[%swap3A_1260, %swap3A_1261] {strides = array<i32>} : memref<200x128xf32, #tpu.memory_space<vmem>>, vector<1x16xf32>,
        %swap3A_1263 = vector.shape_cast %swap3A_1262 : vector<1x16xf32> to vector<16xf32>
        %swap3A_1264 = vector.shape_cast %add3A_1259 : vector<16xf32> to vector<1x16xf32>
        tpu.vector_store %arg9[%swap3A_1260, %swap3A_1261], %swap3A_1264 {strides = array<i32>} : memref<200x128xf32, #tpu.memory_space<vmem>>, vector<1x16xf32>,
      }
      %scan3A_1174 = arith.constant 200 : i32
      "tpu.region"() ({
        %run_scoped3A = tpu.sem_alloc : memref<!tpu.dma_semaphore, #tpu.memory_space<semaphore_mem>>
        %dma_start3A_1180 = arith.constant 0 : i32
        %dma_start3A_1181 = arith.constant 0 : i32
        %dma_start3A_1182 = tpu.memref_slice %arg8[%dma_start3A_1180, %dma_start3A_1181] : memref<400x128xf32, #tpu.memory_space<vmem_shared>> -> memref<200x128xf32, #tpu.memory_space<vmem_shared>>
        %dma_start3A_1183 = arith.constant 0 : i32
        %dma_start3A_1184 = arith.constant 0 : i32
        %dma_start3A_1185 = tpu.memref_slice %arg8[%dma_start3A_1183, %dma_start3A_1184] : memref<400x128xf32, #tpu.memory_space<vmem_shared>> -> memref<200x128xf32, #tpu.memory_space<vmem_shared>>
        tpu.enqueue_dma source(%arg9 : memref<200x128xf32, #tpu.memory_space<vmem>>) target(%dma_start3A_1185 : memref<200x128xf32, #tpu.memory_space<vmem_shared>>) target_semaphore(%run_scoped3A : memref<!tpu.dma_semaphore, #tpu.memory_space<semaphore_mem>>)
        %dma_wait3A_1186 = arith.constant 0 : i32
        %dma_wait3A_1187 = arith.constant 0 : i32
        %dma_wait3A_1188 = tpu.memref_slice %arg8[%dma_wait3A_1186, %dma_wait3A_1187] : memref<400x128xf32, #tpu.memory_space<vmem_shared>> -> memref<200x128xf32, #tpu.memory_space<vmem_shared>>
        %dma_wait3A_1189 = arith.constant 0 : i32
        %dma_wait3A_1190 = arith.constant 0 : i32
        %dma_wait3A_1191 = tpu.memref_slice %arg8[%dma_wait3A_1189, %dma_wait3A_1190] : memref<400x128xf32, #tpu.memory_space<vmem_shared>> -> memref<200x128xf32, #tpu.memory_space<vmem_shared>>
        tpu.wait_dma2 semaphore(%run_scoped3A : memref<!tpu.dma_semaphore, #tpu.memory_space<semaphore_mem>>) src(%arg9 : memref<200x128xf32, #tpu.memory_space<vmem>>) dst(%dma_wait3A_1191 : memref<200x128xf32, #tpu.memory_space<vmem_shared>>)
        tpu.yield
      }) : () -> ()
      %scan3A_1175 = arith.constant 0 : i32
      %scan3A_1176 = arith.constant 200 : i32
      %scan3A_1177 = arith.addi %scan3A_1175, %scan3A_1176 : i32
      %scan3A_1178 = arith.constant 1 : i32
      scf.for %scan3A_1180 = %scan3A_1175 to %scan3A_1177 step %scan3A_1178  : i32 {
        %mul3A_1181 = arith.constant 1 : i32
        %mul3A_1182 = arith.muli %scan3A_1180, %mul3A_1181 : i32
        %add3A_1183 = arith.constant 0 : i32
        %add3A_1184 = arith.addi %add3A_1183, %mul3A_1182 : i32
        %get3A_1185 = arith.index_cast %add3A_1184 : i32 to index
        %get3A_1186 = arith.constant 0 : index
        %get3A_1187 = tpu.vector_load %arg9[%get3A_1185, %get3A_1186] {strides = array<i32>} : memref<200x128xf32, #tpu.memory_space<vmem>>, vector<1x16xf32>,
        %get3A_1188 = vector.shape_cast %get3A_1187 : vector<1x16xf32> to vector<16xf32>
        %add3A_1189 = arith.addf %get3A_1188, %sub3A : vector<16xf32>
        %swap3A_1190 = arith.index_cast %add3A_1184 : i32 to index
        %swap3A_1191 = arith.constant 0 : index
        %swap3A_1192 = tpu.vector_load %arg9[%swap3A_1190, %swap3A_1191] {strides = array<i32>} : memref<200x128xf32, #tpu.memory_space<vmem>>, vector<1x16xf32>,
        %swap3A_1193 = vector.shape_cast %swap3A_1192 : vector<1x16xf32> to vector<16xf32>
        %swap3A_1194 = vector.shape_cast %add3A_1189 : vector<16xf32> to vector<1x16xf32>
        tpu.vector_store %arg9[%swap3A_1190, %swap3A_1191], %swap3A_1194 {strides = array<i32>} : memref<200x128xf32, #tpu.memory_space<vmem>>, vector<1x16xf32>,
        %get3A_1195 = arith.index_cast %add3A_1184 : i32 to index
        %get3A_1196 = arith.constant 16 : index
        %get3A_1197 = tpu.vector_load %arg9[%get3A_1195, %get3A_1196] {strides = array<i32>} : memref<200x128xf32, #tpu.memory_space<vmem>>, vector<1x16xf32>,
        %get3A_1198 = vector.shape_cast %get3A_1197 : vector<1x16xf32> to vector<16xf32>
        %add3A_1199 = arith.addf %get3A_1198, %sub3A_1103 : vector<16xf32>
        %swap3A_1200 = arith.index_cast %add3A_1184 : i32 to index
        %swap3A_1201 = arith.constant 16 : index
        %swap3A_1202 = tpu.vector_load %arg9[%swap3A_1200, %swap3A_1201] {strides = array<i32>} : memref<200x128xf32, #tpu.memory_space<vmem>>, vector<1x16xf32>,
        %swap3A_1203 = vector.shape_cast %swap3A_1202 : vector<1x16xf32> to vector<16xf32>
        %swap3A_1204 = vector.shape_cast %add3A_1199 : vector<16xf32> to vector<1x16xf32>
        tpu.vector_store %arg9[%swap3A_1200, %swap3A_1201], %swap3A_1204 {strides = array<i32>} : memref<200x128xf32, #tpu.memory_space<vmem>>, vector<1x16xf32>,
        %get3A_1205 = arith.index_cast %add3A_1184 : i32 to index
        %get3A_1206 = arith.constant 32 : index
        %get3A_1207 = tpu.vector_load %arg9[%get3A_1205, %get3A_1206] {strides = array<i32>} : memref<200x128xf32, #tpu.memory_space<vmem>>, vector<1x16xf32>,
        %get3A_1208 = vector.shape_cast %get3A_1207 : vector<1x16xf32> to vector<16xf32>
        %add3A_1209 = arith.addf %get3A_1208, %sub3A_1114 : vector<16xf32>
        %swap3A_1210 = arith.index_cast %add3A_1184 : i32 to index
        %swap3A_1211 = arith.constant 32 : index
        %swap3A_1212 = tpu.vector_load %arg9[%swap3A_1210, %swap3A_1211] {strides = array<i32>} : memref<200x128xf32, #tpu.memory_space<vmem>>, vector<1x16xf32>,
        %swap3A_1213 = vector.shape_cast %swap3A_1212 : vector<1x16xf32> to vector<16xf32>
        %swap3A_1214 = vector.shape_cast %add3A_1209 : vector<16xf32> to vector<1x16xf32>
        tpu.vector_store %arg9[%swap3A_1210, %swap3A_1211], %swap3A_1214 {strides = array<i32>} : memref<200x128xf32, #tpu.memory_space<vmem>>, vector<1x16xf32>,
        %get3A_1215 = arith.index_cast %add3A_1184 : i32 to index
        %get3A_1216 = arith.constant 48 : index
        %get3A_1217 = tpu.vector_load %arg9[%get3A_1215, %get3A_1216] {strides = array<i32>} : memref<200x128xf32, #tpu.memory_space<vmem>>, vector<1x16xf32>,
        %get3A_1218 = vector.shape_cast %get3A_1217 : vector<1x16xf32> to vector<16xf32>
        %add3A_1219 = arith.addf %get3A_1218, %sub3A_1125 : vector<16xf32>
        %swap3A_1220 = arith.index_cast %add3A_1184 : i32 to index
        %swap3A_1221 = arith.constant 48 : index
        %swap3A_1222 = tpu.vector_load %arg9[%swap3A_1220, %swap3A_1221] {strides = array<i32>} : memref<200x128xf32, #tpu.memory_space<vmem>>, vector<1x16xf32>,
        %swap3A_1223 = vector.shape_cast %swap3A_1222 : vector<1x16xf32> to vector<16xf32>
        %swap3A_1224 = vector.shape_cast %add3A_1219 : vector<16xf32> to vector<1x16xf32>
        tpu.vector_store %arg9[%swap3A_1220, %swap3A_1221], %swap3A_1224 {strides = array<i32>} : memref<200x128xf32, #tpu.memory_space<vmem>>, vector<1x16xf32>,
        %get3A_1225 = arith.index_cast %add3A_1184 : i32 to index
        %get3A_1226 = arith.constant 64 : index
        %get3A_1227 = tpu.vector_load %arg9[%get3A_1225, %get3A_1226] {strides = array<i32>} : memref<200x128xf32, #tpu.memory_space<vmem>>, vector<1x16xf32>,
        %get3A_1228 = vector.shape_cast %get3A_1227 : vector<1x16xf32> to vector<16xf32>
        %add3A_1229 = arith.addf %get3A_1228, %sub3A_1136 : vector<16xf32>
        %swap3A_1230 = arith.index_cast %add3A_1184 : i32 to index
        %swap3A_1231 = arith.constant 64 : index
        %swap3A_1232 = tpu.vector_load %arg9[%swap3A_1230, %swap3A_1231] {strides = array<i32>} : memref<200x128xf32, #tpu.memory_space<vmem>>, vector<1x16xf32>,
        %swap3A_1233 = vector.shape_cast %swap3A_1232 : vector<1x16xf32> to vector<16xf32>
        %swap3A_1234 = vector.shape_cast %add3A_1229 : vector<16xf32> to vector<1x16xf32>
        tpu.vector_store %arg9[%swap3A_1230, %swap3A_1231], %swap3A_1234 {strides = array<i32>} : memref<200x128xf32, #tpu.memory_space<vmem>>, vector<1x16xf32>,
        %get3A_1235 = arith.index_cast %add3A_1184 : i32 to index
        %get3A_1236 = arith.constant 80 : index
        %get3A_1237 = tpu.vector_load %arg9[%get3A_1235, %get3A_1236] {strides = array<i32>} : memref<200x128xf32, #tpu.memory_space<vmem>>, vector<1x16xf32>,
        %get3A_1238 = vector.shape_cast %get3A_1237 : vector<1x16xf32> to vector<16xf32>
        %add3A_1239 = arith.addf %get3A_1238, %sub3A_1147 : vector<16xf32>
        %swap3A_1240 = arith.index_cast %add3A_1184 : i32 to index
        %swap3A_1241 = arith.constant 80 : index
        %swap3A_1242 = tpu.vector_load %arg9[%swap3A_1240, %swap3A_1241] {strides = array<i32>} : memref<200x128xf32, #tpu.memory_space<vmem>>, vector<1x16xf32>,
        %swap3A_1243 = vector.shape_cast %swap3A_1242 : vector<1x16xf32> to vector<16xf32>
        %swap3A_1244 = vector.shape_cast %add3A_1239 : vector<16xf32> to vector<1x16xf32>
        tpu.vector_store %arg9[%swap3A_1240, %swap3A_1241], %swap3A_1244 {strides = array<i32>} : memref<200x128xf32, #tpu.memory_space<vmem>>, vector<1x16xf32>,
        %get3A_1245 = arith.index_cast %add3A_1184 : i32 to index
        %get3A_1246 = arith.constant 96 : index
        %get3A_1247 = tpu.vector_load %arg9[%get3A_1245, %get3A_1246] {strides = array<i32>} : memref<200x128xf32, #tpu.memory_space<vmem>>, vector<1x16xf32>,
        %get3A_1248 = vector.shape_cast %get3A_1247 : vector<1x16xf32> to vector<16xf32>
        %add3A_1249 = arith.addf %get3A_1248, %sub3A_1158 : vector<16xf32>
        %swap3A_1250 = arith.index_cast %add3A_1184 : i32 to index
        %swap3A_1251 = arith.constant 96 : index
        %swap3A_1252 = tpu.vector_load %arg9[%swap3A_1250, %swap3A_1251] {strides = array<i32>} : memref<200x128xf32, #tpu.memory_space<vmem>>, vector<1x16xf32>,
        %swap3A_1253 = vector.shape_cast %swap3A_1252 : vector<1x16xf32> to vector<16xf32>
        %swap3A_1254 = vector.shape_cast %add3A_1249 : vector<16xf32> to vector<1x16xf32>
        tpu.vector_store %arg9[%swap3A_1250, %swap3A_1251], %swap3A_1254 {strides = array<i32>} : memref<200x128xf32, #tpu.memory_space<vmem>>, vector<1x16xf32>,
        %get3A_1255 = arith.index_cast %add3A_1184 : i32 to index
        %get3A_1256 = arith.constant 112 : index
        %get3A_1257 = tpu.vector_load %arg9[%get3A_1255, %get3A_1256] {strides = array<i32>} : memref<200x128xf32, #tpu.memory_space<vmem>>, vector<1x16xf32>,
        %get3A_1258 = vector.shape_cast %get3A_1257 : vector<1x16xf32> to vector<16xf32>
        %add3A_1259 = arith.addf %get3A_1258, %sub3A_1169 : vector<16xf32>
        %swap3A_1260 = arith.index_cast %add3A_1184 : i32 to index
        %swap3A_1261 = arith.constant 112 : index
        %swap3A_1262 = tpu.vector_load %arg9[%swap3A_1260, %swap3A_1261] {strides = array<i32>} : memref<200x128xf32, #tpu.memory_space<vmem>>, vector<1x16xf32>,
        %swap3A_1263 = vector.shape_cast %swap3A_1262 : vector<1x16xf32> to vector<16xf32>
        %swap3A_1264 = vector.shape_cast %add3A_1259 : vector<16xf32> to vector<1x16xf32>
        tpu.vector_store %arg9[%swap3A_1260, %swap3A_1261], %swap3A_1264 {strides = array<i32>} : memref<200x128xf32, #tpu.memory_space<vmem>>, vector<1x16xf32>,
      }
      %scan3A_1179 = arith.constant 200 : i32
      "tpu.region"() ({
        %run_scoped3A = tpu.sem_alloc : memref<!tpu.dma_semaphore, #tpu.memory_space<semaphore_mem>>
        %dma_start3A_1180 = arith.constant 200 : i32
        %dma_start3A_1181 = arith.constant 0 : i32
        %dma_start3A_1182 = tpu.memref_slice %arg8[%dma_start3A_1180, %dma_start3A_1181] : memref<400x128xf32, #tpu.memory_space<vmem_shared>> -> memref<200x128xf32, #tpu.memory_space<vmem_shared>>
        %dma_start3A_1183 = arith.constant 200 : i32
        %dma_start3A_1184 = arith.constant 0 : i32
        %dma_start3A_1185 = tpu.memref_slice %arg8[%dma_start3A_1183, %dma_start3A_1184] : memref<400x128xf32, #tpu.memory_space<vmem_shared>> -> memref<200x128xf32, #tpu.memory_space<vmem_shared>>
        tpu.enqueue_dma source(%arg9 : memref<200x128xf32, #tpu.memory_space<vmem>>) target(%dma_start3A_1185 : memref<200x128xf32, #tpu.memory_space<vmem_shared>>) target_semaphore(%run_scoped3A : memref<!tpu.dma_semaphore, #tpu.memory_space<semaphore_mem>>)
        %dma_wait3A_1186 = arith.constant 200 : i32
        %dma_wait3A_1187 = arith.constant 0 : i32
        %dma_wait3A_1188 = tpu.memref_slice %arg8[%dma_wait3A_1186, %dma_wait3A_1187] : memref<400x128xf32, #tpu.memory_space<vmem_shared>> -> memref<200x128xf32, #tpu.memory_space<vmem_shared>>
        %dma_wait3A_1189 = arith.constant 200 : i32
        %dma_wait3A_1190 = arith.constant 0 : i32
        %dma_wait3A_1191 = tpu.memref_slice %arg8[%dma_wait3A_1189, %dma_wait3A_1190] : memref<400x128xf32, #tpu.memory_space<vmem_shared>> -> memref<200x128xf32, #tpu.memory_space<vmem_shared>>
        tpu.wait_dma2 semaphore(%run_scoped3A : memref<!tpu.dma_semaphore, #tpu.memory_space<semaphore_mem>>) src(%arg9 : memref<200x128xf32, #tpu.memory_space<vmem>>) dst(%dma_wait3A_1191 : memref<200x128xf32, #tpu.memory_space<vmem_shared>>)
        tpu.yield
      }) : () -> ()
    } else {
    }
    %barrier3A = arith.constant 0 : index
    tpu.barrier barrier_id(%barrier3A)
    %add3A_27 = arith.constant 0 : i32
    %add3A_28 = arith.addi %mul3A_2, %add3A_27 : i32
    %rem3A_29 = arith.constant 819200 : i32
    %rem3A_30 = arith.remsi %add3A_28, %rem3A_29 : i32
    %dma_wait3A = tpu.memref_slice %arg2[%rem3A_30] : memref<819200xi32, #tpu.memory_space<hbm>> -> memref<128xi32, #tpu.memory_space<hbm>>
    %dma_wait3A_31 = tpu.memref_slice %arg2[%rem3A_30] : memref<819200xi32, #tpu.memory_space<hbm>> -> memref<128xi32, #tpu.memory_space<hbm>>
    tpu.wait_dma2 semaphore(%arg32 : memref<!tpu.dma_semaphore, #tpu.memory_space<semaphore_mem>>) src(%dma_wait3A_31 : memref<128xi32, #tpu.memory_space<hbm>>) dst(%arg11 : memref<128xi32, #tpu.memory_space<vmem>>)
    %dma_wait3A_32 = tpu.memref_slice %arg3[%rem3A_30] : memref<819200xi32, #tpu.memory_space<hbm>> -> memref<128xi32, #tpu.memory_space<hbm>>
    %dma_wait3A_33 = tpu.memref_slice %arg3[%rem3A_30] : memref<819200xi32, #tpu.memory_space<hbm>> -> memref<128xi32, #tpu.memory_space<hbm>>
    tpu.wait_dma2 semaphore(%arg35 : memref<!tpu.dma_semaphore, #tpu.memory_space<semaphore_mem>>) src(%dma_wait3A_33 : memref<128xi32, #tpu.memory_space<hbm>>) dst(%arg14 : memref<128xi32, #tpu.memory_space<vmem>>)
    %add3A_34 = arith.constant 0 : i32
    %add3A_35 = arith.addi %mul3A_2, %add3A_34 : i32
    %rem3A_36 = arith.constant 819200 : i32
    %rem3A_37 = arith.remsi %add3A_35, %rem3A_36 : i32
    %dma_start3A_38 = arith.constant 0 : i32
    %dma_start3A_39 = arith.constant 0 : i32
    %dma_start3A_40 = tpu.memref_slice %arg4[%dma_start3A_38, %dma_start3A_39] : memref<100000x128xf32, #tpu.memory_space<hbm>> -> memref<100000x128xf32, #tpu.memory_space<hbm>>
    tpu.enqueue_indirect_dma source(%dma_start3A_40 : memref<100000x128xf32, #tpu.memory_space<hbm>>) target(%arg20 : memref<128x128xf32, #tpu.memory_space<vmem>>) offsets(%arg11 : memref<128xi32, #tpu.memory_space<vmem>>) semaphore(%arg26 : memref<!tpu.dma_semaphore, #tpu.memory_space<semaphore_mem>>)
    %add3A_41 = arith.constant 0 : i32
    %add3A_42 = arith.addi %rem3A_37, %add3A_41 : i32
    %broadcast_in_dim3A = vector.broadcast %add3A_42 : i32 to vector<16xi32>
    %iota3A = tpu.iota {dimensions = array<i32: 0>} : vector<16xi32>
    %add3A_43 = arith.addi %broadcast_in_dim3A, %iota3A : vector<16xi32>
    %rem3A_44 = arith.constant 200 : i32
    %rem3A_45 = vector.broadcast %rem3A_44 : i32 to vector<16xi32>
    %rem3A_46 = arith.remsi %add3A_43, %rem3A_45 : vector<16xi32>
    %get3A = arith.constant 0 : index
    %get3A_47 = tpu.vector_load %arg14[%get3A] {strides = array<i32>} : memref<128xi32, #tpu.memory_space<vmem>>, vector<16xi32>,
    %get3A_48 = vector.shape_cast %get3A_47 : vector<16xi32> to vector<16xi32>
    %mul3A_49 = arith.constant 200 : i32
    %mul3A_50 = vector.broadcast %mul3A_49 : i32 to vector<16xi32>
    %mul3A_51 = arith.muli %get3A_48, %mul3A_50 : vector<16xi32>
    %add3A_52 = arith.addi %mul3A_51, %rem3A_46 : vector<16xi32>
    %swap3A = arith.constant 0 : index
    %swap3A_53 = tpu.vector_load %arg17[%swap3A] {strides = array<i32>} : memref<128xi32, #tpu.memory_space<vmem>>, vector<16xi32>,
    %swap3A_54 = vector.shape_cast %swap3A_53 : vector<16xi32> to vector<16xi32>
    %swap3A_55 = vector.shape_cast %add3A_52 : vector<16xi32> to vector<16xi32>
    tpu.vector_store %arg17[%swap3A], %swap3A_55 {strides = array<i32>} : memref<128xi32, #tpu.memory_space<vmem>>, vector<16xi32>,
    %add3A_56 = arith.constant 16 : i32
    %add3A_57 = arith.addi %rem3A_37, %add3A_56 : i32
    %broadcast_in_dim3A_58 = vector.broadcast %add3A_57 : i32 to vector<16xi32>
    %iota3A_59 = tpu.iota {dimensions = array<i32: 0>} : vector<16xi32>
    %add3A_60 = arith.addi %broadcast_in_dim3A_58, %iota3A_59 : vector<16xi32>
    %rem3A_61 = arith.constant 200 : i32
    %rem3A_62 = vector.broadcast %rem3A_61 : i32 to vector<16xi32>
    %rem3A_63 = arith.remsi %add3A_60, %rem3A_62 : vector<16xi32>
    %get3A_64 = arith.constant 16 : index
    %get3A_65 = tpu.vector_load %arg14[%get3A_64] {strides = array<i32>} : memref<128xi32, #tpu.memory_space<vmem>>, vector<16xi32>,
    %get3A_66 = vector.shape_cast %get3A_65 : vector<16xi32> to vector<16xi32>
    %mul3A_67 = arith.constant 200 : i32
    %mul3A_68 = vector.broadcast %mul3A_67 : i32 to vector<16xi32>
    %mul3A_69 = arith.muli %get3A_66, %mul3A_68 : vector<16xi32>
    %add3A_70 = arith.addi %mul3A_69, %rem3A_63 : vector<16xi32>
    %swap3A_71 = arith.constant 16 : index
    %swap3A_72 = tpu.vector_load %arg17[%swap3A_71] {strides = array<i32>} : memref<128xi32, #tpu.memory_space<vmem>>, vector<16xi32>,
    %swap3A_73 = vector.shape_cast %swap3A_72 : vector<16xi32> to vector<16xi32>
    %swap3A_74 = vector.shape_cast %add3A_70 : vector<16xi32> to vector<16xi32>
    tpu.vector_store %arg17[%swap3A_71], %swap3A_74 {strides = array<i32>} : memref<128xi32, #tpu.memory_space<vmem>>, vector<16xi32>,
    %add3A_75 = arith.constant 32 : i32
    %add3A_76 = arith.addi %rem3A_37, %add3A_75 : i32
    %broadcast_in_dim3A_77 = vector.broadcast %add3A_76 : i32 to vector<16xi32>
    %iota3A_78 = tpu.iota {dimensions = array<i32: 0>} : vector<16xi32>
    %add3A_79 = arith.addi %broadcast_in_dim3A_77, %iota3A_78 : vector<16xi32>
    %rem3A_80 = arith.constant 200 : i32
    %rem3A_81 = vector.broadcast %rem3A_80 : i32 to vector<16xi32>
    %rem3A_82 = arith.remsi %add3A_79, %rem3A_81 : vector<16xi32>
    %get3A_83 = arith.constant 32 : index
    %get3A_84 = tpu.vector_load %arg14[%get3A_83] {strides = array<i32>} : memref<128xi32, #tpu.memory_space<vmem>>, vector<16xi32>,
    %get3A_85 = vector.shape_cast %get3A_84 : vector<16xi32> to vector<16xi32>
    %mul3A_86 = arith.constant 200 : i32
    %mul3A_87 = vector.broadcast %mul3A_86 : i32 to vector<16xi32>
    %mul3A_88 = arith.muli %get3A_85, %mul3A_87 : vector<16xi32>
    %add3A_89 = arith.addi %mul3A_88, %rem3A_82 : vector<16xi32>
    %swap3A_90 = arith.constant 32 : index
    %swap3A_91 = tpu.vector_load %arg17[%swap3A_90] {strides = array<i32>} : memref<128xi32, #tpu.memory_space<vmem>>, vector<16xi32>,
    %swap3A_92 = vector.shape_cast %swap3A_91 : vector<16xi32> to vector<16xi32>
    %swap3A_93 = vector.shape_cast %add3A_89 : vector<16xi32> to vector<16xi32>
    tpu.vector_store %arg17[%swap3A_90], %swap3A_93 {strides = array<i32>} : memref<128xi32, #tpu.memory_space<vmem>>, vector<16xi32>,
    %add3A_94 = arith.constant 48 : i32
    %add3A_95 = arith.addi %rem3A_37, %add3A_94 : i32
    %broadcast_in_dim3A_96 = vector.broadcast %add3A_95 : i32 to vector<16xi32>
    %iota3A_97 = tpu.iota {dimensions = array<i32: 0>} : vector<16xi32>
    %add3A_98 = arith.addi %broadcast_in_dim3A_96, %iota3A_97 : vector<16xi32>
    %rem3A_99 = arith.constant 200 : i32
    %rem3A_100 = vector.broadcast %rem3A_99 : i32 to vector<16xi32>
    %rem3A_101 = arith.remsi %add3A_98, %rem3A_100 : vector<16xi32>
    %get3A_102 = arith.constant 48 : index
    %get3A_103 = tpu.vector_load %arg14[%get3A_102] {strides = array<i32>} : memref<128xi32, #tpu.memory_space<vmem>>, vector<16xi32>,
    %get3A_104 = vector.shape_cast %get3A_103 : vector<16xi32> to vector<16xi32>
    %mul3A_105 = arith.constant 200 : i32
    %mul3A_106 = vector.broadcast %mul3A_105 : i32 to vector<16xi32>
    %mul3A_107 = arith.muli %get3A_104, %mul3A_106 : vector<16xi32>
    %add3A_108 = arith.addi %mul3A_107, %rem3A_101 : vector<16xi32>
    %swap3A_109 = arith.constant 48 : index
    %swap3A_110 = tpu.vector_load %arg17[%swap3A_109] {strides = array<i32>} : memref<128xi32, #tpu.memory_space<vmem>>, vector<16xi32>,
    %swap3A_111 = vector.shape_cast %swap3A_110 : vector<16xi32> to vector<16xi32>
    %swap3A_112 = vector.shape_cast %add3A_108 : vector<16xi32> to vector<16xi32>
    tpu.vector_store %arg17[%swap3A_109], %swap3A_112 {strides = array<i32>} : memref<128xi32, #tpu.memory_space<vmem>>, vector<16xi32>,
    %add3A_113 = arith.constant 64 : i32
    %add3A_114 = arith.addi %rem3A_37, %add3A_113 : i32
    %broadcast_in_dim3A_115 = vector.broadcast %add3A_114 : i32 to vector<16xi32>
    %iota3A_116 = tpu.iota {dimensions = array<i32: 0>} : vector<16xi32>
    %add3A_117 = arith.addi %broadcast_in_dim3A_115, %iota3A_116 : vector<16xi32>
    %rem3A_118 = arith.constant 200 : i32
    %rem3A_119 = vector.broadcast %rem3A_118 : i32 to vector<16xi32>
    %rem3A_120 = arith.remsi %add3A_117, %rem3A_119 : vector<16xi32>
    %get3A_121 = arith.constant 64 : index
    %get3A_122 = tpu.vector_load %arg14[%get3A_121] {strides = array<i32>} : memref<128xi32, #tpu.memory_space<vmem>>, vector<16xi32>,
    %get3A_123 = vector.shape_cast %get3A_122 : vector<16xi32> to vector<16xi32>
    %mul3A_124 = arith.constant 200 : i32
    %mul3A_125 = vector.broadcast %mul3A_124 : i32 to vector<16xi32>
    %mul3A_126 = arith.muli %get3A_123, %mul3A_125 : vector<16xi32>
    %add3A_127 = arith.addi %mul3A_126, %rem3A_120 : vector<16xi32>
    %swap3A_128 = arith.constant 64 : index
    %swap3A_129 = tpu.vector_load %arg17[%swap3A_128] {strides = array<i32>} : memref<128xi32, #tpu.memory_space<vmem>>, vector<16xi32>,
    %swap3A_130 = vector.shape_cast %swap3A_129 : vector<16xi32> to vector<16xi32>
    %swap3A_131 = vector.shape_cast %add3A_127 : vector<16xi32> to vector<16xi32>
    tpu.vector_store %arg17[%swap3A_128], %swap3A_131 {strides = array<i32>} : memref<128xi32, #tpu.memory_space<vmem>>, vector<16xi32>,
    %add3A_132 = arith.constant 80 : i32
    %add3A_133 = arith.addi %rem3A_37, %add3A_132 : i32
    %broadcast_in_dim3A_134 = vector.broadcast %add3A_133 : i32 to vector<16xi32>
    %iota3A_135 = tpu.iota {dimensions = array<i32: 0>} : vector<16xi32>
    %add3A_136 = arith.addi %broadcast_in_dim3A_134, %iota3A_135 : vector<16xi32>
    %rem3A_137 = arith.constant 200 : i32
    %rem3A_138 = vector.broadcast %rem3A_137 : i32 to vector<16xi32>
    %rem3A_139 = arith.remsi %add3A_136, %rem3A_138 : vector<16xi32>
    %get3A_140 = arith.constant 80 : index
    %get3A_141 = tpu.vector_load %arg14[%get3A_140] {strides = array<i32>} : memref<128xi32, #tpu.memory_space<vmem>>, vector<16xi32>,
    %get3A_142 = vector.shape_cast %get3A_141 : vector<16xi32> to vector<16xi32>
    %mul3A_143 = arith.constant 200 : i32
    %mul3A_144 = vector.broadcast %mul3A_143 : i32 to vector<16xi32>
    %mul3A_145 = arith.muli %get3A_142, %mul3A_144 : vector<16xi32>
    %add3A_146 = arith.addi %mul3A_145, %rem3A_139 : vector<16xi32>
    %swap3A_147 = arith.constant 80 : index
    %swap3A_148 = tpu.vector_load %arg17[%swap3A_147] {strides = array<i32>} : memref<128xi32, #tpu.memory_space<vmem>>, vector<16xi32>,
    %swap3A_149 = vector.shape_cast %swap3A_148 : vector<16xi32> to vector<16xi32>
    %swap3A_150 = vector.shape_cast %add3A_146 : vector<16xi32> to vector<16xi32>
    tpu.vector_store %arg17[%swap3A_147], %swap3A_150 {strides = array<i32>} : memref<128xi32, #tpu.memory_space<vmem>>, vector<16xi32>,
    %add3A_151 = arith.constant 96 : i32
    %add3A_152 = arith.addi %rem3A_37, %add3A_151 : i32
    %broadcast_in_dim3A_153 = vector.broadcast %add3A_152 : i32 to vector<16xi32>
    %iota3A_154 = tpu.iota {dimensions = array<i32: 0>} : vector<16xi32>
    %add3A_155 = arith.addi %broadcast_in_dim3A_153, %iota3A_154 : vector<16xi32>
    %rem3A_156 = arith.constant 200 : i32
    %rem3A_157 = vector.broadcast %rem3A_156 : i32 to vector<16xi32>
    %rem3A_158 = arith.remsi %add3A_155, %rem3A_157 : vector<16xi32>
    %get3A_159 = arith.constant 96 : index
    %get3A_160 = tpu.vector_load %arg14[%get3A_159] {strides = array<i32>} : memref<128xi32, #tpu.memory_space<vmem>>, vector<16xi32>,
    %get3A_161 = vector.shape_cast %get3A_160 : vector<16xi32> to vector<16xi32>
    %mul3A_162 = arith.constant 200 : i32
    %mul3A_163 = vector.broadcast %mul3A_162 : i32 to vector<16xi32>
    %mul3A_164 = arith.muli %get3A_161, %mul3A_163 : vector<16xi32>
    %add3A_165 = arith.addi %mul3A_164, %rem3A_158 : vector<16xi32>
    %swap3A_166 = arith.constant 96 : index
    %swap3A_167 = tpu.vector_load %arg17[%swap3A_166] {strides = array<i32>} : memref<128xi32, #tpu.memory_space<vmem>>, vector<16xi32>,
    %swap3A_168 = vector.shape_cast %swap3A_167 : vector<16xi32> to vector<16xi32>
    %swap3A_169 = vector.shape_cast %add3A_165 : vector<16xi32> to vector<16xi32>
    tpu.vector_store %arg17[%swap3A_166], %swap3A_169 {strides = array<i32>} : memref<128xi32, #tpu.memory_space<vmem>>, vector<16xi32>,
    %add3A_170 = arith.constant 112 : i32
    %add3A_171 = arith.addi %rem3A_37, %add3A_170 : i32
    %broadcast_in_dim3A_172 = vector.broadcast %add3A_171 : i32 to vector<16xi32>
    %iota3A_173 = tpu.iota {dimensions = array<i32: 0>} : vector<16xi32>
    %add3A_174 = arith.addi %broadcast_in_dim3A_172, %iota3A_173 : vector<16xi32>
    %rem3A_175 = arith.constant 200 : i32
    %rem3A_176 = vector.broadcast %rem3A_175 : i32 to vector<16xi32>
    %rem3A_177 = arith.remsi %add3A_174, %rem3A_176 : vector<16xi32>
    %get3A_178 = arith.constant 112 : index
    %get3A_179 = tpu.vector_load %arg14[%get3A_178] {strides = array<i32>} : memref<128xi32, #tpu.memory_space<vmem>>, vector<16xi32>,
    %get3A_180 = vector.shape_cast %get3A_179 : vector<16xi32> to vector<16xi32>
    %mul3A_181 = arith.constant 200 : i32
    %mul3A_182 = vector.broadcast %mul3A_181 : i32 to vector<16xi32>
    %mul3A_183 = arith.muli %get3A_180, %mul3A_182 : vector<16xi32>
    %add3A_184 = arith.addi %mul3A_183, %rem3A_177 : vector<16xi32>
    %swap3A_185 = arith.constant 112 : index
    %swap3A_186 = tpu.vector_load %arg17[%swap3A_185] {strides = array<i32>} : memref<128xi32, #tpu.memory_space<vmem>>, vector<16xi32>,
    %swap3A_187 = vector.shape_cast %swap3A_186 : vector<16xi32> to vector<16xi32>
    %swap3A_188 = vector.shape_cast %add3A_184 : vector<16xi32> to vector<16xi32>
    tpu.vector_store %arg17[%swap3A_185], %swap3A_188 {strides = array<i32>} : memref<128xi32, #tpu.memory_space<vmem>>, vector<16xi32>,
    %dma_start3A_189 = arith.constant 0 : i32
    %dma_start3A_190 = arith.constant 0 : i32
    %dma_start3A_191 = tpu.memref_slice %arg8[%dma_start3A_189, %dma_start3A_190] : memref<400x128xf32, #tpu.memory_space<vmem_shared>> -> memref<400x128xf32, #tpu.memory_space<vmem_shared>>
    tpu.enqueue_indirect_dma source(%dma_start3A_191 : memref<400x128xf32, #tpu.memory_space<vmem_shared>>) target(%arg23 : memref<128x128xf32, #tpu.memory_space<vmem>>) offsets(%arg17 : memref<128xi32, #tpu.memory_space<vmem>>) semaphore(%arg29 : memref<!tpu.dma_semaphore, #tpu.memory_space<semaphore_mem>>)
    %add3A_192 = arith.constant 128 : i32
    %add3A_193 = arith.addi %mul3A_2, %add3A_192 : i32
    %rem3A_194 = arith.constant 819200 : i32
    %rem3A_195 = arith.remsi %add3A_193, %rem3A_194 : i32
    %dma_wait3A_196 = tpu.memref_slice %arg2[%rem3A_195] : memref<819200xi32, #tpu.memory_space<hbm>> -> memref<128xi32, #tpu.memory_space<hbm>>
    %dma_wait3A_197 = tpu.memref_slice %arg2[%rem3A_195] : memref<819200xi32, #tpu.memory_space<hbm>> -> memref<128xi32, #tpu.memory_space<hbm>>
    tpu.wait_dma2 semaphore(%arg33 : memref<!tpu.dma_semaphore, #tpu.memory_space<semaphore_mem>>) src(%dma_wait3A_197 : memref<128xi32, #tpu.memory_space<hbm>>) dst(%arg12 : memref<128xi32, #tpu.memory_space<vmem>>)
    %dma_wait3A_198 = tpu.memref_slice %arg3[%rem3A_195] : memref<819200xi32, #tpu.memory_space<hbm>> -> memref<128xi32, #tpu.memory_space<hbm>>
    %dma_wait3A_199 = tpu.memref_slice %arg3[%rem3A_195] : memref<819200xi32, #tpu.memory_space<hbm>> -> memref<128xi32, #tpu.memory_space<hbm>>
    tpu.wait_dma2 semaphore(%arg36 : memref<!tpu.dma_semaphore, #tpu.memory_space<semaphore_mem>>) src(%dma_wait3A_199 : memref<128xi32, #tpu.memory_space<hbm>>) dst(%arg15 : memref<128xi32, #tpu.memory_space<vmem>>)
    %add3A_200 = arith.constant 128 : i32
    %add3A_201 = arith.addi %mul3A_2, %add3A_200 : i32
    %rem3A_202 = arith.constant 819200 : i32
    %rem3A_203 = arith.remsi %add3A_201, %rem3A_202 : i32
    %dma_start3A_204 = arith.constant 0 : i32
    %dma_start3A_205 = arith.constant 0 : i32
    %dma_start3A_206 = tpu.memref_slice %arg4[%dma_start3A_204, %dma_start3A_205] : memref<100000x128xf32, #tpu.memory_space<hbm>> -> memref<100000x128xf32, #tpu.memory_space<hbm>>
    tpu.enqueue_indirect_dma source(%dma_start3A_206 : memref<100000x128xf32, #tpu.memory_space<hbm>>) target(%arg21 : memref<128x128xf32, #tpu.memory_space<vmem>>) offsets(%arg12 : memref<128xi32, #tpu.memory_space<vmem>>) semaphore(%arg27 : memref<!tpu.dma_semaphore, #tpu.memory_space<semaphore_mem>>)
    %add3A_207 = arith.constant 0 : i32
    %add3A_208 = arith.addi %rem3A_203, %add3A_207 : i32
    %broadcast_in_dim3A_209 = vector.broadcast %add3A_208 : i32 to vector<16xi32>
    %iota3A_210 = tpu.iota {dimensions = array<i32: 0>} : vector<16xi32>
    %add3A_211 = arith.addi %broadcast_in_dim3A_209, %iota3A_210 : vector<16xi32>
    %rem3A_212 = arith.constant 200 : i32
    %rem3A_213 = vector.broadcast %rem3A_212 : i32 to vector<16xi32>
    %rem3A_214 = arith.remsi %add3A_211, %rem3A_213 : vector<16xi32>
    %get3A_215 = arith.constant 0 : index
    %get3A_216 = tpu.vector_load %arg15[%get3A_215] {strides = array<i32>} : memref<128xi32, #tpu.memory_space<vmem>>, vector<16xi32>,
    %get3A_217 = vector.shape_cast %get3A_216 : vector<16xi32> to vector<16xi32>
    %mul3A_218 = arith.constant 200 : i32
    %mul3A_219 = vector.broadcast %mul3A_218 : i32 to vector<16xi32>
    %mul3A_220 = arith.muli %get3A_217, %mul3A_219 : vector<16xi32>
    %add3A_221 = arith.addi %mul3A_220, %rem3A_214 : vector<16xi32>
    %swap3A_222 = arith.constant 0 : index
    %swap3A_223 = tpu.vector_load %arg18[%swap3A_222] {strides = array<i32>} : memref<128xi32, #tpu.memory_space<vmem>>, vector<16xi32>,
    %swap3A_224 = vector.shape_cast %swap3A_223 : vector<16xi32> to vector<16xi32>
    %swap3A_225 = vector.shape_cast %add3A_221 : vector<16xi32> to vector<16xi32>
    tpu.vector_store %arg18[%swap3A_222], %swap3A_225 {strides = array<i32>} : memref<128xi32, #tpu.memory_space<vmem>>, vector<16xi32>,
    %add3A_226 = arith.constant 16 : i32
    %add3A_227 = arith.addi %rem3A_203, %add3A_226 : i32
    %broadcast_in_dim3A_228 = vector.broadcast %add3A_227 : i32 to vector<16xi32>
    %iota3A_229 = tpu.iota {dimensions = array<i32: 0>} : vector<16xi32>
    %add3A_230 = arith.addi %broadcast_in_dim3A_228, %iota3A_229 : vector<16xi32>
    %rem3A_231 = arith.constant 200 : i32
    %rem3A_232 = vector.broadcast %rem3A_231 : i32 to vector<16xi32>
    %rem3A_233 = arith.remsi %add3A_230, %rem3A_232 : vector<16xi32>
    %get3A_234 = arith.constant 16 : index
    %get3A_235 = tpu.vector_load %arg15[%get3A_234] {strides = array<i32>} : memref<128xi32, #tpu.memory_space<vmem>>, vector<16xi32>,
    %get3A_236 = vector.shape_cast %get3A_235 : vector<16xi32> to vector<16xi32>
    %mul3A_237 = arith.constant 200 : i32
    %mul3A_238 = vector.broadcast %mul3A_237 : i32 to vector<16xi32>
    %mul3A_239 = arith.muli %get3A_236, %mul3A_238 : vector<16xi32>
    %add3A_240 = arith.addi %mul3A_239, %rem3A_233 : vector<16xi32>
    %swap3A_241 = arith.constant 16 : index
    %swap3A_242 = tpu.vector_load %arg18[%swap3A_241] {strides = array<i32>} : memref<128xi32, #tpu.memory_space<vmem>>, vector<16xi32>,
    %swap3A_243 = vector.shape_cast %swap3A_242 : vector<16xi32> to vector<16xi32>
    %swap3A_244 = vector.shape_cast %add3A_240 : vector<16xi32> to vector<16xi32>
    tpu.vector_store %arg18[%swap3A_241], %swap3A_244 {strides = array<i32>} : memref<128xi32, #tpu.memory_space<vmem>>, vector<16xi32>,
    %add3A_245 = arith.constant 32 : i32
    %add3A_246 = arith.addi %rem3A_203, %add3A_245 : i32
    %broadcast_in_dim3A_247 = vector.broadcast %add3A_246 : i32 to vector<16xi32>
    %iota3A_248 = tpu.iota {dimensions = array<i32: 0>} : vector<16xi32>
    %add3A_249 = arith.addi %broadcast_in_dim3A_247, %iota3A_248 : vector<16xi32>
    %rem3A_250 = arith.constant 200 : i32
    %rem3A_251 = vector.broadcast %rem3A_250 : i32 to vector<16xi32>
    %rem3A_252 = arith.remsi %add3A_249, %rem3A_251 : vector<16xi32>
    %get3A_253 = arith.constant 32 : index
    %get3A_254 = tpu.vector_load %arg15[%get3A_253] {strides = array<i32>} : memref<128xi32, #tpu.memory_space<vmem>>, vector<16xi32>,
    %get3A_255 = vector.shape_cast %get3A_254 : vector<16xi32> to vector<16xi32>
    %mul3A_256 = arith.constant 200 : i32
    %mul3A_257 = vector.broadcast %mul3A_256 : i32 to vector<16xi32>
    %mul3A_258 = arith.muli %get3A_255, %mul3A_257 : vector<16xi32>
    %add3A_259 = arith.addi %mul3A_258, %rem3A_252 : vector<16xi32>
    %swap3A_260 = arith.constant 32 : index
    %swap3A_261 = tpu.vector_load %arg18[%swap3A_260] {strides = array<i32>} : memref<128xi32, #tpu.memory_space<vmem>>, vector<16xi32>,
    %swap3A_262 = vector.shape_cast %swap3A_261 : vector<16xi32> to vector<16xi32>
    %swap3A_263 = vector.shape_cast %add3A_259 : vector<16xi32> to vector<16xi32>
    tpu.vector_store %arg18[%swap3A_260], %swap3A_263 {strides = array<i32>} : memref<128xi32, #tpu.memory_space<vmem>>, vector<16xi32>,
    %add3A_264 = arith.constant 48 : i32
    %add3A_265 = arith.addi %rem3A_203, %add3A_264 : i32
    %broadcast_in_dim3A_266 = vector.broadcast %add3A_265 : i32 to vector<16xi32>
    %iota3A_267 = tpu.iota {dimensions = array<i32: 0>} : vector<16xi32>
    %add3A_268 = arith.addi %broadcast_in_dim3A_266, %iota3A_267 : vector<16xi32>
    %rem3A_269 = arith.constant 200 : i32
    %rem3A_270 = vector.broadcast %rem3A_269 : i32 to vector<16xi32>
    %rem3A_271 = arith.remsi %add3A_268, %rem3A_270 : vector<16xi32>
    %get3A_272 = arith.constant 48 : index
    %get3A_273 = tpu.vector_load %arg15[%get3A_272] {strides = array<i32>} : memref<128xi32, #tpu.memory_space<vmem>>, vector<16xi32>,
    %get3A_274 = vector.shape_cast %get3A_273 : vector<16xi32> to vector<16xi32>
    %mul3A_275 = arith.constant 200 : i32
    %mul3A_276 = vector.broadcast %mul3A_275 : i32 to vector<16xi32>
    %mul3A_277 = arith.muli %get3A_274, %mul3A_276 : vector<16xi32>
    %add3A_278 = arith.addi %mul3A_277, %rem3A_271 : vector<16xi32>
    %swap3A_279 = arith.constant 48 : index
    %swap3A_280 = tpu.vector_load %arg18[%swap3A_279] {strides = array<i32>} : memref<128xi32, #tpu.memory_space<vmem>>, vector<16xi32>,
    %swap3A_281 = vector.shape_cast %swap3A_280 : vector<16xi32> to vector<16xi32>
    %swap3A_282 = vector.shape_cast %add3A_278 : vector<16xi32> to vector<16xi32>
    tpu.vector_store %arg18[%swap3A_279], %swap3A_282 {strides = array<i32>} : memref<128xi32, #tpu.memory_space<vmem>>, vector<16xi32>,
    %add3A_283 = arith.constant 64 : i32
    %add3A_284 = arith.addi %rem3A_203, %add3A_283 : i32
    %broadcast_in_dim3A_285 = vector.broadcast %add3A_284 : i32 to vector<16xi32>
    %iota3A_286 = tpu.iota {dimensions = array<i32: 0>} : vector<16xi32>
    %add3A_287 = arith.addi %broadcast_in_dim3A_285, %iota3A_286 : vector<16xi32>
    %rem3A_288 = arith.constant 200 : i32
    %rem3A_289 = vector.broadcast %rem3A_288 : i32 to vector<16xi32>
    %rem3A_290 = arith.remsi %add3A_287, %rem3A_289 : vector<16xi32>
    %get3A_291 = arith.constant 64 : index
    %get3A_292 = tpu.vector_load %arg15[%get3A_291] {strides = array<i32>} : memref<128xi32, #tpu.memory_space<vmem>>, vector<16xi32>,
    %get3A_293 = vector.shape_cast %get3A_292 : vector<16xi32> to vector<16xi32>
    %mul3A_294 = arith.constant 200 : i32
    %mul3A_295 = vector.broadcast %mul3A_294 : i32 to vector<16xi32>
    %mul3A_296 = arith.muli %get3A_293, %mul3A_295 : vector<16xi32>
    %add3A_297 = arith.addi %mul3A_296, %rem3A_290 : vector<16xi32>
    %swap3A_298 = arith.constant 64 : index
    %swap3A_299 = tpu.vector_load %arg18[%swap3A_298] {strides = array<i32>} : memref<128xi32, #tpu.memory_space<vmem>>, vector<16xi32>,
    %swap3A_300 = vector.shape_cast %swap3A_299 : vector<16xi32> to vector<16xi32>
    %swap3A_301 = vector.shape_cast %add3A_297 : vector<16xi32> to vector<16xi32>
    tpu.vector_store %arg18[%swap3A_298], %swap3A_301 {strides = array<i32>} : memref<128xi32, #tpu.memory_space<vmem>>, vector<16xi32>,
    %add3A_302 = arith.constant 80 : i32
    %add3A_303 = arith.addi %rem3A_203, %add3A_302 : i32
    %broadcast_in_dim3A_304 = vector.broadcast %add3A_303 : i32 to vector<16xi32>
    %iota3A_305 = tpu.iota {dimensions = array<i32: 0>} : vector<16xi32>
    %add3A_306 = arith.addi %broadcast_in_dim3A_304, %iota3A_305 : vector<16xi32>
    %rem3A_307 = arith.constant 200 : i32
    %rem3A_308 = vector.broadcast %rem3A_307 : i32 to vector<16xi32>
    %rem3A_309 = arith.remsi %add3A_306, %rem3A_308 : vector<16xi32>
    %get3A_310 = arith.constant 80 : index
    %get3A_311 = tpu.vector_load %arg15[%get3A_310] {strides = array<i32>} : memref<128xi32, #tpu.memory_space<vmem>>, vector<16xi32>,
    %get3A_312 = vector.shape_cast %get3A_311 : vector<16xi32> to vector<16xi32>
    %mul3A_313 = arith.constant 200 : i32
    %mul3A_314 = vector.broadcast %mul3A_313 : i32 to vector<16xi32>
    %mul3A_315 = arith.muli %get3A_312, %mul3A_314 : vector<16xi32>
    %add3A_316 = arith.addi %mul3A_315, %rem3A_309 : vector<16xi32>
    %swap3A_317 = arith.constant 80 : index
    %swap3A_318 = tpu.vector_load %arg18[%swap3A_317] {strides = array<i32>} : memref<128xi32, #tpu.memory_space<vmem>>, vector<16xi32>,
    %swap3A_319 = vector.shape_cast %swap3A_318 : vector<16xi32> to vector<16xi32>
    %swap3A_320 = vector.shape_cast %add3A_316 : vector<16xi32> to vector<16xi32>
    tpu.vector_store %arg18[%swap3A_317], %swap3A_320 {strides = array<i32>} : memref<128xi32, #tpu.memory_space<vmem>>, vector<16xi32>,
    %add3A_321 = arith.constant 96 : i32
    %add3A_322 = arith.addi %rem3A_203, %add3A_321 : i32
    %broadcast_in_dim3A_323 = vector.broadcast %add3A_322 : i32 to vector<16xi32>
    %iota3A_324 = tpu.iota {dimensions = array<i32: 0>} : vector<16xi32>
    %add3A_325 = arith.addi %broadcast_in_dim3A_323, %iota3A_324 : vector<16xi32>
    %rem3A_326 = arith.constant 200 : i32
    %rem3A_327 = vector.broadcast %rem3A_326 : i32 to vector<16xi32>
    %rem3A_328 = arith.remsi %add3A_325, %rem3A_327 : vector<16xi32>
    %get3A_329 = arith.constant 96 : index
    %get3A_330 = tpu.vector_load %arg15[%get3A_329] {strides = array<i32>} : memref<128xi32, #tpu.memory_space<vmem>>, vector<16xi32>,
    %get3A_331 = vector.shape_cast %get3A_330 : vector<16xi32> to vector<16xi32>
    %mul3A_332 = arith.constant 200 : i32
    %mul3A_333 = vector.broadcast %mul3A_332 : i32 to vector<16xi32>
    %mul3A_334 = arith.muli %get3A_331, %mul3A_333 : vector<16xi32>
    %add3A_335 = arith.addi %mul3A_334, %rem3A_328 : vector<16xi32>
    %swap3A_336 = arith.constant 96 : index
    %swap3A_337 = tpu.vector_load %arg18[%swap3A_336] {strides = array<i32>} : memref<128xi32, #tpu.memory_space<vmem>>, vector<16xi32>,
    %swap3A_338 = vector.shape_cast %swap3A_337 : vector<16xi32> to vector<16xi32>
    %swap3A_339 = vector.shape_cast %add3A_335 : vector<16xi32> to vector<16xi32>
    tpu.vector_store %arg18[%swap3A_336], %swap3A_339 {strides = array<i32>} : memref<128xi32, #tpu.memory_space<vmem>>, vector<16xi32>,
    %add3A_340 = arith.constant 112 : i32
    %add3A_341 = arith.addi %rem3A_203, %add3A_340 : i32
    %broadcast_in_dim3A_342 = vector.broadcast %add3A_341 : i32 to vector<16xi32>
    %iota3A_343 = tpu.iota {dimensions = array<i32: 0>} : vector<16xi32>
    %add3A_344 = arith.addi %broadcast_in_dim3A_342, %iota3A_343 : vector<16xi32>
    %rem3A_345 = arith.constant 200 : i32
    %rem3A_346 = vector.broadcast %rem3A_345 : i32 to vector<16xi32>
    %rem3A_347 = arith.remsi %add3A_344, %rem3A_346 : vector<16xi32>
    %get3A_348 = arith.constant 112 : index
    %get3A_349 = tpu.vector_load %arg15[%get3A_348] {strides = array<i32>} : memref<128xi32, #tpu.memory_space<vmem>>, vector<16xi32>,
    %get3A_350 = vector.shape_cast %get3A_349 : vector<16xi32> to vector<16xi32>
    %mul3A_351 = arith.constant 200 : i32
    %mul3A_352 = vector.broadcast %mul3A_351 : i32 to vector<16xi32>
    %mul3A_353 = arith.muli %get3A_350, %mul3A_352 : vector<16xi32>
    %add3A_354 = arith.addi %mul3A_353, %rem3A_347 : vector<16xi32>
    %swap3A_355 = arith.constant 112 : index
    %swap3A_356 = tpu.vector_load %arg18[%swap3A_355] {strides = array<i32>} : memref<128xi32, #tpu.memory_space<vmem>>, vector<16xi32>,
    %swap3A_357 = vector.shape_cast %swap3A_356 : vector<16xi32> to vector<16xi32>
    %swap3A_358 = vector.shape_cast %add3A_354 : vector<16xi32> to vector<16xi32>
    tpu.vector_store %arg18[%swap3A_355], %swap3A_358 {strides = array<i32>} : memref<128xi32, #tpu.memory_space<vmem>>, vector<16xi32>,
    %dma_start3A_359 = arith.constant 0 : i32
    %dma_start3A_360 = arith.constant 0 : i32
    %dma_start3A_361 = tpu.memref_slice %arg8[%dma_start3A_359, %dma_start3A_360] : memref<400x128xf32, #tpu.memory_space<vmem_shared>> -> memref<400x128xf32, #tpu.memory_space<vmem_shared>>
    tpu.enqueue_indirect_dma source(%dma_start3A_361 : memref<400x128xf32, #tpu.memory_space<vmem_shared>>) target(%arg24 : memref<128x128xf32, #tpu.memory_space<vmem>>) offsets(%arg18 : memref<128xi32, #tpu.memory_space<vmem>>) semaphore(%arg30 : memref<!tpu.dma_semaphore, #tpu.memory_space<semaphore_mem>>)
    %dma_wait3A_362 = arith.constant 0 : i32
    %dma_wait3A_363 = arith.constant 0 : i32
    %dma_wait3A_364 = tpu.memref_slice %arg4[%dma_wait3A_362, %dma_wait3A_363] : memref<100000x128xf32, #tpu.memory_space<hbm>> -> memref<100000x128xf32, #tpu.memory_space<hbm>>
    tpu.wait_indirect_dma semaphore(%arg26 : memref<!tpu.dma_semaphore, #tpu.memory_space<semaphore_mem>>) src(%dma_wait3A_364 : memref<100000x128xf32, #tpu.memory_space<hbm>>) dst(%arg20 : memref<128x128xf32, #tpu.memory_space<vmem>>)
    %dma_wait3A_365 = arith.constant 0 : i32
    %dma_wait3A_366 = arith.constant 0 : i32
    %dma_wait3A_367 = tpu.memref_slice %arg8[%dma_wait3A_365, %dma_wait3A_366] : memref<400x128xf32, #tpu.memory_space<vmem_shared>> -> memref<400x128xf32, #tpu.memory_space<vmem_shared>>
    tpu.wait_indirect_dma semaphore(%arg29 : memref<!tpu.dma_semaphore, #tpu.memory_space<semaphore_mem>>) src(%dma_wait3A_367 : memref<400x128xf32, #tpu.memory_space<vmem_shared>>) dst(%arg23 : memref<128x128xf32, #tpu.memory_space<vmem>>)
    %add3A_368 = arith.constant 384 : i32
    %add3A_369 = arith.addi %mul3A_2, %add3A_368 : i32
    %rem3A_370 = arith.constant 819200 : i32
    %rem3A_371 = arith.remsi %add3A_369, %rem3A_370 : i32
    %dma_start3A_372 = tpu.memref_slice %arg2[%rem3A_371] : memref<819200xi32, #tpu.memory_space<hbm>> -> memref<128xi32, #tpu.memory_space<hbm>>
    %dma_start3A_373 = tpu.memref_slice %arg2[%rem3A_371] : memref<819200xi32, #tpu.memory_space<hbm>> -> memref<128xi32, #tpu.memory_space<hbm>>
    tpu.enqueue_dma source(%dma_start3A_373 : memref<128xi32, #tpu.memory_space<hbm>>) target(%arg11 : memref<128xi32, #tpu.memory_space<vmem>>) target_semaphore(%arg32 : memref<!tpu.dma_semaphore, #tpu.memory_space<semaphore_mem>>)
    %dma_start3A_374 = tpu.memref_slice %arg3[%rem3A_371] : memref<819200xi32, #tpu.memory_space<hbm>> -> memref<128xi32, #tpu.memory_space<hbm>>
    %dma_start3A_375 = tpu.memref_slice %arg3[%rem3A_371] : memref<819200xi32, #tpu.memory_space<hbm>> -> memref<128xi32, #tpu.memory_space<hbm>>
    tpu.enqueue_dma source(%dma_start3A_375 : memref<128xi32, #tpu.memory_space<hbm>>) target(%arg14 : memref<128xi32, #tpu.memory_space<vmem>>) target_semaphore(%arg35 : memref<!tpu.dma_semaphore, #tpu.memory_space<semaphore_mem>>)
    %add3A_376 = arith.constant 0 : i32
    %add3A_377 = arith.addi %mul3A_2, %add3A_376 : i32
    %rem3A_378 = arith.constant 819200 : i32
    %rem3A_379 = arith.remsi %add3A_377, %rem3A_378 : i32
    %scan3A = arith.constant 0 : i32
    %scan3A_380 = arith.constant 128 : i32
    %scan3A_381 = arith.addi %scan3A, %scan3A_380 : i32
    %scan3A_382 = arith.constant 1 : i32
    scf.for %scan3A_1043 = %scan3A to %scan3A_381 step %scan3A_382  : i32 {
      %mul3A_1044 = arith.constant 1 : i32
      %mul3A_1045 = arith.muli %scan3A_1043, %mul3A_1044 : i32
      %add3A_1046 = arith.constant 0 : i32
      %add3A_1047 = arith.addi %add3A_1046, %mul3A_1045 : i32
      %get3A_1048 = arith.index_cast %add3A_1047 : i32 to index
      %get3A_1049 = arith.constant 0 : index
      %get3A_1050 = tpu.vector_load %arg20[%get3A_1048, %get3A_1049] {strides = array<i32>} : memref<128x128xf32, #tpu.memory_space<vmem>>, vector<1x16xf32>,
      %get3A_1051 = vector.shape_cast %get3A_1050 : vector<1x16xf32> to vector<16xf32>
      %get3A_1052 = arith.index_cast %add3A_1047 : i32 to index
      %get3A_1053 = arith.constant 0 : index
      %get3A_1054 = tpu.vector_load %arg23[%get3A_1052, %get3A_1053] {strides = array<i32>} : memref<128x128xf32, #tpu.memory_space<vmem>>, vector<1x16xf32>,
      %get3A_1055 = vector.shape_cast %get3A_1054 : vector<1x16xf32> to vector<16xf32>
      %add3A_1056 = arith.addf %get3A_1051, %get3A_1055 : vector<16xf32>
      %swap3A_1057 = arith.index_cast %add3A_1047 : i32 to index
      %swap3A_1058 = arith.constant 0 : index
      %swap3A_1059 = tpu.vector_load %arg20[%swap3A_1057, %swap3A_1058] {strides = array<i32>} : memref<128x128xf32, #tpu.memory_space<vmem>>, vector<1x16xf32>,
      %swap3A_1060 = vector.shape_cast %swap3A_1059 : vector<1x16xf32> to vector<16xf32>
      %swap3A_1061 = vector.shape_cast %add3A_1056 : vector<16xf32> to vector<1x16xf32>
      tpu.vector_store %arg20[%swap3A_1057, %swap3A_1058], %swap3A_1061 {strides = array<i32>} : memref<128x128xf32, #tpu.memory_space<vmem>>, vector<1x16xf32>,
      %get3A_1062 = arith.index_cast %add3A_1047 : i32 to index
      %get3A_1063 = arith.constant 16 : index
      %get3A_1064 = tpu.vector_load %arg20[%get3A_1062, %get3A_1063] {strides = array<i32>} : memref<128x128xf32, #tpu.memory_space<vmem>>, vector<1x16xf32>,
      %get3A_1065 = vector.shape_cast %get3A_1064 : vector<1x16xf32> to vector<16xf32>
      %get3A_1066 = arith.index_cast %add3A_1047 : i32 to index
      %get3A_1067 = arith.constant 16 : index
      %get3A_1068 = tpu.vector_load %arg23[%get3A_1066, %get3A_1067] {strides = array<i32>} : memref<128x128xf32, #tpu.memory_space<vmem>>, vector<1x16xf32>,
      %get3A_1069 = vector.shape_cast %get3A_1068 : vector<1x16xf32> to vector<16xf32>
      %add3A_1070 = arith.addf %get3A_1065, %get3A_1069 : vector<16xf32>
      %swap3A_1071 = arith.index_cast %add3A_1047 : i32 to index
      %swap3A_1072 = arith.constant 16 : index
      %swap3A_1073 = tpu.vector_load %arg20[%swap3A_1071, %swap3A_1072] {strides = array<i32>} : memref<128x128xf32, #tpu.memory_space<vmem>>, vector<1x16xf32>,
      %swap3A_1074 = vector.shape_cast %swap3A_1073 : vector<1x16xf32> to vector<16xf32>
      %swap3A_1075 = vector.shape_cast %add3A_1070 : vector<16xf32> to vector<1x16xf32>
      tpu.vector_store %arg20[%swap3A_1071, %swap3A_1072], %swap3A_1075 {strides = array<i32>} : memref<128x128xf32, #tpu.memory_space<vmem>>, vector<1x16xf32>,
      %get3A_1076 = arith.index_cast %add3A_1047 : i32 to index
      %get3A_1077 = arith.constant 32 : index
      %get3A_1078 = tpu.vector_load %arg20[%get3A_1076, %get3A_1077] {strides = array<i32>} : memref<128x128xf32, #tpu.memory_space<vmem>>, vector<1x16xf32>,
      %get3A_1079 = vector.shape_cast %get3A_1078 : vector<1x16xf32> to vector<16xf32>
      %get3A_1080 = arith.index_cast %add3A_1047 : i32 to index
      %get3A_1081 = arith.constant 32 : index
      %get3A_1082 = tpu.vector_load %arg23[%get3A_1080, %get3A_1081] {strides = array<i32>} : memref<128x128xf32, #tpu.memory_space<vmem>>, vector<1x16xf32>,
      %get3A_1083 = vector.shape_cast %get3A_1082 : vector<1x16xf32> to vector<16xf32>
      %add3A_1084 = arith.addf %get3A_1079, %get3A_1083 : vector<16xf32>
      %swap3A_1085 = arith.index_cast %add3A_1047 : i32 to index
      %swap3A_1086 = arith.constant 32 : index
      %swap3A_1087 = tpu.vector_load %arg20[%swap3A_1085, %swap3A_1086] {strides = array<i32>} : memref<128x128xf32, #tpu.memory_space<vmem>>, vector<1x16xf32>,
      %swap3A_1088 = vector.shape_cast %swap3A_1087 : vector<1x16xf32> to vector<16xf32>
      %swap3A_1089 = vector.shape_cast %add3A_1084 : vector<16xf32> to vector<1x16xf32>
      tpu.vector_store %arg20[%swap3A_1085, %swap3A_1086], %swap3A_1089 {strides = array<i32>} : memref<128x128xf32, #tpu.memory_space<vmem>>, vector<1x16xf32>,
      %get3A_1090 = arith.index_cast %add3A_1047 : i32 to index
      %get3A_1091 = arith.constant 48 : index
      %get3A_1092 = tpu.vector_load %arg20[%get3A_1090, %get3A_1091] {strides = array<i32>} : memref<128x128xf32, #tpu.memory_space<vmem>>, vector<1x16xf32>,
      %get3A_1093 = vector.shape_cast %get3A_1092 : vector<1x16xf32> to vector<16xf32>
      %get3A_1094 = arith.index_cast %add3A_1047 : i32 to index
      %get3A_1095 = arith.constant 48 : index
      %get3A_1096 = tpu.vector_load %arg23[%get3A_1094, %get3A_1095] {strides = array<i32>} : memref<128x128xf32, #tpu.memory_space<vmem>>, vector<1x16xf32>,
      %get3A_1097 = vector.shape_cast %get3A_1096 : vector<1x16xf32> to vector<16xf32>
      %add3A_1098 = arith.addf %get3A_1093, %get3A_1097 : vector<16xf32>
      %swap3A_1099 = arith.index_cast %add3A_1047 : i32 to index
      %swap3A_1100 = arith.constant 48 : index
      %swap3A_1101 = tpu.vector_load %arg20[%swap3A_1099, %swap3A_1100] {strides = array<i32>} : memref<128x128xf32, #tpu.memory_space<vmem>>, vector<1x16xf32>,
      %swap3A_1102 = vector.shape_cast %swap3A_1101 : vector<1x16xf32> to vector<16xf32>
      %swap3A_1103 = vector.shape_cast %add3A_1098 : vector<16xf32> to vector<1x16xf32>
      tpu.vector_store %arg20[%swap3A_1099, %swap3A_1100], %swap3A_1103 {strides = array<i32>} : memref<128x128xf32, #tpu.memory_space<vmem>>, vector<1x16xf32>,
      %get3A_1104 = arith.index_cast %add3A_1047 : i32 to index
      %get3A_1105 = arith.constant 64 : index
      %get3A_1106 = tpu.vector_load %arg20[%get3A_1104, %get3A_1105] {strides = array<i32>} : memref<128x128xf32, #tpu.memory_space<vmem>>, vector<1x16xf32>,
      %get3A_1107 = vector.shape_cast %get3A_1106 : vector<1x16xf32> to vector<16xf32>
      %get3A_1108 = arith.index_cast %add3A_1047 : i32 to index
      %get3A_1109 = arith.constant 64 : index
      %get3A_1110 = tpu.vector_load %arg23[%get3A_1108, %get3A_1109] {strides = array<i32>} : memref<128x128xf32, #tpu.memory_space<vmem>>, vector<1x16xf32>,
      %get3A_1111 = vector.shape_cast %get3A_1110 : vector<1x16xf32> to vector<16xf32>
      %add3A_1112 = arith.addf %get3A_1107, %get3A_1111 : vector<16xf32>
      %swap3A_1113 = arith.index_cast %add3A_1047 : i32 to index
      %swap3A_1114 = arith.constant 64 : index
      %swap3A_1115 = tpu.vector_load %arg20[%swap3A_1113, %swap3A_1114] {strides = array<i32>} : memref<128x128xf32, #tpu.memory_space<vmem>>, vector<1x16xf32>,
      %swap3A_1116 = vector.shape_cast %swap3A_1115 : vector<1x16xf32> to vector<16xf32>
      %swap3A_1117 = vector.shape_cast %add3A_1112 : vector<16xf32> to vector<1x16xf32>
      tpu.vector_store %arg20[%swap3A_1113, %swap3A_1114], %swap3A_1117 {strides = array<i32>} : memref<128x128xf32, #tpu.memory_space<vmem>>, vector<1x16xf32>,
      %get3A_1118 = arith.index_cast %add3A_1047 : i32 to index
      %get3A_1119 = arith.constant 80 : index
      %get3A_1120 = tpu.vector_load %arg20[%get3A_1118, %get3A_1119] {strides = array<i32>} : memref<128x128xf32, #tpu.memory_space<vmem>>, vector<1x16xf32>,
      %get3A_1121 = vector.shape_cast %get3A_1120 : vector<1x16xf32> to vector<16xf32>
      %get3A_1122 = arith.index_cast %add3A_1047 : i32 to index
      %get3A_1123 = arith.constant 80 : index
      %get3A_1124 = tpu.vector_load %arg23[%get3A_1122, %get3A_1123] {strides = array<i32>} : memref<128x128xf32, #tpu.memory_space<vmem>>, vector<1x16xf32>,
      %get3A_1125 = vector.shape_cast %get3A_1124 : vector<1x16xf32> to vector<16xf32>
      %add3A_1126 = arith.addf %get3A_1121, %get3A_1125 : vector<16xf32>
      %swap3A_1127 = arith.index_cast %add3A_1047 : i32 to index
      %swap3A_1128 = arith.constant 80 : index
      %swap3A_1129 = tpu.vector_load %arg20[%swap3A_1127, %swap3A_1128] {strides = array<i32>} : memref<128x128xf32, #tpu.memory_space<vmem>>, vector<1x16xf32>,
      %swap3A_1130 = vector.shape_cast %swap3A_1129 : vector<1x16xf32> to vector<16xf32>
      %swap3A_1131 = vector.shape_cast %add3A_1126 : vector<16xf32> to vector<1x16xf32>
      tpu.vector_store %arg20[%swap3A_1127, %swap3A_1128], %swap3A_1131 {strides = array<i32>} : memref<128x128xf32, #tpu.memory_space<vmem>>, vector<1x16xf32>,
      %get3A_1132 = arith.index_cast %add3A_1047 : i32 to index
      %get3A_1133 = arith.constant 96 : index
      %get3A_1134 = tpu.vector_load %arg20[%get3A_1132, %get3A_1133] {strides = array<i32>} : memref<128x128xf32, #tpu.memory_space<vmem>>, vector<1x16xf32>,
      %get3A_1135 = vector.shape_cast %get3A_1134 : vector<1x16xf32> to vector<16xf32>
      %get3A_1136 = arith.index_cast %add3A_1047 : i32 to index
      %get3A_1137 = arith.constant 96 : index
      %get3A_1138 = tpu.vector_load %arg23[%get3A_1136, %get3A_1137] {strides = array<i32>} : memref<128x128xf32, #tpu.memory_space<vmem>>, vector<1x16xf32>,
      %get3A_1139 = vector.shape_cast %get3A_1138 : vector<1x16xf32> to vector<16xf32>
      %add3A_1140 = arith.addf %get3A_1135, %get3A_1139 : vector<16xf32>
      %swap3A_1141 = arith.index_cast %add3A_1047 : i32 to index
      %swap3A_1142 = arith.constant 96 : index
      %swap3A_1143 = tpu.vector_load %arg20[%swap3A_1141, %swap3A_1142] {strides = array<i32>} : memref<128x128xf32, #tpu.memory_space<vmem>>, vector<1x16xf32>,
      %swap3A_1144 = vector.shape_cast %swap3A_1143 : vector<1x16xf32> to vector<16xf32>
      %swap3A_1145 = vector.shape_cast %add3A_1140 : vector<16xf32> to vector<1x16xf32>
      tpu.vector_store %arg20[%swap3A_1141, %swap3A_1142], %swap3A_1145 {strides = array<i32>} : memref<128x128xf32, #tpu.memory_space<vmem>>, vector<1x16xf32>,
      %get3A_1146 = arith.index_cast %add3A_1047 : i32 to index
      %get3A_1147 = arith.constant 112 : index
      %get3A_1148 = tpu.vector_load %arg20[%get3A_1146, %get3A_1147] {strides = array<i32>} : memref<128x128xf32, #tpu.memory_space<vmem>>, vector<1x16xf32>,
      %get3A_1149 = vector.shape_cast %get3A_1148 : vector<1x16xf32> to vector<16xf32>
      %get3A_1150 = arith.index_cast %add3A_1047 : i32 to index
      %get3A_1151 = arith.constant 112 : index
      %get3A_1152 = tpu.vector_load %arg23[%get3A_1150, %get3A_1151] {strides = array<i32>} : memref<128x128xf32, #tpu.memory_space<vmem>>, vector<1x16xf32>,
      %get3A_1153 = vector.shape_cast %get3A_1152 : vector<1x16xf32> to vector<16xf32>
      %add3A_1154 = arith.addf %get3A_1149, %get3A_1153 : vector<16xf32>
      %swap3A_1155 = arith.index_cast %add3A_1047 : i32 to index
      %swap3A_1156 = arith.constant 112 : index
      %swap3A_1157 = tpu.vector_load %arg20[%swap3A_1155, %swap3A_1156] {strides = array<i32>} : memref<128x128xf32, #tpu.memory_space<vmem>>, vector<1x16xf32>,
      %swap3A_1158 = vector.shape_cast %swap3A_1157 : vector<1x16xf32> to vector<16xf32>
      %swap3A_1159 = vector.shape_cast %add3A_1154 : vector<16xf32> to vector<1x16xf32>
      tpu.vector_store %arg20[%swap3A_1155, %swap3A_1156], %swap3A_1159 {strides = array<i32>} : memref<128x128xf32, #tpu.memory_space<vmem>>, vector<1x16xf32>,
    }
    %scan3A_383 = arith.constant 128 : i32
    %dma_start3A_384 = arith.constant 0 : i32
    %dma_start3A_385 = tpu.memref_slice %arg7[%rem3A_379, %dma_start3A_384] : memref<819200x128xf32, #tpu.memory_space<hbm>> -> memref<128x128xf32, #tpu.memory_space<hbm>>
    %dma_start3A_386 = arith.constant 0 : i32
    %dma_start3A_387 = tpu.memref_slice %arg7[%rem3A_379, %dma_start3A_386] : memref<819200x128xf32, #tpu.memory_space<hbm>> -> memref<128x128xf32, #tpu.memory_space<hbm>>
    tpu.enqueue_dma source(%arg20 : memref<128x128xf32, #tpu.memory_space<vmem>>) target(%dma_start3A_387 : memref<128x128xf32, #tpu.memory_space<hbm>>) target_semaphore(%arg38 : memref<!tpu.dma_semaphore, #tpu.memory_space<semaphore_mem>>)
    %add3A_388 = arith.constant 256 : i32
    %add3A_389 = arith.addi %mul3A_2, %add3A_388 : i32
    %rem3A_390 = arith.constant 819200 : i32
    %rem3A_391 = arith.remsi %add3A_389, %rem3A_390 : i32
    %dma_wait3A_392 = tpu.memref_slice %arg2[%rem3A_391] : memref<819200xi32, #tpu.memory_space<hbm>> -> memref<128xi32, #tpu.memory_space<hbm>>
    %dma_wait3A_393 = tpu.memref_slice %arg2[%rem3A_391] : memref<819200xi32, #tpu.memory_space<hbm>> -> memref<128xi32, #tpu.memory_space<hbm>>
    tpu.wait_dma2 semaphore(%arg34 : memref<!tpu.dma_semaphore, #tpu.memory_space<semaphore_mem>>) src(%dma_wait3A_393 : memref<128xi32, #tpu.memory_space<hbm>>) dst(%arg13 : memref<128xi32, #tpu.memory_space<vmem>>)
    %dma_wait3A_394 = tpu.memref_slice %arg3[%rem3A_391] : memref<819200xi32, #tpu.memory_space<hbm>> -> memref<128xi32, #tpu.memory_space<hbm>>
    %dma_wait3A_395 = tpu.memref_slice %arg3[%rem3A_391] : memref<819200xi32, #tpu.memory_space<hbm>> -> memref<128xi32, #tpu.memory_space<hbm>>
    tpu.wait_dma2 semaphore(%arg37 : memref<!tpu.dma_semaphore, #tpu.memory_space<semaphore_mem>>) src(%dma_wait3A_395 : memref<128xi32, #tpu.memory_space<hbm>>) dst(%arg16 : memref<128xi32, #tpu.memory_space<vmem>>)
    %add3A_396 = arith.constant 256 : i32
    %add3A_397 = arith.addi %mul3A_2, %add3A_396 : i32
    %rem3A_398 = arith.constant 819200 : i32
    %rem3A_399 = arith.remsi %add3A_397, %rem3A_398 : i32
    %dma_start3A_400 = arith.constant 0 : i32
    %dma_start3A_401 = arith.constant 0 : i32
    %dma_start3A_402 = tpu.memref_slice %arg4[%dma_start3A_400, %dma_start3A_401] : memref<100000x128xf32, #tpu.memory_space<hbm>> -> memref<100000x128xf32, #tpu.memory_space<hbm>>
    tpu.enqueue_indirect_dma source(%dma_start3A_402 : memref<100000x128xf32, #tpu.memory_space<hbm>>) target(%arg22 : memref<128x128xf32, #tpu.memory_space<vmem>>) offsets(%arg13 : memref<128xi32, #tpu.memory_space<vmem>>) semaphore(%arg28 : memref<!tpu.dma_semaphore, #tpu.memory_space<semaphore_mem>>)
    %add3A_403 = arith.constant 0 : i32
    %add3A_404 = arith.addi %rem3A_399, %add3A_403 : i32
    %broadcast_in_dim3A_405 = vector.broadcast %add3A_404 : i32 to vector<16xi32>
    %iota3A_406 = tpu.iota {dimensions = array<i32: 0>} : vector<16xi32>
    %add3A_407 = arith.addi %broadcast_in_dim3A_405, %iota3A_406 : vector<16xi32>
    %rem3A_408 = arith.constant 200 : i32
    %rem3A_409 = vector.broadcast %rem3A_408 : i32 to vector<16xi32>
    %rem3A_410 = arith.remsi %add3A_407, %rem3A_409 : vector<16xi32>
    %get3A_411 = arith.constant 0 : index
    %get3A_412 = tpu.vector_load %arg16[%get3A_411] {strides = array<i32>} : memref<128xi32, #tpu.memory_space<vmem>>, vector<16xi32>,
    %get3A_413 = vector.shape_cast %get3A_412 : vector<16xi32> to vector<16xi32>
    %mul3A_414 = arith.constant 200 : i32
    %mul3A_415 = vector.broadcast %mul3A_414 : i32 to vector<16xi32>
    %mul3A_416 = arith.muli %get3A_413, %mul3A_415 : vector<16xi32>
    %add3A_417 = arith.addi %mul3A_416, %rem3A_410 : vector<16xi32>
    %swap3A_418 = arith.constant 0 : index
    %swap3A_419 = tpu.vector_load %arg19[%swap3A_418] {strides = array<i32>} : memref<128xi32, #tpu.memory_space<vmem>>, vector<16xi32>,
    %swap3A_420 = vector.shape_cast %swap3A_419 : vector<16xi32> to vector<16xi32>
    %swap3A_421 = vector.shape_cast %add3A_417 : vector<16xi32> to vector<16xi32>
    tpu.vector_store %arg19[%swap3A_418], %swap3A_421 {strides = array<i32>} : memref<128xi32, #tpu.memory_space<vmem>>, vector<16xi32>,
    %add3A_422 = arith.constant 16 : i32
    %add3A_423 = arith.addi %rem3A_399, %add3A_422 : i32
    %broadcast_in_dim3A_424 = vector.broadcast %add3A_423 : i32 to vector<16xi32>
    %iota3A_425 = tpu.iota {dimensions = array<i32: 0>} : vector<16xi32>
    %add3A_426 = arith.addi %broadcast_in_dim3A_424, %iota3A_425 : vector<16xi32>
    %rem3A_427 = arith.constant 200 : i32
    %rem3A_428 = vector.broadcast %rem3A_427 : i32 to vector<16xi32>
    %rem3A_429 = arith.remsi %add3A_426, %rem3A_428 : vector<16xi32>
    %get3A_430 = arith.constant 16 : index
    %get3A_431 = tpu.vector_load %arg16[%get3A_430] {strides = array<i32>} : memref<128xi32, #tpu.memory_space<vmem>>, vector<16xi32>,
    %get3A_432 = vector.shape_cast %get3A_431 : vector<16xi32> to vector<16xi32>
    %mul3A_433 = arith.constant 200 : i32
    %mul3A_434 = vector.broadcast %mul3A_433 : i32 to vector<16xi32>
    %mul3A_435 = arith.muli %get3A_432, %mul3A_434 : vector<16xi32>
    %add3A_436 = arith.addi %mul3A_435, %rem3A_429 : vector<16xi32>
    %swap3A_437 = arith.constant 16 : index
    %swap3A_438 = tpu.vector_load %arg19[%swap3A_437] {strides = array<i32>} : memref<128xi32, #tpu.memory_space<vmem>>, vector<16xi32>,
    %swap3A_439 = vector.shape_cast %swap3A_438 : vector<16xi32> to vector<16xi32>
    %swap3A_440 = vector.shape_cast %add3A_436 : vector<16xi32> to vector<16xi32>
    tpu.vector_store %arg19[%swap3A_437], %swap3A_440 {strides = array<i32>} : memref<128xi32, #tpu.memory_space<vmem>>, vector<16xi32>,
    %add3A_441 = arith.constant 32 : i32
    %add3A_442 = arith.addi %rem3A_399, %add3A_441 : i32
    %broadcast_in_dim3A_443 = vector.broadcast %add3A_442 : i32 to vector<16xi32>
    %iota3A_444 = tpu.iota {dimensions = array<i32: 0>} : vector<16xi32>
    %add3A_445 = arith.addi %broadcast_in_dim3A_443, %iota3A_444 : vector<16xi32>
    %rem3A_446 = arith.constant 200 : i32
    %rem3A_447 = vector.broadcast %rem3A_446 : i32 to vector<16xi32>
    %rem3A_448 = arith.remsi %add3A_445, %rem3A_447 : vector<16xi32>
    %get3A_449 = arith.constant 32 : index
    %get3A_450 = tpu.vector_load %arg16[%get3A_449] {strides = array<i32>} : memref<128xi32, #tpu.memory_space<vmem>>, vector<16xi32>,
    %get3A_451 = vector.shape_cast %get3A_450 : vector<16xi32> to vector<16xi32>
    %mul3A_452 = arith.constant 200 : i32
    %mul3A_453 = vector.broadcast %mul3A_452 : i32 to vector<16xi32>
    %mul3A_454 = arith.muli %get3A_451, %mul3A_453 : vector<16xi32>
    %add3A_455 = arith.addi %mul3A_454, %rem3A_448 : vector<16xi32>
    %swap3A_456 = arith.constant 32 : index
    %swap3A_457 = tpu.vector_load %arg19[%swap3A_456] {strides = array<i32>} : memref<128xi32, #tpu.memory_space<vmem>>, vector<16xi32>,
    %swap3A_458 = vector.shape_cast %swap3A_457 : vector<16xi32> to vector<16xi32>
    %swap3A_459 = vector.shape_cast %add3A_455 : vector<16xi32> to vector<16xi32>
    tpu.vector_store %arg19[%swap3A_456], %swap3A_459 {strides = array<i32>} : memref<128xi32, #tpu.memory_space<vmem>>, vector<16xi32>,
    %add3A_460 = arith.constant 48 : i32
    %add3A_461 = arith.addi %rem3A_399, %add3A_460 : i32
    %broadcast_in_dim3A_462 = vector.broadcast %add3A_461 : i32 to vector<16xi32>
    %iota3A_463 = tpu.iota {dimensions = array<i32: 0>} : vector<16xi32>
    %add3A_464 = arith.addi %broadcast_in_dim3A_462, %iota3A_463 : vector<16xi32>
    %rem3A_465 = arith.constant 200 : i32
    %rem3A_466 = vector.broadcast %rem3A_465 : i32 to vector<16xi32>
    %rem3A_467 = arith.remsi %add3A_464, %rem3A_466 : vector<16xi32>
    %get3A_468 = arith.constant 48 : index
    %get3A_469 = tpu.vector_load %arg16[%get3A_468] {strides = array<i32>} : memref<128xi32, #tpu.memory_space<vmem>>, vector<16xi32>,
    %get3A_470 = vector.shape_cast %get3A_469 : vector<16xi32> to vector<16xi32>
    %mul3A_471 = arith.constant 200 : i32
    %mul3A_472 = vector.broadcast %mul3A_471 : i32 to vector<16xi32>
    %mul3A_473 = arith.muli %get3A_470, %mul3A_472 : vector<16xi32>
    %add3A_474 = arith.addi %mul3A_473, %rem3A_467 : vector<16xi32>
    %swap3A_475 = arith.constant 48 : index
    %swap3A_476 = tpu.vector_load %arg19[%swap3A_475] {strides = array<i32>} : memref<128xi32, #tpu.memory_space<vmem>>, vector<16xi32>,
    %swap3A_477 = vector.shape_cast %swap3A_476 : vector<16xi32> to vector<16xi32>
    %swap3A_478 = vector.shape_cast %add3A_474 : vector<16xi32> to vector<16xi32>
    tpu.vector_store %arg19[%swap3A_475], %swap3A_478 {strides = array<i32>} : memref<128xi32, #tpu.memory_space<vmem>>, vector<16xi32>,
    %add3A_479 = arith.constant 64 : i32
    %add3A_480 = arith.addi %rem3A_399, %add3A_479 : i32
    %broadcast_in_dim3A_481 = vector.broadcast %add3A_480 : i32 to vector<16xi32>
    %iota3A_482 = tpu.iota {dimensions = array<i32: 0>} : vector<16xi32>
    %add3A_483 = arith.addi %broadcast_in_dim3A_481, %iota3A_482 : vector<16xi32>
    %rem3A_484 = arith.constant 200 : i32
    %rem3A_485 = vector.broadcast %rem3A_484 : i32 to vector<16xi32>
    %rem3A_486 = arith.remsi %add3A_483, %rem3A_485 : vector<16xi32>
    %get3A_487 = arith.constant 64 : index
    %get3A_488 = tpu.vector_load %arg16[%get3A_487] {strides = array<i32>} : memref<128xi32, #tpu.memory_space<vmem>>, vector<16xi32>,
    %get3A_489 = vector.shape_cast %get3A_488 : vector<16xi32> to vector<16xi32>
    %mul3A_490 = arith.constant 200 : i32
    %mul3A_491 = vector.broadcast %mul3A_490 : i32 to vector<16xi32>
    %mul3A_492 = arith.muli %get3A_489, %mul3A_491 : vector<16xi32>
    %add3A_493 = arith.addi %mul3A_492, %rem3A_486 : vector<16xi32>
    %swap3A_494 = arith.constant 64 : index
    %swap3A_495 = tpu.vector_load %arg19[%swap3A_494] {strides = array<i32>} : memref<128xi32, #tpu.memory_space<vmem>>, vector<16xi32>,
    %swap3A_496 = vector.shape_cast %swap3A_495 : vector<16xi32> to vector<16xi32>
    %swap3A_497 = vector.shape_cast %add3A_493 : vector<16xi32> to vector<16xi32>
    tpu.vector_store %arg19[%swap3A_494], %swap3A_497 {strides = array<i32>} : memref<128xi32, #tpu.memory_space<vmem>>, vector<16xi32>,
    %add3A_498 = arith.constant 80 : i32
    %add3A_499 = arith.addi %rem3A_399, %add3A_498 : i32
    %broadcast_in_dim3A_500 = vector.broadcast %add3A_499 : i32 to vector<16xi32>
    %iota3A_501 = tpu.iota {dimensions = array<i32: 0>} : vector<16xi32>
    %add3A_502 = arith.addi %broadcast_in_dim3A_500, %iota3A_501 : vector<16xi32>
    %rem3A_503 = arith.constant 200 : i32
    %rem3A_504 = vector.broadcast %rem3A_503 : i32 to vector<16xi32>
    %rem3A_505 = arith.remsi %add3A_502, %rem3A_504 : vector<16xi32>
    %get3A_506 = arith.constant 80 : index
    %get3A_507 = tpu.vector_load %arg16[%get3A_506] {strides = array<i32>} : memref<128xi32, #tpu.memory_space<vmem>>, vector<16xi32>,
    %get3A_508 = vector.shape_cast %get3A_507 : vector<16xi32> to vector<16xi32>
    %mul3A_509 = arith.constant 200 : i32
    %mul3A_510 = vector.broadcast %mul3A_509 : i32 to vector<16xi32>
    %mul3A_511 = arith.muli %get3A_508, %mul3A_510 : vector<16xi32>
    %add3A_512 = arith.addi %mul3A_511, %rem3A_505 : vector<16xi32>
    %swap3A_513 = arith.constant 80 : index
    %swap3A_514 = tpu.vector_load %arg19[%swap3A_513] {strides = array<i32>} : memref<128xi32, #tpu.memory_space<vmem>>, vector<16xi32>,
    %swap3A_515 = vector.shape_cast %swap3A_514 : vector<16xi32> to vector<16xi32>
    %swap3A_516 = vector.shape_cast %add3A_512 : vector<16xi32> to vector<16xi32>
    tpu.vector_store %arg19[%swap3A_513], %swap3A_516 {strides = array<i32>} : memref<128xi32, #tpu.memory_space<vmem>>, vector<16xi32>,
    %add3A_517 = arith.constant 96 : i32
    %add3A_518 = arith.addi %rem3A_399, %add3A_517 : i32
    %broadcast_in_dim3A_519 = vector.broadcast %add3A_518 : i32 to vector<16xi32>
    %iota3A_520 = tpu.iota {dimensions = array<i32: 0>} : vector<16xi32>
    %add3A_521 = arith.addi %broadcast_in_dim3A_519, %iota3A_520 : vector<16xi32>
    %rem3A_522 = arith.constant 200 : i32
    %rem3A_523 = vector.broadcast %rem3A_522 : i32 to vector<16xi32>
    %rem3A_524 = arith.remsi %add3A_521, %rem3A_523 : vector<16xi32>
    %get3A_525 = arith.constant 96 : index
    %get3A_526 = tpu.vector_load %arg16[%get3A_525] {strides = array<i32>} : memref<128xi32, #tpu.memory_space<vmem>>, vector<16xi32>,
    %get3A_527 = vector.shape_cast %get3A_526 : vector<16xi32> to vector<16xi32>
    %mul3A_528 = arith.constant 200 : i32
    %mul3A_529 = vector.broadcast %mul3A_528 : i32 to vector<16xi32>
    %mul3A_530 = arith.muli %get3A_527, %mul3A_529 : vector<16xi32>
    %add3A_531 = arith.addi %mul3A_530, %rem3A_524 : vector<16xi32>
    %swap3A_532 = arith.constant 96 : index
    %swap3A_533 = tpu.vector_load %arg19[%swap3A_532] {strides = array<i32>} : memref<128xi32, #tpu.memory_space<vmem>>, vector<16xi32>,
    %swap3A_534 = vector.shape_cast %swap3A_533 : vector<16xi32> to vector<16xi32>
    %swap3A_535 = vector.shape_cast %add3A_531 : vector<16xi32> to vector<16xi32>
    tpu.vector_store %arg19[%swap3A_532], %swap3A_535 {strides = array<i32>} : memref<128xi32, #tpu.memory_space<vmem>>, vector<16xi32>,
    %add3A_536 = arith.constant 112 : i32
    %add3A_537 = arith.addi %rem3A_399, %add3A_536 : i32
    %broadcast_in_dim3A_538 = vector.broadcast %add3A_537 : i32 to vector<16xi32>
    %iota3A_539 = tpu.iota {dimensions = array<i32: 0>} : vector<16xi32>
    %add3A_540 = arith.addi %broadcast_in_dim3A_538, %iota3A_539 : vector<16xi32>
    %rem3A_541 = arith.constant 200 : i32
    %rem3A_542 = vector.broadcast %rem3A_541 : i32 to vector<16xi32>
    %rem3A_543 = arith.remsi %add3A_540, %rem3A_542 : vector<16xi32>
    %get3A_544 = arith.constant 112 : index
    %get3A_545 = tpu.vector_load %arg16[%get3A_544] {strides = array<i32>} : memref<128xi32, #tpu.memory_space<vmem>>, vector<16xi32>,
    %get3A_546 = vector.shape_cast %get3A_545 : vector<16xi32> to vector<16xi32>
    %mul3A_547 = arith.constant 200 : i32
    %mul3A_548 = vector.broadcast %mul3A_547 : i32 to vector<16xi32>
    %mul3A_549 = arith.muli %get3A_546, %mul3A_548 : vector<16xi32>
    %add3A_550 = arith.addi %mul3A_549, %rem3A_543 : vector<16xi32>
    %swap3A_551 = arith.constant 112 : index
    %swap3A_552 = tpu.vector_load %arg19[%swap3A_551] {strides = array<i32>} : memref<128xi32, #tpu.memory_space<vmem>>, vector<16xi32>,
    %swap3A_553 = vector.shape_cast %swap3A_552 : vector<16xi32> to vector<16xi32>
    %swap3A_554 = vector.shape_cast %add3A_550 : vector<16xi32> to vector<16xi32>
    tpu.vector_store %arg19[%swap3A_551], %swap3A_554 {strides = array<i32>} : memref<128xi32, #tpu.memory_space<vmem>>, vector<16xi32>,
    %dma_start3A_555 = arith.constant 0 : i32
    %dma_start3A_556 = arith.constant 0 : i32
    %dma_start3A_557 = tpu.memref_slice %arg8[%dma_start3A_555, %dma_start3A_556] : memref<400x128xf32, #tpu.memory_space<vmem_shared>> -> memref<400x128xf32, #tpu.memory_space<vmem_shared>>
    tpu.enqueue_indirect_dma source(%dma_start3A_557 : memref<400x128xf32, #tpu.memory_space<vmem_shared>>) target(%arg25 : memref<128x128xf32, #tpu.memory_space<vmem>>) offsets(%arg19 : memref<128xi32, #tpu.memory_space<vmem>>) semaphore(%arg31 : memref<!tpu.dma_semaphore, #tpu.memory_space<semaphore_mem>>)
    %dma_wait3A_558 = arith.constant 0 : i32
    %dma_wait3A_559 = arith.constant 0 : i32
    %dma_wait3A_560 = tpu.memref_slice %arg4[%dma_wait3A_558, %dma_wait3A_559] : memref<100000x128xf32, #tpu.memory_space<hbm>> -> memref<100000x128xf32, #tpu.memory_space<hbm>>
    tpu.wait_indirect_dma semaphore(%arg27 : memref<!tpu.dma_semaphore, #tpu.memory_space<semaphore_mem>>) src(%dma_wait3A_560 : memref<100000x128xf32, #tpu.memory_space<hbm>>) dst(%arg21 : memref<128x128xf32, #tpu.memory_space<vmem>>)
    %dma_wait3A_561 = arith.constant 0 : i32
    %dma_wait3A_562 = arith.constant 0 : i32
    %dma_wait3A_563 = tpu.memref_slice %arg8[%dma_wait3A_561, %dma_wait3A_562] : memref<400x128xf32, #tpu.memory_space<vmem_shared>> -> memref<400x128xf32, #tpu.memory_space<vmem_shared>>
    tpu.wait_indirect_dma semaphore(%arg30 : memref<!tpu.dma_semaphore, #tpu.memory_space<semaphore_mem>>) src(%dma_wait3A_563 : memref<400x128xf32, #tpu.memory_space<vmem_shared>>) dst(%arg24 : memref<128x128xf32, #tpu.memory_space<vmem>>)
    %add3A_564 = arith.constant 128 : i32
    %add3A_565 = arith.addi %mul3A_2, %add3A_564 : i32
    %rem3A_566 = arith.constant 819200 : i32
    %rem3A_567 = arith.remsi %add3A_565, %rem3A_566 : i32
    %scan3A_568 = arith.constant 0 : i32
    %scan3A_569 = arith.constant 128 : i32
    %scan3A_570 = arith.addi %scan3A_568, %scan3A_569 : i32
    %scan3A_571 = arith.constant 1 : i32
    scf.for %scan3A_1043 = %scan3A_568 to %scan3A_570 step %scan3A_571  : i32 {
      %mul3A_1044 = arith.constant 1 : i32
      %mul3A_1045 = arith.muli %scan3A_1043, %mul3A_1044 : i32
      %add3A_1046 = arith.constant 0 : i32
      %add3A_1047 = arith.addi %add3A_1046, %mul3A_1045 : i32
      %get3A_1048 = arith.index_cast %add3A_1047 : i32 to index
      %get3A_1049 = arith.constant 0 : index
      %get3A_1050 = tpu.vector_load %arg21[%get3A_1048, %get3A_1049] {strides = array<i32>} : memref<128x128xf32, #tpu.memory_space<vmem>>, vector<1x16xf32>,
      %get3A_1051 = vector.shape_cast %get3A_1050 : vector<1x16xf32> to vector<16xf32>
      %get3A_1052 = arith.index_cast %add3A_1047 : i32 to index
      %get3A_1053 = arith.constant 0 : index
      %get3A_1054 = tpu.vector_load %arg24[%get3A_1052, %get3A_1053] {strides = array<i32>} : memref<128x128xf32, #tpu.memory_space<vmem>>, vector<1x16xf32>,
      %get3A_1055 = vector.shape_cast %get3A_1054 : vector<1x16xf32> to vector<16xf32>
      %add3A_1056 = arith.addf %get3A_1051, %get3A_1055 : vector<16xf32>
      %swap3A_1057 = arith.index_cast %add3A_1047 : i32 to index
      %swap3A_1058 = arith.constant 0 : index
      %swap3A_1059 = tpu.vector_load %arg21[%swap3A_1057, %swap3A_1058] {strides = array<i32>} : memref<128x128xf32, #tpu.memory_space<vmem>>, vector<1x16xf32>,
      %swap3A_1060 = vector.shape_cast %swap3A_1059 : vector<1x16xf32> to vector<16xf32>
      %swap3A_1061 = vector.shape_cast %add3A_1056 : vector<16xf32> to vector<1x16xf32>
      tpu.vector_store %arg21[%swap3A_1057, %swap3A_1058], %swap3A_1061 {strides = array<i32>} : memref<128x128xf32, #tpu.memory_space<vmem>>, vector<1x16xf32>,
      %get3A_1062 = arith.index_cast %add3A_1047 : i32 to index
      %get3A_1063 = arith.constant 16 : index
      %get3A_1064 = tpu.vector_load %arg21[%get3A_1062, %get3A_1063] {strides = array<i32>} : memref<128x128xf32, #tpu.memory_space<vmem>>, vector<1x16xf32>,
      %get3A_1065 = vector.shape_cast %get3A_1064 : vector<1x16xf32> to vector<16xf32>
      %get3A_1066 = arith.index_cast %add3A_1047 : i32 to index
      %get3A_1067 = arith.constant 16 : index
      %get3A_1068 = tpu.vector_load %arg24[%get3A_1066, %get3A_1067] {strides = array<i32>} : memref<128x128xf32, #tpu.memory_space<vmem>>, vector<1x16xf32>,
      %get3A_1069 = vector.shape_cast %get3A_1068 : vector<1x16xf32> to vector<16xf32>
      %add3A_1070 = arith.addf %get3A_1065, %get3A_1069 : vector<16xf32>
      %swap3A_1071 = arith.index_cast %add3A_1047 : i32 to index
      %swap3A_1072 = arith.constant 16 : index
      %swap3A_1073 = tpu.vector_load %arg21[%swap3A_1071, %swap3A_1072] {strides = array<i32>} : memref<128x128xf32, #tpu.memory_space<vmem>>, vector<1x16xf32>,
      %swap3A_1074 = vector.shape_cast %swap3A_1073 : vector<1x16xf32> to vector<16xf32>
      %swap3A_1075 = vector.shape_cast %add3A_1070 : vector<16xf32> to vector<1x16xf32>
      tpu.vector_store %arg21[%swap3A_1071, %swap3A_1072], %swap3A_1075 {strides = array<i32>} : memref<128x128xf32, #tpu.memory_space<vmem>>, vector<1x16xf32>,
      %get3A_1076 = arith.index_cast %add3A_1047 : i32 to index
      %get3A_1077 = arith.constant 32 : index
      %get3A_1078 = tpu.vector_load %arg21[%get3A_1076, %get3A_1077] {strides = array<i32>} : memref<128x128xf32, #tpu.memory_space<vmem>>, vector<1x16xf32>,
      %get3A_1079 = vector.shape_cast %get3A_1078 : vector<1x16xf32> to vector<16xf32>
      %get3A_1080 = arith.index_cast %add3A_1047 : i32 to index
      %get3A_1081 = arith.constant 32 : index
      %get3A_1082 = tpu.vector_load %arg24[%get3A_1080, %get3A_1081] {strides = array<i32>} : memref<128x128xf32, #tpu.memory_space<vmem>>, vector<1x16xf32>,
      %get3A_1083 = vector.shape_cast %get3A_1082 : vector<1x16xf32> to vector<16xf32>
      %add3A_1084 = arith.addf %get3A_1079, %get3A_1083 : vector<16xf32>
      %swap3A_1085 = arith.index_cast %add3A_1047 : i32 to index
      %swap3A_1086 = arith.constant 32 : index
      %swap3A_1087 = tpu.vector_load %arg21[%swap3A_1085, %swap3A_1086] {strides = array<i32>} : memref<128x128xf32, #tpu.memory_space<vmem>>, vector<1x16xf32>,
      %swap3A_1088 = vector.shape_cast %swap3A_1087 : vector<1x16xf32> to vector<16xf32>
      %swap3A_1089 = vector.shape_cast %add3A_1084 : vector<16xf32> to vector<1x16xf32>
      tpu.vector_store %arg21[%swap3A_1085, %swap3A_1086], %swap3A_1089 {strides = array<i32>} : memref<128x128xf32, #tpu.memory_space<vmem>>, vector<1x16xf32>,
      %get3A_1090 = arith.index_cast %add3A_1047 : i32 to index
      %get3A_1091 = arith.constant 48 : index
      %get3A_1092 = tpu.vector_load %arg21[%get3A_1090, %get3A_1091] {strides = array<i32>} : memref<128x128xf32, #tpu.memory_space<vmem>>, vector<1x16xf32>,
      %get3A_1093 = vector.shape_cast %get3A_1092 : vector<1x16xf32> to vector<16xf32>
      %get3A_1094 = arith.index_cast %add3A_1047 : i32 to index
      %get3A_1095 = arith.constant 48 : index
      %get3A_1096 = tpu.vector_load %arg24[%get3A_1094, %get3A_1095] {strides = array<i32>} : memref<128x128xf32, #tpu.memory_space<vmem>>, vector<1x16xf32>,
      %get3A_1097 = vector.shape_cast %get3A_1096 : vector<1x16xf32> to vector<16xf32>
      %add3A_1098 = arith.addf %get3A_1093, %get3A_1097 : vector<16xf32>
      %swap3A_1099 = arith.index_cast %add3A_1047 : i32 to index
      %swap3A_1100 = arith.constant 48 : index
      %swap3A_1101 = tpu.vector_load %arg21[%swap3A_1099, %swap3A_1100] {strides = array<i32>} : memref<128x128xf32, #tpu.memory_space<vmem>>, vector<1x16xf32>,
      %swap3A_1102 = vector.shape_cast %swap3A_1101 : vector<1x16xf32> to vector<16xf32>
      %swap3A_1103 = vector.shape_cast %add3A_1098 : vector<16xf32> to vector<1x16xf32>
      tpu.vector_store %arg21[%swap3A_1099, %swap3A_1100], %swap3A_1103 {strides = array<i32>} : memref<128x128xf32, #tpu.memory_space<vmem>>, vector<1x16xf32>,
      %get3A_1104 = arith.index_cast %add3A_1047 : i32 to index
      %get3A_1105 = arith.constant 64 : index
      %get3A_1106 = tpu.vector_load %arg21[%get3A_1104, %get3A_1105] {strides = array<i32>} : memref<128x128xf32, #tpu.memory_space<vmem>>, vector<1x16xf32>,
      %get3A_1107 = vector.shape_cast %get3A_1106 : vector<1x16xf32> to vector<16xf32>
      %get3A_1108 = arith.index_cast %add3A_1047 : i32 to index
      %get3A_1109 = arith.constant 64 : index
      %get3A_1110 = tpu.vector_load %arg24[%get3A_1108, %get3A_1109] {strides = array<i32>} : memref<128x128xf32, #tpu.memory_space<vmem>>, vector<1x16xf32>,
      %get3A_1111 = vector.shape_cast %get3A_1110 : vector<1x16xf32> to vector<16xf32>
      %add3A_1112 = arith.addf %get3A_1107, %get3A_1111 : vector<16xf32>
      %swap3A_1113 = arith.index_cast %add3A_1047 : i32 to index
      %swap3A_1114 = arith.constant 64 : index
      %swap3A_1115 = tpu.vector_load %arg21[%swap3A_1113, %swap3A_1114] {strides = array<i32>} : memref<128x128xf32, #tpu.memory_space<vmem>>, vector<1x16xf32>,
      %swap3A_1116 = vector.shape_cast %swap3A_1115 : vector<1x16xf32> to vector<16xf32>
      %swap3A_1117 = vector.shape_cast %add3A_1112 : vector<16xf32> to vector<1x16xf32>
      tpu.vector_store %arg21[%swap3A_1113, %swap3A_1114], %swap3A_1117 {strides = array<i32>} : memref<128x128xf32, #tpu.memory_space<vmem>>, vector<1x16xf32>,
      %get3A_1118 = arith.index_cast %add3A_1047 : i32 to index
      %get3A_1119 = arith.constant 80 : index
      %get3A_1120 = tpu.vector_load %arg21[%get3A_1118, %get3A_1119] {strides = array<i32>} : memref<128x128xf32, #tpu.memory_space<vmem>>, vector<1x16xf32>,
      %get3A_1121 = vector.shape_cast %get3A_1120 : vector<1x16xf32> to vector<16xf32>
      %get3A_1122 = arith.index_cast %add3A_1047 : i32 to index
      %get3A_1123 = arith.constant 80 : index
      %get3A_1124 = tpu.vector_load %arg24[%get3A_1122, %get3A_1123] {strides = array<i32>} : memref<128x128xf32, #tpu.memory_space<vmem>>, vector<1x16xf32>,
      %get3A_1125 = vector.shape_cast %get3A_1124 : vector<1x16xf32> to vector<16xf32>
      %add3A_1126 = arith.addf %get3A_1121, %get3A_1125 : vector<16xf32>
      %swap3A_1127 = arith.index_cast %add3A_1047 : i32 to index
      %swap3A_1128 = arith.constant 80 : index
      %swap3A_1129 = tpu.vector_load %arg21[%swap3A_1127, %swap3A_1128] {strides = array<i32>} : memref<128x128xf32, #tpu.memory_space<vmem>>, vector<1x16xf32>,
      %swap3A_1130 = vector.shape_cast %swap3A_1129 : vector<1x16xf32> to vector<16xf32>
      %swap3A_1131 = vector.shape_cast %add3A_1126 : vector<16xf32> to vector<1x16xf32>
      tpu.vector_store %arg21[%swap3A_1127, %swap3A_1128], %swap3A_1131 {strides = array<i32>} : memref<128x128xf32, #tpu.memory_space<vmem>>, vector<1x16xf32>,
      %get3A_1132 = arith.index_cast %add3A_1047 : i32 to index
      %get3A_1133 = arith.constant 96 : index
      %get3A_1134 = tpu.vector_load %arg21[%get3A_1132, %get3A_1133] {strides = array<i32>} : memref<128x128xf32, #tpu.memory_space<vmem>>, vector<1x16xf32>,
      %get3A_1135 = vector.shape_cast %get3A_1134 : vector<1x16xf32> to vector<16xf32>
      %get3A_1136 = arith.index_cast %add3A_1047 : i32 to index
      %get3A_1137 = arith.constant 96 : index
      %get3A_1138 = tpu.vector_load %arg24[%get3A_1136, %get3A_1137] {strides = array<i32>} : memref<128x128xf32, #tpu.memory_space<vmem>>, vector<1x16xf32>,
      %get3A_1139 = vector.shape_cast %get3A_1138 : vector<1x16xf32> to vector<16xf32>
      %add3A_1140 = arith.addf %get3A_1135, %get3A_1139 : vector<16xf32>
      %swap3A_1141 = arith.index_cast %add3A_1047 : i32 to index
      %swap3A_1142 = arith.constant 96 : index
      %swap3A_1143 = tpu.vector_load %arg21[%swap3A_1141, %swap3A_1142] {strides = array<i32>} : memref<128x128xf32, #tpu.memory_space<vmem>>, vector<1x16xf32>,
      %swap3A_1144 = vector.shape_cast %swap3A_1143 : vector<1x16xf32> to vector<16xf32>
      %swap3A_1145 = vector.shape_cast %add3A_1140 : vector<16xf32> to vector<1x16xf32>
      tpu.vector_store %arg21[%swap3A_1141, %swap3A_1142], %swap3A_1145 {strides = array<i32>} : memref<128x128xf32, #tpu.memory_space<vmem>>, vector<1x16xf32>,
      %get3A_1146 = arith.index_cast %add3A_1047 : i32 to index
      %get3A_1147 = arith.constant 112 : index
      %get3A_1148 = tpu.vector_load %arg21[%get3A_1146, %get3A_1147] {strides = array<i32>} : memref<128x128xf32, #tpu.memory_space<vmem>>, vector<1x16xf32>,
      %get3A_1149 = vector.shape_cast %get3A_1148 : vector<1x16xf32> to vector<16xf32>
      %get3A_1150 = arith.index_cast %add3A_1047 : i32 to index
      %get3A_1151 = arith.constant 112 : index
      %get3A_1152 = tpu.vector_load %arg24[%get3A_1150, %get3A_1151] {strides = array<i32>} : memref<128x128xf32, #tpu.memory_space<vmem>>, vector<1x16xf32>,
      %get3A_1153 = vector.shape_cast %get3A_1152 : vector<1x16xf32> to vector<16xf32>
      %add3A_1154 = arith.addf %get3A_1149, %get3A_1153 : vector<16xf32>
      %swap3A_1155 = arith.index_cast %add3A_1047 : i32 to index
      %swap3A_1156 = arith.constant 112 : index
      %swap3A_1157 = tpu.vector_load %arg21[%swap3A_1155, %swap3A_1156] {strides = array<i32>} : memref<128x128xf32, #tpu.memory_space<vmem>>, vector<1x16xf32>,
      %swap3A_1158 = vector.shape_cast %swap3A_1157 : vector<1x16xf32> to vector<16xf32>
      %swap3A_1159 = vector.shape_cast %add3A_1154 : vector<16xf32> to vector<1x16xf32>
      tpu.vector_store %arg21[%swap3A_1155, %swap3A_1156], %swap3A_1159 {strides = array<i32>} : memref<128x128xf32, #tpu.memory_space<vmem>>, vector<1x16xf32>,
    }
    %scan3A_572 = arith.constant 128 : i32
    %dma_start3A_573 = arith.constant 0 : i32
    %dma_start3A_574 = tpu.memref_slice %arg7[%rem3A_567, %dma_start3A_573] : memref<819200x128xf32, #tpu.memory_space<hbm>> -> memref<128x128xf32, #tpu.memory_space<hbm>>
    %dma_start3A_575 = arith.constant 0 : i32
    %dma_start3A_576 = tpu.memref_slice %arg7[%rem3A_567, %dma_start3A_575] : memref<819200x128xf32, #tpu.memory_space<hbm>> -> memref<128x128xf32, #tpu.memory_space<hbm>>
    tpu.enqueue_dma source(%arg21 : memref<128x128xf32, #tpu.memory_space<vmem>>) target(%dma_start3A_576 : memref<128x128xf32, #tpu.memory_space<hbm>>) target_semaphore(%arg39 : memref<!tpu.dma_semaphore, #tpu.memory_space<semaphore_mem>>)
    %scan3A_577 = arith.constant 0 : i32
    %scan3A_578 = arith.constant 65 : i32
    %scan3A_579 = arith.addi %scan3A_577, %scan3A_578 : i32
    %scan3A_580 = arith.constant 1 : i32
    scf.for %scan3A_1043 = %scan3A_577 to %scan3A_579 step %scan3A_580  : i32 {
      %mul3A_1044 = arith.constant 1 : i32
      %mul3A_1045 = arith.muli %scan3A_1043, %mul3A_1044 : i32
      %add3A_1046 = arith.constant 1 : i32
      %add3A_1047 = arith.addi %add3A_1046, %mul3A_1045 : i32
      %mul3A_1048 = arith.constant 3 : i32
      %mul3A_1049 = arith.muli %mul3A_1048, %add3A_1047 : i32
      %add3A_1050 = arith.constant 0 : i32
      %add3A_1051 = arith.addi %mul3A_1049, %add3A_1050 : i32
      %add3A_1052 = arith.constant 1 : i32
      %add3A_1053 = arith.addi %add3A_1051, %add3A_1052 : i32
      %mul3A_1054 = arith.constant 128 : i32
      %mul3A_1055 = arith.muli %add3A_1053, %mul3A_1054 : i32
      %add3A_1056 = arith.addi %mul3A_2, %mul3A_1055 : i32
      %rem3A_1057 = arith.constant 819200 : i32
      %rem3A_1058 = arith.remsi %add3A_1056, %rem3A_1057 : i32
      %dma_start3A_1059 = tpu.memref_slice %arg2[%rem3A_1058] : memref<819200xi32, #tpu.memory_space<hbm>> -> memref<128xi32, #tpu.memory_space<hbm>>
      %dma_start3A_1060 = tpu.memref_slice %arg2[%rem3A_1058] : memref<819200xi32, #tpu.memory_space<hbm>> -> memref<128xi32, #tpu.memory_space<hbm>>
      tpu.enqueue_dma source(%dma_start3A_1060 : memref<128xi32, #tpu.memory_space<hbm>>) target(%arg12 : memref<128xi32, #tpu.memory_space<vmem>>) target_semaphore(%arg33 : memref<!tpu.dma_semaphore, #tpu.memory_space<semaphore_mem>>)
      %dma_start3A_1061 = tpu.memref_slice %arg3[%rem3A_1058] : memref<819200xi32, #tpu.memory_space<hbm>> -> memref<128xi32, #tpu.memory_space<hbm>>
      %dma_start3A_1062 = tpu.memref_slice %arg3[%rem3A_1058] : memref<819200xi32, #tpu.memory_space<hbm>> -> memref<128xi32, #tpu.memory_space<hbm>>
      tpu.enqueue_dma source(%dma_start3A_1062 : memref<128xi32, #tpu.memory_space<hbm>>) target(%arg15 : memref<128xi32, #tpu.memory_space<vmem>>) target_semaphore(%arg36 : memref<!tpu.dma_semaphore, #tpu.memory_space<semaphore_mem>>)
      %sub3A = arith.constant 3 : i32
      %sub3A_1063 = arith.subi %add3A_1051, %sub3A : i32
      %mul3A_1064 = arith.constant 128 : i32
      %mul3A_1065 = arith.muli %sub3A_1063, %mul3A_1064 : i32
      %add3A_1066 = arith.addi %mul3A_2, %mul3A_1065 : i32
      %rem3A_1067 = arith.constant 819200 : i32
      %rem3A_1068 = arith.remsi %add3A_1066, %rem3A_1067 : i32
      %dma_wait3A_1069 = arith.constant 0 : i32
      %dma_wait3A_1070 = tpu.memref_slice %arg7[%rem3A_1068, %dma_wait3A_1069] : memref<819200x128xf32, #tpu.memory_space<hbm>> -> memref<128x128xf32, #tpu.memory_space<hbm>>
      %dma_wait3A_1071 = arith.constant 0 : i32
      %dma_wait3A_1072 = tpu.memref_slice %arg7[%rem3A_1068, %dma_wait3A_1071] : memref<819200x128xf32, #tpu.memory_space<hbm>> -> memref<128x128xf32, #tpu.memory_space<hbm>>
      tpu.wait_dma2 semaphore(%arg38 : memref<!tpu.dma_semaphore, #tpu.memory_space<semaphore_mem>>) src(%arg20 : memref<128x128xf32, #tpu.memory_space<vmem>>) dst(%dma_wait3A_1072 : memref<128x128xf32, #tpu.memory_space<hbm>>)
      %mul3A_1073 = arith.constant 128 : i32
      %mul3A_1074 = arith.muli %add3A_1051, %mul3A_1073 : i32
      %add3A_1075 = arith.addi %mul3A_2, %mul3A_1074 : i32
      %rem3A_1076 = arith.constant 819200 : i32
      %rem3A_1077 = arith.remsi %add3A_1075, %rem3A_1076 : i32
      %dma_wait3A_1078 = tpu.memref_slice %arg2[%rem3A_1077] : memref<819200xi32, #tpu.memory_space<hbm>> -> memref<128xi32, #tpu.memory_space<hbm>>
      %dma_wait3A_1079 = tpu.memref_slice %arg2[%rem3A_1077] : memref<819200xi32, #tpu.memory_space<hbm>> -> memref<128xi32, #tpu.memory_space<hbm>>
      tpu.wait_dma2 semaphore(%arg32 : memref<!tpu.dma_semaphore, #tpu.memory_space<semaphore_mem>>) src(%dma_wait3A_1079 : memref<128xi32, #tpu.memory_space<hbm>>) dst(%arg11 : memref<128xi32, #tpu.memory_space<vmem>>)
      %dma_wait3A_1080 = tpu.memref_slice %arg3[%rem3A_1077] : memref<819200xi32, #tpu.memory_space<hbm>> -> memref<128xi32, #tpu.memory_space<hbm>>
      %dma_wait3A_1081 = tpu.memref_slice %arg3[%rem3A_1077] : memref<819200xi32, #tpu.memory_space<hbm>> -> memref<128xi32, #tpu.memory_space<hbm>>
      tpu.wait_dma2 semaphore(%arg35 : memref<!tpu.dma_semaphore, #tpu.memory_space<semaphore_mem>>) src(%dma_wait3A_1081 : memref<128xi32, #tpu.memory_space<hbm>>) dst(%arg14 : memref<128xi32, #tpu.memory_space<vmem>>)
      %mul3A_1082 = arith.constant 128 : i32
      %mul3A_1083 = arith.muli %add3A_1051, %mul3A_1082 : i32
      %add3A_1084 = arith.addi %mul3A_2, %mul3A_1083 : i32
      %rem3A_1085 = arith.constant 819200 : i32
      %rem3A_1086 = arith.remsi %add3A_1084, %rem3A_1085 : i32
      %dma_start3A_1087 = arith.constant 0 : i32
      %dma_start3A_1088 = arith.constant 0 : i32
      %dma_start3A_1089 = tpu.memref_slice %arg4[%dma_start3A_1087, %dma_start3A_1088] : memref<100000x128xf32, #tpu.memory_space<hbm>> -> memref<100000x128xf32, #tpu.memory_space<hbm>>
      tpu.enqueue_indirect_dma source(%dma_start3A_1089 : memref<100000x128xf32, #tpu.memory_space<hbm>>) target(%arg20 : memref<128x128xf32, #tpu.memory_space<vmem>>) offsets(%arg11 : memref<128xi32, #tpu.memory_space<vmem>>) semaphore(%arg26 : memref<!tpu.dma_semaphore, #tpu.memory_space<semaphore_mem>>)
      %add3A_1090 = arith.constant 0 : i32
      %add3A_1091 = arith.addi %rem3A_1086, %add3A_1090 : i32
      %broadcast_in_dim3A_1092 = vector.broadcast %add3A_1091 : i32 to vector<16xi32>
      %iota3A_1093 = tpu.iota {dimensions = array<i32: 0>} : vector<16xi32>
      %add3A_1094 = arith.addi %broadcast_in_dim3A_1092, %iota3A_1093 : vector<16xi32>
      %rem3A_1095 = arith.constant 200 : i32
      %rem3A_1096 = vector.broadcast %rem3A_1095 : i32 to vector<16xi32>
      %rem3A_1097 = arith.remsi %add3A_1094, %rem3A_1096 : vector<16xi32>
      %get3A_1098 = arith.constant 0 : index
      %get3A_1099 = tpu.vector_load %arg14[%get3A_1098] {strides = array<i32>} : memref<128xi32, #tpu.memory_space<vmem>>, vector<16xi32>,
      %get3A_1100 = vector.shape_cast %get3A_1099 : vector<16xi32> to vector<16xi32>
      %mul3A_1101 = arith.constant 200 : i32
      %mul3A_1102 = vector.broadcast %mul3A_1101 : i32 to vector<16xi32>
      %mul3A_1103 = arith.muli %get3A_1100, %mul3A_1102 : vector<16xi32>
      %add3A_1104 = arith.addi %mul3A_1103, %rem3A_1097 : vector<16xi32>
      %swap3A_1105 = arith.constant 0 : index
      %swap3A_1106 = tpu.vector_load %arg17[%swap3A_1105] {strides = array<i32>} : memref<128xi32, #tpu.memory_space<vmem>>, vector<16xi32>,
      %swap3A_1107 = vector.shape_cast %swap3A_1106 : vector<16xi32> to vector<16xi32>
      %swap3A_1108 = vector.shape_cast %add3A_1104 : vector<16xi32> to vector<16xi32>
      tpu.vector_store %arg17[%swap3A_1105], %swap3A_1108 {strides = array<i32>} : memref<128xi32, #tpu.memory_space<vmem>>, vector<16xi32>,
      %add3A_1109 = arith.constant 16 : i32
      %add3A_1110 = arith.addi %rem3A_1086, %add3A_1109 : i32
      %broadcast_in_dim3A_1111 = vector.broadcast %add3A_1110 : i32 to vector<16xi32>
      %iota3A_1112 = tpu.iota {dimensions = array<i32: 0>} : vector<16xi32>
      %add3A_1113 = arith.addi %broadcast_in_dim3A_1111, %iota3A_1112 : vector<16xi32>
      %rem3A_1114 = arith.constant 200 : i32
      %rem3A_1115 = vector.broadcast %rem3A_1114 : i32 to vector<16xi32>
      %rem3A_1116 = arith.remsi %add3A_1113, %rem3A_1115 : vector<16xi32>
      %get3A_1117 = arith.constant 16 : index
      %get3A_1118 = tpu.vector_load %arg14[%get3A_1117] {strides = array<i32>} : memref<128xi32, #tpu.memory_space<vmem>>, vector<16xi32>,
      %get3A_1119 = vector.shape_cast %get3A_1118 : vector<16xi32> to vector<16xi32>
      %mul3A_1120 = arith.constant 200 : i32
      %mul3A_1121 = vector.broadcast %mul3A_1120 : i32 to vector<16xi32>
      %mul3A_1122 = arith.muli %get3A_1119, %mul3A_1121 : vector<16xi32>
      %add3A_1123 = arith.addi %mul3A_1122, %rem3A_1116 : vector<16xi32>
      %swap3A_1124 = arith.constant 16 : index
      %swap3A_1125 = tpu.vector_load %arg17[%swap3A_1124] {strides = array<i32>} : memref<128xi32, #tpu.memory_space<vmem>>, vector<16xi32>,
      %swap3A_1126 = vector.shape_cast %swap3A_1125 : vector<16xi32> to vector<16xi32>
      %swap3A_1127 = vector.shape_cast %add3A_1123 : vector<16xi32> to vector<16xi32>
      tpu.vector_store %arg17[%swap3A_1124], %swap3A_1127 {strides = array<i32>} : memref<128xi32, #tpu.memory_space<vmem>>, vector<16xi32>,
      %add3A_1128 = arith.constant 32 : i32
      %add3A_1129 = arith.addi %rem3A_1086, %add3A_1128 : i32
      %broadcast_in_dim3A_1130 = vector.broadcast %add3A_1129 : i32 to vector<16xi32>
      %iota3A_1131 = tpu.iota {dimensions = array<i32: 0>} : vector<16xi32>
      %add3A_1132 = arith.addi %broadcast_in_dim3A_1130, %iota3A_1131 : vector<16xi32>
      %rem3A_1133 = arith.constant 200 : i32
      %rem3A_1134 = vector.broadcast %rem3A_1133 : i32 to vector<16xi32>
      %rem3A_1135 = arith.remsi %add3A_1132, %rem3A_1134 : vector<16xi32>
      %get3A_1136 = arith.constant 32 : index
      %get3A_1137 = tpu.vector_load %arg14[%get3A_1136] {strides = array<i32>} : memref<128xi32, #tpu.memory_space<vmem>>, vector<16xi32>,
      %get3A_1138 = vector.shape_cast %get3A_1137 : vector<16xi32> to vector<16xi32>
      %mul3A_1139 = arith.constant 200 : i32
      %mul3A_1140 = vector.broadcast %mul3A_1139 : i32 to vector<16xi32>
      %mul3A_1141 = arith.muli %get3A_1138, %mul3A_1140 : vector<16xi32>
      %add3A_1142 = arith.addi %mul3A_1141, %rem3A_1135 : vector<16xi32>
      %swap3A_1143 = arith.constant 32 : index
      %swap3A_1144 = tpu.vector_load %arg17[%swap3A_1143] {strides = array<i32>} : memref<128xi32, #tpu.memory_space<vmem>>, vector<16xi32>,
      %swap3A_1145 = vector.shape_cast %swap3A_1144 : vector<16xi32> to vector<16xi32>
      %swap3A_1146 = vector.shape_cast %add3A_1142 : vector<16xi32> to vector<16xi32>
      tpu.vector_store %arg17[%swap3A_1143], %swap3A_1146 {strides = array<i32>} : memref<128xi32, #tpu.memory_space<vmem>>, vector<16xi32>,
      %add3A_1147 = arith.constant 48 : i32
      %add3A_1148 = arith.addi %rem3A_1086, %add3A_1147 : i32
      %broadcast_in_dim3A_1149 = vector.broadcast %add3A_1148 : i32 to vector<16xi32>
      %iota3A_1150 = tpu.iota {dimensions = array<i32: 0>} : vector<16xi32>
      %add3A_1151 = arith.addi %broadcast_in_dim3A_1149, %iota3A_1150 : vector<16xi32>
      %rem3A_1152 = arith.constant 200 : i32
      %rem3A_1153 = vector.broadcast %rem3A_1152 : i32 to vector<16xi32>
      %rem3A_1154 = arith.remsi %add3A_1151, %rem3A_1153 : vector<16xi32>
      %get3A_1155 = arith.constant 48 : index
      %get3A_1156 = tpu.vector_load %arg14[%get3A_1155] {strides = array<i32>} : memref<128xi32, #tpu.memory_space<vmem>>, vector<16xi32>,
      %get3A_1157 = vector.shape_cast %get3A_1156 : vector<16xi32> to vector<16xi32>
      %mul3A_1158 = arith.constant 200 : i32
      %mul3A_1159 = vector.broadcast %mul3A_1158 : i32 to vector<16xi32>
      %mul3A_1160 = arith.muli %get3A_1157, %mul3A_1159 : vector<16xi32>
      %add3A_1161 = arith.addi %mul3A_1160, %rem3A_1154 : vector<16xi32>
      %swap3A_1162 = arith.constant 48 : index
      %swap3A_1163 = tpu.vector_load %arg17[%swap3A_1162] {strides = array<i32>} : memref<128xi32, #tpu.memory_space<vmem>>, vector<16xi32>,
      %swap3A_1164 = vector.shape_cast %swap3A_1163 : vector<16xi32> to vector<16xi32>
      %swap3A_1165 = vector.shape_cast %add3A_1161 : vector<16xi32> to vector<16xi32>
      tpu.vector_store %arg17[%swap3A_1162], %swap3A_1165 {strides = array<i32>} : memref<128xi32, #tpu.memory_space<vmem>>, vector<16xi32>,
      %add3A_1166 = arith.constant 64 : i32
      %add3A_1167 = arith.addi %rem3A_1086, %add3A_1166 : i32
      %broadcast_in_dim3A_1168 = vector.broadcast %add3A_1167 : i32 to vector<16xi32>
      %iota3A_1169 = tpu.iota {dimensions = array<i32: 0>} : vector<16xi32>
      %add3A_1170 = arith.addi %broadcast_in_dim3A_1168, %iota3A_1169 : vector<16xi32>
      %rem3A_1171 = arith.constant 200 : i32
      %rem3A_1172 = vector.broadcast %rem3A_1171 : i32 to vector<16xi32>
      %rem3A_1173 = arith.remsi %add3A_1170, %rem3A_1172 : vector<16xi32>
      %get3A_1174 = arith.constant 64 : index
      %get3A_1175 = tpu.vector_load %arg14[%get3A_1174] {strides = array<i32>} : memref<128xi32, #tpu.memory_space<vmem>>, vector<16xi32>,
      %get3A_1176 = vector.shape_cast %get3A_1175 : vector<16xi32> to vector<16xi32>
      %mul3A_1177 = arith.constant 200 : i32
      %mul3A_1178 = vector.broadcast %mul3A_1177 : i32 to vector<16xi32>
      %mul3A_1179 = arith.muli %get3A_1176, %mul3A_1178 : vector<16xi32>
      %add3A_1180 = arith.addi %mul3A_1179, %rem3A_1173 : vector<16xi32>
      %swap3A_1181 = arith.constant 64 : index
      %swap3A_1182 = tpu.vector_load %arg17[%swap3A_1181] {strides = array<i32>} : memref<128xi32, #tpu.memory_space<vmem>>, vector<16xi32>,
      %swap3A_1183 = vector.shape_cast %swap3A_1182 : vector<16xi32> to vector<16xi32>
      %swap3A_1184 = vector.shape_cast %add3A_1180 : vector<16xi32> to vector<16xi32>
      tpu.vector_store %arg17[%swap3A_1181], %swap3A_1184 {strides = array<i32>} : memref<128xi32, #tpu.memory_space<vmem>>, vector<16xi32>,
      %add3A_1185 = arith.constant 80 : i32
      %add3A_1186 = arith.addi %rem3A_1086, %add3A_1185 : i32
      %broadcast_in_dim3A_1187 = vector.broadcast %add3A_1186 : i32 to vector<16xi32>
      %iota3A_1188 = tpu.iota {dimensions = array<i32: 0>} : vector<16xi32>
      %add3A_1189 = arith.addi %broadcast_in_dim3A_1187, %iota3A_1188 : vector<16xi32>
      %rem3A_1190 = arith.constant 200 : i32
      %rem3A_1191 = vector.broadcast %rem3A_1190 : i32 to vector<16xi32>
      %rem3A_1192 = arith.remsi %add3A_1189, %rem3A_1191 : vector<16xi32>
      %get3A_1193 = arith.constant 80 : index
      %get3A_1194 = tpu.vector_load %arg14[%get3A_1193] {strides = array<i32>} : memref<128xi32, #tpu.memory_space<vmem>>, vector<16xi32>,
      %get3A_1195 = vector.shape_cast %get3A_1194 : vector<16xi32> to vector<16xi32>
      %mul3A_1196 = arith.constant 200 : i32
      %mul3A_1197 = vector.broadcast %mul3A_1196 : i32 to vector<16xi32>
      %mul3A_1198 = arith.muli %get3A_1195, %mul3A_1197 : vector<16xi32>
      %add3A_1199 = arith.addi %mul3A_1198, %rem3A_1192 : vector<16xi32>
      %swap3A_1200 = arith.constant 80 : index
      %swap3A_1201 = tpu.vector_load %arg17[%swap3A_1200] {strides = array<i32>} : memref<128xi32, #tpu.memory_space<vmem>>, vector<16xi32>,
      %swap3A_1202 = vector.shape_cast %swap3A_1201 : vector<16xi32> to vector<16xi32>
      %swap3A_1203 = vector.shape_cast %add3A_1199 : vector<16xi32> to vector<16xi32>
      tpu.vector_store %arg17[%swap3A_1200], %swap3A_1203 {strides = array<i32>} : memref<128xi32, #tpu.memory_space<vmem>>, vector<16xi32>,
      %add3A_1204 = arith.constant 96 : i32
      %add3A_1205 = arith.addi %rem3A_1086, %add3A_1204 : i32
      %broadcast_in_dim3A_1206 = vector.broadcast %add3A_1205 : i32 to vector<16xi32>
      %iota3A_1207 = tpu.iota {dimensions = array<i32: 0>} : vector<16xi32>
      %add3A_1208 = arith.addi %broadcast_in_dim3A_1206, %iota3A_1207 : vector<16xi32>
      %rem3A_1209 = arith.constant 200 : i32
      %rem3A_1210 = vector.broadcast %rem3A_1209 : i32 to vector<16xi32>
      %rem3A_1211 = arith.remsi %add3A_1208, %rem3A_1210 : vector<16xi32>
      %get3A_1212 = arith.constant 96 : index
      %get3A_1213 = tpu.vector_load %arg14[%get3A_1212] {strides = array<i32>} : memref<128xi32, #tpu.memory_space<vmem>>, vector<16xi32>,
      %get3A_1214 = vector.shape_cast %get3A_1213 : vector<16xi32> to vector<16xi32>
      %mul3A_1215 = arith.constant 200 : i32
      %mul3A_1216 = vector.broadcast %mul3A_1215 : i32 to vector<16xi32>
      %mul3A_1217 = arith.muli %get3A_1214, %mul3A_1216 : vector<16xi32>
      %add3A_1218 = arith.addi %mul3A_1217, %rem3A_1211 : vector<16xi32>
      %swap3A_1219 = arith.constant 96 : index
      %swap3A_1220 = tpu.vector_load %arg17[%swap3A_1219] {strides = array<i32>} : memref<128xi32, #tpu.memory_space<vmem>>, vector<16xi32>,
      %swap3A_1221 = vector.shape_cast %swap3A_1220 : vector<16xi32> to vector<16xi32>
      %swap3A_1222 = vector.shape_cast %add3A_1218 : vector<16xi32> to vector<16xi32>
      tpu.vector_store %arg17[%swap3A_1219], %swap3A_1222 {strides = array<i32>} : memref<128xi32, #tpu.memory_space<vmem>>, vector<16xi32>,
      %add3A_1223 = arith.constant 112 : i32
      %add3A_1224 = arith.addi %rem3A_1086, %add3A_1223 : i32
      %broadcast_in_dim3A_1225 = vector.broadcast %add3A_1224 : i32 to vector<16xi32>
      %iota3A_1226 = tpu.iota {dimensions = array<i32: 0>} : vector<16xi32>
      %add3A_1227 = arith.addi %broadcast_in_dim3A_1225, %iota3A_1226 : vector<16xi32>
      %rem3A_1228 = arith.constant 200 : i32
      %rem3A_1229 = vector.broadcast %rem3A_1228 : i32 to vector<16xi32>
      %rem3A_1230 = arith.remsi %add3A_1227, %rem3A_1229 : vector<16xi32>
      %get3A_1231 = arith.constant 112 : index
      %get3A_1232 = tpu.vector_load %arg14[%get3A_1231] {strides = array<i32>} : memref<128xi32, #tpu.memory_space<vmem>>, vector<16xi32>,
      %get3A_1233 = vector.shape_cast %get3A_1232 : vector<16xi32> to vector<16xi32>
      %mul3A_1234 = arith.constant 200 : i32
      %mul3A_1235 = vector.broadcast %mul3A_1234 : i32 to vector<16xi32>
      %mul3A_1236 = arith.muli %get3A_1233, %mul3A_1235 : vector<16xi32>
      %add3A_1237 = arith.addi %mul3A_1236, %rem3A_1230 : vector<16xi32>
      %swap3A_1238 = arith.constant 112 : index
      %swap3A_1239 = tpu.vector_load %arg17[%swap3A_1238] {strides = array<i32>} : memref<128xi32, #tpu.memory_space<vmem>>, vector<16xi32>,
      %swap3A_1240 = vector.shape_cast %swap3A_1239 : vector<16xi32> to vector<16xi32>
      %swap3A_1241 = vector.shape_cast %add3A_1237 : vector<16xi32> to vector<16xi32>
      tpu.vector_store %arg17[%swap3A_1238], %swap3A_1241 {strides = array<i32>} : memref<128xi32, #tpu.memory_space<vmem>>, vector<16xi32>,
      %dma_start3A_1242 = arith.constant 0 : i32
      %dma_start3A_1243 = arith.constant 0 : i32
      %dma_start3A_1244 = tpu.memref_slice %arg8[%dma_start3A_1242, %dma_start3A_1243] : memref<400x128xf32, #tpu.memory_space<vmem_shared>> -> memref<400x128xf32, #tpu.memory_space<vmem_shared>>
      tpu.enqueue_indirect_dma source(%dma_start3A_1244 : memref<400x128xf32, #tpu.memory_space<vmem_shared>>) target(%arg23 : memref<128x128xf32, #tpu.memory_space<vmem>>) offsets(%arg17 : memref<128xi32, #tpu.memory_space<vmem>>) semaphore(%arg29 : memref<!tpu.dma_semaphore, #tpu.memory_space<semaphore_mem>>)
      %dma_wait3A_1245 = arith.constant 0 : i32
      %dma_wait3A_1246 = arith.constant 0 : i32
      %dma_wait3A_1247 = tpu.memref_slice %arg4[%dma_wait3A_1245, %dma_wait3A_1246] : memref<100000x128xf32, #tpu.memory_space<hbm>> -> memref<100000x128xf32, #tpu.memory_space<hbm>>
      tpu.wait_indirect_dma semaphore(%arg28 : memref<!tpu.dma_semaphore, #tpu.memory_space<semaphore_mem>>) src(%dma_wait3A_1247 : memref<100000x128xf32, #tpu.memory_space<hbm>>) dst(%arg22 : memref<128x128xf32, #tpu.memory_space<vmem>>)
      %dma_wait3A_1248 = arith.constant 0 : i32
      %dma_wait3A_1249 = arith.constant 0 : i32
      %dma_wait3A_1250 = tpu.memref_slice %arg8[%dma_wait3A_1248, %dma_wait3A_1249] : memref<400x128xf32, #tpu.memory_space<vmem_shared>> -> memref<400x128xf32, #tpu.memory_space<vmem_shared>>
      tpu.wait_indirect_dma semaphore(%arg31 : memref<!tpu.dma_semaphore, #tpu.memory_space<semaphore_mem>>) src(%dma_wait3A_1250 : memref<400x128xf32, #tpu.memory_space<vmem_shared>>) dst(%arg25 : memref<128x128xf32, #tpu.memory_space<vmem>>)
      %sub3A_1251 = arith.constant 1 : i32
      %sub3A_1252 = arith.subi %add3A_1051, %sub3A_1251 : i32
      %mul3A_1253 = arith.constant 128 : i32
      %mul3A_1254 = arith.muli %sub3A_1252, %mul3A_1253 : i32
      %add3A_1255 = arith.addi %mul3A_2, %mul3A_1254 : i32
      %rem3A_1256 = arith.constant 819200 : i32
      %rem3A_1257 = arith.remsi %add3A_1255, %rem3A_1256 : i32
      %scan3A_1258 = arith.constant 0 : i32
      %scan3A_1259 = arith.constant 128 : i32
      %scan3A_1260 = arith.addi %scan3A_1258, %scan3A_1259 : i32
      %scan3A_1261 = arith.constant 1 : i32
      scf.for %scan3A_1707 = %scan3A_1258 to %scan3A_1260 step %scan3A_1261  : i32 {
        %mul3A_1708 = arith.constant 1 : i32
        %mul3A_1709 = arith.muli %scan3A_1707, %mul3A_1708 : i32
        %add3A_1710 = arith.constant 0 : i32
        %add3A_1711 = arith.addi %add3A_1710, %mul3A_1709 : i32
        %get3A_1712 = arith.index_cast %add3A_1711 : i32 to index
        %get3A_1713 = arith.constant 0 : index
        %get3A_1714 = tpu.vector_load %arg22[%get3A_1712, %get3A_1713] {strides = array<i32>} : memref<128x128xf32, #tpu.memory_space<vmem>>, vector<1x16xf32>,
        %get3A_1715 = vector.shape_cast %get3A_1714 : vector<1x16xf32> to vector<16xf32>
        %get3A_1716 = arith.index_cast %add3A_1711 : i32 to index
        %get3A_1717 = arith.constant 0 : index
        %get3A_1718 = tpu.vector_load %arg25[%get3A_1716, %get3A_1717] {strides = array<i32>} : memref<128x128xf32, #tpu.memory_space<vmem>>, vector<1x16xf32>,
        %get3A_1719 = vector.shape_cast %get3A_1718 : vector<1x16xf32> to vector<16xf32>
        %add3A_1720 = arith.addf %get3A_1715, %get3A_1719 : vector<16xf32>
        %swap3A_1721 = arith.index_cast %add3A_1711 : i32 to index
        %swap3A_1722 = arith.constant 0 : index
        %swap3A_1723 = tpu.vector_load %arg22[%swap3A_1721, %swap3A_1722] {strides = array<i32>} : memref<128x128xf32, #tpu.memory_space<vmem>>, vector<1x16xf32>,
        %swap3A_1724 = vector.shape_cast %swap3A_1723 : vector<1x16xf32> to vector<16xf32>
        %swap3A_1725 = vector.shape_cast %add3A_1720 : vector<16xf32> to vector<1x16xf32>
        tpu.vector_store %arg22[%swap3A_1721, %swap3A_1722], %swap3A_1725 {strides = array<i32>} : memref<128x128xf32, #tpu.memory_space<vmem>>, vector<1x16xf32>,
        %get3A_1726 = arith.index_cast %add3A_1711 : i32 to index
        %get3A_1727 = arith.constant 16 : index
        %get3A_1728 = tpu.vector_load %arg22[%get3A_1726, %get3A_1727] {strides = array<i32>} : memref<128x128xf32, #tpu.memory_space<vmem>>, vector<1x16xf32>,
        %get3A_1729 = vector.shape_cast %get3A_1728 : vector<1x16xf32> to vector<16xf32>
        %get3A_1730 = arith.index_cast %add3A_1711 : i32 to index
        %get3A_1731 = arith.constant 16 : index
        %get3A_1732 = tpu.vector_load %arg25[%get3A_1730, %get3A_1731] {strides = array<i32>} : memref<128x128xf32, #tpu.memory_space<vmem>>, vector<1x16xf32>,
        %get3A_1733 = vector.shape_cast %get3A_1732 : vector<1x16xf32> to vector<16xf32>
        %add3A_1734 = arith.addf %get3A_1729, %get3A_1733 : vector<16xf32>
        %swap3A_1735 = arith.index_cast %add3A_1711 : i32 to index
        %swap3A_1736 = arith.constant 16 : index
        %swap3A_1737 = tpu.vector_load %arg22[%swap3A_1735, %swap3A_1736] {strides = array<i32>} : memref<128x128xf32, #tpu.memory_space<vmem>>, vector<1x16xf32>,
        %swap3A_1738 = vector.shape_cast %swap3A_1737 : vector<1x16xf32> to vector<16xf32>
        %swap3A_1739 = vector.shape_cast %add3A_1734 : vector<16xf32> to vector<1x16xf32>
        tpu.vector_store %arg22[%swap3A_1735, %swap3A_1736], %swap3A_1739 {strides = array<i32>} : memref<128x128xf32, #tpu.memory_space<vmem>>, vector<1x16xf32>,
        %get3A_1740 = arith.index_cast %add3A_1711 : i32 to index
        %get3A_1741 = arith.constant 32 : index
        %get3A_1742 = tpu.vector_load %arg22[%get3A_1740, %get3A_1741] {strides = array<i32>} : memref<128x128xf32, #tpu.memory_space<vmem>>, vector<1x16xf32>,
        %get3A_1743 = vector.shape_cast %get3A_1742 : vector<1x16xf32> to vector<16xf32>
        %get3A_1744 = arith.index_cast %add3A_1711 : i32 to index
        %get3A_1745 = arith.constant 32 : index
        %get3A_1746 = tpu.vector_load %arg25[%get3A_1744, %get3A_1745] {strides = array<i32>} : memref<128x128xf32, #tpu.memory_space<vmem>>, vector<1x16xf32>,
        %get3A_1747 = vector.shape_cast %get3A_1746 : vector<1x16xf32> to vector<16xf32>
        %add3A_1748 = arith.addf %get3A_1743, %get3A_1747 : vector<16xf32>
        %swap3A_1749 = arith.index_cast %add3A_1711 : i32 to index
        %swap3A_1750 = arith.constant 32 : index
        %swap3A_1751 = tpu.vector_load %arg22[%swap3A_1749, %swap3A_1750] {strides = array<i32>} : memref<128x128xf32, #tpu.memory_space<vmem>>, vector<1x16xf32>,
        %swap3A_1752 = vector.shape_cast %swap3A_1751 : vector<1x16xf32> to vector<16xf32>
        %swap3A_1753 = vector.shape_cast %add3A_1748 : vector<16xf32> to vector<1x16xf32>
        tpu.vector_store %arg22[%swap3A_1749, %swap3A_1750], %swap3A_1753 {strides = array<i32>} : memref<128x128xf32, #tpu.memory_space<vmem>>, vector<1x16xf32>,
        %get3A_1754 = arith.index_cast %add3A_1711 : i32 to index
        %get3A_1755 = arith.constant 48 : index
        %get3A_1756 = tpu.vector_load %arg22[%get3A_1754, %get3A_1755] {strides = array<i32>} : memref<128x128xf32, #tpu.memory_space<vmem>>, vector<1x16xf32>,
        %get3A_1757 = vector.shape_cast %get3A_1756 : vector<1x16xf32> to vector<16xf32>
        %get3A_1758 = arith.index_cast %add3A_1711 : i32 to index
        %get3A_1759 = arith.constant 48 : index
        %get3A_1760 = tpu.vector_load %arg25[%get3A_1758, %get3A_1759] {strides = array<i32>} : memref<128x128xf32, #tpu.memory_space<vmem>>, vector<1x16xf32>,
        %get3A_1761 = vector.shape_cast %get3A_1760 : vector<1x16xf32> to vector<16xf32>
        %add3A_1762 = arith.addf %get3A_1757, %get3A_1761 : vector<16xf32>
        %swap3A_1763 = arith.index_cast %add3A_1711 : i32 to index
        %swap3A_1764 = arith.constant 48 : index
        %swap3A_1765 = tpu.vector_load %arg22[%swap3A_1763, %swap3A_1764] {strides = array<i32>} : memref<128x128xf32, #tpu.memory_space<vmem>>, vector<1x16xf32>,
        %swap3A_1766 = vector.shape_cast %swap3A_1765 : vector<1x16xf32> to vector<16xf32>
        %swap3A_1767 = vector.shape_cast %add3A_1762 : vector<16xf32> to vector<1x16xf32>
        tpu.vector_store %arg22[%swap3A_1763, %swap3A_1764], %swap3A_1767 {strides = array<i32>} : memref<128x128xf32, #tpu.memory_space<vmem>>, vector<1x16xf32>,
        %get3A_1768 = arith.index_cast %add3A_1711 : i32 to index
        %get3A_1769 = arith.constant 64 : index
        %get3A_1770 = tpu.vector_load %arg22[%get3A_1768, %get3A_1769] {strides = array<i32>} : memref<128x128xf32, #tpu.memory_space<vmem>>, vector<1x16xf32>,
        %get3A_1771 = vector.shape_cast %get3A_1770 : vector<1x16xf32> to vector<16xf32>
        %get3A_1772 = arith.index_cast %add3A_1711 : i32 to index
        %get3A_1773 = arith.constant 64 : index
        %get3A_1774 = tpu.vector_load %arg25[%get3A_1772, %get3A_1773] {strides = array<i32>} : memref<128x128xf32, #tpu.memory_space<vmem>>, vector<1x16xf32>,
        %get3A_1775 = vector.shape_cast %get3A_1774 : vector<1x16xf32> to vector<16xf32>
        %add3A_1776 = arith.addf %get3A_1771, %get3A_1775 : vector<16xf32>
        %swap3A_1777 = arith.index_cast %add3A_1711 : i32 to index
        %swap3A_1778 = arith.constant 64 : index
        %swap3A_1779 = tpu.vector_load %arg22[%swap3A_1777, %swap3A_1778] {strides = array<i32>} : memref<128x128xf32, #tpu.memory_space<vmem>>, vector<1x16xf32>,
        %swap3A_1780 = vector.shape_cast %swap3A_1779 : vector<1x16xf32> to vector<16xf32>
        %swap3A_1781 = vector.shape_cast %add3A_1776 : vector<16xf32> to vector<1x16xf32>
        tpu.vector_store %arg22[%swap3A_1777, %swap3A_1778], %swap3A_1781 {strides = array<i32>} : memref<128x128xf32, #tpu.memory_space<vmem>>, vector<1x16xf32>,
        %get3A_1782 = arith.index_cast %add3A_1711 : i32 to index
        %get3A_1783 = arith.constant 80 : index
        %get3A_1784 = tpu.vector_load %arg22[%get3A_1782, %get3A_1783] {strides = array<i32>} : memref<128x128xf32, #tpu.memory_space<vmem>>, vector<1x16xf32>,
        %get3A_1785 = vector.shape_cast %get3A_1784 : vector<1x16xf32> to vector<16xf32>
        %get3A_1786 = arith.index_cast %add3A_1711 : i32 to index
        %get3A_1787 = arith.constant 80 : index
        %get3A_1788 = tpu.vector_load %arg25[%get3A_1786, %get3A_1787] {strides = array<i32>} : memref<128x128xf32, #tpu.memory_space<vmem>>, vector<1x16xf32>,
        %get3A_1789 = vector.shape_cast %get3A_1788 : vector<1x16xf32> to vector<16xf32>
        %add3A_1790 = arith.addf %get3A_1785, %get3A_1789 : vector<16xf32>
        %swap3A_1791 = arith.index_cast %add3A_1711 : i32 to index
        %swap3A_1792 = arith.constant 80 : index
        %swap3A_1793 = tpu.vector_load %arg22[%swap3A_1791, %swap3A_1792] {strides = array<i32>} : memref<128x128xf32, #tpu.memory_space<vmem>>, vector<1x16xf32>,
        %swap3A_1794 = vector.shape_cast %swap3A_1793 : vector<1x16xf32> to vector<16xf32>
        %swap3A_1795 = vector.shape_cast %add3A_1790 : vector<16xf32> to vector<1x16xf32>
        tpu.vector_store %arg22[%swap3A_1791, %swap3A_1792], %swap3A_1795 {strides = array<i32>} : memref<128x128xf32, #tpu.memory_space<vmem>>, vector<1x16xf32>,
        %get3A_1796 = arith.index_cast %add3A_1711 : i32 to index
        %get3A_1797 = arith.constant 96 : index
        %get3A_1798 = tpu.vector_load %arg22[%get3A_1796, %get3A_1797] {strides = array<i32>} : memref<128x128xf32, #tpu.memory_space<vmem>>, vector<1x16xf32>,
        %get3A_1799 = vector.shape_cast %get3A_1798 : vector<1x16xf32> to vector<16xf32>
        %get3A_1800 = arith.index_cast %add3A_1711 : i32 to index
        %get3A_1801 = arith.constant 96 : index
        %get3A_1802 = tpu.vector_load %arg25[%get3A_1800, %get3A_1801] {strides = array<i32>} : memref<128x128xf32, #tpu.memory_space<vmem>>, vector<1x16xf32>,
        %get3A_1803 = vector.shape_cast %get3A_1802 : vector<1x16xf32> to vector<16xf32>
        %add3A_1804 = arith.addf %get3A_1799, %get3A_1803 : vector<16xf32>
        %swap3A_1805 = arith.index_cast %add3A_1711 : i32 to index
        %swap3A_1806 = arith.constant 96 : index
        %swap3A_1807 = tpu.vector_load %arg22[%swap3A_1805, %swap3A_1806] {strides = array<i32>} : memref<128x128xf32, #tpu.memory_space<vmem>>, vector<1x16xf32>,
        %swap3A_1808 = vector.shape_cast %swap3A_1807 : vector<1x16xf32> to vector<16xf32>
        %swap3A_1809 = vector.shape_cast %add3A_1804 : vector<16xf32> to vector<1x16xf32>
        tpu.vector_store %arg22[%swap3A_1805, %swap3A_1806], %swap3A_1809 {strides = array<i32>} : memref<128x128xf32, #tpu.memory_space<vmem>>, vector<1x16xf32>,
        %get3A_1810 = arith.index_cast %add3A_1711 : i32 to index
        %get3A_1811 = arith.constant 112 : index
        %get3A_1812 = tpu.vector_load %arg22[%get3A_1810, %get3A_1811] {strides = array<i32>} : memref<128x128xf32, #tpu.memory_space<vmem>>, vector<1x16xf32>,
        %get3A_1813 = vector.shape_cast %get3A_1812 : vector<1x16xf32> to vector<16xf32>
        %get3A_1814 = arith.index_cast %add3A_1711 : i32 to index
        %get3A_1815 = arith.constant 112 : index
        %get3A_1816 = tpu.vector_load %arg25[%get3A_1814, %get3A_1815] {strides = array<i32>} : memref<128x128xf32, #tpu.memory_space<vmem>>, vector<1x16xf32>,
        %get3A_1817 = vector.shape_cast %get3A_1816 : vector<1x16xf32> to vector<16xf32>
        %add3A_1818 = arith.addf %get3A_1813, %get3A_1817 : vector<16xf32>
        %swap3A_1819 = arith.index_cast %add3A_1711 : i32 to index
        %swap3A_1820 = arith.constant 112 : index
        %swap3A_1821 = tpu.vector_load %arg22[%swap3A_1819, %swap3A_1820] {strides = array<i32>} : memref<128x128xf32, #tpu.memory_space<vmem>>, vector<1x16xf32>,
        %swap3A_1822 = vector.shape_cast %swap3A_1821 : vector<1x16xf32> to vector<16xf32>
        %swap3A_1823 = vector.shape_cast %add3A_1818 : vector<16xf32> to vector<1x16xf32>
        tpu.vector_store %arg22[%swap3A_1819, %swap3A_1820], %swap3A_1823 {strides = array<i32>} : memref<128x128xf32, #tpu.memory_space<vmem>>, vector<1x16xf32>,
      }
      %scan3A_1262 = arith.constant 128 : i32
      %dma_start3A_1263 = arith.constant 0 : i32
      %dma_start3A_1264 = tpu.memref_slice %arg7[%rem3A_1257, %dma_start3A_1263] : memref<819200x128xf32, #tpu.memory_space<hbm>> -> memref<128x128xf32, #tpu.memory_space<hbm>>
      %dma_start3A_1265 = arith.constant 0 : i32
      %dma_start3A_1266 = tpu.memref_slice %arg7[%rem3A_1257, %dma_start3A_1265] : memref<819200x128xf32, #tpu.memory_space<hbm>> -> memref<128x128xf32, #tpu.memory_space<hbm>>
      tpu.enqueue_dma source(%arg22 : memref<128x128xf32, #tpu.memory_space<vmem>>) target(%dma_start3A_1266 : memref<128x128xf32, #tpu.memory_space<hbm>>) target_semaphore(%arg40 : memref<!tpu.dma_semaphore, #tpu.memory_space<semaphore_mem>>)
      %mul3A_1267 = arith.constant 3 : i32
      %mul3A_1268 = arith.muli %mul3A_1267, %add3A_1047 : i32
      %add3A_1269 = arith.constant 1 : i32
      %add3A_1270 = arith.addi %mul3A_1268, %add3A_1269 : i32
      %add3A_1271 = arith.constant 1 : i32
      %add3A_1272 = arith.addi %add3A_1270, %add3A_1271 : i32
      %mul3A_1273 = arith.constant 128 : i32
      %mul3A_1274 = arith.muli %add3A_1272, %mul3A_1273 : i32
      %add3A_1275 = arith.addi %mul3A_2, %mul3A_1274 : i32
      %rem3A_1276 = arith.constant 819200 : i32
      %rem3A_1277 = arith.remsi %add3A_1275, %rem3A_1276 : i32
      %dma_start3A_1278 = tpu.memref_slice %arg2[%rem3A_1277] : memref<819200xi32, #tpu.memory_space<hbm>> -> memref<128xi32, #tpu.memory_space<hbm>>
      %dma_start3A_1279 = tpu.memref_slice %arg2[%rem3A_1277] : memref<819200xi32, #tpu.memory_space<hbm>> -> memref<128xi32, #tpu.memory_space<hbm>>
      tpu.enqueue_dma source(%dma_start3A_1279 : memref<128xi32, #tpu.memory_space<hbm>>) target(%arg13 : memref<128xi32, #tpu.memory_space<vmem>>) target_semaphore(%arg34 : memref<!tpu.dma_semaphore, #tpu.memory_space<semaphore_mem>>)
      %dma_start3A_1280 = tpu.memref_slice %arg3[%rem3A_1277] : memref<819200xi32, #tpu.memory_space<hbm>> -> memref<128xi32, #tpu.memory_space<hbm>>
      %dma_start3A_1281 = tpu.memref_slice %arg3[%rem3A_1277] : memref<819200xi32, #tpu.memory_space<hbm>> -> memref<128xi32, #tpu.memory_space<hbm>>
      tpu.enqueue_dma source(%dma_start3A_1281 : memref<128xi32, #tpu.memory_space<hbm>>) target(%arg16 : memref<128xi32, #tpu.memory_space<vmem>>) target_semaphore(%arg37 : memref<!tpu.dma_semaphore, #tpu.memory_space<semaphore_mem>>)
      %sub3A_1282 = arith.constant 3 : i32
      %sub3A_1283 = arith.subi %add3A_1270, %sub3A_1282 : i32
      %mul3A_1284 = arith.constant 128 : i32
      %mul3A_1285 = arith.muli %sub3A_1283, %mul3A_1284 : i32
      %add3A_1286 = arith.addi %mul3A_2, %mul3A_1285 : i32
      %rem3A_1287 = arith.constant 819200 : i32
      %rem3A_1288 = arith.remsi %add3A_1286, %rem3A_1287 : i32
      %dma_wait3A_1289 = arith.constant 0 : i32
      %dma_wait3A_1290 = tpu.memref_slice %arg7[%rem3A_1288, %dma_wait3A_1289] : memref<819200x128xf32, #tpu.memory_space<hbm>> -> memref<128x128xf32, #tpu.memory_space<hbm>>
      %dma_wait3A_1291 = arith.constant 0 : i32
      %dma_wait3A_1292 = tpu.memref_slice %arg7[%rem3A_1288, %dma_wait3A_1291] : memref<819200x128xf32, #tpu.memory_space<hbm>> -> memref<128x128xf32, #tpu.memory_space<hbm>>
      tpu.wait_dma2 semaphore(%arg39 : memref<!tpu.dma_semaphore, #tpu.memory_space<semaphore_mem>>) src(%arg21 : memref<128x128xf32, #tpu.memory_space<vmem>>) dst(%dma_wait3A_1292 : memref<128x128xf32, #tpu.memory_space<hbm>>)
      %mul3A_1293 = arith.constant 128 : i32
      %mul3A_1294 = arith.muli %add3A_1270, %mul3A_1293 : i32
      %add3A_1295 = arith.addi %mul3A_2, %mul3A_1294 : i32
      %rem3A_1296 = arith.constant 819200 : i32
      %rem3A_1297 = arith.remsi %add3A_1295, %rem3A_1296 : i32
      %dma_wait3A_1298 = tpu.memref_slice %arg2[%rem3A_1297] : memref<819200xi32, #tpu.memory_space<hbm>> -> memref<128xi32, #tpu.memory_space<hbm>>
      %dma_wait3A_1299 = tpu.memref_slice %arg2[%rem3A_1297] : memref<819200xi32, #tpu.memory_space<hbm>> -> memref<128xi32, #tpu.memory_space<hbm>>
      tpu.wait_dma2 semaphore(%arg33 : memref<!tpu.dma_semaphore, #tpu.memory_space<semaphore_mem>>) src(%dma_wait3A_1299 : memref<128xi32, #tpu.memory_space<hbm>>) dst(%arg12 : memref<128xi32, #tpu.memory_space<vmem>>)
      %dma_wait3A_1300 = tpu.memref_slice %arg3[%rem3A_1297] : memref<819200xi32, #tpu.memory_space<hbm>> -> memref<128xi32, #tpu.memory_space<hbm>>
      %dma_wait3A_1301 = tpu.memref_slice %arg3[%rem3A_1297] : memref<819200xi32, #tpu.memory_space<hbm>> -> memref<128xi32, #tpu.memory_space<hbm>>
      tpu.wait_dma2 semaphore(%arg36 : memref<!tpu.dma_semaphore, #tpu.memory_space<semaphore_mem>>) src(%dma_wait3A_1301 : memref<128xi32, #tpu.memory_space<hbm>>) dst(%arg15 : memref<128xi32, #tpu.memory_space<vmem>>)
      %mul3A_1302 = arith.constant 128 : i32
      %mul3A_1303 = arith.muli %add3A_1270, %mul3A_1302 : i32
      %add3A_1304 = arith.addi %mul3A_2, %mul3A_1303 : i32
      %rem3A_1305 = arith.constant 819200 : i32
      %rem3A_1306 = arith.remsi %add3A_1304, %rem3A_1305 : i32
      %dma_start3A_1307 = arith.constant 0 : i32
      %dma_start3A_1308 = arith.constant 0 : i32
      %dma_start3A_1309 = tpu.memref_slice %arg4[%dma_start3A_1307, %dma_start3A_1308] : memref<100000x128xf32, #tpu.memory_space<hbm>> -> memref<100000x128xf32, #tpu.memory_space<hbm>>
      tpu.enqueue_indirect_dma source(%dma_start3A_1309 : memref<100000x128xf32, #tpu.memory_space<hbm>>) target(%arg21 : memref<128x128xf32, #tpu.memory_space<vmem>>) offsets(%arg12 : memref<128xi32, #tpu.memory_space<vmem>>) semaphore(%arg27 : memref<!tpu.dma_semaphore, #tpu.memory_space<semaphore_mem>>)
      %add3A_1310 = arith.constant 0 : i32
      %add3A_1311 = arith.addi %rem3A_1306, %add3A_1310 : i32
      %broadcast_in_dim3A_1312 = vector.broadcast %add3A_1311 : i32 to vector<16xi32>
      %iota3A_1313 = tpu.iota {dimensions = array<i32: 0>} : vector<16xi32>
      %add3A_1314 = arith.addi %broadcast_in_dim3A_1312, %iota3A_1313 : vector<16xi32>
      %rem3A_1315 = arith.constant 200 : i32
      %rem3A_1316 = vector.broadcast %rem3A_1315 : i32 to vector<16xi32>
      %rem3A_1317 = arith.remsi %add3A_1314, %rem3A_1316 : vector<16xi32>
      %get3A_1318 = arith.constant 0 : index
      %get3A_1319 = tpu.vector_load %arg15[%get3A_1318] {strides = array<i32>} : memref<128xi32, #tpu.memory_space<vmem>>, vector<16xi32>,
      %get3A_1320 = vector.shape_cast %get3A_1319 : vector<16xi32> to vector<16xi32>
      %mul3A_1321 = arith.constant 200 : i32
      %mul3A_1322 = vector.broadcast %mul3A_1321 : i32 to vector<16xi32>
      %mul3A_1323 = arith.muli %get3A_1320, %mul3A_1322 : vector<16xi32>
      %add3A_1324 = arith.addi %mul3A_1323, %rem3A_1317 : vector<16xi32>
      %swap3A_1325 = arith.constant 0 : index
      %swap3A_1326 = tpu.vector_load %arg18[%swap3A_1325] {strides = array<i32>} : memref<128xi32, #tpu.memory_space<vmem>>, vector<16xi32>,
      %swap3A_1327 = vector.shape_cast %swap3A_1326 : vector<16xi32> to vector<16xi32>
      %swap3A_1328 = vector.shape_cast %add3A_1324 : vector<16xi32> to vector<16xi32>
      tpu.vector_store %arg18[%swap3A_1325], %swap3A_1328 {strides = array<i32>} : memref<128xi32, #tpu.memory_space<vmem>>, vector<16xi32>,
      %add3A_1329 = arith.constant 16 : i32
      %add3A_1330 = arith.addi %rem3A_1306, %add3A_1329 : i32
      %broadcast_in_dim3A_1331 = vector.broadcast %add3A_1330 : i32 to vector<16xi32>
      %iota3A_1332 = tpu.iota {dimensions = array<i32: 0>} : vector<16xi32>
      %add3A_1333 = arith.addi %broadcast_in_dim3A_1331, %iota3A_1332 : vector<16xi32>
      %rem3A_1334 = arith.constant 200 : i32
      %rem3A_1335 = vector.broadcast %rem3A_1334 : i32 to vector<16xi32>
      %rem3A_1336 = arith.remsi %add3A_1333, %rem3A_1335 : vector<16xi32>
      %get3A_1337 = arith.constant 16 : index
      %get3A_1338 = tpu.vector_load %arg15[%get3A_1337] {strides = array<i32>} : memref<128xi32, #tpu.memory_space<vmem>>, vector<16xi32>,
      %get3A_1339 = vector.shape_cast %get3A_1338 : vector<16xi32> to vector<16xi32>
      %mul3A_1340 = arith.constant 200 : i32
      %mul3A_1341 = vector.broadcast %mul3A_1340 : i32 to vector<16xi32>
      %mul3A_1342 = arith.muli %get3A_1339, %mul3A_1341 : vector<16xi32>
      %add3A_1343 = arith.addi %mul3A_1342, %rem3A_1336 : vector<16xi32>
      %swap3A_1344 = arith.constant 16 : index
      %swap3A_1345 = tpu.vector_load %arg18[%swap3A_1344] {strides = array<i32>} : memref<128xi32, #tpu.memory_space<vmem>>, vector<16xi32>,
      %swap3A_1346 = vector.shape_cast %swap3A_1345 : vector<16xi32> to vector<16xi32>
      %swap3A_1347 = vector.shape_cast %add3A_1343 : vector<16xi32> to vector<16xi32>
      tpu.vector_store %arg18[%swap3A_1344], %swap3A_1347 {strides = array<i32>} : memref<128xi32, #tpu.memory_space<vmem>>, vector<16xi32>,
      %add3A_1348 = arith.constant 32 : i32
      %add3A_1349 = arith.addi %rem3A_1306, %add3A_1348 : i32
      %broadcast_in_dim3A_1350 = vector.broadcast %add3A_1349 : i32 to vector<16xi32>
      %iota3A_1351 = tpu.iota {dimensions = array<i32: 0>} : vector<16xi32>
      %add3A_1352 = arith.addi %broadcast_in_dim3A_1350, %iota3A_1351 : vector<16xi32>
      %rem3A_1353 = arith.constant 200 : i32
      %rem3A_1354 = vector.broadcast %rem3A_1353 : i32 to vector<16xi32>
      %rem3A_1355 = arith.remsi %add3A_1352, %rem3A_1354 : vector<16xi32>
      %get3A_1356 = arith.constant 32 : index
      %get3A_1357 = tpu.vector_load %arg15[%get3A_1356] {strides = array<i32>} : memref<128xi32, #tpu.memory_space<vmem>>, vector<16xi32>,
      %get3A_1358 = vector.shape_cast %get3A_1357 : vector<16xi32> to vector<16xi32>
      %mul3A_1359 = arith.constant 200 : i32
      %mul3A_1360 = vector.broadcast %mul3A_1359 : i32 to vector<16xi32>
      %mul3A_1361 = arith.muli %get3A_1358, %mul3A_1360 : vector<16xi32>
      %add3A_1362 = arith.addi %mul3A_1361, %rem3A_1355 : vector<16xi32>
      %swap3A_1363 = arith.constant 32 : index
      %swap3A_1364 = tpu.vector_load %arg18[%swap3A_1363] {strides = array<i32>} : memref<128xi32, #tpu.memory_space<vmem>>, vector<16xi32>,
      %swap3A_1365 = vector.shape_cast %swap3A_1364 : vector<16xi32> to vector<16xi32>
      %swap3A_1366 = vector.shape_cast %add3A_1362 : vector<16xi32> to vector<16xi32>
      tpu.vector_store %arg18[%swap3A_1363], %swap3A_1366 {strides = array<i32>} : memref<128xi32, #tpu.memory_space<vmem>>, vector<16xi32>,
      %add3A_1367 = arith.constant 48 : i32
      %add3A_1368 = arith.addi %rem3A_1306, %add3A_1367 : i32
      %broadcast_in_dim3A_1369 = vector.broadcast %add3A_1368 : i32 to vector<16xi32>
      %iota3A_1370 = tpu.iota {dimensions = array<i32: 0>} : vector<16xi32>
      %add3A_1371 = arith.addi %broadcast_in_dim3A_1369, %iota3A_1370 : vector<16xi32>
      %rem3A_1372 = arith.constant 200 : i32
      %rem3A_1373 = vector.broadcast %rem3A_1372 : i32 to vector<16xi32>
      %rem3A_1374 = arith.remsi %add3A_1371, %rem3A_1373 : vector<16xi32>
      %get3A_1375 = arith.constant 48 : index
      %get3A_1376 = tpu.vector_load %arg15[%get3A_1375] {strides = array<i32>} : memref<128xi32, #tpu.memory_space<vmem>>, vector<16xi32>,
      %get3A_1377 = vector.shape_cast %get3A_1376 : vector<16xi32> to vector<16xi32>
      %mul3A_1378 = arith.constant 200 : i32
      %mul3A_1379 = vector.broadcast %mul3A_1378 : i32 to vector<16xi32>
      %mul3A_1380 = arith.muli %get3A_1377, %mul3A_1379 : vector<16xi32>
      %add3A_1381 = arith.addi %mul3A_1380, %rem3A_1374 : vector<16xi32>
      %swap3A_1382 = arith.constant 48 : index
      %swap3A_1383 = tpu.vector_load %arg18[%swap3A_1382] {strides = array<i32>} : memref<128xi32, #tpu.memory_space<vmem>>, vector<16xi32>,
      %swap3A_1384 = vector.shape_cast %swap3A_1383 : vector<16xi32> to vector<16xi32>
      %swap3A_1385 = vector.shape_cast %add3A_1381 : vector<16xi32> to vector<16xi32>
      tpu.vector_store %arg18[%swap3A_1382], %swap3A_1385 {strides = array<i32>} : memref<128xi32, #tpu.memory_space<vmem>>, vector<16xi32>,
      %add3A_1386 = arith.constant 64 : i32
      %add3A_1387 = arith.addi %rem3A_1306, %add3A_1386 : i32
      %broadcast_in_dim3A_1388 = vector.broadcast %add3A_1387 : i32 to vector<16xi32>
      %iota3A_1389 = tpu.iota {dimensions = array<i32: 0>} : vector<16xi32>
      %add3A_1390 = arith.addi %broadcast_in_dim3A_1388, %iota3A_1389 : vector<16xi32>
      %rem3A_1391 = arith.constant 200 : i32
      %rem3A_1392 = vector.broadcast %rem3A_1391 : i32 to vector<16xi32>
      %rem3A_1393 = arith.remsi %add3A_1390, %rem3A_1392 : vector<16xi32>
      %get3A_1394 = arith.constant 64 : index
      %get3A_1395 = tpu.vector_load %arg15[%get3A_1394] {strides = array<i32>} : memref<128xi32, #tpu.memory_space<vmem>>, vector<16xi32>,
      %get3A_1396 = vector.shape_cast %get3A_1395 : vector<16xi32> to vector<16xi32>
      %mul3A_1397 = arith.constant 200 : i32
      %mul3A_1398 = vector.broadcast %mul3A_1397 : i32 to vector<16xi32>
      %mul3A_1399 = arith.muli %get3A_1396, %mul3A_1398 : vector<16xi32>
      %add3A_1400 = arith.addi %mul3A_1399, %rem3A_1393 : vector<16xi32>
      %swap3A_1401 = arith.constant 64 : index
      %swap3A_1402 = tpu.vector_load %arg18[%swap3A_1401] {strides = array<i32>} : memref<128xi32, #tpu.memory_space<vmem>>, vector<16xi32>,
      %swap3A_1403 = vector.shape_cast %swap3A_1402 : vector<16xi32> to vector<16xi32>
      %swap3A_1404 = vector.shape_cast %add3A_1400 : vector<16xi32> to vector<16xi32>
      tpu.vector_store %arg18[%swap3A_1401], %swap3A_1404 {strides = array<i32>} : memref<128xi32, #tpu.memory_space<vmem>>, vector<16xi32>,
      %add3A_1405 = arith.constant 80 : i32
      %add3A_1406 = arith.addi %rem3A_1306, %add3A_1405 : i32
      %broadcast_in_dim3A_1407 = vector.broadcast %add3A_1406 : i32 to vector<16xi32>
      %iota3A_1408 = tpu.iota {dimensions = array<i32: 0>} : vector<16xi32>
      %add3A_1409 = arith.addi %broadcast_in_dim3A_1407, %iota3A_1408 : vector<16xi32>
      %rem3A_1410 = arith.constant 200 : i32
      %rem3A_1411 = vector.broadcast %rem3A_1410 : i32 to vector<16xi32>
      %rem3A_1412 = arith.remsi %add3A_1409, %rem3A_1411 : vector<16xi32>
      %get3A_1413 = arith.constant 80 : index
      %get3A_1414 = tpu.vector_load %arg15[%get3A_1413] {strides = array<i32>} : memref<128xi32, #tpu.memory_space<vmem>>, vector<16xi32>,
      %get3A_1415 = vector.shape_cast %get3A_1414 : vector<16xi32> to vector<16xi32>
      %mul3A_1416 = arith.constant 200 : i32
      %mul3A_1417 = vector.broadcast %mul3A_1416 : i32 to vector<16xi32>
      %mul3A_1418 = arith.muli %get3A_1415, %mul3A_1417 : vector<16xi32>
      %add3A_1419 = arith.addi %mul3A_1418, %rem3A_1412 : vector<16xi32>
      %swap3A_1420 = arith.constant 80 : index
      %swap3A_1421 = tpu.vector_load %arg18[%swap3A_1420] {strides = array<i32>} : memref<128xi32, #tpu.memory_space<vmem>>, vector<16xi32>,
      %swap3A_1422 = vector.shape_cast %swap3A_1421 : vector<16xi32> to vector<16xi32>
      %swap3A_1423 = vector.shape_cast %add3A_1419 : vector<16xi32> to vector<16xi32>
      tpu.vector_store %arg18[%swap3A_1420], %swap3A_1423 {strides = array<i32>} : memref<128xi32, #tpu.memory_space<vmem>>, vector<16xi32>,
      %add3A_1424 = arith.constant 96 : i32
      %add3A_1425 = arith.addi %rem3A_1306, %add3A_1424 : i32
      %broadcast_in_dim3A_1426 = vector.broadcast %add3A_1425 : i32 to vector<16xi32>
      %iota3A_1427 = tpu.iota {dimensions = array<i32: 0>} : vector<16xi32>
      %add3A_1428 = arith.addi %broadcast_in_dim3A_1426, %iota3A_1427 : vector<16xi32>
      %rem3A_1429 = arith.constant 200 : i32
      %rem3A_1430 = vector.broadcast %rem3A_1429 : i32 to vector<16xi32>
      %rem3A_1431 = arith.remsi %add3A_1428, %rem3A_1430 : vector<16xi32>
      %get3A_1432 = arith.constant 96 : index
      %get3A_1433 = tpu.vector_load %arg15[%get3A_1432] {strides = array<i32>} : memref<128xi32, #tpu.memory_space<vmem>>, vector<16xi32>,
      %get3A_1434 = vector.shape_cast %get3A_1433 : vector<16xi32> to vector<16xi32>
      %mul3A_1435 = arith.constant 200 : i32
      %mul3A_1436 = vector.broadcast %mul3A_1435 : i32 to vector<16xi32>
      %mul3A_1437 = arith.muli %get3A_1434, %mul3A_1436 : vector<16xi32>
      %add3A_1438 = arith.addi %mul3A_1437, %rem3A_1431 : vector<16xi32>
      %swap3A_1439 = arith.constant 96 : index
      %swap3A_1440 = tpu.vector_load %arg18[%swap3A_1439] {strides = array<i32>} : memref<128xi32, #tpu.memory_space<vmem>>, vector<16xi32>,
      %swap3A_1441 = vector.shape_cast %swap3A_1440 : vector<16xi32> to vector<16xi32>
      %swap3A_1442 = vector.shape_cast %add3A_1438 : vector<16xi32> to vector<16xi32>
      tpu.vector_store %arg18[%swap3A_1439], %swap3A_1442 {strides = array<i32>} : memref<128xi32, #tpu.memory_space<vmem>>, vector<16xi32>,
      %add3A_1443 = arith.constant 112 : i32
      %add3A_1444 = arith.addi %rem3A_1306, %add3A_1443 : i32
      %broadcast_in_dim3A_1445 = vector.broadcast %add3A_1444 : i32 to vector<16xi32>
      %iota3A_1446 = tpu.iota {dimensions = array<i32: 0>} : vector<16xi32>
      %add3A_1447 = arith.addi %broadcast_in_dim3A_1445, %iota3A_1446 : vector<16xi32>
      %rem3A_1448 = arith.constant 200 : i32
      %rem3A_1449 = vector.broadcast %rem3A_1448 : i32 to vector<16xi32>
      %rem3A_1450 = arith.remsi %add3A_1447, %rem3A_1449 : vector<16xi32>
      %get3A_1451 = arith.constant 112 : index
      %get3A_1452 = tpu.vector_load %arg15[%get3A_1451] {strides = array<i32>} : memref<128xi32, #tpu.memory_space<vmem>>, vector<16xi32>,
      %get3A_1453 = vector.shape_cast %get3A_1452 : vector<16xi32> to vector<16xi32>
      %mul3A_1454 = arith.constant 200 : i32
      %mul3A_1455 = vector.broadcast %mul3A_1454 : i32 to vector<16xi32>
      %mul3A_1456 = arith.muli %get3A_1453, %mul3A_1455 : vector<16xi32>
      %add3A_1457 = arith.addi %mul3A_1456, %rem3A_1450 : vector<16xi32>
      %swap3A_1458 = arith.constant 112 : index
      %swap3A_1459 = tpu.vector_load %arg18[%swap3A_1458] {strides = array<i32>} : memref<128xi32, #tpu.memory_space<vmem>>, vector<16xi32>,
      %swap3A_1460 = vector.shape_cast %swap3A_1459 : vector<16xi32> to vector<16xi32>
      %swap3A_1461 = vector.shape_cast %add3A_1457 : vector<16xi32> to vector<16xi32>
      tpu.vector_store %arg18[%swap3A_1458], %swap3A_1461 {strides = array<i32>} : memref<128xi32, #tpu.memory_space<vmem>>, vector<16xi32>,
      %dma_start3A_1462 = arith.constant 0 : i32
      %dma_start3A_1463 = arith.constant 0 : i32
      %dma_start3A_1464 = tpu.memref_slice %arg8[%dma_start3A_1462, %dma_start3A_1463] : memref<400x128xf32, #tpu.memory_space<vmem_shared>> -> memref<400x128xf32, #tpu.memory_space<vmem_shared>>
      tpu.enqueue_indirect_dma source(%dma_start3A_1464 : memref<400x128xf32, #tpu.memory_space<vmem_shared>>) target(%arg24 : memref<128x128xf32, #tpu.memory_space<vmem>>) offsets(%arg18 : memref<128xi32, #tpu.memory_space<vmem>>) semaphore(%arg30 : memref<!tpu.dma_semaphore, #tpu.memory_space<semaphore_mem>>)
      %dma_wait3A_1465 = arith.constant 0 : i32
      %dma_wait3A_1466 = arith.constant 0 : i32
      %dma_wait3A_1467 = tpu.memref_slice %arg4[%dma_wait3A_1465, %dma_wait3A_1466] : memref<100000x128xf32, #tpu.memory_space<hbm>> -> memref<100000x128xf32, #tpu.memory_space<hbm>>
      tpu.wait_indirect_dma semaphore(%arg26 : memref<!tpu.dma_semaphore, #tpu.memory_space<semaphore_mem>>) src(%dma_wait3A_1467 : memref<100000x128xf32, #tpu.memory_space<hbm>>) dst(%arg20 : memref<128x128xf32, #tpu.memory_space<vmem>>)
      %dma_wait3A_1468 = arith.constant 0 : i32
      %dma_wait3A_1469 = arith.constant 0 : i32
      %dma_wait3A_1470 = tpu.memref_slice %arg8[%dma_wait3A_1468, %dma_wait3A_1469] : memref<400x128xf32, #tpu.memory_space<vmem_shared>> -> memref<400x128xf32, #tpu.memory_space<vmem_shared>>
      tpu.wait_indirect_dma semaphore(%arg29 : memref<!tpu.dma_semaphore, #tpu.memory_space<semaphore_mem>>) src(%dma_wait3A_1470 : memref<400x128xf32, #tpu.memory_space<vmem_shared>>) dst(%arg23 : memref<128x128xf32, #tpu.memory_space<vmem>>)
      %sub3A_1471 = arith.constant 1 : i32
      %sub3A_1472 = arith.subi %add3A_1270, %sub3A_1471 : i32
      %mul3A_1473 = arith.constant 128 : i32
      %mul3A_1474 = arith.muli %sub3A_1472, %mul3A_1473 : i32
      %add3A_1475 = arith.addi %mul3A_2, %mul3A_1474 : i32
      %rem3A_1476 = arith.constant 819200 : i32
      %rem3A_1477 = arith.remsi %add3A_1475, %rem3A_1476 : i32
      %scan3A_1478 = arith.constant 0 : i32
      %scan3A_1479 = arith.constant 128 : i32
      %scan3A_1480 = arith.addi %scan3A_1478, %scan3A_1479 : i32
      %scan3A_1481 = arith.constant 1 : i32
      scf.for %scan3A_1707 = %scan3A_1478 to %scan3A_1480 step %scan3A_1481  : i32 {
        %mul3A_1708 = arith.constant 1 : i32
        %mul3A_1709 = arith.muli %scan3A_1707, %mul3A_1708 : i32
        %add3A_1710 = arith.constant 0 : i32
        %add3A_1711 = arith.addi %add3A_1710, %mul3A_1709 : i32
        %get3A_1712 = arith.index_cast %add3A_1711 : i32 to index
        %get3A_1713 = arith.constant 0 : index
        %get3A_1714 = tpu.vector_load %arg20[%get3A_1712, %get3A_1713] {strides = array<i32>} : memref<128x128xf32, #tpu.memory_space<vmem>>, vector<1x16xf32>,
        %get3A_1715 = vector.shape_cast %get3A_1714 : vector<1x16xf32> to vector<16xf32>
        %get3A_1716 = arith.index_cast %add3A_1711 : i32 to index
        %get3A_1717 = arith.constant 0 : index
        %get3A_1718 = tpu.vector_load %arg23[%get3A_1716, %get3A_1717] {strides = array<i32>} : memref<128x128xf32, #tpu.memory_space<vmem>>, vector<1x16xf32>,
        %get3A_1719 = vector.shape_cast %get3A_1718 : vector<1x16xf32> to vector<16xf32>
        %add3A_1720 = arith.addf %get3A_1715, %get3A_1719 : vector<16xf32>
        %swap3A_1721 = arith.index_cast %add3A_1711 : i32 to index
        %swap3A_1722 = arith.constant 0 : index
        %swap3A_1723 = tpu.vector_load %arg20[%swap3A_1721, %swap3A_1722] {strides = array<i32>} : memref<128x128xf32, #tpu.memory_space<vmem>>, vector<1x16xf32>,
        %swap3A_1724 = vector.shape_cast %swap3A_1723 : vector<1x16xf32> to vector<16xf32>
        %swap3A_1725 = vector.shape_cast %add3A_1720 : vector<16xf32> to vector<1x16xf32>
        tpu.vector_store %arg20[%swap3A_1721, %swap3A_1722], %swap3A_1725 {strides = array<i32>} : memref<128x128xf32, #tpu.memory_space<vmem>>, vector<1x16xf32>,
        %get3A_1726 = arith.index_cast %add3A_1711 : i32 to index
        %get3A_1727 = arith.constant 16 : index
        %get3A_1728 = tpu.vector_load %arg20[%get3A_1726, %get3A_1727] {strides = array<i32>} : memref<128x128xf32, #tpu.memory_space<vmem>>, vector<1x16xf32>,
        %get3A_1729 = vector.shape_cast %get3A_1728 : vector<1x16xf32> to vector<16xf32>
        %get3A_1730 = arith.index_cast %add3A_1711 : i32 to index
        %get3A_1731 = arith.constant 16 : index
        %get3A_1732 = tpu.vector_load %arg23[%get3A_1730, %get3A_1731] {strides = array<i32>} : memref<128x128xf32, #tpu.memory_space<vmem>>, vector<1x16xf32>,
        %get3A_1733 = vector.shape_cast %get3A_1732 : vector<1x16xf32> to vector<16xf32>
        %add3A_1734 = arith.addf %get3A_1729, %get3A_1733 : vector<16xf32>
        %swap3A_1735 = arith.index_cast %add3A_1711 : i32 to index
        %swap3A_1736 = arith.constant 16 : index
        %swap3A_1737 = tpu.vector_load %arg20[%swap3A_1735, %swap3A_1736] {strides = array<i32>} : memref<128x128xf32, #tpu.memory_space<vmem>>, vector<1x16xf32>,
        %swap3A_1738 = vector.shape_cast %swap3A_1737 : vector<1x16xf32> to vector<16xf32>
        %swap3A_1739 = vector.shape_cast %add3A_1734 : vector<16xf32> to vector<1x16xf32>
        tpu.vector_store %arg20[%swap3A_1735, %swap3A_1736], %swap3A_1739 {strides = array<i32>} : memref<128x128xf32, #tpu.memory_space<vmem>>, vector<1x16xf32>,
        %get3A_1740 = arith.index_cast %add3A_1711 : i32 to index
        %get3A_1741 = arith.constant 32 : index
        %get3A_1742 = tpu.vector_load %arg20[%get3A_1740, %get3A_1741] {strides = array<i32>} : memref<128x128xf32, #tpu.memory_space<vmem>>, vector<1x16xf32>,
        %get3A_1743 = vector.shape_cast %get3A_1742 : vector<1x16xf32> to vector<16xf32>
        %get3A_1744 = arith.index_cast %add3A_1711 : i32 to index
        %get3A_1745 = arith.constant 32 : index
        %get3A_1746 = tpu.vector_load %arg23[%get3A_1744, %get3A_1745] {strides = array<i32>} : memref<128x128xf32, #tpu.memory_space<vmem>>, vector<1x16xf32>,
        %get3A_1747 = vector.shape_cast %get3A_1746 : vector<1x16xf32> to vector<16xf32>
        %add3A_1748 = arith.addf %get3A_1743, %get3A_1747 : vector<16xf32>
        %swap3A_1749 = arith.index_cast %add3A_1711 : i32 to index
        %swap3A_1750 = arith.constant 32 : index
        %swap3A_1751 = tpu.vector_load %arg20[%swap3A_1749, %swap3A_1750] {strides = array<i32>} : memref<128x128xf32, #tpu.memory_space<vmem>>, vector<1x16xf32>,
        %swap3A_1752 = vector.shape_cast %swap3A_1751 : vector<1x16xf32> to vector<16xf32>
        %swap3A_1753 = vector.shape_cast %add3A_1748 : vector<16xf32> to vector<1x16xf32>
        tpu.vector_store %arg20[%swap3A_1749, %swap3A_1750], %swap3A_1753 {strides = array<i32>} : memref<128x128xf32, #tpu.memory_space<vmem>>, vector<1x16xf32>,
        %get3A_1754 = arith.index_cast %add3A_1711 : i32 to index
        %get3A_1755 = arith.constant 48 : index
        %get3A_1756 = tpu.vector_load %arg20[%get3A_1754, %get3A_1755] {strides = array<i32>} : memref<128x128xf32, #tpu.memory_space<vmem>>, vector<1x16xf32>,
        %get3A_1757 = vector.shape_cast %get3A_1756 : vector<1x16xf32> to vector<16xf32>
        %get3A_1758 = arith.index_cast %add3A_1711 : i32 to index
        %get3A_1759 = arith.constant 48 : index
        %get3A_1760 = tpu.vector_load %arg23[%get3A_1758, %get3A_1759] {strides = array<i32>} : memref<128x128xf32, #tpu.memory_space<vmem>>, vector<1x16xf32>,
        %get3A_1761 = vector.shape_cast %get3A_1760 : vector<1x16xf32> to vector<16xf32>
        %add3A_1762 = arith.addf %get3A_1757, %get3A_1761 : vector<16xf32>
        %swap3A_1763 = arith.index_cast %add3A_1711 : i32 to index
        %swap3A_1764 = arith.constant 48 : index
        %swap3A_1765 = tpu.vector_load %arg20[%swap3A_1763, %swap3A_1764] {strides = array<i32>} : memref<128x128xf32, #tpu.memory_space<vmem>>, vector<1x16xf32>,
        %swap3A_1766 = vector.shape_cast %swap3A_1765 : vector<1x16xf32> to vector<16xf32>
        %swap3A_1767 = vector.shape_cast %add3A_1762 : vector<16xf32> to vector<1x16xf32>
        tpu.vector_store %arg20[%swap3A_1763, %swap3A_1764], %swap3A_1767 {strides = array<i32>} : memref<128x128xf32, #tpu.memory_space<vmem>>, vector<1x16xf32>,
        %get3A_1768 = arith.index_cast %add3A_1711 : i32 to index
        %get3A_1769 = arith.constant 64 : index
        %get3A_1770 = tpu.vector_load %arg20[%get3A_1768, %get3A_1769] {strides = array<i32>} : memref<128x128xf32, #tpu.memory_space<vmem>>, vector<1x16xf32>,
        %get3A_1771 = vector.shape_cast %get3A_1770 : vector<1x16xf32> to vector<16xf32>
        %get3A_1772 = arith.index_cast %add3A_1711 : i32 to index
        %get3A_1773 = arith.constant 64 : index
        %get3A_1774 = tpu.vector_load %arg23[%get3A_1772, %get3A_1773] {strides = array<i32>} : memref<128x128xf32, #tpu.memory_space<vmem>>, vector<1x16xf32>,
        %get3A_1775 = vector.shape_cast %get3A_1774 : vector<1x16xf32> to vector<16xf32>
        %add3A_1776 = arith.addf %get3A_1771, %get3A_1775 : vector<16xf32>
        %swap3A_1777 = arith.index_cast %add3A_1711 : i32 to index
        %swap3A_1778 = arith.constant 64 : index
        %swap3A_1779 = tpu.vector_load %arg20[%swap3A_1777, %swap3A_1778] {strides = array<i32>} : memref<128x128xf32, #tpu.memory_space<vmem>>, vector<1x16xf32>,
        %swap3A_1780 = vector.shape_cast %swap3A_1779 : vector<1x16xf32> to vector<16xf32>
        %swap3A_1781 = vector.shape_cast %add3A_1776 : vector<16xf32> to vector<1x16xf32>
        tpu.vector_store %arg20[%swap3A_1777, %swap3A_1778], %swap3A_1781 {strides = array<i32>} : memref<128x128xf32, #tpu.memory_space<vmem>>, vector<1x16xf32>,
        %get3A_1782 = arith.index_cast %add3A_1711 : i32 to index
        %get3A_1783 = arith.constant 80 : index
        %get3A_1784 = tpu.vector_load %arg20[%get3A_1782, %get3A_1783] {strides = array<i32>} : memref<128x128xf32, #tpu.memory_space<vmem>>, vector<1x16xf32>,
        %get3A_1785 = vector.shape_cast %get3A_1784 : vector<1x16xf32> to vector<16xf32>
        %get3A_1786 = arith.index_cast %add3A_1711 : i32 to index
        %get3A_1787 = arith.constant 80 : index
        %get3A_1788 = tpu.vector_load %arg23[%get3A_1786, %get3A_1787] {strides = array<i32>} : memref<128x128xf32, #tpu.memory_space<vmem>>, vector<1x16xf32>,
        %get3A_1789 = vector.shape_cast %get3A_1788 : vector<1x16xf32> to vector<16xf32>
        %add3A_1790 = arith.addf %get3A_1785, %get3A_1789 : vector<16xf32>
        %swap3A_1791 = arith.index_cast %add3A_1711 : i32 to index
        %swap3A_1792 = arith.constant 80 : index
        %swap3A_1793 = tpu.vector_load %arg20[%swap3A_1791, %swap3A_1792] {strides = array<i32>} : memref<128x128xf32, #tpu.memory_space<vmem>>, vector<1x16xf32>,
        %swap3A_1794 = vector.shape_cast %swap3A_1793 : vector<1x16xf32> to vector<16xf32>
        %swap3A_1795 = vector.shape_cast %add3A_1790 : vector<16xf32> to vector<1x16xf32>
        tpu.vector_store %arg20[%swap3A_1791, %swap3A_1792], %swap3A_1795 {strides = array<i32>} : memref<128x128xf32, #tpu.memory_space<vmem>>, vector<1x16xf32>,
        %get3A_1796 = arith.index_cast %add3A_1711 : i32 to index
        %get3A_1797 = arith.constant 96 : index
        %get3A_1798 = tpu.vector_load %arg20[%get3A_1796, %get3A_1797] {strides = array<i32>} : memref<128x128xf32, #tpu.memory_space<vmem>>, vector<1x16xf32>,
        %get3A_1799 = vector.shape_cast %get3A_1798 : vector<1x16xf32> to vector<16xf32>
        %get3A_1800 = arith.index_cast %add3A_1711 : i32 to index
        %get3A_1801 = arith.constant 96 : index
        %get3A_1802 = tpu.vector_load %arg23[%get3A_1800, %get3A_1801] {strides = array<i32>} : memref<128x128xf32, #tpu.memory_space<vmem>>, vector<1x16xf32>,
        %get3A_1803 = vector.shape_cast %get3A_1802 : vector<1x16xf32> to vector<16xf32>
        %add3A_1804 = arith.addf %get3A_1799, %get3A_1803 : vector<16xf32>
        %swap3A_1805 = arith.index_cast %add3A_1711 : i32 to index
        %swap3A_1806 = arith.constant 96 : index
        %swap3A_1807 = tpu.vector_load %arg20[%swap3A_1805, %swap3A_1806] {strides = array<i32>} : memref<128x128xf32, #tpu.memory_space<vmem>>, vector<1x16xf32>,
        %swap3A_1808 = vector.shape_cast %swap3A_1807 : vector<1x16xf32> to vector<16xf32>
        %swap3A_1809 = vector.shape_cast %add3A_1804 : vector<16xf32> to vector<1x16xf32>
        tpu.vector_store %arg20[%swap3A_1805, %swap3A_1806], %swap3A_1809 {strides = array<i32>} : memref<128x128xf32, #tpu.memory_space<vmem>>, vector<1x16xf32>,
        %get3A_1810 = arith.index_cast %add3A_1711 : i32 to index
        %get3A_1811 = arith.constant 112 : index
        %get3A_1812 = tpu.vector_load %arg20[%get3A_1810, %get3A_1811] {strides = array<i32>} : memref<128x128xf32, #tpu.memory_space<vmem>>, vector<1x16xf32>,
        %get3A_1813 = vector.shape_cast %get3A_1812 : vector<1x16xf32> to vector<16xf32>
        %get3A_1814 = arith.index_cast %add3A_1711 : i32 to index
        %get3A_1815 = arith.constant 112 : index
        %get3A_1816 = tpu.vector_load %arg23[%get3A_1814, %get3A_1815] {strides = array<i32>} : memref<128x128xf32, #tpu.memory_space<vmem>>, vector<1x16xf32>,
        %get3A_1817 = vector.shape_cast %get3A_1816 : vector<1x16xf32> to vector<16xf32>
        %add3A_1818 = arith.addf %get3A_1813, %get3A_1817 : vector<16xf32>
        %swap3A_1819 = arith.index_cast %add3A_1711 : i32 to index
        %swap3A_1820 = arith.constant 112 : index
        %swap3A_1821 = tpu.vector_load %arg20[%swap3A_1819, %swap3A_1820] {strides = array<i32>} : memref<128x128xf32, #tpu.memory_space<vmem>>, vector<1x16xf32>,
        %swap3A_1822 = vector.shape_cast %swap3A_1821 : vector<1x16xf32> to vector<16xf32>
        %swap3A_1823 = vector.shape_cast %add3A_1818 : vector<16xf32> to vector<1x16xf32>
        tpu.vector_store %arg20[%swap3A_1819, %swap3A_1820], %swap3A_1823 {strides = array<i32>} : memref<128x128xf32, #tpu.memory_space<vmem>>, vector<1x16xf32>,
      }
      %scan3A_1482 = arith.constant 128 : i32
      %dma_start3A_1483 = arith.constant 0 : i32
      %dma_start3A_1484 = tpu.memref_slice %arg7[%rem3A_1477, %dma_start3A_1483] : memref<819200x128xf32, #tpu.memory_space<hbm>> -> memref<128x128xf32, #tpu.memory_space<hbm>>
      %dma_start3A_1485 = arith.constant 0 : i32
      %dma_start3A_1486 = tpu.memref_slice %arg7[%rem3A_1477, %dma_start3A_1485] : memref<819200x128xf32, #tpu.memory_space<hbm>> -> memref<128x128xf32, #tpu.memory_space<hbm>>
      tpu.enqueue_dma source(%arg20 : memref<128x128xf32, #tpu.memory_space<vmem>>) target(%dma_start3A_1486 : memref<128x128xf32, #tpu.memory_space<hbm>>) target_semaphore(%arg38 : memref<!tpu.dma_semaphore, #tpu.memory_space<semaphore_mem>>)
      %mul3A_1487 = arith.constant 3 : i32
      %mul3A_1488 = arith.muli %mul3A_1487, %add3A_1047 : i32
      %add3A_1489 = arith.constant 2 : i32
      %add3A_1490 = arith.addi %mul3A_1488, %add3A_1489 : i32
      %add3A_1491 = arith.constant 1 : i32
      %add3A_1492 = arith.addi %add3A_1490, %add3A_1491 : i32
      %mul3A_1493 = arith.constant 128 : i32
      %mul3A_1494 = arith.muli %add3A_1492, %mul3A_1493 : i32
      %add3A_1495 = arith.addi %mul3A_2, %mul3A_1494 : i32
      %rem3A_1496 = arith.constant 819200 : i32
      %rem3A_1497 = arith.remsi %add3A_1495, %rem3A_1496 : i32
      %dma_start3A_1498 = tpu.memref_slice %arg2[%rem3A_1497] : memref<819200xi32, #tpu.memory_space<hbm>> -> memref<128xi32, #tpu.memory_space<hbm>>
      %dma_start3A_1499 = tpu.memref_slice %arg2[%rem3A_1497] : memref<819200xi32, #tpu.memory_space<hbm>> -> memref<128xi32, #tpu.memory_space<hbm>>
      tpu.enqueue_dma source(%dma_start3A_1499 : memref<128xi32, #tpu.memory_space<hbm>>) target(%arg11 : memref<128xi32, #tpu.memory_space<vmem>>) target_semaphore(%arg32 : memref<!tpu.dma_semaphore, #tpu.memory_space<semaphore_mem>>)
      %dma_start3A_1500 = tpu.memref_slice %arg3[%rem3A_1497] : memref<819200xi32, #tpu.memory_space<hbm>> -> memref<128xi32, #tpu.memory_space<hbm>>
      %dma_start3A_1501 = tpu.memref_slice %arg3[%rem3A_1497] : memref<819200xi32, #tpu.memory_space<hbm>> -> memref<128xi32, #tpu.memory_space<hbm>>
      tpu.enqueue_dma source(%dma_start3A_1501 : memref<128xi32, #tpu.memory_space<hbm>>) target(%arg14 : memref<128xi32, #tpu.memory_space<vmem>>) target_semaphore(%arg35 : memref<!tpu.dma_semaphore, #tpu.memory_space<semaphore_mem>>)
      %sub3A_1502 = arith.constant 3 : i32
      %sub3A_1503 = arith.subi %add3A_1490, %sub3A_1502 : i32
      %mul3A_1504 = arith.constant 128 : i32
      %mul3A_1505 = arith.muli %sub3A_1503, %mul3A_1504 : i32
      %add3A_1506 = arith.addi %mul3A_2, %mul3A_1505 : i32
      %rem3A_1507 = arith.constant 819200 : i32
      %rem3A_1508 = arith.remsi %add3A_1506, %rem3A_1507 : i32
      %dma_wait3A_1509 = arith.constant 0 : i32
      %dma_wait3A_1510 = tpu.memref_slice %arg7[%rem3A_1508, %dma_wait3A_1509] : memref<819200x128xf32, #tpu.memory_space<hbm>> -> memref<128x128xf32, #tpu.memory_space<hbm>>
      %dma_wait3A_1511 = arith.constant 0 : i32
      %dma_wait3A_1512 = tpu.memref_slice %arg7[%rem3A_1508, %dma_wait3A_1511] : memref<819200x128xf32, #tpu.memory_space<hbm>> -> memref<128x128xf32, #tpu.memory_space<hbm>>
      tpu.wait_dma2 semaphore(%arg40 : memref<!tpu.dma_semaphore, #tpu.memory_space<semaphore_mem>>) src(%arg22 : memref<128x128xf32, #tpu.memory_space<vmem>>) dst(%dma_wait3A_1512 : memref<128x128xf32, #tpu.memory_space<hbm>>)
      %mul3A_1513 = arith.constant 128 : i32
      %mul3A_1514 = arith.muli %add3A_1490, %mul3A_1513 : i32
      %add3A_1515 = arith.addi %mul3A_2, %mul3A_1514 : i32
      %rem3A_1516 = arith.constant 819200 : i32
      %rem3A_1517 = arith.remsi %add3A_1515, %rem3A_1516 : i32
      %dma_wait3A_1518 = tpu.memref_slice %arg2[%rem3A_1517] : memref<819200xi32, #tpu.memory_space<hbm>> -> memref<128xi32, #tpu.memory_space<hbm>>
      %dma_wait3A_1519 = tpu.memref_slice %arg2[%rem3A_1517] : memref<819200xi32, #tpu.memory_space<hbm>> -> memref<128xi32, #tpu.memory_space<hbm>>
      tpu.wait_dma2 semaphore(%arg34 : memref<!tpu.dma_semaphore, #tpu.memory_space<semaphore_mem>>) src(%dma_wait3A_1519 : memref<128xi32, #tpu.memory_space<hbm>>) dst(%arg13 : memref<128xi32, #tpu.memory_space<vmem>>)
      %dma_wait3A_1520 = tpu.memref_slice %arg3[%rem3A_1517] : memref<819200xi32, #tpu.memory_space<hbm>> -> memref<128xi32, #tpu.memory_space<hbm>>
      %dma_wait3A_1521 = tpu.memref_slice %arg3[%rem3A_1517] : memref<819200xi32, #tpu.memory_space<hbm>> -> memref<128xi32, #tpu.memory_space<hbm>>
      tpu.wait_dma2 semaphore(%arg37 : memref<!tpu.dma_semaphore, #tpu.memory_space<semaphore_mem>>) src(%dma_wait3A_1521 : memref<128xi32, #tpu.memory_space<hbm>>) dst(%arg16 : memref<128xi32, #tpu.memory_space<vmem>>)
      %mul3A_1522 = arith.constant 128 : i32
      %mul3A_1523 = arith.muli %add3A_1490, %mul3A_1522 : i32
      %add3A_1524 = arith.addi %mul3A_2, %mul3A_1523 : i32
      %rem3A_1525 = arith.constant 819200 : i32
      %rem3A_1526 = arith.remsi %add3A_1524, %rem3A_1525 : i32
      %dma_start3A_1527 = arith.constant 0 : i32
      %dma_start3A_1528 = arith.constant 0 : i32
      %dma_start3A_1529 = tpu.memref_slice %arg4[%dma_start3A_1527, %dma_start3A_1528] : memref<100000x128xf32, #tpu.memory_space<hbm>> -> memref<100000x128xf32, #tpu.memory_space<hbm>>
      tpu.enqueue_indirect_dma source(%dma_start3A_1529 : memref<100000x128xf32, #tpu.memory_space<hbm>>) target(%arg22 : memref<128x128xf32, #tpu.memory_space<vmem>>) offsets(%arg13 : memref<128xi32, #tpu.memory_space<vmem>>) semaphore(%arg28 : memref<!tpu.dma_semaphore, #tpu.memory_space<semaphore_mem>>)
      %add3A_1530 = arith.constant 0 : i32
      %add3A_1531 = arith.addi %rem3A_1526, %add3A_1530 : i32
      %broadcast_in_dim3A_1532 = vector.broadcast %add3A_1531 : i32 to vector<16xi32>
      %iota3A_1533 = tpu.iota {dimensions = array<i32: 0>} : vector<16xi32>
      %add3A_1534 = arith.addi %broadcast_in_dim3A_1532, %iota3A_1533 : vector<16xi32>
      %rem3A_1535 = arith.constant 200 : i32
      %rem3A_1536 = vector.broadcast %rem3A_1535 : i32 to vector<16xi32>
      %rem3A_1537 = arith.remsi %add3A_1534, %rem3A_1536 : vector<16xi32>
      %get3A_1538 = arith.constant 0 : index
      %get3A_1539 = tpu.vector_load %arg16[%get3A_1538] {strides = array<i32>} : memref<128xi32, #tpu.memory_space<vmem>>, vector<16xi32>,
      %get3A_1540 = vector.shape_cast %get3A_1539 : vector<16xi32> to vector<16xi32>
      %mul3A_1541 = arith.constant 200 : i32
      %mul3A_1542 = vector.broadcast %mul3A_1541 : i32 to vector<16xi32>
      %mul3A_1543 = arith.muli %get3A_1540, %mul3A_1542 : vector<16xi32>
      %add3A_1544 = arith.addi %mul3A_1543, %rem3A_1537 : vector<16xi32>
      %swap3A_1545 = arith.constant 0 : index
      %swap3A_1546 = tpu.vector_load %arg19[%swap3A_1545] {strides = array<i32>} : memref<128xi32, #tpu.memory_space<vmem>>, vector<16xi32>,
      %swap3A_1547 = vector.shape_cast %swap3A_1546 : vector<16xi32> to vector<16xi32>
      %swap3A_1548 = vector.shape_cast %add3A_1544 : vector<16xi32> to vector<16xi32>
      tpu.vector_store %arg19[%swap3A_1545], %swap3A_1548 {strides = array<i32>} : memref<128xi32, #tpu.memory_space<vmem>>, vector<16xi32>,
      %add3A_1549 = arith.constant 16 : i32
      %add3A_1550 = arith.addi %rem3A_1526, %add3A_1549 : i32
      %broadcast_in_dim3A_1551 = vector.broadcast %add3A_1550 : i32 to vector<16xi32>
      %iota3A_1552 = tpu.iota {dimensions = array<i32: 0>} : vector<16xi32>
      %add3A_1553 = arith.addi %broadcast_in_dim3A_1551, %iota3A_1552 : vector<16xi32>
      %rem3A_1554 = arith.constant 200 : i32
      %rem3A_1555 = vector.broadcast %rem3A_1554 : i32 to vector<16xi32>
      %rem3A_1556 = arith.remsi %add3A_1553, %rem3A_1555 : vector<16xi32>
      %get3A_1557 = arith.constant 16 : index
      %get3A_1558 = tpu.vector_load %arg16[%get3A_1557] {strides = array<i32>} : memref<128xi32, #tpu.memory_space<vmem>>, vector<16xi32>,
      %get3A_1559 = vector.shape_cast %get3A_1558 : vector<16xi32> to vector<16xi32>
      %mul3A_1560 = arith.constant 200 : i32
      %mul3A_1561 = vector.broadcast %mul3A_1560 : i32 to vector<16xi32>
      %mul3A_1562 = arith.muli %get3A_1559, %mul3A_1561 : vector<16xi32>
      %add3A_1563 = arith.addi %mul3A_1562, %rem3A_1556 : vector<16xi32>
      %swap3A_1564 = arith.constant 16 : index
      %swap3A_1565 = tpu.vector_load %arg19[%swap3A_1564] {strides = array<i32>} : memref<128xi32, #tpu.memory_space<vmem>>, vector<16xi32>,
      %swap3A_1566 = vector.shape_cast %swap3A_1565 : vector<16xi32> to vector<16xi32>
      %swap3A_1567 = vector.shape_cast %add3A_1563 : vector<16xi32> to vector<16xi32>
      tpu.vector_store %arg19[%swap3A_1564], %swap3A_1567 {strides = array<i32>} : memref<128xi32, #tpu.memory_space<vmem>>, vector<16xi32>,
      %add3A_1568 = arith.constant 32 : i32
      %add3A_1569 = arith.addi %rem3A_1526, %add3A_1568 : i32
      %broadcast_in_dim3A_1570 = vector.broadcast %add3A_1569 : i32 to vector<16xi32>
      %iota3A_1571 = tpu.iota {dimensions = array<i32: 0>} : vector<16xi32>
      %add3A_1572 = arith.addi %broadcast_in_dim3A_1570, %iota3A_1571 : vector<16xi32>
      %rem3A_1573 = arith.constant 200 : i32
      %rem3A_1574 = vector.broadcast %rem3A_1573 : i32 to vector<16xi32>
      %rem3A_1575 = arith.remsi %add3A_1572, %rem3A_1574 : vector<16xi32>
      %get3A_1576 = arith.constant 32 : index
      %get3A_1577 = tpu.vector_load %arg16[%get3A_1576] {strides = array<i32>} : memref<128xi32, #tpu.memory_space<vmem>>, vector<16xi32>,
      %get3A_1578 = vector.shape_cast %get3A_1577 : vector<16xi32> to vector<16xi32>
      %mul3A_1579 = arith.constant 200 : i32
      %mul3A_1580 = vector.broadcast %mul3A_1579 : i32 to vector<16xi32>
      %mul3A_1581 = arith.muli %get3A_1578, %mul3A_1580 : vector<16xi32>
      %add3A_1582 = arith.addi %mul3A_1581, %rem3A_1575 : vector<16xi32>
      %swap3A_1583 = arith.constant 32 : index
      %swap3A_1584 = tpu.vector_load %arg19[%swap3A_1583] {strides = array<i32>} : memref<128xi32, #tpu.memory_space<vmem>>, vector<16xi32>,
      %swap3A_1585 = vector.shape_cast %swap3A_1584 : vector<16xi32> to vector<16xi32>
      %swap3A_1586 = vector.shape_cast %add3A_1582 : vector<16xi32> to vector<16xi32>
      tpu.vector_store %arg19[%swap3A_1583], %swap3A_1586 {strides = array<i32>} : memref<128xi32, #tpu.memory_space<vmem>>, vector<16xi32>,
      %add3A_1587 = arith.constant 48 : i32
      %add3A_1588 = arith.addi %rem3A_1526, %add3A_1587 : i32
      %broadcast_in_dim3A_1589 = vector.broadcast %add3A_1588 : i32 to vector<16xi32>
      %iota3A_1590 = tpu.iota {dimensions = array<i32: 0>} : vector<16xi32>
      %add3A_1591 = arith.addi %broadcast_in_dim3A_1589, %iota3A_1590 : vector<16xi32>
      %rem3A_1592 = arith.constant 200 : i32
      %rem3A_1593 = vector.broadcast %rem3A_1592 : i32 to vector<16xi32>
      %rem3A_1594 = arith.remsi %add3A_1591, %rem3A_1593 : vector<16xi32>
      %get3A_1595 = arith.constant 48 : index
      %get3A_1596 = tpu.vector_load %arg16[%get3A_1595] {strides = array<i32>} : memref<128xi32, #tpu.memory_space<vmem>>, vector<16xi32>,
      %get3A_1597 = vector.shape_cast %get3A_1596 : vector<16xi32> to vector<16xi32>
      %mul3A_1598 = arith.constant 200 : i32
      %mul3A_1599 = vector.broadcast %mul3A_1598 : i32 to vector<16xi32>
      %mul3A_1600 = arith.muli %get3A_1597, %mul3A_1599 : vector<16xi32>
      %add3A_1601 = arith.addi %mul3A_1600, %rem3A_1594 : vector<16xi32>
      %swap3A_1602 = arith.constant 48 : index
      %swap3A_1603 = tpu.vector_load %arg19[%swap3A_1602] {strides = array<i32>} : memref<128xi32, #tpu.memory_space<vmem>>, vector<16xi32>,
      %swap3A_1604 = vector.shape_cast %swap3A_1603 : vector<16xi32> to vector<16xi32>
      %swap3A_1605 = vector.shape_cast %add3A_1601 : vector<16xi32> to vector<16xi32>
      tpu.vector_store %arg19[%swap3A_1602], %swap3A_1605 {strides = array<i32>} : memref<128xi32, #tpu.memory_space<vmem>>, vector<16xi32>,
      %add3A_1606 = arith.constant 64 : i32
      %add3A_1607 = arith.addi %rem3A_1526, %add3A_1606 : i32
      %broadcast_in_dim3A_1608 = vector.broadcast %add3A_1607 : i32 to vector<16xi32>
      %iota3A_1609 = tpu.iota {dimensions = array<i32: 0>} : vector<16xi32>
      %add3A_1610 = arith.addi %broadcast_in_dim3A_1608, %iota3A_1609 : vector<16xi32>
      %rem3A_1611 = arith.constant 200 : i32
      %rem3A_1612 = vector.broadcast %rem3A_1611 : i32 to vector<16xi32>
      %rem3A_1613 = arith.remsi %add3A_1610, %rem3A_1612 : vector<16xi32>
      %get3A_1614 = arith.constant 64 : index
      %get3A_1615 = tpu.vector_load %arg16[%get3A_1614] {strides = array<i32>} : memref<128xi32, #tpu.memory_space<vmem>>, vector<16xi32>,
      %get3A_1616 = vector.shape_cast %get3A_1615 : vector<16xi32> to vector<16xi32>
      %mul3A_1617 = arith.constant 200 : i32
      %mul3A_1618 = vector.broadcast %mul3A_1617 : i32 to vector<16xi32>
      %mul3A_1619 = arith.muli %get3A_1616, %mul3A_1618 : vector<16xi32>
      %add3A_1620 = arith.addi %mul3A_1619, %rem3A_1613 : vector<16xi32>
      %swap3A_1621 = arith.constant 64 : index
      %swap3A_1622 = tpu.vector_load %arg19[%swap3A_1621] {strides = array<i32>} : memref<128xi32, #tpu.memory_space<vmem>>, vector<16xi32>,
      %swap3A_1623 = vector.shape_cast %swap3A_1622 : vector<16xi32> to vector<16xi32>
      %swap3A_1624 = vector.shape_cast %add3A_1620 : vector<16xi32> to vector<16xi32>
      tpu.vector_store %arg19[%swap3A_1621], %swap3A_1624 {strides = array<i32>} : memref<128xi32, #tpu.memory_space<vmem>>, vector<16xi32>,
      %add3A_1625 = arith.constant 80 : i32
      %add3A_1626 = arith.addi %rem3A_1526, %add3A_1625 : i32
      %broadcast_in_dim3A_1627 = vector.broadcast %add3A_1626 : i32 to vector<16xi32>
      %iota3A_1628 = tpu.iota {dimensions = array<i32: 0>} : vector<16xi32>
      %add3A_1629 = arith.addi %broadcast_in_dim3A_1627, %iota3A_1628 : vector<16xi32>
      %rem3A_1630 = arith.constant 200 : i32
      %rem3A_1631 = vector.broadcast %rem3A_1630 : i32 to vector<16xi32>
      %rem3A_1632 = arith.remsi %add3A_1629, %rem3A_1631 : vector<16xi32>
      %get3A_1633 = arith.constant 80 : index
      %get3A_1634 = tpu.vector_load %arg16[%get3A_1633] {strides = array<i32>} : memref<128xi32, #tpu.memory_space<vmem>>, vector<16xi32>,
      %get3A_1635 = vector.shape_cast %get3A_1634 : vector<16xi32> to vector<16xi32>
      %mul3A_1636 = arith.constant 200 : i32
      %mul3A_1637 = vector.broadcast %mul3A_1636 : i32 to vector<16xi32>
      %mul3A_1638 = arith.muli %get3A_1635, %mul3A_1637 : vector<16xi32>
      %add3A_1639 = arith.addi %mul3A_1638, %rem3A_1632 : vector<16xi32>
      %swap3A_1640 = arith.constant 80 : index
      %swap3A_1641 = tpu.vector_load %arg19[%swap3A_1640] {strides = array<i32>} : memref<128xi32, #tpu.memory_space<vmem>>, vector<16xi32>,
      %swap3A_1642 = vector.shape_cast %swap3A_1641 : vector<16xi32> to vector<16xi32>
      %swap3A_1643 = vector.shape_cast %add3A_1639 : vector<16xi32> to vector<16xi32>
      tpu.vector_store %arg19[%swap3A_1640], %swap3A_1643 {strides = array<i32>} : memref<128xi32, #tpu.memory_space<vmem>>, vector<16xi32>,
      %add3A_1644 = arith.constant 96 : i32
      %add3A_1645 = arith.addi %rem3A_1526, %add3A_1644 : i32
      %broadcast_in_dim3A_1646 = vector.broadcast %add3A_1645 : i32 to vector<16xi32>
      %iota3A_1647 = tpu.iota {dimensions = array<i32: 0>} : vector<16xi32>
      %add3A_1648 = arith.addi %broadcast_in_dim3A_1646, %iota3A_1647 : vector<16xi32>
      %rem3A_1649 = arith.constant 200 : i32
      %rem3A_1650 = vector.broadcast %rem3A_1649 : i32 to vector<16xi32>
      %rem3A_1651 = arith.remsi %add3A_1648, %rem3A_1650 : vector<16xi32>
      %get3A_1652 = arith.constant 96 : index
      %get3A_1653 = tpu.vector_load %arg16[%get3A_1652] {strides = array<i32>} : memref<128xi32, #tpu.memory_space<vmem>>, vector<16xi32>,
      %get3A_1654 = vector.shape_cast %get3A_1653 : vector<16xi32> to vector<16xi32>
      %mul3A_1655 = arith.constant 200 : i32
      %mul3A_1656 = vector.broadcast %mul3A_1655 : i32 to vector<16xi32>
      %mul3A_1657 = arith.muli %get3A_1654, %mul3A_1656 : vector<16xi32>
      %add3A_1658 = arith.addi %mul3A_1657, %rem3A_1651 : vector<16xi32>
      %swap3A_1659 = arith.constant 96 : index
      %swap3A_1660 = tpu.vector_load %arg19[%swap3A_1659] {strides = array<i32>} : memref<128xi32, #tpu.memory_space<vmem>>, vector<16xi32>,
      %swap3A_1661 = vector.shape_cast %swap3A_1660 : vector<16xi32> to vector<16xi32>
      %swap3A_1662 = vector.shape_cast %add3A_1658 : vector<16xi32> to vector<16xi32>
      tpu.vector_store %arg19[%swap3A_1659], %swap3A_1662 {strides = array<i32>} : memref<128xi32, #tpu.memory_space<vmem>>, vector<16xi32>,
      %add3A_1663 = arith.constant 112 : i32
      %add3A_1664 = arith.addi %rem3A_1526, %add3A_1663 : i32
      %broadcast_in_dim3A_1665 = vector.broadcast %add3A_1664 : i32 to vector<16xi32>
      %iota3A_1666 = tpu.iota {dimensions = array<i32: 0>} : vector<16xi32>
      %add3A_1667 = arith.addi %broadcast_in_dim3A_1665, %iota3A_1666 : vector<16xi32>
      %rem3A_1668 = arith.constant 200 : i32
      %rem3A_1669 = vector.broadcast %rem3A_1668 : i32 to vector<16xi32>
      %rem3A_1670 = arith.remsi %add3A_1667, %rem3A_1669 : vector<16xi32>
      %get3A_1671 = arith.constant 112 : index
      %get3A_1672 = tpu.vector_load %arg16[%get3A_1671] {strides = array<i32>} : memref<128xi32, #tpu.memory_space<vmem>>, vector<16xi32>,
      %get3A_1673 = vector.shape_cast %get3A_1672 : vector<16xi32> to vector<16xi32>
      %mul3A_1674 = arith.constant 200 : i32
      %mul3A_1675 = vector.broadcast %mul3A_1674 : i32 to vector<16xi32>
      %mul3A_1676 = arith.muli %get3A_1673, %mul3A_1675 : vector<16xi32>
      %add3A_1677 = arith.addi %mul3A_1676, %rem3A_1670 : vector<16xi32>
      %swap3A_1678 = arith.constant 112 : index
      %swap3A_1679 = tpu.vector_load %arg19[%swap3A_1678] {strides = array<i32>} : memref<128xi32, #tpu.memory_space<vmem>>, vector<16xi32>,
      %swap3A_1680 = vector.shape_cast %swap3A_1679 : vector<16xi32> to vector<16xi32>
      %swap3A_1681 = vector.shape_cast %add3A_1677 : vector<16xi32> to vector<16xi32>
      tpu.vector_store %arg19[%swap3A_1678], %swap3A_1681 {strides = array<i32>} : memref<128xi32, #tpu.memory_space<vmem>>, vector<16xi32>,
      %dma_start3A_1682 = arith.constant 0 : i32
      %dma_start3A_1683 = arith.constant 0 : i32
      %dma_start3A_1684 = tpu.memref_slice %arg8[%dma_start3A_1682, %dma_start3A_1683] : memref<400x128xf32, #tpu.memory_space<vmem_shared>> -> memref<400x128xf32, #tpu.memory_space<vmem_shared>>
      tpu.enqueue_indirect_dma source(%dma_start3A_1684 : memref<400x128xf32, #tpu.memory_space<vmem_shared>>) target(%arg25 : memref<128x128xf32, #tpu.memory_space<vmem>>) offsets(%arg19 : memref<128xi32, #tpu.memory_space<vmem>>) semaphore(%arg31 : memref<!tpu.dma_semaphore, #tpu.memory_space<semaphore_mem>>)
      %dma_wait3A_1685 = arith.constant 0 : i32
      %dma_wait3A_1686 = arith.constant 0 : i32
      %dma_wait3A_1687 = tpu.memref_slice %arg4[%dma_wait3A_1685, %dma_wait3A_1686] : memref<100000x128xf32, #tpu.memory_space<hbm>> -> memref<100000x128xf32, #tpu.memory_space<hbm>>
      tpu.wait_indirect_dma semaphore(%arg27 : memref<!tpu.dma_semaphore, #tpu.memory_space<semaphore_mem>>) src(%dma_wait3A_1687 : memref<100000x128xf32, #tpu.memory_space<hbm>>) dst(%arg21 : memref<128x128xf32, #tpu.memory_space<vmem>>)
      %dma_wait3A_1688 = arith.constant 0 : i32
      %dma_wait3A_1689 = arith.constant 0 : i32
      %dma_wait3A_1690 = tpu.memref_slice %arg8[%dma_wait3A_1688, %dma_wait3A_1689] : memref<400x128xf32, #tpu.memory_space<vmem_shared>> -> memref<400x128xf32, #tpu.memory_space<vmem_shared>>
      tpu.wait_indirect_dma semaphore(%arg30 : memref<!tpu.dma_semaphore, #tpu.memory_space<semaphore_mem>>) src(%dma_wait3A_1690 : memref<400x128xf32, #tpu.memory_space<vmem_shared>>) dst(%arg24 : memref<128x128xf32, #tpu.memory_space<vmem>>)
      %sub3A_1691 = arith.constant 1 : i32
      %sub3A_1692 = arith.subi %add3A_1490, %sub3A_1691 : i32
      %mul3A_1693 = arith.constant 128 : i32
      %mul3A_1694 = arith.muli %sub3A_1692, %mul3A_1693 : i32
      %add3A_1695 = arith.addi %mul3A_2, %mul3A_1694 : i32
      %rem3A_1696 = arith.constant 819200 : i32
      %rem3A_1697 = arith.remsi %add3A_1695, %rem3A_1696 : i32
      %scan3A_1698 = arith.constant 0 : i32
      %scan3A_1699 = arith.constant 128 : i32
      %scan3A_1700 = arith.addi %scan3A_1698, %scan3A_1699 : i32
      %scan3A_1701 = arith.constant 1 : i32
      scf.for %scan3A_1707 = %scan3A_1698 to %scan3A_1700 step %scan3A_1701  : i32 {
        %mul3A_1708 = arith.constant 1 : i32
        %mul3A_1709 = arith.muli %scan3A_1707, %mul3A_1708 : i32
        %add3A_1710 = arith.constant 0 : i32
        %add3A_1711 = arith.addi %add3A_1710, %mul3A_1709 : i32
        %get3A_1712 = arith.index_cast %add3A_1711 : i32 to index
        %get3A_1713 = arith.constant 0 : index
        %get3A_1714 = tpu.vector_load %arg21[%get3A_1712, %get3A_1713] {strides = array<i32>} : memref<128x128xf32, #tpu.memory_space<vmem>>, vector<1x16xf32>,
        %get3A_1715 = vector.shape_cast %get3A_1714 : vector<1x16xf32> to vector<16xf32>
        %get3A_1716 = arith.index_cast %add3A_1711 : i32 to index
        %get3A_1717 = arith.constant 0 : index
        %get3A_1718 = tpu.vector_load %arg24[%get3A_1716, %get3A_1717] {strides = array<i32>} : memref<128x128xf32, #tpu.memory_space<vmem>>, vector<1x16xf32>,
        %get3A_1719 = vector.shape_cast %get3A_1718 : vector<1x16xf32> to vector<16xf32>
        %add3A_1720 = arith.addf %get3A_1715, %get3A_1719 : vector<16xf32>
        %swap3A_1721 = arith.index_cast %add3A_1711 : i32 to index
        %swap3A_1722 = arith.constant 0 : index
        %swap3A_1723 = tpu.vector_load %arg21[%swap3A_1721, %swap3A_1722] {strides = array<i32>} : memref<128x128xf32, #tpu.memory_space<vmem>>, vector<1x16xf32>,
        %swap3A_1724 = vector.shape_cast %swap3A_1723 : vector<1x16xf32> to vector<16xf32>
        %swap3A_1725 = vector.shape_cast %add3A_1720 : vector<16xf32> to vector<1x16xf32>
        tpu.vector_store %arg21[%swap3A_1721, %swap3A_1722], %swap3A_1725 {strides = array<i32>} : memref<128x128xf32, #tpu.memory_space<vmem>>, vector<1x16xf32>,
        %get3A_1726 = arith.index_cast %add3A_1711 : i32 to index
        %get3A_1727 = arith.constant 16 : index
        %get3A_1728 = tpu.vector_load %arg21[%get3A_1726, %get3A_1727] {strides = array<i32>} : memref<128x128xf32, #tpu.memory_space<vmem>>, vector<1x16xf32>,
        %get3A_1729 = vector.shape_cast %get3A_1728 : vector<1x16xf32> to vector<16xf32>
        %get3A_1730 = arith.index_cast %add3A_1711 : i32 to index
        %get3A_1731 = arith.constant 16 : index
        %get3A_1732 = tpu.vector_load %arg24[%get3A_1730, %get3A_1731] {strides = array<i32>} : memref<128x128xf32, #tpu.memory_space<vmem>>, vector<1x16xf32>,
        %get3A_1733 = vector.shape_cast %get3A_1732 : vector<1x16xf32> to vector<16xf32>
        %add3A_1734 = arith.addf %get3A_1729, %get3A_1733 : vector<16xf32>
        %swap3A_1735 = arith.index_cast %add3A_1711 : i32 to index
        %swap3A_1736 = arith.constant 16 : index
        %swap3A_1737 = tpu.vector_load %arg21[%swap3A_1735, %swap3A_1736] {strides = array<i32>} : memref<128x128xf32, #tpu.memory_space<vmem>>, vector<1x16xf32>,
        %swap3A_1738 = vector.shape_cast %swap3A_1737 : vector<1x16xf32> to vector<16xf32>
        %swap3A_1739 = vector.shape_cast %add3A_1734 : vector<16xf32> to vector<1x16xf32>
        tpu.vector_store %arg21[%swap3A_1735, %swap3A_1736], %swap3A_1739 {strides = array<i32>} : memref<128x128xf32, #tpu.memory_space<vmem>>, vector<1x16xf32>,
        %get3A_1740 = arith.index_cast %add3A_1711 : i32 to index
        %get3A_1741 = arith.constant 32 : index
        %get3A_1742 = tpu.vector_load %arg21[%get3A_1740, %get3A_1741] {strides = array<i32>} : memref<128x128xf32, #tpu.memory_space<vmem>>, vector<1x16xf32>,
        %get3A_1743 = vector.shape_cast %get3A_1742 : vector<1x16xf32> to vector<16xf32>
        %get3A_1744 = arith.index_cast %add3A_1711 : i32 to index
        %get3A_1745 = arith.constant 32 : index
        %get3A_1746 = tpu.vector_load %arg24[%get3A_1744, %get3A_1745] {strides = array<i32>} : memref<128x128xf32, #tpu.memory_space<vmem>>, vector<1x16xf32>,
        %get3A_1747 = vector.shape_cast %get3A_1746 : vector<1x16xf32> to vector<16xf32>
        %add3A_1748 = arith.addf %get3A_1743, %get3A_1747 : vector<16xf32>
        %swap3A_1749 = arith.index_cast %add3A_1711 : i32 to index
        %swap3A_1750 = arith.constant 32 : index
        %swap3A_1751 = tpu.vector_load %arg21[%swap3A_1749, %swap3A_1750] {strides = array<i32>} : memref<128x128xf32, #tpu.memory_space<vmem>>, vector<1x16xf32>,
        %swap3A_1752 = vector.shape_cast %swap3A_1751 : vector<1x16xf32> to vector<16xf32>
        %swap3A_1753 = vector.shape_cast %add3A_1748 : vector<16xf32> to vector<1x16xf32>
        tpu.vector_store %arg21[%swap3A_1749, %swap3A_1750], %swap3A_1753 {strides = array<i32>} : memref<128x128xf32, #tpu.memory_space<vmem>>, vector<1x16xf32>,
        %get3A_1754 = arith.index_cast %add3A_1711 : i32 to index
        %get3A_1755 = arith.constant 48 : index
        %get3A_1756 = tpu.vector_load %arg21[%get3A_1754, %get3A_1755] {strides = array<i32>} : memref<128x128xf32, #tpu.memory_space<vmem>>, vector<1x16xf32>,
        %get3A_1757 = vector.shape_cast %get3A_1756 : vector<1x16xf32> to vector<16xf32>
        %get3A_1758 = arith.index_cast %add3A_1711 : i32 to index
        %get3A_1759 = arith.constant 48 : index
        %get3A_1760 = tpu.vector_load %arg24[%get3A_1758, %get3A_1759] {strides = array<i32>} : memref<128x128xf32, #tpu.memory_space<vmem>>, vector<1x16xf32>,
        %get3A_1761 = vector.shape_cast %get3A_1760 : vector<1x16xf32> to vector<16xf32>
        %add3A_1762 = arith.addf %get3A_1757, %get3A_1761 : vector<16xf32>
        %swap3A_1763 = arith.index_cast %add3A_1711 : i32 to index
        %swap3A_1764 = arith.constant 48 : index
        %swap3A_1765 = tpu.vector_load %arg21[%swap3A_1763, %swap3A_1764] {strides = array<i32>} : memref<128x128xf32, #tpu.memory_space<vmem>>, vector<1x16xf32>,
        %swap3A_1766 = vector.shape_cast %swap3A_1765 : vector<1x16xf32> to vector<16xf32>
        %swap3A_1767 = vector.shape_cast %add3A_1762 : vector<16xf32> to vector<1x16xf32>
        tpu.vector_store %arg21[%swap3A_1763, %swap3A_1764], %swap3A_1767 {strides = array<i32>} : memref<128x128xf32, #tpu.memory_space<vmem>>, vector<1x16xf32>,
        %get3A_1768 = arith.index_cast %add3A_1711 : i32 to index
        %get3A_1769 = arith.constant 64 : index
        %get3A_1770 = tpu.vector_load %arg21[%get3A_1768, %get3A_1769] {strides = array<i32>} : memref<128x128xf32, #tpu.memory_space<vmem>>, vector<1x16xf32>,
        %get3A_1771 = vector.shape_cast %get3A_1770 : vector<1x16xf32> to vector<16xf32>
        %get3A_1772 = arith.index_cast %add3A_1711 : i32 to index
        %get3A_1773 = arith.constant 64 : index
        %get3A_1774 = tpu.vector_load %arg24[%get3A_1772, %get3A_1773] {strides = array<i32>} : memref<128x128xf32, #tpu.memory_space<vmem>>, vector<1x16xf32>,
        %get3A_1775 = vector.shape_cast %get3A_1774 : vector<1x16xf32> to vector<16xf32>
        %add3A_1776 = arith.addf %get3A_1771, %get3A_1775 : vector<16xf32>
        %swap3A_1777 = arith.index_cast %add3A_1711 : i32 to index
        %swap3A_1778 = arith.constant 64 : index
        %swap3A_1779 = tpu.vector_load %arg21[%swap3A_1777, %swap3A_1778] {strides = array<i32>} : memref<128x128xf32, #tpu.memory_space<vmem>>, vector<1x16xf32>,
        %swap3A_1780 = vector.shape_cast %swap3A_1779 : vector<1x16xf32> to vector<16xf32>
        %swap3A_1781 = vector.shape_cast %add3A_1776 : vector<16xf32> to vector<1x16xf32>
        tpu.vector_store %arg21[%swap3A_1777, %swap3A_1778], %swap3A_1781 {strides = array<i32>} : memref<128x128xf32, #tpu.memory_space<vmem>>, vector<1x16xf32>,
        %get3A_1782 = arith.index_cast %add3A_1711 : i32 to index
        %get3A_1783 = arith.constant 80 : index
        %get3A_1784 = tpu.vector_load %arg21[%get3A_1782, %get3A_1783] {strides = array<i32>} : memref<128x128xf32, #tpu.memory_space<vmem>>, vector<1x16xf32>,
        %get3A_1785 = vector.shape_cast %get3A_1784 : vector<1x16xf32> to vector<16xf32>
        %get3A_1786 = arith.index_cast %add3A_1711 : i32 to index
        %get3A_1787 = arith.constant 80 : index
        %get3A_1788 = tpu.vector_load %arg24[%get3A_1786, %get3A_1787] {strides = array<i32>} : memref<128x128xf32, #tpu.memory_space<vmem>>, vector<1x16xf32>,
        %get3A_1789 = vector.shape_cast %get3A_1788 : vector<1x16xf32> to vector<16xf32>
        %add3A_1790 = arith.addf %get3A_1785, %get3A_1789 : vector<16xf32>
        %swap3A_1791 = arith.index_cast %add3A_1711 : i32 to index
        %swap3A_1792 = arith.constant 80 : index
        %swap3A_1793 = tpu.vector_load %arg21[%swap3A_1791, %swap3A_1792] {strides = array<i32>} : memref<128x128xf32, #tpu.memory_space<vmem>>, vector<1x16xf32>,
        %swap3A_1794 = vector.shape_cast %swap3A_1793 : vector<1x16xf32> to vector<16xf32>
        %swap3A_1795 = vector.shape_cast %add3A_1790 : vector<16xf32> to vector<1x16xf32>
        tpu.vector_store %arg21[%swap3A_1791, %swap3A_1792], %swap3A_1795 {strides = array<i32>} : memref<128x128xf32, #tpu.memory_space<vmem>>, vector<1x16xf32>,
        %get3A_1796 = arith.index_cast %add3A_1711 : i32 to index
        %get3A_1797 = arith.constant 96 : index
        %get3A_1798 = tpu.vector_load %arg21[%get3A_1796, %get3A_1797] {strides = array<i32>} : memref<128x128xf32, #tpu.memory_space<vmem>>, vector<1x16xf32>,
        %get3A_1799 = vector.shape_cast %get3A_1798 : vector<1x16xf32> to vector<16xf32>
        %get3A_1800 = arith.index_cast %add3A_1711 : i32 to index
        %get3A_1801 = arith.constant 96 : index
        %get3A_1802 = tpu.vector_load %arg24[%get3A_1800, %get3A_1801] {strides = array<i32>} : memref<128x128xf32, #tpu.memory_space<vmem>>, vector<1x16xf32>,
        %get3A_1803 = vector.shape_cast %get3A_1802 : vector<1x16xf32> to vector<16xf32>
        %add3A_1804 = arith.addf %get3A_1799, %get3A_1803 : vector<16xf32>
        %swap3A_1805 = arith.index_cast %add3A_1711 : i32 to index
        %swap3A_1806 = arith.constant 96 : index
        %swap3A_1807 = tpu.vector_load %arg21[%swap3A_1805, %swap3A_1806] {strides = array<i32>} : memref<128x128xf32, #tpu.memory_space<vmem>>, vector<1x16xf32>,
        %swap3A_1808 = vector.shape_cast %swap3A_1807 : vector<1x16xf32> to vector<16xf32>
        %swap3A_1809 = vector.shape_cast %add3A_1804 : vector<16xf32> to vector<1x16xf32>
        tpu.vector_store %arg21[%swap3A_1805, %swap3A_1806], %swap3A_1809 {strides = array<i32>} : memref<128x128xf32, #tpu.memory_space<vmem>>, vector<1x16xf32>,
        %get3A_1810 = arith.index_cast %add3A_1711 : i32 to index
        %get3A_1811 = arith.constant 112 : index
        %get3A_1812 = tpu.vector_load %arg21[%get3A_1810, %get3A_1811] {strides = array<i32>} : memref<128x128xf32, #tpu.memory_space<vmem>>, vector<1x16xf32>,
        %get3A_1813 = vector.shape_cast %get3A_1812 : vector<1x16xf32> to vector<16xf32>
        %get3A_1814 = arith.index_cast %add3A_1711 : i32 to index
        %get3A_1815 = arith.constant 112 : index
        %get3A_1816 = tpu.vector_load %arg24[%get3A_1814, %get3A_1815] {strides = array<i32>} : memref<128x128xf32, #tpu.memory_space<vmem>>, vector<1x16xf32>,
        %get3A_1817 = vector.shape_cast %get3A_1816 : vector<1x16xf32> to vector<16xf32>
        %add3A_1818 = arith.addf %get3A_1813, %get3A_1817 : vector<16xf32>
        %swap3A_1819 = arith.index_cast %add3A_1711 : i32 to index
        %swap3A_1820 = arith.constant 112 : index
        %swap3A_1821 = tpu.vector_load %arg21[%swap3A_1819, %swap3A_1820] {strides = array<i32>} : memref<128x128xf32, #tpu.memory_space<vmem>>, vector<1x16xf32>,
        %swap3A_1822 = vector.shape_cast %swap3A_1821 : vector<1x16xf32> to vector<16xf32>
        %swap3A_1823 = vector.shape_cast %add3A_1818 : vector<16xf32> to vector<1x16xf32>
        tpu.vector_store %arg21[%swap3A_1819, %swap3A_1820], %swap3A_1823 {strides = array<i32>} : memref<128x128xf32, #tpu.memory_space<vmem>>, vector<1x16xf32>,
      }
      %scan3A_1702 = arith.constant 128 : i32
      %dma_start3A_1703 = arith.constant 0 : i32
      %dma_start3A_1704 = tpu.memref_slice %arg7[%rem3A_1697, %dma_start3A_1703] : memref<819200x128xf32, #tpu.memory_space<hbm>> -> memref<128x128xf32, #tpu.memory_space<hbm>>
      %dma_start3A_1705 = arith.constant 0 : i32
      %dma_start3A_1706 = tpu.memref_slice %arg7[%rem3A_1697, %dma_start3A_1705] : memref<819200x128xf32, #tpu.memory_space<hbm>> -> memref<128x128xf32, #tpu.memory_space<hbm>>
      tpu.enqueue_dma source(%arg21 : memref<128x128xf32, #tpu.memory_space<vmem>>) target(%dma_start3A_1706 : memref<128x128xf32, #tpu.memory_space<hbm>>) target_semaphore(%arg39 : memref<!tpu.dma_semaphore, #tpu.memory_space<semaphore_mem>>)
    }
    %scan3A_581 = arith.constant 65 : i32
    %add3A_582 = arith.constant 25472 : i32
    %add3A_583 = arith.addi %mul3A_2, %add3A_582 : i32
    %rem3A_584 = arith.constant 819200 : i32
    %rem3A_585 = arith.remsi %add3A_583, %rem3A_584 : i32
    %dma_start3A_586 = tpu.memref_slice %arg2[%rem3A_585] : memref<819200xi32, #tpu.memory_space<hbm>> -> memref<128xi32, #tpu.memory_space<hbm>>
    %dma_start3A_587 = tpu.memref_slice %arg2[%rem3A_585] : memref<819200xi32, #tpu.memory_space<hbm>> -> memref<128xi32, #tpu.memory_space<hbm>>
    tpu.enqueue_dma source(%dma_start3A_587 : memref<128xi32, #tpu.memory_space<hbm>>) target(%arg12 : memref<128xi32, #tpu.memory_space<vmem>>) target_semaphore(%arg33 : memref<!tpu.dma_semaphore, #tpu.memory_space<semaphore_mem>>)
    %dma_start3A_588 = tpu.memref_slice %arg3[%rem3A_585] : memref<819200xi32, #tpu.memory_space<hbm>> -> memref<128xi32, #tpu.memory_space<hbm>>
    %dma_start3A_589 = tpu.memref_slice %arg3[%rem3A_585] : memref<819200xi32, #tpu.memory_space<hbm>> -> memref<128xi32, #tpu.memory_space<hbm>>
    tpu.enqueue_dma source(%dma_start3A_589 : memref<128xi32, #tpu.memory_space<hbm>>) target(%arg15 : memref<128xi32, #tpu.memory_space<vmem>>) target_semaphore(%arg36 : memref<!tpu.dma_semaphore, #tpu.memory_space<semaphore_mem>>)
    %add3A_590 = arith.constant 24960 : i32
    %add3A_591 = arith.addi %mul3A_2, %add3A_590 : i32
    %rem3A_592 = arith.constant 819200 : i32
    %rem3A_593 = arith.remsi %add3A_591, %rem3A_592 : i32
    %dma_wait3A_594 = arith.constant 0 : i32
    %dma_wait3A_595 = tpu.memref_slice %arg7[%rem3A_593, %dma_wait3A_594] : memref<819200x128xf32, #tpu.memory_space<hbm>> -> memref<128x128xf32, #tpu.memory_space<hbm>>
    %dma_wait3A_596 = arith.constant 0 : i32
    %dma_wait3A_597 = tpu.memref_slice %arg7[%rem3A_593, %dma_wait3A_596] : memref<819200x128xf32, #tpu.memory_space<hbm>> -> memref<128x128xf32, #tpu.memory_space<hbm>>
    tpu.wait_dma2 semaphore(%arg38 : memref<!tpu.dma_semaphore, #tpu.memory_space<semaphore_mem>>) src(%arg20 : memref<128x128xf32, #tpu.memory_space<vmem>>) dst(%dma_wait3A_597 : memref<128x128xf32, #tpu.memory_space<hbm>>)
    %add3A_598 = arith.constant 25344 : i32
    %add3A_599 = arith.addi %mul3A_2, %add3A_598 : i32
    %rem3A_600 = arith.constant 819200 : i32
    %rem3A_601 = arith.remsi %add3A_599, %rem3A_600 : i32
    %dma_wait3A_602 = tpu.memref_slice %arg2[%rem3A_601] : memref<819200xi32, #tpu.memory_space<hbm>> -> memref<128xi32, #tpu.memory_space<hbm>>
    %dma_wait3A_603 = tpu.memref_slice %arg2[%rem3A_601] : memref<819200xi32, #tpu.memory_space<hbm>> -> memref<128xi32, #tpu.memory_space<hbm>>
    tpu.wait_dma2 semaphore(%arg32 : memref<!tpu.dma_semaphore, #tpu.memory_space<semaphore_mem>>) src(%dma_wait3A_603 : memref<128xi32, #tpu.memory_space<hbm>>) dst(%arg11 : memref<128xi32, #tpu.memory_space<vmem>>)
    %dma_wait3A_604 = tpu.memref_slice %arg3[%rem3A_601] : memref<819200xi32, #tpu.memory_space<hbm>> -> memref<128xi32, #tpu.memory_space<hbm>>
    %dma_wait3A_605 = tpu.memref_slice %arg3[%rem3A_601] : memref<819200xi32, #tpu.memory_space<hbm>> -> memref<128xi32, #tpu.memory_space<hbm>>
    tpu.wait_dma2 semaphore(%arg35 : memref<!tpu.dma_semaphore, #tpu.memory_space<semaphore_mem>>) src(%dma_wait3A_605 : memref<128xi32, #tpu.memory_space<hbm>>) dst(%arg14 : memref<128xi32, #tpu.memory_space<vmem>>)
    %add3A_606 = arith.constant 25344 : i32
    %add3A_607 = arith.addi %mul3A_2, %add3A_606 : i32
    %rem3A_608 = arith.constant 819200 : i32
    %rem3A_609 = arith.remsi %add3A_607, %rem3A_608 : i32
    %dma_start3A_610 = arith.constant 0 : i32
    %dma_start3A_611 = arith.constant 0 : i32
    %dma_start3A_612 = tpu.memref_slice %arg4[%dma_start3A_610, %dma_start3A_611] : memref<100000x128xf32, #tpu.memory_space<hbm>> -> memref<100000x128xf32, #tpu.memory_space<hbm>>
    tpu.enqueue_indirect_dma source(%dma_start3A_612 : memref<100000x128xf32, #tpu.memory_space<hbm>>) target(%arg20 : memref<128x128xf32, #tpu.memory_space<vmem>>) offsets(%arg11 : memref<128xi32, #tpu.memory_space<vmem>>) semaphore(%arg26 : memref<!tpu.dma_semaphore, #tpu.memory_space<semaphore_mem>>)
    %add3A_613 = arith.constant 0 : i32
    %add3A_614 = arith.addi %rem3A_609, %add3A_613 : i32
    %broadcast_in_dim3A_615 = vector.broadcast %add3A_614 : i32 to vector<16xi32>
    %iota3A_616 = tpu.iota {dimensions = array<i32: 0>} : vector<16xi32>
    %add3A_617 = arith.addi %broadcast_in_dim3A_615, %iota3A_616 : vector<16xi32>
    %rem3A_618 = arith.constant 200 : i32
    %rem3A_619 = vector.broadcast %rem3A_618 : i32 to vector<16xi32>
    %rem3A_620 = arith.remsi %add3A_617, %rem3A_619 : vector<16xi32>
    %get3A_621 = arith.constant 0 : index
    %get3A_622 = tpu.vector_load %arg14[%get3A_621] {strides = array<i32>} : memref<128xi32, #tpu.memory_space<vmem>>, vector<16xi32>,
    %get3A_623 = vector.shape_cast %get3A_622 : vector<16xi32> to vector<16xi32>
    %mul3A_624 = arith.constant 200 : i32
    %mul3A_625 = vector.broadcast %mul3A_624 : i32 to vector<16xi32>
    %mul3A_626 = arith.muli %get3A_623, %mul3A_625 : vector<16xi32>
    %add3A_627 = arith.addi %mul3A_626, %rem3A_620 : vector<16xi32>
    %swap3A_628 = arith.constant 0 : index
    %swap3A_629 = tpu.vector_load %arg17[%swap3A_628] {strides = array<i32>} : memref<128xi32, #tpu.memory_space<vmem>>, vector<16xi32>,
    %swap3A_630 = vector.shape_cast %swap3A_629 : vector<16xi32> to vector<16xi32>
    %swap3A_631 = vector.shape_cast %add3A_627 : vector<16xi32> to vector<16xi32>
    tpu.vector_store %arg17[%swap3A_628], %swap3A_631 {strides = array<i32>} : memref<128xi32, #tpu.memory_space<vmem>>, vector<16xi32>,
    %add3A_632 = arith.constant 16 : i32
    %add3A_633 = arith.addi %rem3A_609, %add3A_632 : i32
    %broadcast_in_dim3A_634 = vector.broadcast %add3A_633 : i32 to vector<16xi32>
    %iota3A_635 = tpu.iota {dimensions = array<i32: 0>} : vector<16xi32>
    %add3A_636 = arith.addi %broadcast_in_dim3A_634, %iota3A_635 : vector<16xi32>
    %rem3A_637 = arith.constant 200 : i32
    %rem3A_638 = vector.broadcast %rem3A_637 : i32 to vector<16xi32>
    %rem3A_639 = arith.remsi %add3A_636, %rem3A_638 : vector<16xi32>
    %get3A_640 = arith.constant 16 : index
    %get3A_641 = tpu.vector_load %arg14[%get3A_640] {strides = array<i32>} : memref<128xi32, #tpu.memory_space<vmem>>, vector<16xi32>,
    %get3A_642 = vector.shape_cast %get3A_641 : vector<16xi32> to vector<16xi32>
    %mul3A_643 = arith.constant 200 : i32
    %mul3A_644 = vector.broadcast %mul3A_643 : i32 to vector<16xi32>
    %mul3A_645 = arith.muli %get3A_642, %mul3A_644 : vector<16xi32>
    %add3A_646 = arith.addi %mul3A_645, %rem3A_639 : vector<16xi32>
    %swap3A_647 = arith.constant 16 : index
    %swap3A_648 = tpu.vector_load %arg17[%swap3A_647] {strides = array<i32>} : memref<128xi32, #tpu.memory_space<vmem>>, vector<16xi32>,
    %swap3A_649 = vector.shape_cast %swap3A_648 : vector<16xi32> to vector<16xi32>
    %swap3A_650 = vector.shape_cast %add3A_646 : vector<16xi32> to vector<16xi32>
    tpu.vector_store %arg17[%swap3A_647], %swap3A_650 {strides = array<i32>} : memref<128xi32, #tpu.memory_space<vmem>>, vector<16xi32>,
    %add3A_651 = arith.constant 32 : i32
    %add3A_652 = arith.addi %rem3A_609, %add3A_651 : i32
    %broadcast_in_dim3A_653 = vector.broadcast %add3A_652 : i32 to vector<16xi32>
    %iota3A_654 = tpu.iota {dimensions = array<i32: 0>} : vector<16xi32>
    %add3A_655 = arith.addi %broadcast_in_dim3A_653, %iota3A_654 : vector<16xi32>
    %rem3A_656 = arith.constant 200 : i32
    %rem3A_657 = vector.broadcast %rem3A_656 : i32 to vector<16xi32>
    %rem3A_658 = arith.remsi %add3A_655, %rem3A_657 : vector<16xi32>
    %get3A_659 = arith.constant 32 : index
    %get3A_660 = tpu.vector_load %arg14[%get3A_659] {strides = array<i32>} : memref<128xi32, #tpu.memory_space<vmem>>, vector<16xi32>,
    %get3A_661 = vector.shape_cast %get3A_660 : vector<16xi32> to vector<16xi32>
    %mul3A_662 = arith.constant 200 : i32
    %mul3A_663 = vector.broadcast %mul3A_662 : i32 to vector<16xi32>
    %mul3A_664 = arith.muli %get3A_661, %mul3A_663 : vector<16xi32>
    %add3A_665 = arith.addi %mul3A_664, %rem3A_658 : vector<16xi32>
    %swap3A_666 = arith.constant 32 : index
    %swap3A_667 = tpu.vector_load %arg17[%swap3A_666] {strides = array<i32>} : memref<128xi32, #tpu.memory_space<vmem>>, vector<16xi32>,
    %swap3A_668 = vector.shape_cast %swap3A_667 : vector<16xi32> to vector<16xi32>
    %swap3A_669 = vector.shape_cast %add3A_665 : vector<16xi32> to vector<16xi32>
    tpu.vector_store %arg17[%swap3A_666], %swap3A_669 {strides = array<i32>} : memref<128xi32, #tpu.memory_space<vmem>>, vector<16xi32>,
    %add3A_670 = arith.constant 48 : i32
    %add3A_671 = arith.addi %rem3A_609, %add3A_670 : i32
    %broadcast_in_dim3A_672 = vector.broadcast %add3A_671 : i32 to vector<16xi32>
    %iota3A_673 = tpu.iota {dimensions = array<i32: 0>} : vector<16xi32>
    %add3A_674 = arith.addi %broadcast_in_dim3A_672, %iota3A_673 : vector<16xi32>
    %rem3A_675 = arith.constant 200 : i32
    %rem3A_676 = vector.broadcast %rem3A_675 : i32 to vector<16xi32>
    %rem3A_677 = arith.remsi %add3A_674, %rem3A_676 : vector<16xi32>
    %get3A_678 = arith.constant 48 : index
    %get3A_679 = tpu.vector_load %arg14[%get3A_678] {strides = array<i32>} : memref<128xi32, #tpu.memory_space<vmem>>, vector<16xi32>,
    %get3A_680 = vector.shape_cast %get3A_679 : vector<16xi32> to vector<16xi32>
    %mul3A_681 = arith.constant 200 : i32
    %mul3A_682 = vector.broadcast %mul3A_681 : i32 to vector<16xi32>
    %mul3A_683 = arith.muli %get3A_680, %mul3A_682 : vector<16xi32>
    %add3A_684 = arith.addi %mul3A_683, %rem3A_677 : vector<16xi32>
    %swap3A_685 = arith.constant 48 : index
    %swap3A_686 = tpu.vector_load %arg17[%swap3A_685] {strides = array<i32>} : memref<128xi32, #tpu.memory_space<vmem>>, vector<16xi32>,
    %swap3A_687 = vector.shape_cast %swap3A_686 : vector<16xi32> to vector<16xi32>
    %swap3A_688 = vector.shape_cast %add3A_684 : vector<16xi32> to vector<16xi32>
    tpu.vector_store %arg17[%swap3A_685], %swap3A_688 {strides = array<i32>} : memref<128xi32, #tpu.memory_space<vmem>>, vector<16xi32>,
    %add3A_689 = arith.constant 64 : i32
    %add3A_690 = arith.addi %rem3A_609, %add3A_689 : i32
    %broadcast_in_dim3A_691 = vector.broadcast %add3A_690 : i32 to vector<16xi32>
    %iota3A_692 = tpu.iota {dimensions = array<i32: 0>} : vector<16xi32>
    %add3A_693 = arith.addi %broadcast_in_dim3A_691, %iota3A_692 : vector<16xi32>
    %rem3A_694 = arith.constant 200 : i32
    %rem3A_695 = vector.broadcast %rem3A_694 : i32 to vector<16xi32>
    %rem3A_696 = arith.remsi %add3A_693, %rem3A_695 : vector<16xi32>
    %get3A_697 = arith.constant 64 : index
    %get3A_698 = tpu.vector_load %arg14[%get3A_697] {strides = array<i32>} : memref<128xi32, #tpu.memory_space<vmem>>, vector<16xi32>,
    %get3A_699 = vector.shape_cast %get3A_698 : vector<16xi32> to vector<16xi32>
    %mul3A_700 = arith.constant 200 : i32
    %mul3A_701 = vector.broadcast %mul3A_700 : i32 to vector<16xi32>
    %mul3A_702 = arith.muli %get3A_699, %mul3A_701 : vector<16xi32>
    %add3A_703 = arith.addi %mul3A_702, %rem3A_696 : vector<16xi32>
    %swap3A_704 = arith.constant 64 : index
    %swap3A_705 = tpu.vector_load %arg17[%swap3A_704] {strides = array<i32>} : memref<128xi32, #tpu.memory_space<vmem>>, vector<16xi32>,
    %swap3A_706 = vector.shape_cast %swap3A_705 : vector<16xi32> to vector<16xi32>
    %swap3A_707 = vector.shape_cast %add3A_703 : vector<16xi32> to vector<16xi32>
    tpu.vector_store %arg17[%swap3A_704], %swap3A_707 {strides = array<i32>} : memref<128xi32, #tpu.memory_space<vmem>>, vector<16xi32>,
    %add3A_708 = arith.constant 80 : i32
    %add3A_709 = arith.addi %rem3A_609, %add3A_708 : i32
    %broadcast_in_dim3A_710 = vector.broadcast %add3A_709 : i32 to vector<16xi32>
    %iota3A_711 = tpu.iota {dimensions = array<i32: 0>} : vector<16xi32>
    %add3A_712 = arith.addi %broadcast_in_dim3A_710, %iota3A_711 : vector<16xi32>
    %rem3A_713 = arith.constant 200 : i32
    %rem3A_714 = vector.broadcast %rem3A_713 : i32 to vector<16xi32>
    %rem3A_715 = arith.remsi %add3A_712, %rem3A_714 : vector<16xi32>
    %get3A_716 = arith.constant 80 : index
    %get3A_717 = tpu.vector_load %arg14[%get3A_716] {strides = array<i32>} : memref<128xi32, #tpu.memory_space<vmem>>, vector<16xi32>,
    %get3A_718 = vector.shape_cast %get3A_717 : vector<16xi32> to vector<16xi32>
    %mul3A_719 = arith.constant 200 : i32
    %mul3A_720 = vector.broadcast %mul3A_719 : i32 to vector<16xi32>
    %mul3A_721 = arith.muli %get3A_718, %mul3A_720 : vector<16xi32>
    %add3A_722 = arith.addi %mul3A_721, %rem3A_715 : vector<16xi32>
    %swap3A_723 = arith.constant 80 : index
    %swap3A_724 = tpu.vector_load %arg17[%swap3A_723] {strides = array<i32>} : memref<128xi32, #tpu.memory_space<vmem>>, vector<16xi32>,
    %swap3A_725 = vector.shape_cast %swap3A_724 : vector<16xi32> to vector<16xi32>
    %swap3A_726 = vector.shape_cast %add3A_722 : vector<16xi32> to vector<16xi32>
    tpu.vector_store %arg17[%swap3A_723], %swap3A_726 {strides = array<i32>} : memref<128xi32, #tpu.memory_space<vmem>>, vector<16xi32>,
    %add3A_727 = arith.constant 96 : i32
    %add3A_728 = arith.addi %rem3A_609, %add3A_727 : i32
    %broadcast_in_dim3A_729 = vector.broadcast %add3A_728 : i32 to vector<16xi32>
    %iota3A_730 = tpu.iota {dimensions = array<i32: 0>} : vector<16xi32>
    %add3A_731 = arith.addi %broadcast_in_dim3A_729, %iota3A_730 : vector<16xi32>
    %rem3A_732 = arith.constant 200 : i32
    %rem3A_733 = vector.broadcast %rem3A_732 : i32 to vector<16xi32>
    %rem3A_734 = arith.remsi %add3A_731, %rem3A_733 : vector<16xi32>
    %get3A_735 = arith.constant 96 : index
    %get3A_736 = tpu.vector_load %arg14[%get3A_735] {strides = array<i32>} : memref<128xi32, #tpu.memory_space<vmem>>, vector<16xi32>,
    %get3A_737 = vector.shape_cast %get3A_736 : vector<16xi32> to vector<16xi32>
    %mul3A_738 = arith.constant 200 : i32
    %mul3A_739 = vector.broadcast %mul3A_738 : i32 to vector<16xi32>
    %mul3A_740 = arith.muli %get3A_737, %mul3A_739 : vector<16xi32>
    %add3A_741 = arith.addi %mul3A_740, %rem3A_734 : vector<16xi32>
    %swap3A_742 = arith.constant 96 : index
    %swap3A_743 = tpu.vector_load %arg17[%swap3A_742] {strides = array<i32>} : memref<128xi32, #tpu.memory_space<vmem>>, vector<16xi32>,
    %swap3A_744 = vector.shape_cast %swap3A_743 : vector<16xi32> to vector<16xi32>
    %swap3A_745 = vector.shape_cast %add3A_741 : vector<16xi32> to vector<16xi32>
    tpu.vector_store %arg17[%swap3A_742], %swap3A_745 {strides = array<i32>} : memref<128xi32, #tpu.memory_space<vmem>>, vector<16xi32>,
    %add3A_746 = arith.constant 112 : i32
    %add3A_747 = arith.addi %rem3A_609, %add3A_746 : i32
    %broadcast_in_dim3A_748 = vector.broadcast %add3A_747 : i32 to vector<16xi32>
    %iota3A_749 = tpu.iota {dimensions = array<i32: 0>} : vector<16xi32>
    %add3A_750 = arith.addi %broadcast_in_dim3A_748, %iota3A_749 : vector<16xi32>
    %rem3A_751 = arith.constant 200 : i32
    %rem3A_752 = vector.broadcast %rem3A_751 : i32 to vector<16xi32>
    %rem3A_753 = arith.remsi %add3A_750, %rem3A_752 : vector<16xi32>
    %get3A_754 = arith.constant 112 : index
    %get3A_755 = tpu.vector_load %arg14[%get3A_754] {strides = array<i32>} : memref<128xi32, #tpu.memory_space<vmem>>, vector<16xi32>,
    %get3A_756 = vector.shape_cast %get3A_755 : vector<16xi32> to vector<16xi32>
    %mul3A_757 = arith.constant 200 : i32
    %mul3A_758 = vector.broadcast %mul3A_757 : i32 to vector<16xi32>
    %mul3A_759 = arith.muli %get3A_756, %mul3A_758 : vector<16xi32>
    %add3A_760 = arith.addi %mul3A_759, %rem3A_753 : vector<16xi32>
    %swap3A_761 = arith.constant 112 : index
    %swap3A_762 = tpu.vector_load %arg17[%swap3A_761] {strides = array<i32>} : memref<128xi32, #tpu.memory_space<vmem>>, vector<16xi32>,
    %swap3A_763 = vector.shape_cast %swap3A_762 : vector<16xi32> to vector<16xi32>
    %swap3A_764 = vector.shape_cast %add3A_760 : vector<16xi32> to vector<16xi32>
    tpu.vector_store %arg17[%swap3A_761], %swap3A_764 {strides = array<i32>} : memref<128xi32, #tpu.memory_space<vmem>>, vector<16xi32>,
    %dma_start3A_765 = arith.constant 0 : i32
    %dma_start3A_766 = arith.constant 0 : i32
    %dma_start3A_767 = tpu.memref_slice %arg8[%dma_start3A_765, %dma_start3A_766] : memref<400x128xf32, #tpu.memory_space<vmem_shared>> -> memref<400x128xf32, #tpu.memory_space<vmem_shared>>
    tpu.enqueue_indirect_dma source(%dma_start3A_767 : memref<400x128xf32, #tpu.memory_space<vmem_shared>>) target(%arg23 : memref<128x128xf32, #tpu.memory_space<vmem>>) offsets(%arg17 : memref<128xi32, #tpu.memory_space<vmem>>) semaphore(%arg29 : memref<!tpu.dma_semaphore, #tpu.memory_space<semaphore_mem>>)
    %dma_wait3A_768 = arith.constant 0 : i32
    %dma_wait3A_769 = arith.constant 0 : i32
    %dma_wait3A_770 = tpu.memref_slice %arg4[%dma_wait3A_768, %dma_wait3A_769] : memref<100000x128xf32, #tpu.memory_space<hbm>> -> memref<100000x128xf32, #tpu.memory_space<hbm>>
    tpu.wait_indirect_dma semaphore(%arg28 : memref<!tpu.dma_semaphore, #tpu.memory_space<semaphore_mem>>) src(%dma_wait3A_770 : memref<100000x128xf32, #tpu.memory_space<hbm>>) dst(%arg22 : memref<128x128xf32, #tpu.memory_space<vmem>>)
    %dma_wait3A_771 = arith.constant 0 : i32
    %dma_wait3A_772 = arith.constant 0 : i32
    %dma_wait3A_773 = tpu.memref_slice %arg8[%dma_wait3A_771, %dma_wait3A_772] : memref<400x128xf32, #tpu.memory_space<vmem_shared>> -> memref<400x128xf32, #tpu.memory_space<vmem_shared>>
    tpu.wait_indirect_dma semaphore(%arg31 : memref<!tpu.dma_semaphore, #tpu.memory_space<semaphore_mem>>) src(%dma_wait3A_773 : memref<400x128xf32, #tpu.memory_space<vmem_shared>>) dst(%arg25 : memref<128x128xf32, #tpu.memory_space<vmem>>)
    %add3A_774 = arith.constant 25216 : i32
    %add3A_775 = arith.addi %mul3A_2, %add3A_774 : i32
    %rem3A_776 = arith.constant 819200 : i32
    %rem3A_777 = arith.remsi %add3A_775, %rem3A_776 : i32
    %scan3A_778 = arith.constant 0 : i32
    %scan3A_779 = arith.constant 128 : i32
    %scan3A_780 = arith.addi %scan3A_778, %scan3A_779 : i32
    %scan3A_781 = arith.constant 1 : i32
    scf.for %scan3A_1043 = %scan3A_778 to %scan3A_780 step %scan3A_781  : i32 {
      %mul3A_1044 = arith.constant 1 : i32
      %mul3A_1045 = arith.muli %scan3A_1043, %mul3A_1044 : i32
      %add3A_1046 = arith.constant 0 : i32
      %add3A_1047 = arith.addi %add3A_1046, %mul3A_1045 : i32
      %get3A_1048 = arith.index_cast %add3A_1047 : i32 to index
      %get3A_1049 = arith.constant 0 : index
      %get3A_1050 = tpu.vector_load %arg22[%get3A_1048, %get3A_1049] {strides = array<i32>} : memref<128x128xf32, #tpu.memory_space<vmem>>, vector<1x16xf32>,
      %get3A_1051 = vector.shape_cast %get3A_1050 : vector<1x16xf32> to vector<16xf32>
      %get3A_1052 = arith.index_cast %add3A_1047 : i32 to index
      %get3A_1053 = arith.constant 0 : index
      %get3A_1054 = tpu.vector_load %arg25[%get3A_1052, %get3A_1053] {strides = array<i32>} : memref<128x128xf32, #tpu.memory_space<vmem>>, vector<1x16xf32>,
      %get3A_1055 = vector.shape_cast %get3A_1054 : vector<1x16xf32> to vector<16xf32>
      %add3A_1056 = arith.addf %get3A_1051, %get3A_1055 : vector<16xf32>
      %swap3A_1057 = arith.index_cast %add3A_1047 : i32 to index
      %swap3A_1058 = arith.constant 0 : index
      %swap3A_1059 = tpu.vector_load %arg22[%swap3A_1057, %swap3A_1058] {strides = array<i32>} : memref<128x128xf32, #tpu.memory_space<vmem>>, vector<1x16xf32>,
      %swap3A_1060 = vector.shape_cast %swap3A_1059 : vector<1x16xf32> to vector<16xf32>
      %swap3A_1061 = vector.shape_cast %add3A_1056 : vector<16xf32> to vector<1x16xf32>
      tpu.vector_store %arg22[%swap3A_1057, %swap3A_1058], %swap3A_1061 {strides = array<i32>} : memref<128x128xf32, #tpu.memory_space<vmem>>, vector<1x16xf32>,
      %get3A_1062 = arith.index_cast %add3A_1047 : i32 to index
      %get3A_1063 = arith.constant 16 : index
      %get3A_1064 = tpu.vector_load %arg22[%get3A_1062, %get3A_1063] {strides = array<i32>} : memref<128x128xf32, #tpu.memory_space<vmem>>, vector<1x16xf32>,
      %get3A_1065 = vector.shape_cast %get3A_1064 : vector<1x16xf32> to vector<16xf32>
      %get3A_1066 = arith.index_cast %add3A_1047 : i32 to index
      %get3A_1067 = arith.constant 16 : index
      %get3A_1068 = tpu.vector_load %arg25[%get3A_1066, %get3A_1067] {strides = array<i32>} : memref<128x128xf32, #tpu.memory_space<vmem>>, vector<1x16xf32>,
      %get3A_1069 = vector.shape_cast %get3A_1068 : vector<1x16xf32> to vector<16xf32>
      %add3A_1070 = arith.addf %get3A_1065, %get3A_1069 : vector<16xf32>
      %swap3A_1071 = arith.index_cast %add3A_1047 : i32 to index
      %swap3A_1072 = arith.constant 16 : index
      %swap3A_1073 = tpu.vector_load %arg22[%swap3A_1071, %swap3A_1072] {strides = array<i32>} : memref<128x128xf32, #tpu.memory_space<vmem>>, vector<1x16xf32>,
      %swap3A_1074 = vector.shape_cast %swap3A_1073 : vector<1x16xf32> to vector<16xf32>
      %swap3A_1075 = vector.shape_cast %add3A_1070 : vector<16xf32> to vector<1x16xf32>
      tpu.vector_store %arg22[%swap3A_1071, %swap3A_1072], %swap3A_1075 {strides = array<i32>} : memref<128x128xf32, #tpu.memory_space<vmem>>, vector<1x16xf32>,
      %get3A_1076 = arith.index_cast %add3A_1047 : i32 to index
      %get3A_1077 = arith.constant 32 : index
      %get3A_1078 = tpu.vector_load %arg22[%get3A_1076, %get3A_1077] {strides = array<i32>} : memref<128x128xf32, #tpu.memory_space<vmem>>, vector<1x16xf32>,
      %get3A_1079 = vector.shape_cast %get3A_1078 : vector<1x16xf32> to vector<16xf32>
      %get3A_1080 = arith.index_cast %add3A_1047 : i32 to index
      %get3A_1081 = arith.constant 32 : index
      %get3A_1082 = tpu.vector_load %arg25[%get3A_1080, %get3A_1081] {strides = array<i32>} : memref<128x128xf32, #tpu.memory_space<vmem>>, vector<1x16xf32>,
      %get3A_1083 = vector.shape_cast %get3A_1082 : vector<1x16xf32> to vector<16xf32>
      %add3A_1084 = arith.addf %get3A_1079, %get3A_1083 : vector<16xf32>
      %swap3A_1085 = arith.index_cast %add3A_1047 : i32 to index
      %swap3A_1086 = arith.constant 32 : index
      %swap3A_1087 = tpu.vector_load %arg22[%swap3A_1085, %swap3A_1086] {strides = array<i32>} : memref<128x128xf32, #tpu.memory_space<vmem>>, vector<1x16xf32>,
      %swap3A_1088 = vector.shape_cast %swap3A_1087 : vector<1x16xf32> to vector<16xf32>
      %swap3A_1089 = vector.shape_cast %add3A_1084 : vector<16xf32> to vector<1x16xf32>
      tpu.vector_store %arg22[%swap3A_1085, %swap3A_1086], %swap3A_1089 {strides = array<i32>} : memref<128x128xf32, #tpu.memory_space<vmem>>, vector<1x16xf32>,
      %get3A_1090 = arith.index_cast %add3A_1047 : i32 to index
      %get3A_1091 = arith.constant 48 : index
      %get3A_1092 = tpu.vector_load %arg22[%get3A_1090, %get3A_1091] {strides = array<i32>} : memref<128x128xf32, #tpu.memory_space<vmem>>, vector<1x16xf32>,
      %get3A_1093 = vector.shape_cast %get3A_1092 : vector<1x16xf32> to vector<16xf32>
      %get3A_1094 = arith.index_cast %add3A_1047 : i32 to index
      %get3A_1095 = arith.constant 48 : index
      %get3A_1096 = tpu.vector_load %arg25[%get3A_1094, %get3A_1095] {strides = array<i32>} : memref<128x128xf32, #tpu.memory_space<vmem>>, vector<1x16xf32>,
      %get3A_1097 = vector.shape_cast %get3A_1096 : vector<1x16xf32> to vector<16xf32>
      %add3A_1098 = arith.addf %get3A_1093, %get3A_1097 : vector<16xf32>
      %swap3A_1099 = arith.index_cast %add3A_1047 : i32 to index
      %swap3A_1100 = arith.constant 48 : index
      %swap3A_1101 = tpu.vector_load %arg22[%swap3A_1099, %swap3A_1100] {strides = array<i32>} : memref<128x128xf32, #tpu.memory_space<vmem>>, vector<1x16xf32>,
      %swap3A_1102 = vector.shape_cast %swap3A_1101 : vector<1x16xf32> to vector<16xf32>
      %swap3A_1103 = vector.shape_cast %add3A_1098 : vector<16xf32> to vector<1x16xf32>
      tpu.vector_store %arg22[%swap3A_1099, %swap3A_1100], %swap3A_1103 {strides = array<i32>} : memref<128x128xf32, #tpu.memory_space<vmem>>, vector<1x16xf32>,
      %get3A_1104 = arith.index_cast %add3A_1047 : i32 to index
      %get3A_1105 = arith.constant 64 : index
      %get3A_1106 = tpu.vector_load %arg22[%get3A_1104, %get3A_1105] {strides = array<i32>} : memref<128x128xf32, #tpu.memory_space<vmem>>, vector<1x16xf32>,
      %get3A_1107 = vector.shape_cast %get3A_1106 : vector<1x16xf32> to vector<16xf32>
      %get3A_1108 = arith.index_cast %add3A_1047 : i32 to index
      %get3A_1109 = arith.constant 64 : index
      %get3A_1110 = tpu.vector_load %arg25[%get3A_1108, %get3A_1109] {strides = array<i32>} : memref<128x128xf32, #tpu.memory_space<vmem>>, vector<1x16xf32>,
      %get3A_1111 = vector.shape_cast %get3A_1110 : vector<1x16xf32> to vector<16xf32>
      %add3A_1112 = arith.addf %get3A_1107, %get3A_1111 : vector<16xf32>
      %swap3A_1113 = arith.index_cast %add3A_1047 : i32 to index
      %swap3A_1114 = arith.constant 64 : index
      %swap3A_1115 = tpu.vector_load %arg22[%swap3A_1113, %swap3A_1114] {strides = array<i32>} : memref<128x128xf32, #tpu.memory_space<vmem>>, vector<1x16xf32>,
      %swap3A_1116 = vector.shape_cast %swap3A_1115 : vector<1x16xf32> to vector<16xf32>
      %swap3A_1117 = vector.shape_cast %add3A_1112 : vector<16xf32> to vector<1x16xf32>
      tpu.vector_store %arg22[%swap3A_1113, %swap3A_1114], %swap3A_1117 {strides = array<i32>} : memref<128x128xf32, #tpu.memory_space<vmem>>, vector<1x16xf32>,
      %get3A_1118 = arith.index_cast %add3A_1047 : i32 to index
      %get3A_1119 = arith.constant 80 : index
      %get3A_1120 = tpu.vector_load %arg22[%get3A_1118, %get3A_1119] {strides = array<i32>} : memref<128x128xf32, #tpu.memory_space<vmem>>, vector<1x16xf32>,
      %get3A_1121 = vector.shape_cast %get3A_1120 : vector<1x16xf32> to vector<16xf32>
      %get3A_1122 = arith.index_cast %add3A_1047 : i32 to index
      %get3A_1123 = arith.constant 80 : index
      %get3A_1124 = tpu.vector_load %arg25[%get3A_1122, %get3A_1123] {strides = array<i32>} : memref<128x128xf32, #tpu.memory_space<vmem>>, vector<1x16xf32>,
      %get3A_1125 = vector.shape_cast %get3A_1124 : vector<1x16xf32> to vector<16xf32>
      %add3A_1126 = arith.addf %get3A_1121, %get3A_1125 : vector<16xf32>
      %swap3A_1127 = arith.index_cast %add3A_1047 : i32 to index
      %swap3A_1128 = arith.constant 80 : index
      %swap3A_1129 = tpu.vector_load %arg22[%swap3A_1127, %swap3A_1128] {strides = array<i32>} : memref<128x128xf32, #tpu.memory_space<vmem>>, vector<1x16xf32>,
      %swap3A_1130 = vector.shape_cast %swap3A_1129 : vector<1x16xf32> to vector<16xf32>
      %swap3A_1131 = vector.shape_cast %add3A_1126 : vector<16xf32> to vector<1x16xf32>
      tpu.vector_store %arg22[%swap3A_1127, %swap3A_1128], %swap3A_1131 {strides = array<i32>} : memref<128x128xf32, #tpu.memory_space<vmem>>, vector<1x16xf32>,
      %get3A_1132 = arith.index_cast %add3A_1047 : i32 to index
      %get3A_1133 = arith.constant 96 : index
      %get3A_1134 = tpu.vector_load %arg22[%get3A_1132, %get3A_1133] {strides = array<i32>} : memref<128x128xf32, #tpu.memory_space<vmem>>, vector<1x16xf32>,
      %get3A_1135 = vector.shape_cast %get3A_1134 : vector<1x16xf32> to vector<16xf32>
      %get3A_1136 = arith.index_cast %add3A_1047 : i32 to index
      %get3A_1137 = arith.constant 96 : index
      %get3A_1138 = tpu.vector_load %arg25[%get3A_1136, %get3A_1137] {strides = array<i32>} : memref<128x128xf32, #tpu.memory_space<vmem>>, vector<1x16xf32>,
      %get3A_1139 = vector.shape_cast %get3A_1138 : vector<1x16xf32> to vector<16xf32>
      %add3A_1140 = arith.addf %get3A_1135, %get3A_1139 : vector<16xf32>
      %swap3A_1141 = arith.index_cast %add3A_1047 : i32 to index
      %swap3A_1142 = arith.constant 96 : index
      %swap3A_1143 = tpu.vector_load %arg22[%swap3A_1141, %swap3A_1142] {strides = array<i32>} : memref<128x128xf32, #tpu.memory_space<vmem>>, vector<1x16xf32>,
      %swap3A_1144 = vector.shape_cast %swap3A_1143 : vector<1x16xf32> to vector<16xf32>
      %swap3A_1145 = vector.shape_cast %add3A_1140 : vector<16xf32> to vector<1x16xf32>
      tpu.vector_store %arg22[%swap3A_1141, %swap3A_1142], %swap3A_1145 {strides = array<i32>} : memref<128x128xf32, #tpu.memory_space<vmem>>, vector<1x16xf32>,
      %get3A_1146 = arith.index_cast %add3A_1047 : i32 to index
      %get3A_1147 = arith.constant 112 : index
      %get3A_1148 = tpu.vector_load %arg22[%get3A_1146, %get3A_1147] {strides = array<i32>} : memref<128x128xf32, #tpu.memory_space<vmem>>, vector<1x16xf32>,
      %get3A_1149 = vector.shape_cast %get3A_1148 : vector<1x16xf32> to vector<16xf32>
      %get3A_1150 = arith.index_cast %add3A_1047 : i32 to index
      %get3A_1151 = arith.constant 112 : index
      %get3A_1152 = tpu.vector_load %arg25[%get3A_1150, %get3A_1151] {strides = array<i32>} : memref<128x128xf32, #tpu.memory_space<vmem>>, vector<1x16xf32>,
      %get3A_1153 = vector.shape_cast %get3A_1152 : vector<1x16xf32> to vector<16xf32>
      %add3A_1154 = arith.addf %get3A_1149, %get3A_1153 : vector<16xf32>
      %swap3A_1155 = arith.index_cast %add3A_1047 : i32 to index
      %swap3A_1156 = arith.constant 112 : index
      %swap3A_1157 = tpu.vector_load %arg22[%swap3A_1155, %swap3A_1156] {strides = array<i32>} : memref<128x128xf32, #tpu.memory_space<vmem>>, vector<1x16xf32>,
      %swap3A_1158 = vector.shape_cast %swap3A_1157 : vector<1x16xf32> to vector<16xf32>
      %swap3A_1159 = vector.shape_cast %add3A_1154 : vector<16xf32> to vector<1x16xf32>
      tpu.vector_store %arg22[%swap3A_1155, %swap3A_1156], %swap3A_1159 {strides = array<i32>} : memref<128x128xf32, #tpu.memory_space<vmem>>, vector<1x16xf32>,
    }
    %scan3A_782 = arith.constant 128 : i32
    %dma_start3A_783 = arith.constant 0 : i32
    %dma_start3A_784 = tpu.memref_slice %arg7[%rem3A_777, %dma_start3A_783] : memref<819200x128xf32, #tpu.memory_space<hbm>> -> memref<128x128xf32, #tpu.memory_space<hbm>>
    %dma_start3A_785 = arith.constant 0 : i32
    %dma_start3A_786 = tpu.memref_slice %arg7[%rem3A_777, %dma_start3A_785] : memref<819200x128xf32, #tpu.memory_space<hbm>> -> memref<128x128xf32, #tpu.memory_space<hbm>>
    tpu.enqueue_dma source(%arg22 : memref<128x128xf32, #tpu.memory_space<vmem>>) target(%dma_start3A_786 : memref<128x128xf32, #tpu.memory_space<hbm>>) target_semaphore(%arg40 : memref<!tpu.dma_semaphore, #tpu.memory_space<semaphore_mem>>)
    %add3A_787 = arith.constant 25600 : i32
    %add3A_788 = arith.addi %mul3A_2, %add3A_787 : i32
    %rem3A_789 = arith.constant 819200 : i32
    %rem3A_790 = arith.remsi %add3A_788, %rem3A_789 : i32
    %dma_start3A_791 = tpu.memref_slice %arg2[%rem3A_790] : memref<819200xi32, #tpu.memory_space<hbm>> -> memref<128xi32, #tpu.memory_space<hbm>>
    %dma_start3A_792 = tpu.memref_slice %arg2[%rem3A_790] : memref<819200xi32, #tpu.memory_space<hbm>> -> memref<128xi32, #tpu.memory_space<hbm>>
    tpu.enqueue_dma source(%dma_start3A_792 : memref<128xi32, #tpu.memory_space<hbm>>) target(%arg13 : memref<128xi32, #tpu.memory_space<vmem>>) target_semaphore(%arg34 : memref<!tpu.dma_semaphore, #tpu.memory_space<semaphore_mem>>)
    %dma_start3A_793 = tpu.memref_slice %arg3[%rem3A_790] : memref<819200xi32, #tpu.memory_space<hbm>> -> memref<128xi32, #tpu.memory_space<hbm>>
    %dma_start3A_794 = tpu.memref_slice %arg3[%rem3A_790] : memref<819200xi32, #tpu.memory_space<hbm>> -> memref<128xi32, #tpu.memory_space<hbm>>
    tpu.enqueue_dma source(%dma_start3A_794 : memref<128xi32, #tpu.memory_space<hbm>>) target(%arg16 : memref<128xi32, #tpu.memory_space<vmem>>) target_semaphore(%arg37 : memref<!tpu.dma_semaphore, #tpu.memory_space<semaphore_mem>>)
    %add3A_795 = arith.constant 25088 : i32
    %add3A_796 = arith.addi %mul3A_2, %add3A_795 : i32
    %rem3A_797 = arith.constant 819200 : i32
    %rem3A_798 = arith.remsi %add3A_796, %rem3A_797 : i32
    %dma_wait3A_799 = arith.constant 0 : i32
    %dma_wait3A_800 = tpu.memref_slice %arg7[%rem3A_798, %dma_wait3A_799] : memref<819200x128xf32, #tpu.memory_space<hbm>> -> memref<128x128xf32, #tpu.memory_space<hbm>>
    %dma_wait3A_801 = arith.constant 0 : i32
    %dma_wait3A_802 = tpu.memref_slice %arg7[%rem3A_798, %dma_wait3A_801] : memref<819200x128xf32, #tpu.memory_space<hbm>> -> memref<128x128xf32, #tpu.memory_space<hbm>>
    tpu.wait_dma2 semaphore(%arg39 : memref<!tpu.dma_semaphore, #tpu.memory_space<semaphore_mem>>) src(%arg21 : memref<128x128xf32, #tpu.memory_space<vmem>>) dst(%dma_wait3A_802 : memref<128x128xf32, #tpu.memory_space<hbm>>)
    %add3A_803 = arith.constant 25472 : i32
    %add3A_804 = arith.addi %mul3A_2, %add3A_803 : i32
    %rem3A_805 = arith.constant 819200 : i32
    %rem3A_806 = arith.remsi %add3A_804, %rem3A_805 : i32
    %dma_wait3A_807 = tpu.memref_slice %arg2[%rem3A_806] : memref<819200xi32, #tpu.memory_space<hbm>> -> memref<128xi32, #tpu.memory_space<hbm>>
    %dma_wait3A_808 = tpu.memref_slice %arg2[%rem3A_806] : memref<819200xi32, #tpu.memory_space<hbm>> -> memref<128xi32, #tpu.memory_space<hbm>>
    tpu.wait_dma2 semaphore(%arg33 : memref<!tpu.dma_semaphore, #tpu.memory_space<semaphore_mem>>) src(%dma_wait3A_808 : memref<128xi32, #tpu.memory_space<hbm>>) dst(%arg12 : memref<128xi32, #tpu.memory_space<vmem>>)
    %dma_wait3A_809 = tpu.memref_slice %arg3[%rem3A_806] : memref<819200xi32, #tpu.memory_space<hbm>> -> memref<128xi32, #tpu.memory_space<hbm>>
    %dma_wait3A_810 = tpu.memref_slice %arg3[%rem3A_806] : memref<819200xi32, #tpu.memory_space<hbm>> -> memref<128xi32, #tpu.memory_space<hbm>>
    tpu.wait_dma2 semaphore(%arg36 : memref<!tpu.dma_semaphore, #tpu.memory_space<semaphore_mem>>) src(%dma_wait3A_810 : memref<128xi32, #tpu.memory_space<hbm>>) dst(%arg15 : memref<128xi32, #tpu.memory_space<vmem>>)
    %add3A_811 = arith.constant 25472 : i32
    %add3A_812 = arith.addi %mul3A_2, %add3A_811 : i32
    %rem3A_813 = arith.constant 819200 : i32
    %rem3A_814 = arith.remsi %add3A_812, %rem3A_813 : i32
    %dma_start3A_815 = arith.constant 0 : i32
    %dma_start3A_816 = arith.constant 0 : i32
    %dma_start3A_817 = tpu.memref_slice %arg4[%dma_start3A_815, %dma_start3A_816] : memref<100000x128xf32, #tpu.memory_space<hbm>> -> memref<100000x128xf32, #tpu.memory_space<hbm>>
    tpu.enqueue_indirect_dma source(%dma_start3A_817 : memref<100000x128xf32, #tpu.memory_space<hbm>>) target(%arg21 : memref<128x128xf32, #tpu.memory_space<vmem>>) offsets(%arg12 : memref<128xi32, #tpu.memory_space<vmem>>) semaphore(%arg27 : memref<!tpu.dma_semaphore, #tpu.memory_space<semaphore_mem>>)
    %add3A_818 = arith.constant 0 : i32
    %add3A_819 = arith.addi %rem3A_814, %add3A_818 : i32
    %broadcast_in_dim3A_820 = vector.broadcast %add3A_819 : i32 to vector<16xi32>
    %iota3A_821 = tpu.iota {dimensions = array<i32: 0>} : vector<16xi32>
    %add3A_822 = arith.addi %broadcast_in_dim3A_820, %iota3A_821 : vector<16xi32>
    %rem3A_823 = arith.constant 200 : i32
    %rem3A_824 = vector.broadcast %rem3A_823 : i32 to vector<16xi32>
    %rem3A_825 = arith.remsi %add3A_822, %rem3A_824 : vector<16xi32>
    %get3A_826 = arith.constant 0 : index
    %get3A_827 = tpu.vector_load %arg15[%get3A_826] {strides = array<i32>} : memref<128xi32, #tpu.memory_space<vmem>>, vector<16xi32>,
    %get3A_828 = vector.shape_cast %get3A_827 : vector<16xi32> to vector<16xi32>
    %mul3A_829 = arith.constant 200 : i32
    %mul3A_830 = vector.broadcast %mul3A_829 : i32 to vector<16xi32>
    %mul3A_831 = arith.muli %get3A_828, %mul3A_830 : vector<16xi32>
    %add3A_832 = arith.addi %mul3A_831, %rem3A_825 : vector<16xi32>
    %swap3A_833 = arith.constant 0 : index
    %swap3A_834 = tpu.vector_load %arg18[%swap3A_833] {strides = array<i32>} : memref<128xi32, #tpu.memory_space<vmem>>, vector<16xi32>,
    %swap3A_835 = vector.shape_cast %swap3A_834 : vector<16xi32> to vector<16xi32>
    %swap3A_836 = vector.shape_cast %add3A_832 : vector<16xi32> to vector<16xi32>
    tpu.vector_store %arg18[%swap3A_833], %swap3A_836 {strides = array<i32>} : memref<128xi32, #tpu.memory_space<vmem>>, vector<16xi32>,
    %add3A_837 = arith.constant 16 : i32
    %add3A_838 = arith.addi %rem3A_814, %add3A_837 : i32
    %broadcast_in_dim3A_839 = vector.broadcast %add3A_838 : i32 to vector<16xi32>
    %iota3A_840 = tpu.iota {dimensions = array<i32: 0>} : vector<16xi32>
    %add3A_841 = arith.addi %broadcast_in_dim3A_839, %iota3A_840 : vector<16xi32>
    %rem3A_842 = arith.constant 200 : i32
    %rem3A_843 = vector.broadcast %rem3A_842 : i32 to vector<16xi32>
    %rem3A_844 = arith.remsi %add3A_841, %rem3A_843 : vector<16xi32>
    %get3A_845 = arith.constant 16 : index
    %get3A_846 = tpu.vector_load %arg15[%get3A_845] {strides = array<i32>} : memref<128xi32, #tpu.memory_space<vmem>>, vector<16xi32>,
    %get3A_847 = vector.shape_cast %get3A_846 : vector<16xi32> to vector<16xi32>
    %mul3A_848 = arith.constant 200 : i32
    %mul3A_849 = vector.broadcast %mul3A_848 : i32 to vector<16xi32>
    %mul3A_850 = arith.muli %get3A_847, %mul3A_849 : vector<16xi32>
    %add3A_851 = arith.addi %mul3A_850, %rem3A_844 : vector<16xi32>
    %swap3A_852 = arith.constant 16 : index
    %swap3A_853 = tpu.vector_load %arg18[%swap3A_852] {strides = array<i32>} : memref<128xi32, #tpu.memory_space<vmem>>, vector<16xi32>,
    %swap3A_854 = vector.shape_cast %swap3A_853 : vector<16xi32> to vector<16xi32>
    %swap3A_855 = vector.shape_cast %add3A_851 : vector<16xi32> to vector<16xi32>
    tpu.vector_store %arg18[%swap3A_852], %swap3A_855 {strides = array<i32>} : memref<128xi32, #tpu.memory_space<vmem>>, vector<16xi32>,
    %add3A_856 = arith.constant 32 : i32
    %add3A_857 = arith.addi %rem3A_814, %add3A_856 : i32
    %broadcast_in_dim3A_858 = vector.broadcast %add3A_857 : i32 to vector<16xi32>
    %iota3A_859 = tpu.iota {dimensions = array<i32: 0>} : vector<16xi32>
    %add3A_860 = arith.addi %broadcast_in_dim3A_858, %iota3A_859 : vector<16xi32>
    %rem3A_861 = arith.constant 200 : i32
    %rem3A_862 = vector.broadcast %rem3A_861 : i32 to vector<16xi32>
    %rem3A_863 = arith.remsi %add3A_860, %rem3A_862 : vector<16xi32>
    %get3A_864 = arith.constant 32 : index
    %get3A_865 = tpu.vector_load %arg15[%get3A_864] {strides = array<i32>} : memref<128xi32, #tpu.memory_space<vmem>>, vector<16xi32>,
    %get3A_866 = vector.shape_cast %get3A_865 : vector<16xi32> to vector<16xi32>
    %mul3A_867 = arith.constant 200 : i32
    %mul3A_868 = vector.broadcast %mul3A_867 : i32 to vector<16xi32>
    %mul3A_869 = arith.muli %get3A_866, %mul3A_868 : vector<16xi32>
    %add3A_870 = arith.addi %mul3A_869, %rem3A_863 : vector<16xi32>
    %swap3A_871 = arith.constant 32 : index
    %swap3A_872 = tpu.vector_load %arg18[%swap3A_871] {strides = array<i32>} : memref<128xi32, #tpu.memory_space<vmem>>, vector<16xi32>,
    %swap3A_873 = vector.shape_cast %swap3A_872 : vector<16xi32> to vector<16xi32>
    %swap3A_874 = vector.shape_cast %add3A_870 : vector<16xi32> to vector<16xi32>
    tpu.vector_store %arg18[%swap3A_871], %swap3A_874 {strides = array<i32>} : memref<128xi32, #tpu.memory_space<vmem>>, vector<16xi32>,
    %add3A_875 = arith.constant 48 : i32
    %add3A_876 = arith.addi %rem3A_814, %add3A_875 : i32
    %broadcast_in_dim3A_877 = vector.broadcast %add3A_876 : i32 to vector<16xi32>
    %iota3A_878 = tpu.iota {dimensions = array<i32: 0>} : vector<16xi32>
    %add3A_879 = arith.addi %broadcast_in_dim3A_877, %iota3A_878 : vector<16xi32>
    %rem3A_880 = arith.constant 200 : i32
    %rem3A_881 = vector.broadcast %rem3A_880 : i32 to vector<16xi32>
    %rem3A_882 = arith.remsi %add3A_879, %rem3A_881 : vector<16xi32>
    %get3A_883 = arith.constant 48 : index
    %get3A_884 = tpu.vector_load %arg15[%get3A_883] {strides = array<i32>} : memref<128xi32, #tpu.memory_space<vmem>>, vector<16xi32>,
    %get3A_885 = vector.shape_cast %get3A_884 : vector<16xi32> to vector<16xi32>
    %mul3A_886 = arith.constant 200 : i32
    %mul3A_887 = vector.broadcast %mul3A_886 : i32 to vector<16xi32>
    %mul3A_888 = arith.muli %get3A_885, %mul3A_887 : vector<16xi32>
    %add3A_889 = arith.addi %mul3A_888, %rem3A_882 : vector<16xi32>
    %swap3A_890 = arith.constant 48 : index
    %swap3A_891 = tpu.vector_load %arg18[%swap3A_890] {strides = array<i32>} : memref<128xi32, #tpu.memory_space<vmem>>, vector<16xi32>,
    %swap3A_892 = vector.shape_cast %swap3A_891 : vector<16xi32> to vector<16xi32>
    %swap3A_893 = vector.shape_cast %add3A_889 : vector<16xi32> to vector<16xi32>
    tpu.vector_store %arg18[%swap3A_890], %swap3A_893 {strides = array<i32>} : memref<128xi32, #tpu.memory_space<vmem>>, vector<16xi32>,
    %add3A_894 = arith.constant 64 : i32
    %add3A_895 = arith.addi %rem3A_814, %add3A_894 : i32
    %broadcast_in_dim3A_896 = vector.broadcast %add3A_895 : i32 to vector<16xi32>
    %iota3A_897 = tpu.iota {dimensions = array<i32: 0>} : vector<16xi32>
    %add3A_898 = arith.addi %broadcast_in_dim3A_896, %iota3A_897 : vector<16xi32>
    %rem3A_899 = arith.constant 200 : i32
    %rem3A_900 = vector.broadcast %rem3A_899 : i32 to vector<16xi32>
    %rem3A_901 = arith.remsi %add3A_898, %rem3A_900 : vector<16xi32>
    %get3A_902 = arith.constant 64 : index
    %get3A_903 = tpu.vector_load %arg15[%get3A_902] {strides = array<i32>} : memref<128xi32, #tpu.memory_space<vmem>>, vector<16xi32>,
    %get3A_904 = vector.shape_cast %get3A_903 : vector<16xi32> to vector<16xi32>
    %mul3A_905 = arith.constant 200 : i32
    %mul3A_906 = vector.broadcast %mul3A_905 : i32 to vector<16xi32>
    %mul3A_907 = arith.muli %get3A_904, %mul3A_906 : vector<16xi32>
    %add3A_908 = arith.addi %mul3A_907, %rem3A_901 : vector<16xi32>
    %swap3A_909 = arith.constant 64 : index
    %swap3A_910 = tpu.vector_load %arg18[%swap3A_909] {strides = array<i32>} : memref<128xi32, #tpu.memory_space<vmem>>, vector<16xi32>,
    %swap3A_911 = vector.shape_cast %swap3A_910 : vector<16xi32> to vector<16xi32>
    %swap3A_912 = vector.shape_cast %add3A_908 : vector<16xi32> to vector<16xi32>
    tpu.vector_store %arg18[%swap3A_909], %swap3A_912 {strides = array<i32>} : memref<128xi32, #tpu.memory_space<vmem>>, vector<16xi32>,
    %add3A_913 = arith.constant 80 : i32
    %add3A_914 = arith.addi %rem3A_814, %add3A_913 : i32
    %broadcast_in_dim3A_915 = vector.broadcast %add3A_914 : i32 to vector<16xi32>
    %iota3A_916 = tpu.iota {dimensions = array<i32: 0>} : vector<16xi32>
    %add3A_917 = arith.addi %broadcast_in_dim3A_915, %iota3A_916 : vector<16xi32>
    %rem3A_918 = arith.constant 200 : i32
    %rem3A_919 = vector.broadcast %rem3A_918 : i32 to vector<16xi32>
    %rem3A_920 = arith.remsi %add3A_917, %rem3A_919 : vector<16xi32>
    %get3A_921 = arith.constant 80 : index
    %get3A_922 = tpu.vector_load %arg15[%get3A_921] {strides = array<i32>} : memref<128xi32, #tpu.memory_space<vmem>>, vector<16xi32>,
    %get3A_923 = vector.shape_cast %get3A_922 : vector<16xi32> to vector<16xi32>
    %mul3A_924 = arith.constant 200 : i32
    %mul3A_925 = vector.broadcast %mul3A_924 : i32 to vector<16xi32>
    %mul3A_926 = arith.muli %get3A_923, %mul3A_925 : vector<16xi32>
    %add3A_927 = arith.addi %mul3A_926, %rem3A_920 : vector<16xi32>
    %swap3A_928 = arith.constant 80 : index
    %swap3A_929 = tpu.vector_load %arg18[%swap3A_928] {strides = array<i32>} : memref<128xi32, #tpu.memory_space<vmem>>, vector<16xi32>,
    %swap3A_930 = vector.shape_cast %swap3A_929 : vector<16xi32> to vector<16xi32>
    %swap3A_931 = vector.shape_cast %add3A_927 : vector<16xi32> to vector<16xi32>
    tpu.vector_store %arg18[%swap3A_928], %swap3A_931 {strides = array<i32>} : memref<128xi32, #tpu.memory_space<vmem>>, vector<16xi32>,
    %add3A_932 = arith.constant 96 : i32
    %add3A_933 = arith.addi %rem3A_814, %add3A_932 : i32
    %broadcast_in_dim3A_934 = vector.broadcast %add3A_933 : i32 to vector<16xi32>
    %iota3A_935 = tpu.iota {dimensions = array<i32: 0>} : vector<16xi32>
    %add3A_936 = arith.addi %broadcast_in_dim3A_934, %iota3A_935 : vector<16xi32>
    %rem3A_937 = arith.constant 200 : i32
    %rem3A_938 = vector.broadcast %rem3A_937 : i32 to vector<16xi32>
    %rem3A_939 = arith.remsi %add3A_936, %rem3A_938 : vector<16xi32>
    %get3A_940 = arith.constant 96 : index
    %get3A_941 = tpu.vector_load %arg15[%get3A_940] {strides = array<i32>} : memref<128xi32, #tpu.memory_space<vmem>>, vector<16xi32>,
    %get3A_942 = vector.shape_cast %get3A_941 : vector<16xi32> to vector<16xi32>
    %mul3A_943 = arith.constant 200 : i32
    %mul3A_944 = vector.broadcast %mul3A_943 : i32 to vector<16xi32>
    %mul3A_945 = arith.muli %get3A_942, %mul3A_944 : vector<16xi32>
    %add3A_946 = arith.addi %mul3A_945, %rem3A_939 : vector<16xi32>
    %swap3A_947 = arith.constant 96 : index
    %swap3A_948 = tpu.vector_load %arg18[%swap3A_947] {strides = array<i32>} : memref<128xi32, #tpu.memory_space<vmem>>, vector<16xi32>,
    %swap3A_949 = vector.shape_cast %swap3A_948 : vector<16xi32> to vector<16xi32>
    %swap3A_950 = vector.shape_cast %add3A_946 : vector<16xi32> to vector<16xi32>
    tpu.vector_store %arg18[%swap3A_947], %swap3A_950 {strides = array<i32>} : memref<128xi32, #tpu.memory_space<vmem>>, vector<16xi32>,
    %add3A_951 = arith.constant 112 : i32
    %add3A_952 = arith.addi %rem3A_814, %add3A_951 : i32
    %broadcast_in_dim3A_953 = vector.broadcast %add3A_952 : i32 to vector<16xi32>
    %iota3A_954 = tpu.iota {dimensions = array<i32: 0>} : vector<16xi32>
    %add3A_955 = arith.addi %broadcast_in_dim3A_953, %iota3A_954 : vector<16xi32>
    %rem3A_956 = arith.constant 200 : i32
    %rem3A_957 = vector.broadcast %rem3A_956 : i32 to vector<16xi32>
    %rem3A_958 = arith.remsi %add3A_955, %rem3A_957 : vector<16xi32>
    %get3A_959 = arith.constant 112 : index
    %get3A_960 = tpu.vector_load %arg15[%get3A_959] {strides = array<i32>} : memref<128xi32, #tpu.memory_space<vmem>>, vector<16xi32>,
    %get3A_961 = vector.shape_cast %get3A_960 : vector<16xi32> to vector<16xi32>
    %mul3A_962 = arith.constant 200 : i32
    %mul3A_963 = vector.broadcast %mul3A_962 : i32 to vector<16xi32>
    %mul3A_964 = arith.muli %get3A_961, %mul3A_963 : vector<16xi32>
    %add3A_965 = arith.addi %mul3A_964, %rem3A_958 : vector<16xi32>
    %swap3A_966 = arith.constant 112 : index
    %swap3A_967 = tpu.vector_load %arg18[%swap3A_966] {strides = array<i32>} : memref<128xi32, #tpu.memory_space<vmem>>, vector<16xi32>,
    %swap3A_968 = vector.shape_cast %swap3A_967 : vector<16xi32> to vector<16xi32>
    %swap3A_969 = vector.shape_cast %add3A_965 : vector<16xi32> to vector<16xi32>
    tpu.vector_store %arg18[%swap3A_966], %swap3A_969 {strides = array<i32>} : memref<128xi32, #tpu.memory_space<vmem>>, vector<16xi32>,
    %dma_start3A_970 = arith.constant 0 : i32
    %dma_start3A_971 = arith.constant 0 : i32
    %dma_start3A_972 = tpu.memref_slice %arg8[%dma_start3A_970, %dma_start3A_971] : memref<400x128xf32, #tpu.memory_space<vmem_shared>> -> memref<400x128xf32, #tpu.memory_space<vmem_shared>>
    tpu.enqueue_indirect_dma source(%dma_start3A_972 : memref<400x128xf32, #tpu.memory_space<vmem_shared>>) target(%arg24 : memref<128x128xf32, #tpu.memory_space<vmem>>) offsets(%arg18 : memref<128xi32, #tpu.memory_space<vmem>>) semaphore(%arg30 : memref<!tpu.dma_semaphore, #tpu.memory_space<semaphore_mem>>)
    %dma_wait3A_973 = arith.constant 0 : i32
    %dma_wait3A_974 = arith.constant 0 : i32
    %dma_wait3A_975 = tpu.memref_slice %arg4[%dma_wait3A_973, %dma_wait3A_974] : memref<100000x128xf32, #tpu.memory_space<hbm>> -> memref<100000x128xf32, #tpu.memory_space<hbm>>
    tpu.wait_indirect_dma semaphore(%arg26 : memref<!tpu.dma_semaphore, #tpu.memory_space<semaphore_mem>>) src(%dma_wait3A_975 : memref<100000x128xf32, #tpu.memory_space<hbm>>) dst(%arg20 : memref<128x128xf32, #tpu.memory_space<vmem>>)
    %dma_wait3A_976 = arith.constant 0 : i32
    %dma_wait3A_977 = arith.constant 0 : i32
    %dma_wait3A_978 = tpu.memref_slice %arg8[%dma_wait3A_976, %dma_wait3A_977] : memref<400x128xf32, #tpu.memory_space<vmem_shared>> -> memref<400x128xf32, #tpu.memory_space<vmem_shared>>
    tpu.wait_indirect_dma semaphore(%arg29 : memref<!tpu.dma_semaphore, #tpu.memory_space<semaphore_mem>>) src(%dma_wait3A_978 : memref<400x128xf32, #tpu.memory_space<vmem_shared>>) dst(%arg23 : memref<128x128xf32, #tpu.memory_space<vmem>>)
    %add3A_979 = arith.constant 25344 : i32
    %add3A_980 = arith.addi %mul3A_2, %add3A_979 : i32
    %rem3A_981 = arith.constant 819200 : i32
    %rem3A_982 = arith.remsi %add3A_980, %rem3A_981 : i32
    %scan3A_983 = arith.constant 0 : i32
    %scan3A_984 = arith.constant 128 : i32
    %scan3A_985 = arith.addi %scan3A_983, %scan3A_984 : i32
    %scan3A_986 = arith.constant 1 : i32
    scf.for %scan3A_1043 = %scan3A_983 to %scan3A_985 step %scan3A_986  : i32 {
      %mul3A_1044 = arith.constant 1 : i32
      %mul3A_1045 = arith.muli %scan3A_1043, %mul3A_1044 : i32
      %add3A_1046 = arith.constant 0 : i32
      %add3A_1047 = arith.addi %add3A_1046, %mul3A_1045 : i32
      %get3A_1048 = arith.index_cast %add3A_1047 : i32 to index
      %get3A_1049 = arith.constant 0 : index
      %get3A_1050 = tpu.vector_load %arg20[%get3A_1048, %get3A_1049] {strides = array<i32>} : memref<128x128xf32, #tpu.memory_space<vmem>>, vector<1x16xf32>,
      %get3A_1051 = vector.shape_cast %get3A_1050 : vector<1x16xf32> to vector<16xf32>
      %get3A_1052 = arith.index_cast %add3A_1047 : i32 to index
      %get3A_1053 = arith.constant 0 : index
      %get3A_1054 = tpu.vector_load %arg23[%get3A_1052, %get3A_1053] {strides = array<i32>} : memref<128x128xf32, #tpu.memory_space<vmem>>, vector<1x16xf32>,
      %get3A_1055 = vector.shape_cast %get3A_1054 : vector<1x16xf32> to vector<16xf32>
      %add3A_1056 = arith.addf %get3A_1051, %get3A_1055 : vector<16xf32>
      %swap3A_1057 = arith.index_cast %add3A_1047 : i32 to index
      %swap3A_1058 = arith.constant 0 : index
      %swap3A_1059 = tpu.vector_load %arg20[%swap3A_1057, %swap3A_1058] {strides = array<i32>} : memref<128x128xf32, #tpu.memory_space<vmem>>, vector<1x16xf32>,
      %swap3A_1060 = vector.shape_cast %swap3A_1059 : vector<1x16xf32> to vector<16xf32>
      %swap3A_1061 = vector.shape_cast %add3A_1056 : vector<16xf32> to vector<1x16xf32>
      tpu.vector_store %arg20[%swap3A_1057, %swap3A_1058], %swap3A_1061 {strides = array<i32>} : memref<128x128xf32, #tpu.memory_space<vmem>>, vector<1x16xf32>,
      %get3A_1062 = arith.index_cast %add3A_1047 : i32 to index
      %get3A_1063 = arith.constant 16 : index
      %get3A_1064 = tpu.vector_load %arg20[%get3A_1062, %get3A_1063] {strides = array<i32>} : memref<128x128xf32, #tpu.memory_space<vmem>>, vector<1x16xf32>,
      %get3A_1065 = vector.shape_cast %get3A_1064 : vector<1x16xf32> to vector<16xf32>
      %get3A_1066 = arith.index_cast %add3A_1047 : i32 to index
      %get3A_1067 = arith.constant 16 : index
      %get3A_1068 = tpu.vector_load %arg23[%get3A_1066, %get3A_1067] {strides = array<i32>} : memref<128x128xf32, #tpu.memory_space<vmem>>, vector<1x16xf32>,
      %get3A_1069 = vector.shape_cast %get3A_1068 : vector<1x16xf32> to vector<16xf32>
      %add3A_1070 = arith.addf %get3A_1065, %get3A_1069 : vector<16xf32>
      %swap3A_1071 = arith.index_cast %add3A_1047 : i32 to index
      %swap3A_1072 = arith.constant 16 : index
      %swap3A_1073 = tpu.vector_load %arg20[%swap3A_1071, %swap3A_1072] {strides = array<i32>} : memref<128x128xf32, #tpu.memory_space<vmem>>, vector<1x16xf32>,
      %swap3A_1074 = vector.shape_cast %swap3A_1073 : vector<1x16xf32> to vector<16xf32>
      %swap3A_1075 = vector.shape_cast %add3A_1070 : vector<16xf32> to vector<1x16xf32>
      tpu.vector_store %arg20[%swap3A_1071, %swap3A_1072], %swap3A_1075 {strides = array<i32>} : memref<128x128xf32, #tpu.memory_space<vmem>>, vector<1x16xf32>,
      %get3A_1076 = arith.index_cast %add3A_1047 : i32 to index
      %get3A_1077 = arith.constant 32 : index
      %get3A_1078 = tpu.vector_load %arg20[%get3A_1076, %get3A_1077] {strides = array<i32>} : memref<128x128xf32, #tpu.memory_space<vmem>>, vector<1x16xf32>,
      %get3A_1079 = vector.shape_cast %get3A_1078 : vector<1x16xf32> to vector<16xf32>
      %get3A_1080 = arith.index_cast %add3A_1047 : i32 to index
      %get3A_1081 = arith.constant 32 : index
      %get3A_1082 = tpu.vector_load %arg23[%get3A_1080, %get3A_1081] {strides = array<i32>} : memref<128x128xf32, #tpu.memory_space<vmem>>, vector<1x16xf32>,
      %get3A_1083 = vector.shape_cast %get3A_1082 : vector<1x16xf32> to vector<16xf32>
      %add3A_1084 = arith.addf %get3A_1079, %get3A_1083 : vector<16xf32>
      %swap3A_1085 = arith.index_cast %add3A_1047 : i32 to index
      %swap3A_1086 = arith.constant 32 : index
      %swap3A_1087 = tpu.vector_load %arg20[%swap3A_1085, %swap3A_1086] {strides = array<i32>} : memref<128x128xf32, #tpu.memory_space<vmem>>, vector<1x16xf32>,
      %swap3A_1088 = vector.shape_cast %swap3A_1087 : vector<1x16xf32> to vector<16xf32>
      %swap3A_1089 = vector.shape_cast %add3A_1084 : vector<16xf32> to vector<1x16xf32>
      tpu.vector_store %arg20[%swap3A_1085, %swap3A_1086], %swap3A_1089 {strides = array<i32>} : memref<128x128xf32, #tpu.memory_space<vmem>>, vector<1x16xf32>,
      %get3A_1090 = arith.index_cast %add3A_1047 : i32 to index
      %get3A_1091 = arith.constant 48 : index
      %get3A_1092 = tpu.vector_load %arg20[%get3A_1090, %get3A_1091] {strides = array<i32>} : memref<128x128xf32, #tpu.memory_space<vmem>>, vector<1x16xf32>,
      %get3A_1093 = vector.shape_cast %get3A_1092 : vector<1x16xf32> to vector<16xf32>
      %get3A_1094 = arith.index_cast %add3A_1047 : i32 to index
      %get3A_1095 = arith.constant 48 : index
      %get3A_1096 = tpu.vector_load %arg23[%get3A_1094, %get3A_1095] {strides = array<i32>} : memref<128x128xf32, #tpu.memory_space<vmem>>, vector<1x16xf32>,
      %get3A_1097 = vector.shape_cast %get3A_1096 : vector<1x16xf32> to vector<16xf32>
      %add3A_1098 = arith.addf %get3A_1093, %get3A_1097 : vector<16xf32>
      %swap3A_1099 = arith.index_cast %add3A_1047 : i32 to index
      %swap3A_1100 = arith.constant 48 : index
      %swap3A_1101 = tpu.vector_load %arg20[%swap3A_1099, %swap3A_1100] {strides = array<i32>} : memref<128x128xf32, #tpu.memory_space<vmem>>, vector<1x16xf32>,
      %swap3A_1102 = vector.shape_cast %swap3A_1101 : vector<1x16xf32> to vector<16xf32>
      %swap3A_1103 = vector.shape_cast %add3A_1098 : vector<16xf32> to vector<1x16xf32>
      tpu.vector_store %arg20[%swap3A_1099, %swap3A_1100], %swap3A_1103 {strides = array<i32>} : memref<128x128xf32, #tpu.memory_space<vmem>>, vector<1x16xf32>,
      %get3A_1104 = arith.index_cast %add3A_1047 : i32 to index
      %get3A_1105 = arith.constant 64 : index
      %get3A_1106 = tpu.vector_load %arg20[%get3A_1104, %get3A_1105] {strides = array<i32>} : memref<128x128xf32, #tpu.memory_space<vmem>>, vector<1x16xf32>,
      %get3A_1107 = vector.shape_cast %get3A_1106 : vector<1x16xf32> to vector<16xf32>
      %get3A_1108 = arith.index_cast %add3A_1047 : i32 to index
      %get3A_1109 = arith.constant 64 : index
      %get3A_1110 = tpu.vector_load %arg23[%get3A_1108, %get3A_1109] {strides = array<i32>} : memref<128x128xf32, #tpu.memory_space<vmem>>, vector<1x16xf32>,
      %get3A_1111 = vector.shape_cast %get3A_1110 : vector<1x16xf32> to vector<16xf32>
      %add3A_1112 = arith.addf %get3A_1107, %get3A_1111 : vector<16xf32>
      %swap3A_1113 = arith.index_cast %add3A_1047 : i32 to index
      %swap3A_1114 = arith.constant 64 : index
      %swap3A_1115 = tpu.vector_load %arg20[%swap3A_1113, %swap3A_1114] {strides = array<i32>} : memref<128x128xf32, #tpu.memory_space<vmem>>, vector<1x16xf32>,
      %swap3A_1116 = vector.shape_cast %swap3A_1115 : vector<1x16xf32> to vector<16xf32>
      %swap3A_1117 = vector.shape_cast %add3A_1112 : vector<16xf32> to vector<1x16xf32>
      tpu.vector_store %arg20[%swap3A_1113, %swap3A_1114], %swap3A_1117 {strides = array<i32>} : memref<128x128xf32, #tpu.memory_space<vmem>>, vector<1x16xf32>,
      %get3A_1118 = arith.index_cast %add3A_1047 : i32 to index
      %get3A_1119 = arith.constant 80 : index
      %get3A_1120 = tpu.vector_load %arg20[%get3A_1118, %get3A_1119] {strides = array<i32>} : memref<128x128xf32, #tpu.memory_space<vmem>>, vector<1x16xf32>,
      %get3A_1121 = vector.shape_cast %get3A_1120 : vector<1x16xf32> to vector<16xf32>
      %get3A_1122 = arith.index_cast %add3A_1047 : i32 to index
      %get3A_1123 = arith.constant 80 : index
      %get3A_1124 = tpu.vector_load %arg23[%get3A_1122, %get3A_1123] {strides = array<i32>} : memref<128x128xf32, #tpu.memory_space<vmem>>, vector<1x16xf32>,
      %get3A_1125 = vector.shape_cast %get3A_1124 : vector<1x16xf32> to vector<16xf32>
      %add3A_1126 = arith.addf %get3A_1121, %get3A_1125 : vector<16xf32>
      %swap3A_1127 = arith.index_cast %add3A_1047 : i32 to index
      %swap3A_1128 = arith.constant 80 : index
      %swap3A_1129 = tpu.vector_load %arg20[%swap3A_1127, %swap3A_1128] {strides = array<i32>} : memref<128x128xf32, #tpu.memory_space<vmem>>, vector<1x16xf32>,
      %swap3A_1130 = vector.shape_cast %swap3A_1129 : vector<1x16xf32> to vector<16xf32>
      %swap3A_1131 = vector.shape_cast %add3A_1126 : vector<16xf32> to vector<1x16xf32>
      tpu.vector_store %arg20[%swap3A_1127, %swap3A_1128], %swap3A_1131 {strides = array<i32>} : memref<128x128xf32, #tpu.memory_space<vmem>>, vector<1x16xf32>,
      %get3A_1132 = arith.index_cast %add3A_1047 : i32 to index
      %get3A_1133 = arith.constant 96 : index
      %get3A_1134 = tpu.vector_load %arg20[%get3A_1132, %get3A_1133] {strides = array<i32>} : memref<128x128xf32, #tpu.memory_space<vmem>>, vector<1x16xf32>,
      %get3A_1135 = vector.shape_cast %get3A_1134 : vector<1x16xf32> to vector<16xf32>
      %get3A_1136 = arith.index_cast %add3A_1047 : i32 to index
      %get3A_1137 = arith.constant 96 : index
      %get3A_1138 = tpu.vector_load %arg23[%get3A_1136, %get3A_1137] {strides = array<i32>} : memref<128x128xf32, #tpu.memory_space<vmem>>, vector<1x16xf32>,
      %get3A_1139 = vector.shape_cast %get3A_1138 : vector<1x16xf32> to vector<16xf32>
      %add3A_1140 = arith.addf %get3A_1135, %get3A_1139 : vector<16xf32>
      %swap3A_1141 = arith.index_cast %add3A_1047 : i32 to index
      %swap3A_1142 = arith.constant 96 : index
      %swap3A_1143 = tpu.vector_load %arg20[%swap3A_1141, %swap3A_1142] {strides = array<i32>} : memref<128x128xf32, #tpu.memory_space<vmem>>, vector<1x16xf32>,
      %swap3A_1144 = vector.shape_cast %swap3A_1143 : vector<1x16xf32> to vector<16xf32>
      %swap3A_1145 = vector.shape_cast %add3A_1140 : vector<16xf32> to vector<1x16xf32>
      tpu.vector_store %arg20[%swap3A_1141, %swap3A_1142], %swap3A_1145 {strides = array<i32>} : memref<128x128xf32, #tpu.memory_space<vmem>>, vector<1x16xf32>,
      %get3A_1146 = arith.index_cast %add3A_1047 : i32 to index
      %get3A_1147 = arith.constant 112 : index
      %get3A_1148 = tpu.vector_load %arg20[%get3A_1146, %get3A_1147] {strides = array<i32>} : memref<128x128xf32, #tpu.memory_space<vmem>>, vector<1x16xf32>,
      %get3A_1149 = vector.shape_cast %get3A_1148 : vector<1x16xf32> to vector<16xf32>
      %get3A_1150 = arith.index_cast %add3A_1047 : i32 to index
      %get3A_1151 = arith.constant 112 : index
      %get3A_1152 = tpu.vector_load %arg23[%get3A_1150, %get3A_1151] {strides = array<i32>} : memref<128x128xf32, #tpu.memory_space<vmem>>, vector<1x16xf32>,
      %get3A_1153 = vector.shape_cast %get3A_1152 : vector<1x16xf32> to vector<16xf32>
      %add3A_1154 = arith.addf %get3A_1149, %get3A_1153 : vector<16xf32>
      %swap3A_1155 = arith.index_cast %add3A_1047 : i32 to index
      %swap3A_1156 = arith.constant 112 : index
      %swap3A_1157 = tpu.vector_load %arg20[%swap3A_1155, %swap3A_1156] {strides = array<i32>} : memref<128x128xf32, #tpu.memory_space<vmem>>, vector<1x16xf32>,
      %swap3A_1158 = vector.shape_cast %swap3A_1157 : vector<1x16xf32> to vector<16xf32>
      %swap3A_1159 = vector.shape_cast %add3A_1154 : vector<16xf32> to vector<1x16xf32>
      tpu.vector_store %arg20[%swap3A_1155, %swap3A_1156], %swap3A_1159 {strides = array<i32>} : memref<128x128xf32, #tpu.memory_space<vmem>>, vector<1x16xf32>,
    }
    %scan3A_987 = arith.constant 128 : i32
    %dma_start3A_988 = arith.constant 0 : i32
    %dma_start3A_989 = tpu.memref_slice %arg7[%rem3A_982, %dma_start3A_988] : memref<819200x128xf32, #tpu.memory_space<hbm>> -> memref<128x128xf32, #tpu.memory_space<hbm>>
    %dma_start3A_990 = arith.constant 0 : i32
    %dma_start3A_991 = tpu.memref_slice %arg7[%rem3A_982, %dma_start3A_990] : memref<819200x128xf32, #tpu.memory_space<hbm>> -> memref<128x128xf32, #tpu.memory_space<hbm>>
    tpu.enqueue_dma source(%arg20 : memref<128x128xf32, #tpu.memory_space<vmem>>) target(%dma_start3A_991 : memref<128x128xf32, #tpu.memory_space<hbm>>) target_semaphore(%arg38 : memref<!tpu.dma_semaphore, #tpu.memory_space<semaphore_mem>>)
    %add3A_992 = arith.constant 25216 : i32
    %add3A_993 = arith.addi %mul3A_2, %add3A_992 : i32
    %rem3A_994 = arith.constant 819200 : i32
    %rem3A_995 = arith.remsi %add3A_993, %rem3A_994 : i32
    %dma_wait3A_996 = arith.constant 0 : i32
    %dma_wait3A_997 = tpu.memref_slice %arg7[%rem3A_995, %dma_wait3A_996] : memref<819200x128xf32, #tpu.memory_space<hbm>> -> memref<128x128xf32, #tpu.memory_space<hbm>>
    %dma_wait3A_998 = arith.constant 0 : i32
    %dma_wait3A_999 = tpu.memref_slice %arg7[%rem3A_995, %dma_wait3A_998] : memref<819200x128xf32, #tpu.memory_space<hbm>> -> memref<128x128xf32, #tpu.memory_space<hbm>>
    tpu.wait_dma2 semaphore(%arg40 : memref<!tpu.dma_semaphore, #tpu.memory_space<semaphore_mem>>) src(%arg22 : memref<128x128xf32, #tpu.memory_space<vmem>>) dst(%dma_wait3A_999 : memref<128x128xf32, #tpu.memory_space<hbm>>)
    %dma_wait3A_1000 = arith.constant 0 : i32
    %dma_wait3A_1001 = arith.constant 0 : i32
    %dma_wait3A_1002 = tpu.memref_slice %arg4[%dma_wait3A_1000, %dma_wait3A_1001] : memref<100000x128xf32, #tpu.memory_space<hbm>> -> memref<100000x128xf32, #tpu.memory_space<hbm>>
    tpu.wait_indirect_dma semaphore(%arg27 : memref<!tpu.dma_semaphore, #tpu.memory_space<semaphore_mem>>) src(%dma_wait3A_1002 : memref<100000x128xf32, #tpu.memory_space<hbm>>) dst(%arg21 : memref<128x128xf32, #tpu.memory_space<vmem>>)
    %dma_wait3A_1003 = arith.constant 0 : i32
    %dma_wait3A_1004 = arith.constant 0 : i32
    %dma_wait3A_1005 = tpu.memref_slice %arg8[%dma_wait3A_1003, %dma_wait3A_1004] : memref<400x128xf32, #tpu.memory_space<vmem_shared>> -> memref<400x128xf32, #tpu.memory_space<vmem_shared>>
    tpu.wait_indirect_dma semaphore(%arg30 : memref<!tpu.dma_semaphore, #tpu.memory_space<semaphore_mem>>) src(%dma_wait3A_1005 : memref<400x128xf32, #tpu.memory_space<vmem_shared>>) dst(%arg24 : memref<128x128xf32, #tpu.memory_space<vmem>>)
    %add3A_1006 = arith.constant 25472 : i32
    %add3A_1007 = arith.addi %mul3A_2, %add3A_1006 : i32
    %rem3A_1008 = arith.constant 819200 : i32
    %rem3A_1009 = arith.remsi %add3A_1007, %rem3A_1008 : i32
    %scan3A_1010 = arith.constant 0 : i32
    %scan3A_1011 = arith.constant 128 : i32
    %scan3A_1012 = arith.addi %scan3A_1010, %scan3A_1011 : i32
    %scan3A_1013 = arith.constant 1 : i32
    scf.for %scan3A_1043 = %scan3A_1010 to %scan3A_1012 step %scan3A_1013  : i32 {
      %mul3A_1044 = arith.constant 1 : i32
      %mul3A_1045 = arith.muli %scan3A_1043, %mul3A_1044 : i32
      %add3A_1046 = arith.constant 0 : i32
      %add3A_1047 = arith.addi %add3A_1046, %mul3A_1045 : i32
      %get3A_1048 = arith.index_cast %add3A_1047 : i32 to index
      %get3A_1049 = arith.constant 0 : index
      %get3A_1050 = tpu.vector_load %arg21[%get3A_1048, %get3A_1049] {strides = array<i32>} : memref<128x128xf32, #tpu.memory_space<vmem>>, vector<1x16xf32>,
      %get3A_1051 = vector.shape_cast %get3A_1050 : vector<1x16xf32> to vector<16xf32>
      %get3A_1052 = arith.index_cast %add3A_1047 : i32 to index
      %get3A_1053 = arith.constant 0 : index
      %get3A_1054 = tpu.vector_load %arg24[%get3A_1052, %get3A_1053] {strides = array<i32>} : memref<128x128xf32, #tpu.memory_space<vmem>>, vector<1x16xf32>,
      %get3A_1055 = vector.shape_cast %get3A_1054 : vector<1x16xf32> to vector<16xf32>
      %add3A_1056 = arith.addf %get3A_1051, %get3A_1055 : vector<16xf32>
      %swap3A_1057 = arith.index_cast %add3A_1047 : i32 to index
      %swap3A_1058 = arith.constant 0 : index
      %swap3A_1059 = tpu.vector_load %arg21[%swap3A_1057, %swap3A_1058] {strides = array<i32>} : memref<128x128xf32, #tpu.memory_space<vmem>>, vector<1x16xf32>,
      %swap3A_1060 = vector.shape_cast %swap3A_1059 : vector<1x16xf32> to vector<16xf32>
      %swap3A_1061 = vector.shape_cast %add3A_1056 : vector<16xf32> to vector<1x16xf32>
      tpu.vector_store %arg21[%swap3A_1057, %swap3A_1058], %swap3A_1061 {strides = array<i32>} : memref<128x128xf32, #tpu.memory_space<vmem>>, vector<1x16xf32>,
      %get3A_1062 = arith.index_cast %add3A_1047 : i32 to index
      %get3A_1063 = arith.constant 16 : index
      %get3A_1064 = tpu.vector_load %arg21[%get3A_1062, %get3A_1063] {strides = array<i32>} : memref<128x128xf32, #tpu.memory_space<vmem>>, vector<1x16xf32>,
      %get3A_1065 = vector.shape_cast %get3A_1064 : vector<1x16xf32> to vector<16xf32>
      %get3A_1066 = arith.index_cast %add3A_1047 : i32 to index
      %get3A_1067 = arith.constant 16 : index
      %get3A_1068 = tpu.vector_load %arg24[%get3A_1066, %get3A_1067] {strides = array<i32>} : memref<128x128xf32, #tpu.memory_space<vmem>>, vector<1x16xf32>,
      %get3A_1069 = vector.shape_cast %get3A_1068 : vector<1x16xf32> to vector<16xf32>
      %add3A_1070 = arith.addf %get3A_1065, %get3A_1069 : vector<16xf32>
      %swap3A_1071 = arith.index_cast %add3A_1047 : i32 to index
      %swap3A_1072 = arith.constant 16 : index
      %swap3A_1073 = tpu.vector_load %arg21[%swap3A_1071, %swap3A_1072] {strides = array<i32>} : memref<128x128xf32, #tpu.memory_space<vmem>>, vector<1x16xf32>,
      %swap3A_1074 = vector.shape_cast %swap3A_1073 : vector<1x16xf32> to vector<16xf32>
      %swap3A_1075 = vector.shape_cast %add3A_1070 : vector<16xf32> to vector<1x16xf32>
      tpu.vector_store %arg21[%swap3A_1071, %swap3A_1072], %swap3A_1075 {strides = array<i32>} : memref<128x128xf32, #tpu.memory_space<vmem>>, vector<1x16xf32>,
      %get3A_1076 = arith.index_cast %add3A_1047 : i32 to index
      %get3A_1077 = arith.constant 32 : index
      %get3A_1078 = tpu.vector_load %arg21[%get3A_1076, %get3A_1077] {strides = array<i32>} : memref<128x128xf32, #tpu.memory_space<vmem>>, vector<1x16xf32>,
      %get3A_1079 = vector.shape_cast %get3A_1078 : vector<1x16xf32> to vector<16xf32>
      %get3A_1080 = arith.index_cast %add3A_1047 : i32 to index
      %get3A_1081 = arith.constant 32 : index
      %get3A_1082 = tpu.vector_load %arg24[%get3A_1080, %get3A_1081] {strides = array<i32>} : memref<128x128xf32, #tpu.memory_space<vmem>>, vector<1x16xf32>,
      %get3A_1083 = vector.shape_cast %get3A_1082 : vector<1x16xf32> to vector<16xf32>
      %add3A_1084 = arith.addf %get3A_1079, %get3A_1083 : vector<16xf32>
      %swap3A_1085 = arith.index_cast %add3A_1047 : i32 to index
      %swap3A_1086 = arith.constant 32 : index
      %swap3A_1087 = tpu.vector_load %arg21[%swap3A_1085, %swap3A_1086] {strides = array<i32>} : memref<128x128xf32, #tpu.memory_space<vmem>>, vector<1x16xf32>,
      %swap3A_1088 = vector.shape_cast %swap3A_1087 : vector<1x16xf32> to vector<16xf32>
      %swap3A_1089 = vector.shape_cast %add3A_1084 : vector<16xf32> to vector<1x16xf32>
      tpu.vector_store %arg21[%swap3A_1085, %swap3A_1086], %swap3A_1089 {strides = array<i32>} : memref<128x128xf32, #tpu.memory_space<vmem>>, vector<1x16xf32>,
      %get3A_1090 = arith.index_cast %add3A_1047 : i32 to index
      %get3A_1091 = arith.constant 48 : index
      %get3A_1092 = tpu.vector_load %arg21[%get3A_1090, %get3A_1091] {strides = array<i32>} : memref<128x128xf32, #tpu.memory_space<vmem>>, vector<1x16xf32>,
      %get3A_1093 = vector.shape_cast %get3A_1092 : vector<1x16xf32> to vector<16xf32>
      %get3A_1094 = arith.index_cast %add3A_1047 : i32 to index
      %get3A_1095 = arith.constant 48 : index
      %get3A_1096 = tpu.vector_load %arg24[%get3A_1094, %get3A_1095] {strides = array<i32>} : memref<128x128xf32, #tpu.memory_space<vmem>>, vector<1x16xf32>,
      %get3A_1097 = vector.shape_cast %get3A_1096 : vector<1x16xf32> to vector<16xf32>
      %add3A_1098 = arith.addf %get3A_1093, %get3A_1097 : vector<16xf32>
      %swap3A_1099 = arith.index_cast %add3A_1047 : i32 to index
      %swap3A_1100 = arith.constant 48 : index
      %swap3A_1101 = tpu.vector_load %arg21[%swap3A_1099, %swap3A_1100] {strides = array<i32>} : memref<128x128xf32, #tpu.memory_space<vmem>>, vector<1x16xf32>,
      %swap3A_1102 = vector.shape_cast %swap3A_1101 : vector<1x16xf32> to vector<16xf32>
      %swap3A_1103 = vector.shape_cast %add3A_1098 : vector<16xf32> to vector<1x16xf32>
      tpu.vector_store %arg21[%swap3A_1099, %swap3A_1100], %swap3A_1103 {strides = array<i32>} : memref<128x128xf32, #tpu.memory_space<vmem>>, vector<1x16xf32>,
      %get3A_1104 = arith.index_cast %add3A_1047 : i32 to index
      %get3A_1105 = arith.constant 64 : index
      %get3A_1106 = tpu.vector_load %arg21[%get3A_1104, %get3A_1105] {strides = array<i32>} : memref<128x128xf32, #tpu.memory_space<vmem>>, vector<1x16xf32>,
      %get3A_1107 = vector.shape_cast %get3A_1106 : vector<1x16xf32> to vector<16xf32>
      %get3A_1108 = arith.index_cast %add3A_1047 : i32 to index
      %get3A_1109 = arith.constant 64 : index
      %get3A_1110 = tpu.vector_load %arg24[%get3A_1108, %get3A_1109] {strides = array<i32>} : memref<128x128xf32, #tpu.memory_space<vmem>>, vector<1x16xf32>,
      %get3A_1111 = vector.shape_cast %get3A_1110 : vector<1x16xf32> to vector<16xf32>
      %add3A_1112 = arith.addf %get3A_1107, %get3A_1111 : vector<16xf32>
      %swap3A_1113 = arith.index_cast %add3A_1047 : i32 to index
      %swap3A_1114 = arith.constant 64 : index
      %swap3A_1115 = tpu.vector_load %arg21[%swap3A_1113, %swap3A_1114] {strides = array<i32>} : memref<128x128xf32, #tpu.memory_space<vmem>>, vector<1x16xf32>,
      %swap3A_1116 = vector.shape_cast %swap3A_1115 : vector<1x16xf32> to vector<16xf32>
      %swap3A_1117 = vector.shape_cast %add3A_1112 : vector<16xf32> to vector<1x16xf32>
      tpu.vector_store %arg21[%swap3A_1113, %swap3A_1114], %swap3A_1117 {strides = array<i32>} : memref<128x128xf32, #tpu.memory_space<vmem>>, vector<1x16xf32>,
      %get3A_1118 = arith.index_cast %add3A_1047 : i32 to index
      %get3A_1119 = arith.constant 80 : index
      %get3A_1120 = tpu.vector_load %arg21[%get3A_1118, %get3A_1119] {strides = array<i32>} : memref<128x128xf32, #tpu.memory_space<vmem>>, vector<1x16xf32>,
      %get3A_1121 = vector.shape_cast %get3A_1120 : vector<1x16xf32> to vector<16xf32>
      %get3A_1122 = arith.index_cast %add3A_1047 : i32 to index
      %get3A_1123 = arith.constant 80 : index
      %get3A_1124 = tpu.vector_load %arg24[%get3A_1122, %get3A_1123] {strides = array<i32>} : memref<128x128xf32, #tpu.memory_space<vmem>>, vector<1x16xf32>,
      %get3A_1125 = vector.shape_cast %get3A_1124 : vector<1x16xf32> to vector<16xf32>
      %add3A_1126 = arith.addf %get3A_1121, %get3A_1125 : vector<16xf32>
      %swap3A_1127 = arith.index_cast %add3A_1047 : i32 to index
      %swap3A_1128 = arith.constant 80 : index
      %swap3A_1129 = tpu.vector_load %arg21[%swap3A_1127, %swap3A_1128] {strides = array<i32>} : memref<128x128xf32, #tpu.memory_space<vmem>>, vector<1x16xf32>,
      %swap3A_1130 = vector.shape_cast %swap3A_1129 : vector<1x16xf32> to vector<16xf32>
      %swap3A_1131 = vector.shape_cast %add3A_1126 : vector<16xf32> to vector<1x16xf32>
      tpu.vector_store %arg21[%swap3A_1127, %swap3A_1128], %swap3A_1131 {strides = array<i32>} : memref<128x128xf32, #tpu.memory_space<vmem>>, vector<1x16xf32>,
      %get3A_1132 = arith.index_cast %add3A_1047 : i32 to index
      %get3A_1133 = arith.constant 96 : index
      %get3A_1134 = tpu.vector_load %arg21[%get3A_1132, %get3A_1133] {strides = array<i32>} : memref<128x128xf32, #tpu.memory_space<vmem>>, vector<1x16xf32>,
      %get3A_1135 = vector.shape_cast %get3A_1134 : vector<1x16xf32> to vector<16xf32>
      %get3A_1136 = arith.index_cast %add3A_1047 : i32 to index
      %get3A_1137 = arith.constant 96 : index
      %get3A_1138 = tpu.vector_load %arg24[%get3A_1136, %get3A_1137] {strides = array<i32>} : memref<128x128xf32, #tpu.memory_space<vmem>>, vector<1x16xf32>,
      %get3A_1139 = vector.shape_cast %get3A_1138 : vector<1x16xf32> to vector<16xf32>
      %add3A_1140 = arith.addf %get3A_1135, %get3A_1139 : vector<16xf32>
      %swap3A_1141 = arith.index_cast %add3A_1047 : i32 to index
      %swap3A_1142 = arith.constant 96 : index
      %swap3A_1143 = tpu.vector_load %arg21[%swap3A_1141, %swap3A_1142] {strides = array<i32>} : memref<128x128xf32, #tpu.memory_space<vmem>>, vector<1x16xf32>,
      %swap3A_1144 = vector.shape_cast %swap3A_1143 : vector<1x16xf32> to vector<16xf32>
      %swap3A_1145 = vector.shape_cast %add3A_1140 : vector<16xf32> to vector<1x16xf32>
      tpu.vector_store %arg21[%swap3A_1141, %swap3A_1142], %swap3A_1145 {strides = array<i32>} : memref<128x128xf32, #tpu.memory_space<vmem>>, vector<1x16xf32>,
      %get3A_1146 = arith.index_cast %add3A_1047 : i32 to index
      %get3A_1147 = arith.constant 112 : index
      %get3A_1148 = tpu.vector_load %arg21[%get3A_1146, %get3A_1147] {strides = array<i32>} : memref<128x128xf32, #tpu.memory_space<vmem>>, vector<1x16xf32>,
      %get3A_1149 = vector.shape_cast %get3A_1148 : vector<1x16xf32> to vector<16xf32>
      %get3A_1150 = arith.index_cast %add3A_1047 : i32 to index
      %get3A_1151 = arith.constant 112 : index
      %get3A_1152 = tpu.vector_load %arg24[%get3A_1150, %get3A_1151] {strides = array<i32>} : memref<128x128xf32, #tpu.memory_space<vmem>>, vector<1x16xf32>,
      %get3A_1153 = vector.shape_cast %get3A_1152 : vector<1x16xf32> to vector<16xf32>
      %add3A_1154 = arith.addf %get3A_1149, %get3A_1153 : vector<16xf32>
      %swap3A_1155 = arith.index_cast %add3A_1047 : i32 to index
      %swap3A_1156 = arith.constant 112 : index
      %swap3A_1157 = tpu.vector_load %arg21[%swap3A_1155, %swap3A_1156] {strides = array<i32>} : memref<128x128xf32, #tpu.memory_space<vmem>>, vector<1x16xf32>,
      %swap3A_1158 = vector.shape_cast %swap3A_1157 : vector<1x16xf32> to vector<16xf32>
      %swap3A_1159 = vector.shape_cast %add3A_1154 : vector<16xf32> to vector<1x16xf32>
      tpu.vector_store %arg21[%swap3A_1155, %swap3A_1156], %swap3A_1159 {strides = array<i32>} : memref<128x128xf32, #tpu.memory_space<vmem>>, vector<1x16xf32>,
    }
    %scan3A_1014 = arith.constant 128 : i32
    %dma_start3A_1015 = arith.constant 0 : i32
    %dma_start3A_1016 = tpu.memref_slice %arg7[%rem3A_1009, %dma_start3A_1015] : memref<819200x128xf32, #tpu.memory_space<hbm>> -> memref<128x128xf32, #tpu.memory_space<hbm>>
    %dma_start3A_1017 = arith.constant 0 : i32
    %dma_start3A_1018 = tpu.memref_slice %arg7[%rem3A_1009, %dma_start3A_1017] : memref<819200x128xf32, #tpu.memory_space<hbm>> -> memref<128x128xf32, #tpu.memory_space<hbm>>
    tpu.enqueue_dma source(%arg21 : memref<128x128xf32, #tpu.memory_space<vmem>>) target(%dma_start3A_1018 : memref<128x128xf32, #tpu.memory_space<hbm>>) target_semaphore(%arg39 : memref<!tpu.dma_semaphore, #tpu.memory_space<semaphore_mem>>)
    %add3A_1019 = arith.constant 25600 : i32
    %add3A_1020 = arith.addi %mul3A_2, %add3A_1019 : i32
    %rem3A_1021 = arith.constant 819200 : i32
    %rem3A_1022 = arith.remsi %add3A_1020, %rem3A_1021 : i32
    %dma_wait3A_1023 = tpu.memref_slice %arg2[%rem3A_1022] : memref<819200xi32, #tpu.memory_space<hbm>> -> memref<128xi32, #tpu.memory_space<hbm>>
    %dma_wait3A_1024 = tpu.memref_slice %arg2[%rem3A_1022] : memref<819200xi32, #tpu.memory_space<hbm>> -> memref<128xi32, #tpu.memory_space<hbm>>
    tpu.wait_dma2 semaphore(%arg34 : memref<!tpu.dma_semaphore, #tpu.memory_space<semaphore_mem>>) src(%dma_wait3A_1024 : memref<128xi32, #tpu.memory_space<hbm>>) dst(%arg13 : memref<128xi32, #tpu.memory_space<vmem>>)
    %dma_wait3A_1025 = tpu.memref_slice %arg3[%rem3A_1022] : memref<819200xi32, #tpu.memory_space<hbm>> -> memref<128xi32, #tpu.memory_space<hbm>>
    %dma_wait3A_1026 = tpu.memref_slice %arg3[%rem3A_1022] : memref<819200xi32, #tpu.memory_space<hbm>> -> memref<128xi32, #tpu.memory_space<hbm>>
    tpu.wait_dma2 semaphore(%arg37 : memref<!tpu.dma_semaphore, #tpu.memory_space<semaphore_mem>>) src(%dma_wait3A_1026 : memref<128xi32, #tpu.memory_space<hbm>>) dst(%arg16 : memref<128xi32, #tpu.memory_space<vmem>>)
    %add3A_1027 = arith.constant 25344 : i32
    %add3A_1028 = arith.addi %mul3A_2, %add3A_1027 : i32
    %rem3A_1029 = arith.constant 819200 : i32
    %rem3A_1030 = arith.remsi %add3A_1028, %rem3A_1029 : i32
    %dma_wait3A_1031 = arith.constant 0 : i32
    %dma_wait3A_1032 = tpu.memref_slice %arg7[%rem3A_1030, %dma_wait3A_1031] : memref<819200x128xf32, #tpu.memory_space<hbm>> -> memref<128x128xf32, #tpu.memory_space<hbm>>
    %dma_wait3A_1033 = arith.constant 0 : i32
    %dma_wait3A_1034 = tpu.memref_slice %arg7[%rem3A_1030, %dma_wait3A_1033] : memref<819200x128xf32, #tpu.memory_space<hbm>> -> memref<128x128xf32, #tpu.memory_space<hbm>>
    tpu.wait_dma2 semaphore(%arg38 : memref<!tpu.dma_semaphore, #tpu.memory_space<semaphore_mem>>) src(%arg20 : memref<128x128xf32, #tpu.memory_space<vmem>>) dst(%dma_wait3A_1034 : memref<128x128xf32, #tpu.memory_space<hbm>>)
    %add3A_1035 = arith.constant 25472 : i32
    %add3A_1036 = arith.addi %mul3A_2, %add3A_1035 : i32
    %rem3A_1037 = arith.constant 819200 : i32
    %rem3A_1038 = arith.remsi %add3A_1036, %rem3A_1037 : i32
    %dma_wait3A_1039 = arith.constant 0 : i32
    %dma_wait3A_1040 = tpu.memref_slice %arg7[%rem3A_1038, %dma_wait3A_1039] : memref<819200x128xf32, #tpu.memory_space<hbm>> -> memref<128x128xf32, #tpu.memory_space<hbm>>
    %dma_wait3A_1041 = arith.constant 0 : i32
    %dma_wait3A_1042 = tpu.memref_slice %arg7[%rem3A_1038, %dma_wait3A_1041] : memref<819200x128xf32, #tpu.memory_space<hbm>> -> memref<128x128xf32, #tpu.memory_space<hbm>>
    tpu.wait_dma2 semaphore(%arg39 : memref<!tpu.dma_semaphore, #tpu.memory_space<semaphore_mem>>) src(%arg21 : memref<128x128xf32, #tpu.memory_space<vmem>>) dst(%dma_wait3A_1042 : memref<128x128xf32, #tpu.memory_space<hbm>>)
    return
  }
}

</mosaic_0001>

<sc_bundles>
// kernel: _run.3.cloned.1.call-start
scs
__scs_entry_jumppad:
0x0: {  	(pc) =	sbr.rel $0x88, $3  }
0x1: {  	(tag) =	ssettag $0x0;
	lr =	simm.s32 $0x1  }
0x2: {  	[smem:$0x3F9C] =	sst lr;
	_ =	strace $0xD0000000  }
0x3: {  	_ = 	snop  }
0x4: {  	_ = 	snop  }
0x5: {  	_ = 	snop  }
0x6: {  	_ = 	snop  }
0x7: {  	_ = 	snop  }
__scs_overlays_trampoline_lowered:
0x8: {  	[smem:$0x3FAB] =	sst s0  }
0x9: {  	[smem:$0x3FAC] =	sst s1  }
0xa: {  	[smem:$0x3FAD] =	sst s2  }
0xb: {  	[smem:$0x3FAE] =	sst s3  }
0xc: {  	[smem:$0x3FAF] =	sst s4  }
0xd: {  	[smem:$0x3FB0] =	sst s5  }
0xe: {  	[smem:$0x3FB1] =	sst s6  }
0xf: {  	[smem:$0x3FB2] =	sst s7  }
0x10: {  	[smem:$0x3FB3] =	sst s8  }
0x11: {  	[smem:$0x3FB4] =	sst s9;
	s0 =	simm.s32 @!p0 $0x0  }
0x12: {  	s1 =	sld [smem:$0x3F9A];
	s0 =	simm.s32 @p0 $0x1  }
0x13: {  	[smem:$0x3FB5] =	sst s0;
	s0 =	simm.s32 @!p1 $0x0  }
0x14: {  	s2 =	sld [smem:$0x3F99];
	s0 =	simm.s32 @p1 $0x1  }
0x15: {  	[smem:$0x3FB6] =	sst s0;
	s0 =	simm.s32 @!p2 $0x0  }
0x16: {  	s3 =	sld [smem:$0x3FDB];
	s0 =	simm.s32 @p2 $0x1  }
0x17: {  	s4 =	simm.s32 $0x1BF5;
	[smem:$0x3FB8] =	sst s0  }
0x18: {  	s0 =	sld [smem:$0x3F9B];
	_ =	swait.ge [sflag:s4], $0x0  }
0x19: {  	s7 =	sld [smem:$0x3F9C]  }
0x1a: {  	s8 =	sadd.s32 $0xFFFFE003, lr  }
0x1b: {  	s9 =	sadd.s32 $0xFFFFFEF7, lr;
	s5 =	simm.s32 $0xFFFFFFFF;
	p2 =	slt.u32 s8, $0xFFFFF086  }
0x1c: {  	p1 =	slt.u32 s9, $0xF7A;
	s5 =	simm.s32 @!p2 $0x0  }
0x1d: {  	s5 =	simm.s32 @p1 $0x1;
	p0 =	seq.s32 s7, s2  }
0x1e: {  	s7 =	smul.u32 @!p0 $0xF7A, s2;
	p2 =	seq.s32 @!p0 s5, $0x0  }
0x1f: {  	s9 =	smul.u32 $0xF7A, s1;
	s8 =	simm.s32 @!p0 $0x1BF5;
	p2 =	por !p2, p0  }
0x20: {  	[sflag:s8] =	ssyncset.s32 @!p0 $0xFFFFF086;
	s6 =	sadd.s32 @!p0 s3, s7;
	s7 =	simm.s32 @!p0 $0x108  }
0x21: {  	s3 =	sadd.s32 s3, s9;
	s6 =	sadd.s32 @!p0 $0x88, s6;
	s7 =	simm.s32 @p2 $0x1082  }
0x22: {  	[simem:s7], [sflag:s8] =	dma.local @!p0 [hbm:s6], $0xF7A  }
0x23: {  	s9 =	sor.u32 $0xD0000000, s2;
	s6 =	simm.s32 $0x108;
	_ =	swait.ge @!p0 [sflag:s8], $0x0  }
0x24: {  	s3 =	sadd.s32 $0x88, s3;
	s6 =	simm.s32 @!p1 $0x1082;
	[sflag:s4] =	ssyncset.s32 $0xFFFFF086  }
0x25: {  	[simem:s6], [sflag:s4] =	dma.local [hbm:s3], $0xF7A  }
0x26: {  	[smem:$0x3F9C] =	sst s1;
	(tag) =	ssettag s2;
	_ =	strace s9  }
0x27: {  	s1 =	sld [smem:$0x3FAC]  }
0x28: {  	s2 =	sld [smem:$0x3FAD]  }
0x29: {  	s4 =	sld [smem:$0x3FAF]  }
0x2a: {  	p0 =	seq.s32 s5, $0x0;
	s5 =	sld [smem:$0x3FB0]  }
0x2b: {  	s6 =	sld [smem:$0x3FB1]  }
0x2c: {  	s7 =	sld [smem:$0x3FB2]  }
0x2d: {  	s3 =	simm.s32 $0x108;
	s8 =	sld [smem:$0x3FB3]  }
0x2e: {  	s3 =	simm.s32 @!p0 $0x1082;
	s9 =	sld [smem:$0x3FB4]  }
0x2f: {  	lr =	sadd.s32 s0, s3;
	s0 =	sld [smem:$0x3FAB]  }
0x30: {  	s3 =	sld [smem:$0x3FAE]  }
0x31: {  	[smem:$0x3FB7] =	sst s10  }
0x32: {  	s10 =	sld [smem:$0x3FB5];
	_ =	sdelay $0x3  }
0x33: {  	p0 =	seq.s32 s10, $0x1;
	s10 =	sld [smem:$0x3FB7];
	_ =	sdelay $0x3  }
0x34: {  	[smem:$0x3FB7] =	sst s10  }
0x35: {  	s10 =	sld [smem:$0x3FB6];
	_ =	sdelay $0x3  }
0x36: {  	p1 =	seq.s32 s10, $0x1;
	s10 =	sld [smem:$0x3FB7];
	_ =	sdelay $0x3  }
0x37: {  	[smem:$0x3FB7] =	sst s10  }
0x38: {  	s10 =	sld [smem:$0x3FB8]  }
0x39: {  	_ = 	snop;
	(pc) =	sbr.ind lr, $3  }
0x3a: {  	_ = 	snop  }
0x3b: {  	_ = 	snop  }
0x3c: {  	p2 =	seq.s32 s10, $0x1;
	s10 =	sld [smem:$0x3FB7]  }
0x3d: {  	_ =	shalt  }
0x3e: {  	_ =	shalt  }
0x3f: {  	_ =	shalt  }
0x40: {  	_ =	shalt  }
0x41: {  	_ =	shalt  }
0x42: {  	_ =	shalt  }
0x43: {  	_ =	shalt  }
0x44: {  	_ =	shalt  }
0x45: {  	_ =	shalt  }
0x46: {  	_ =	shalt  }
0x47: {  	_ =	shalt  }
0x48: {  	_ =	shalt  }
0x49: {  	_ =	shalt  }
0x4a: {  	_ =	shalt  }
0x4b: {  	_ =	shalt  }
0x4c: {  	_ =	shalt  }
0x4d: {  	_ =	shalt  }
0x4e: {  	_ =	shalt  }
0x4f: {  	_ =	shalt  }
0x50: {  	_ =	shalt  }
0x51: {  	_ =	shalt  }
0x52: {  	_ =	shalt  }
0x53: {  	_ =	shalt  }
0x54: {  	_ =	shalt  }
0x55: {  	_ =	shalt  }
0x56: {  	_ =	shalt  }
0x57: {  	_ =	shalt  }
0x58: {  	_ =	shalt  }
0x59: {  	_ =	shalt  }
0x5a: {  	_ =	shalt  }
0x5b: {  	_ =	shalt  }
0x5c: {  	_ =	shalt  }
0x5d: {  	_ =	shalt  }
0x5e: {  	_ =	shalt  }
0x5f: {  	_ =	shalt  }
0x60: {  	_ =	shalt  }
0x61: {  	_ =	shalt  }
0x62: {  	_ =	shalt  }
0x63: {  	_ =	shalt  }
0x64: {  	_ =	shalt  }
0x65: {  	_ =	shalt  }
0x66: {  	_ =	shalt  }
0x67: {  	_ =	shalt  }
0x68: {  	_ =	shalt  }
0x69: {  	_ =	shalt  }
0x6a: {  	_ =	shalt  }
0x6b: {  	_ =	shalt  }
0x6c: {  	_ =	shalt  }
0x6d: {  	_ =	shalt  }
0x6e: {  	_ =	shalt  }
0x6f: {  	_ =	shalt  }
0x70: {  	_ =	shalt  }
0x71: {  	_ =	shalt  }
0x72: {  	_ =	shalt  }
0x73: {  	_ =	shalt  }
0x74: {  	_ =	shalt  }
0x75: {  	_ =	shalt  }
0x76: {  	_ =	shalt  }
0x77: {  	_ =	shalt  }
0x78: {  	_ =	shalt  }
0x79: {  	_ =	shalt  }
0x7a: {  	_ =	shalt  }
0x7b: {  	_ =	shalt  }
0x7c: {  	_ =	shalt  }
0x7d: {  	_ =	shalt  }
0x7e: {  	_ =	shalt  }
0x7f: {  	_ =	shalt  }
0x80: {  	_ =	shalt  }
0x81: {  	_ =	shalt  }
0x82: {  	_ =	shalt  }
0x83: {  	_ =	shalt  }
0x84: {  	_ =	shalt  }
0x85: {  	_ =	shalt  }
0x86: {  	_ =	shalt  }
0x87: {  	_ =	shalt  }
.Lfunc_end0:
.L_simem_size_0:
called_computation_lowered:
.L_overlay_start_0:
0x88: {  	s2 =	sld [smem:$0x3FD9]  }
0x89: {  	s3 =	sld [smem:$0x3FFE];
	_ =	sdelay $0x1  }
0x8a: {  	s1 =	srdreg.scid  }
0x8b: {  	s0 =	sand.u32 $0x1, s1  }
0x8c: {  	s17 =	sshll.u32 s0, $0xA;
	s2 =	sadd.s32 s3, s2  }
0x8d: {  	s2 =	sadd.s32 s2, s17  }
0x8e: {  	[smem:$0x3FC3] =	sst s2  }
0x8f: {  	_ = 	snop  }
0x90: {  	s2 =	sld [smem:$0x3FC7]  }
0x91: {  	s18 =	sld [smem:$0x3FC6]  }
0x92: {  	s4 =	sld [smem:$0x3FC5]  }
0x93: {  	s5 =	sld [smem:$0x3FD0];
	(tm) =	ssettm $0x1  }
0x94: {  	s6 =	sld [smem:$0x3FFB];
	_ =	sdelay $0x3  }
0x95: {  	_ =	strace s6  }
0x96: {  	s6 =	sld [smem:$0x3FFC];
	_ =	sdelay $0x3  }
0x97: {  	_ =	strace s6  }
0x98: {  	s6 =	sld [smem:$0x3FFD];
	_ =	sdelay $0x3  }
0x99: {  	_ =	strace s6  }
0x9a: {  	_ =	strace $0x8FFFFFFF  }
0x9b: {  	s19 =	sld [smem:$0x3FDB];
	_ =	sdelay $0x1  }
0x9c: {  	s7 =	simm.s32 $_scs_section_size  }
0x9d: {  	s8 =	simm.s32 $_size__tile_overlayer_lowered;
	s9 =	simm.s32 $_tile_overlayer_lowered  }
0x9e: {  	s22 =	simm.s32 $0x1BFF;
	s21 =	sshll.u32 s9, $0x1;
	s6 =	sadd.s32 s7, s19  }
0x9f: {  	s10 =	simm.s32 $0x0;
	s20 =	sshll.u32 s8, $0x1;
	s8 =	sadd.s32 s21, s6  }
0xa0: {  	[timem:s10], [sflag:s22] =	dma.local [hbm:s8], s20  }
0xa1: {  	_ =	swait.ge [sflag:s22], s20  }
0xa2: {  	s7 =	ssub.s32 $0x0, s20;
	[sflag:s22] =	ssyncset.done $0x0  }
0xa3: {  	[sflag:s22] =	ssyncadd.s32 s7;
	_ =	sdelay $0x1  }
0xa4: {  	s23 =	simm.s32 $0x1B8B  }
0xa5: {  	_ =	swait.ge [sflag:s23], $0x1  }
0xa6: {  	[sflag:s23] =	ssyncset.done $0x0  }
0xa7: {  	s25 =	simm.s32 $0x1B8E;
	s24 =	sld [smem:$0x3FFE];
	[sflag:s23] =	ssyncadd.s32 $0xFFFFFFFF  }
0xa8: {  	s26 =	simm.s32 $execute0_lowered;
	[smem:$0x3FD2] =	sst s25  }
0xa9: {  	s8 =	sshll.u32 s26, $0x1;
	_ =	strace $0x80000046;
	[dreg:$0x1] =	wrdreg $0xFFFFFFFF  }
0xaa: {  	s28 =	simm.s32 $_size_execute0_lowered;
	s6 =	sadd.s32 s6, s8;
	[dreg:$0x0] =	wrdreg $0x0  }
0xab: {  	s8 =	sshll.u32 s28, $0x1;
	[dreg:$0x2] =	wrdreg s6  }
0xac: {  	[dreg:$0x3] =	wrdreg s8  }
0xad: {  	[dreg:$0x4] =	wrdreg $0xC0  }
0xae: {  	_ =	task [dreg:s10], $0x5FFFF  }
0xaf: {  	[dreg:$0x1] =	wrdreg $0xFFFFFFFF  }
0xb0: {  	[dreg:$0x0] =	wrdreg $0x60  }
0xb1: {  	[dreg:$0x2] =	wrdreg s24  }
0xb2: {  	[dreg:$0x3] =	wrdreg s2  }
0xb3: {  	[dreg:$0x4] =	wrdreg s18  }
0xb4: {  	[dreg:$0x5] =	wrdreg s4  }
0xb5: {  	[dreg:$0x6] =	wrdreg s5  }
0xb6: {  	[dreg:$0x7] =	wrdreg $0x0  }
0xb7: {  	[dreg:$0x8] =	wrdreg $0x9  }
0xb8: {  	_ =	task.clear_ibuf [dreg:s10], $0x9FFFF;
	_ =	strace $0x90000046  }
0xb9: {  	s29 =	simm.s32 $0x9;
	_ =	strace $0x80000048  }
0xba: {  	_ =	swait.ge [sflag:s29], $0x1  }
0xbb: {  	[sflag:s29] =	ssyncadd.s32 $0xFFFFFFFF  }
0xbc: {  	_ =	strace $0x90000048  }
0xbd: {  	_ =	sfence  }
0xbe: {  	s30 =	sld [smem:$0x0];
	_ =	sdelay $0x2  }
0xbf: {  	s31 =	sshll.u32 s1, $0xD;
	s1 =	sshrl.u32 s1, $0x2  }
0xc0: {  	s3 =	sand.u32 $0x4000, s31;
	s1 =	sadd.s32 s1, s30  }
0xc1: {  	s0 =	sor.u32 s3, s0;
	s1 =	sshll.u32 s1, $0x11  }
0xc2: {  	s0 =	sor.u32 s1, s0  }
0xc3: {  	s0 =	sadd.s32 $0x8F2B, s0  }
0xc4: {  	[sflag:s0] =	ssyncadd.remote.s32 $0x1  }
0xc5: {  	_ =	sfence.sel $0xFFFF  }
0xc6: {  	[dreg:$0x0] =	wrdreg $0xFFFFFFFF;
	(pc) =	sbr.abs _section_cstart, $3  }
0xc7: {  	[dreg:$0x1] =	wrdreg $0xFFFFFFFF  }
0xc8: {  	_ =	task.clear_ibuf [dreg:s10], $0x2FFFF;
	_ =	strace $0x9FFFFFFF  }
0xc9: {  	(tm) =	ssettm $0x7FFFFFFF  }
tec
execute0_lowered:
.L_overlay_start_1:
0x0: {  	(tag) =	ssettag $0x1  }
0x1: {  	s1 =	srdreg.scid;
	s0 =	stileid.u32  }
0x2: {  	s2 =	sand.u32 $0x1, s1;
	s18 =	sshll.u32 s0, $0x1  }
0x3: {  	s1 =	sor.u32 s2, s18  }
0x4: {  	s13 =	smul.u32 $0x6400, s1  }
0x5: {  	v0 =	vlaneseq.u32  }
0x6: {  	v1 =	vor.u32 s13, v0;
	s3 =	sor.u32 $0x10, s13  }
0x7: {  	s19 =	sor.u32 $0x20, s13;
	v2 =	vmulhi.u32 $0x51EB851F, v1;
	v3 =	vor.u32 s3, v0  }
0x8: {  	s20 =	sor.u32 $0x30, s13;
	v5 =	vor.u32 s19, v0;
	v4 =	vmulhi.u32 $0x51EB851F, v3  }
0x9: {  	s21 =	sor.u32 $0x40, s13;
	v7 =	vor.u32 s20, v0;
	v6 =	vmulhi.u32 $0x51EB851F, v5  }
0xa: {  	s24 =	sor.u32 $0x70, s13;
	s14 =	sor.u32 $0x80, s13;
	v9 =	vor.u32 s21, v0;
	v8 =	vmulhi.u32 $0x51EB851F, v7  }
0xb: {  	s25 =	sor.u32 $0x90, s13;
	s26 =	sor.u32 $0xA0, s13;
	v11 =	vor.u32 s24, v0;
	v12 =	vor.u32 s14, v0;
	v10 =	vmulhi.u32 $0x51EB851F, v9  }
0xc: {  	s5 =	sor.u32 $0xC0, s13;
	s12 =	sor.u32 $0x140, s13;
	v14 =	vor.u32 s25, v0;
	v16 =	vor.u32 s26, v0;
	v13 =	vmulhi.u32 $0x51EB851F, v12  }
0xd: {  	s6 =	sor.u32 $0xD0, s13;
	s15 =	sor.u32 $0x150, s13;
	v17 =	vor.u32 s5, v0;
	v24 =	vor.u32 s12, v0;
	v15 =	vmulhi.u32 $0x51EB851F, v14  }
0xe: {  	s9 =	sor.u32 $0x100, s13;
	s16 =	sor.u32 $0x160, s13;
	v18 =	vor.u32 s6, v0;
	v26 =	vor.u32 s15, v0;
	v25 =	vmulhi.u32 $0x51EB851F, v24  }
0xf: {  	v23 =	vor.u32 s9, v0;
	v28 =	vor.u32 s16, v0;
	s25 =	sadd.s32 $0x6330, s13;
	s26 =	sadd.s32 $0x6340, s13;
	v27 =	vmulhi.u32 $0x51EB851F, v26  }
0x10: {  	s16 =	sadd.s32 $0x6360, s13;
	v29 =	vmulhi.u32 $0x51EB851F, v28;
	v32 =	vor.u32 s25, v0;
	v33 =	vor.u32 s26, v0;
	s25 =	sadd.s32 $0x63F0, s13  }
0x11: {  	v35 =	vor.u32 s16, v0;
	v43 =	vmulhi.u32 $0x51EB851F, v32;
	v44 =	vor.u32 s25, v0  }
0x12: {  	v45 =	vmulhi.u32 $0x51EB851F, v33;
	v4 =	vshrl.u32 v4, $0x6;
	v6 =	vshrl.u32 v6, $0x6  }
0x13: {  	s3 =	sadd.s32 $0x6350, s13;
	v62 =	vmulhi.u32 $0x51EB851F, v35;
	v4 =	vmul.u32 $0xC8, v4;
	v6 =	vmul.u32 $0xC8, v6  }
0x14: {  	v34 =	vor.u32 s3, v0;
	v2 =	vshrl.u32 v2, $0x6;
	v59 =	vmulhi.u32 $0x51EB851F, v44  }
0x15: {  	s22 =	sor.u32 $0x50, s13;
	s23 =	sor.u32 $0x60, s13;
	v3 =	vsub.s32 v3, v4;
	v55 =	vsub.s32 v5, v6;
	v4 =	vshrl.u32 v8, $0x6  }
0x16: {  	v5 =	vshrl.u32 v10, $0x6;
	v6 =	vor.u32 s22, v0;
	v10 =	vor.u32 s23, v0;
	s23 =	sadd.s32 $0x6320, s13  }
0x17: {  	v4 =	vmul.u32 $0xC8, v4;
	v8 =	vmulhi.u32 $0x51EB851F, v6;
	v30 =	vor.u32 s23, v0  }
0x18: {  	v2 =	vmul.u32 $0xC8, v2;
	v5 =	vmul.u32 $0xC8, v5;
	v31 =	vmulhi.u32 $0x51EB851F, v30  }
0x19: {  	v13 =	vshrl.u32 v13, $0x6;
	v4 =	vsub.s32 v7, v4;
	v7 =	vmulhi.u32 $0x51EB851F, v10  }
0x1a: {  	v25 =	vshrl.u32 v25, $0x6;
	s23 =	sadd.s32 $0x63D0, s13;
	v5 =	vsub.s32 v9, v5;
	v9 =	vmulhi.u32 $0x51EB851F, v11  }
0x1b: {  	v41 =	vor.u32 s23, v0;
	v8 =	vshrl.u32 v8, $0x6;
	v7 =	vshrl.u32 v7, $0x6  }
0x1c: {  	v8 =	vmul.u32 $0xC8, v8;
	v9 =	vshrl.u32 v9, $0x6;
	v7 =	vmul.u32 $0xC8, v7  }
0x1d: {  	v13 =	vmul.u32 $0xC8, v13;
	v53 =	vmulhi.u32 $0x51EB851F, v41;
	v9 =	vmul.u32 $0xC8, v9  }
0x1e: {  	s4 =	sor.u32 $0xB0, s13;
	v6 =	vsub.s32 v6, v8;
	v7 =	vsub.s32 v10, v7;
	v10 =	vmulhi.u32 $0x51EB851F, v16  }
0x1f: {  	v8 =	vsub.s32 v11, v9;
	v9 =	vsub.s32 v12, v13;
	v12 =	vor.u32 s4, v0  }
0x20: {  	v25 =	vmul.u32 $0xC8, v25;
	v11 =	vshrl.u32 v15, $0x6;
	v15 =	vmulhi.u32 $0x51EB851F, v12  }
0x21: {  	v31 =	vshrl.u32 v31, $0x6;
	v11 =	vmul.u32 $0xC8, v11;
	v10 =	vshrl.u32 v10, $0x6  }
0x22: {  	v31 =	vmul.u32 $0xC8, v31;
	v13 =	vmul.u32 $0xC8, v10;
	v15 =	vshrl.u32 v15, $0x6  }
0x23: {  	s7 =	sor.u32 $0xE0, s13;
	v10 =	vsub.s32 v14, v11;
	v14 =	vmulhi.u32 $0x51EB851F, v17;
	v15 =	vmul.u32 $0xC8, v15  }
0x24: {  	v11 =	vsub.s32 v16, v13;
	v13 =	vmulhi.u32 $0x51EB851F, v18;
	v16 =	vor.u32 s7, v0  }
0x25: {  	s17 =	simm.s32 $0x0;
	v60 =	vshrl.u32 v53, $0x6;
	v14 =	vshrl.u32 v14, $0x6;
	v19 =	vmulhi.u32 $0x51EB851F, v16  }
0x26: {  	[smem:$0x7FF] =	sst s17;
	s2 =	ssub.s32 $0x2, s2;
	s8 =	sor.u32 $0xF0, s13;
	v14 =	vmul.u32 $0xC8, v14;
	v12 =	vsub.s32 v12, v15;
	v13 =	vshrl.u32 v13, $0x6  }
0x27: {  	s10 =	sor.u32 $0x110, s13;
	s11 =	sor.u32 $0x130, s13;
	s5 =	sor.u32 $0x120, s13;
	v20 =	vmul.u32 $0xC8, v13;
	v13 =	vshrl.u32 v19, $0x6;
	v19 =	vor.u32 s8, v0  }
0x28: {  	s6 =	rddreg [dreg:$0x4];
	s19 =	sshrl.u32 s13, $0x3;
	s7 =	sshrl.u32 s2, $0x1;
	v21 =	vmul.u32 $0xC8, v13;
	v22 =	vmulhi.u32 $0x51EB851F, v19;
	v13 =	vsub.s32 v17, v14  }
0x29: {  	s21 =	sshrl.u32 s14, $0x3;
	s4 =	rddreg [dreg:$0x0];
	s2 =	ssub.s32 s2, s7;
	v17 =	vmulhi.u32 $0x51EB851F, v23;
	v14 =	vsub.s32 v18, v20;
	v18 =	vor.u32 s10, v0  }
0x2a: {  	s7 =	sshrl.u32 s9, $0x3;
	s8 =	rddreg [dreg:$0x5];
	s10 =	sadd.s32 $0x600, s4;
	v15 =	vsub.s32 v16, v21;
	v16 =	vshrl.u32 v22, $0x6;
	v20 =	vmulhi.u32 $0x51EB851F, v18  }
0x2b: {  	_ =	strace $0x80000047;
	v17 =	vshrl.u32 v17, $0x6;
	v22 =	vor.u32 s11, v0;
	s11 =	sadd.s32 $0x19600, s4;
	s12 =	sadd.s32 s10, s19;
	v16 =	vmul.u32 $0xC8, v16  }
0x2c: {  	v21 =	vor.u32 s5, v0;
	s22 =	sadd.s32 s10, s21;
	v17 =	vmul.u32 $0xC8, v17;
	s5 =	sadd.s32 s11, s19;
	s19 =	sadd.s32 $0x6390, s13;
	v20 =	vshrl.u32 v20, $0x6  }
0x2d: {  	s24 =	sadd.s32 s10, s7;
	[dreg:$0xc] =	wrdreg s22;
	s22 =	sadd.s32 $0x63C0, s13;
	v37 =	vor.u32 s19, v0;
	v16 =	vsub.s32 v19, v16;
	v19 =	vmulhi.u32 $0x51EB851F, v21  }
0x2e: {  	[dreg:$0xe] =	wrdreg s24;
	s24 =	sadd.s32 $0x63E0, s13;
	s7 =	sadd.s32 s11, s7;
	v40 =	vor.u32 s22, v0;
	v17 =	vsub.s32 v23, v17;
	v23 =	vmulhi.u32 $0x51EB851F, v22  }
0x2f: {  	v42 =	vor.u32 s24, v0;
	[dreg:$0x10] =	wrdreg s7;
	s7 =	sadd.s32 $0x6380, s13;
	v20 =	vmul.u32 $0xC8, v20;
	v50 =	vmulhi.u32 $0x51EB851F, v37  }
0x30: {  	v63 =	vor.u32 s7, v0;
	v52 =	vmulhi.u32 $0x51EB851F, v40;
	v19 =	vshrl.u32 v19, $0x6  }
0x31: {  	[dreg:$0xb] =	wrdreg s5;
	s5 =	sadd.s32 s11, s21;
	s21 =	sadd.s32 $0x63B0, s13;
	v57 =	vmulhi.u32 $0x51EB851F, v42;
	v23 =	vshrl.u32 v23, $0x6;
	v19 =	vmul.u32 $0xC8, v19  }
0x32: {  	s28 =	simm.s32 $0xB600;
	s31 =	simm.s32 $0xC;
	v39 =	vor.u32 s21, v0;
	v49 =	vmulhi.u32 $0x51EB851F, v63;
	v23 =	vmul.u32 $0xC8, v23  }
0x33: {  	s29 =	simm.s32 $0x3;
	s30 =	simm.s32 $0x6;
	s1 =	smul.u32 $0x64000, s1;
	v46 =	vmulhi.u32 $0x51EB851F, v39;
	v18 =	vsub.s32 v18, v20;
	v19 =	vsub.s32 v21, v19  }
0x34: {  	s18 =	sor.u32 $0x170, s13;
	s15 =	sor.u32 $0x180, s13;
	[dreg:$0x9] =	wrdreg s9;
	v20 =	vsub.s32 v22, v23;
	v21 =	vsub.s32 v24, v25;
	v22 =	vshrl.u32 v27, $0x6  }
0x35: {  	s20 =	sadd.s32 $0x6310, s13;
	[dreg:$0xf] =	wrdreg s15;
	s4 =	sadd.s32 $0x6300, s13;
	v23 =	vshrl.u32 v29, $0x6;
	v24 =	vor.u32 s18, v0;
	v22 =	vmul.u32 $0xC8, v22  }
0x36: {  	s26 =	sshrl.u32 s15, $0x3;
	s23 =	smax.u32 s2, $0x1;
	[dreg:$0x8] =	wrdreg s14;
	v27 =	vor.u32 s4, v0;
	v23 =	vmul.u32 $0xC8, v23;
	v25 =	vmulhi.u32 $0x51EB851F, v24  }
0x37: {  	s25 =	sadd.s32 $0xFFFFFF80, s13;
	s2 =	simm.s32 $0x0;
	[dreg:$0x1b] =	wrdreg s23;
	v29 =	vor.u32 s20, v0;
	v22 =	vsub.s32 v26, v22;
	v26 =	vmulhi.u32 $0x51EB851F, v27  }
0x38: {  	[dreg:$0x7] =	wrdreg s13;
	v61 =	vshrl.u32 v57, $0x6;
	s18 =	sadd.s32 $0x6370, s13;
	s20 =	sadd.s32 $0x63A0, s13;
	v23 =	vsub.s32 v28, v23;
	v28 =	vmulhi.u32 $0x51EB851F, v29  }
0x39: {  	s9 =	sadd.s32 $0xFFF3E400, s13;
	[dreg:$0x1d] =	wrdreg s25;
	s25 =	simm.s32 $0x8;
	v36 =	vor.u32 s18, v0;
	v38 =	vor.u32 s20, v0;
	v25 =	vshrl.u32 v25, $0x6  }
0x3a: {  	s23 =	simm.s32 $0x5;
	s3 =	sadd.s32 s10, s26;
	[dreg:$0xa] =	wrdreg s12;
	v25 =	vmul.u32 $0xC8, v25;
	v26 =	vshrl.u32 v26, $0x6;
	v28 =	vshrl.u32 v28, $0x6  }
0x3b: {  	[dreg:$0x11] =	wrdreg s3;
	s12 =	sadd.s32 s6, s1;
	s3 =	smov.u32 s6;
	v48 =	vmulhi.u32 $0x51EB851F, v36;
	v26 =	vmul.u32 $0xC8, v26;
	v28 =	vmul.u32 $0xC8, v28  }
0x3c: {  	s1 =	simm.s32 $0xF;
	s24 =	sadd.s32 $0x6400, s8;
	[dreg:$0x13] =	wrdreg s12;
	v58 =	vshrl.u32 v46, $0x6;
	v51 =	vmulhi.u32 $0x51EB851F, v38;
	v24 =	vsub.s32 v24, v25  }
0x3d: {  	[dreg:$0xd] =	wrdreg s5;
	s5 =	sadd.s32 $0x6400, s13;
	s19 =	sshll.u32 s7, $0x4;
	v25 =	vsub.s32 v27, v26;
	v26 =	vsub.s32 v29, v28;
	v28 =	vmulhi.u32 $0x51EB851F, v34  }
0x3e: {  	[dreg:$0x1c] =	wrdreg s24;
	s24 =	simm.s32 $0xD;
	p0 =	slt.u32 s5, $0xC8000;
	v27 =	vsub.s32 v30, v31;
	v29 =	vshrl.u32 v43, $0x6;
	v30 =	vshrl.u32 v45, $0x6  }
0x3f: {  	s22 =	sadd.s32 s6, s19;
	s19 =	simm.s32 $0xA;
	s9 =	smov.u32 @p0 s5;
	v29 =	vmul.u32 $0xC8, v29;
	v30 =	vmul.u32 $0xC8, v30;
	v28 =	vshrl.u32 v28, $0x6  }
0x40: {  	s5 =	sadd.s32 s11, s26;
	p0 =	sne.s32 s0, $0x0;
	[dreg:$0x1a] =	wrdreg s22;
	v56 =	vshrl.u32 v51, $0x6;
	v45 =	vmul.u32 $0xC8, v58;
	v31 =	vmul.u32 $0xC8, v28  }
0x41: {  	s26 =	sadd.s32 $0x62800, s12;
	s22 =	simm.s32 $0x7180;
	[dreg:$0x12] =	wrdreg s5;
	v28 =	vsub.s32 v32, v29;
	v29 =	vsub.s32 v33, v30;
	v32 =	vshrl.u32 v48, $0x6  }
0x42: {  	s5 =	sshll.u32 s14, $0x4;
	s14 =	sshrl.u32 s7, $0x3;
	s16 =	sshrl.u32 s9, $0x3;
	v33 =	vshrl.u32 v49, $0x6;
	v48 =	vmul.u32 $0xC8, v61;
	v32 =	vmul.u32 $0xC8, v32  }
0x43: {  	[dreg:$0x1e] =	wrdreg s26;
	s26 =	simm.s32 $0xB;
	s0 =	sadd.s32 s6, s5;
	v33 =	vmul.u32 $0xC8, v33;
	v30 =	vsub.s32 v34, v31;
	v31 =	vshrl.u32 v62, $0x6  }
0x44: {  	s9 =	simm.s32 $0xE;
	s15 =	sadd.s32 s10, s14;
	[dreg:$0x14] =	wrdreg s0;
	v34 =	vshrl.u32 v50, $0x6;
	v62 =	vshrl.u32 v59, $0x6;
	v31 =	vmul.u32 $0xC8, v31  }
0x45: {  	[dreg:$0x15] =	wrdreg s15;
	s0 =	sadd.s32 s11, s14;
	s13 =	simm.s32 $0x7300;
	v34 =	vmul.u32 $0xC8, v34;
	v32 =	vsub.s32 v36, v32;
	v33 =	vsub.s32 v63, v33  }
0x46: {  	s14 =	simm.s32 $0x7200;
	s15 =	simm.s32 $0x2;
	[dreg:$0x16] =	wrdreg s0;
	v43 =	vmul.u32 $0xC8, v62;
	v31 =	vsub.s32 v35, v31;
	v35 =	vshrl.u32 v52, $0x6  }
0x47: {  	s18 =	sshll.u32 s4, $0x4;
	s20 =	sadd.s32 s10, s16;
	s0 =	sadd.s32 s11, s16;
	v34 =	vsub.s32 v37, v34;
	v37 =	vmul.u32 $0xC8, v56;
	v47 =	vmul.u32 $0xC8, v35  }
0x48: {  	s4 =	simm.s32 $0x1;
	s16 =	simm.s32 $0x9;
	[dreg:$0x17] =	wrdreg s20;
	v63 =	vmul.u32 $0xC8, v60;
	v36 =	vsub.s32 v39, v45;
	v39 =	vsub.s32 v42, v48  }
0x49: {  	[dreg:$0x18] =	wrdreg s0;
	s21 =	sadd.s32 s6, s18;
	s18 =	simm.s32 $0x7;
	[tilespmem:$0x1FFE0] =	vst v39;
	v35 =	vsub.s32 v38, v37;
	v37 =	vsub.s32 v40, v47;
	v40 =	vsub.s32 v44, v43  }
0x4a: {  	v54 =	vsub.s32 v1, v2;
	s20 =	simm.s32 $0x80;
	[dreg:$0x19] =	wrdreg s21;
	s21 =	simm.s32 $0x4;
	v38 =	vsub.s32 v41, v63;
	[tilespmem:$0x1FFF0] =	vst v40  }
.LBB2_1:
0x4b: {  	s0 =	rddreg [dreg:$0xa]  }
0x4c: {  	[tilespmem:s22], [sflag:$0x7] =	stream.linear.gather [hbm4b:s0+s17], $0x80, $0x38;
	[tilespmem:$0x1F600] =	vst v63  }
0x4d: {  	s5 =	rddreg [dreg:$0xb]  }
0x4e: {  	[tilespmem:s13], [sflag:$0xA] =	stream.linear.gather [hbm4b:s5+s17], $0x80, $0x38;
	[tilespmem:$0x1F600] =	vst v63  }
0x4f: {  	s6 =	rddreg [dreg:$0xc]  }
0x50: {  	[tilespmem:s14], [sflag:$0x8] =	stream.linear.gather [hbm4b:s6+s17], $0x80, $0x38;
	[tilespmem:$0x1F600] =	vst v63  }
0x51: {  	s7 =	rddreg [dreg:$0xd];
	s12 =	simm.s32 $0x7380  }
0x52: {  	[tilespmem:s12], [sflag:$0xB] =	stream.linear.gather [hbm4b:s7+s17], $0x80, $0x38;
	[tilespmem:$0x1F600] =	vst v63  }
.Ltmp0:
0x53: {  	[dreg:$0x1f] =	wrdreg s2;
	(pc) =	sbr.rel @p0 .LBB2_7-.Ltmp0, $4  }
0x54: {  	s5 =	rddreg [dreg:$0xe];
	s6 =	simm.s32 $0x7280  }
0x55: {  	[tilespmem:s6], [sflag:$0x9] =	stream.linear.gather [hbm4b:s5+s17], $0x80, $0x38;
	[tilespmem:$0x1F600] =	vst v63  }
0x56: {  	s7 =	rddreg [dreg:$0x10];
	s12 =	simm.s32 $0x7400  }
0x57: {  	[tilespmem:s12], [sflag:$0xC] =	stream.linear.gather [hbm4b:s7+s17], $0x80, $0x38;
	[tilespmem:$0x1F600] =	vst v63  }
0x58: {  	s0 =	simm.s32 $0x0  }
0x59: {  	s2 =	rddreg [dreg:$0x2];
	s5 =	simm.s32 $0xC80;
	s12 =	simm.s32 $0x10  }
0x5a: {  	[tilespmem:s5], [sflag:$0x10] =	stream.linear.gather [hbm4b:s2+s0], $0x6400, $0x38;
	[tilespmem:$0x1F600] =	vst v63  }
0x5b: {  	_ =	swait.ge [sflag:s12], $0x6400  }
0x5c: {  	[sflag:s12] =	ssyncset.done $0x0  }
0x5d: {  	[sflag:s12] =	ssyncadd.s32 $0xFFFF9C00  }
0x5e: {  	s6 =	simm.s32 $0x7080;
	s17 =	rddreg [dreg:$0x3]  }
0x5f: {  	[tilespmem:s6], [sflag:$0x10] =	stream.linear.gather [hbm4b:s17+s0], $0x100, $0x38;
	[tilespmem:$0x1F600] =	vst v63  }
0x60: {  	_ =	swait.ge [sflag:s12], $0x100  }
0x61: {  	[sflag:s12] =	ssyncset.done $0x0  }
0x62: {  	[sflag:s12] =	ssyncadd.s32 $0xFFFFFF00  }
0x63: {  	v47 =	vld [tilespmem:$0x7080]  }
0x64: {  	v48 =	vld [tilespmem:$0x7090]  }
0x65: {  	v45 =	vld [tilespmem:$0x70A0]  }
0x66: {  	v46 =	vld [tilespmem:$0x70B0]  }
0x67: {  	v40 =	vmov v38;
	v39 =	vmov v37;
	v38 =	vmov v36;
	v43 =	vld [tilespmem:$0x70C0]  }
0x68: {  	v37 =	vmovc v35;
	v36 =	vmovc v34;
	v35 =	vmov v33;
	v34 =	vmov v32;
	v33 =	vmov v31;
	v44 =	vld [tilespmem:$0x70D0]  }
0x69: {  	v32 =	vmovc v30;
	v31 =	vmovc v29;
	v29 =	vmov v27;
	v27 =	vmov v25;
	v25 =	vmov v23;
	v41 =	vld [tilespmem:$0x70E0]  }
0x6a: {  	v23 =	vmovc v21;
	v21 =	vmovc v19;
	v19 =	vmov v17;
	v17 =	vmov v15;
	v15 =	vmov v13;
	v42 =	vld [tilespmem:$0x70F0]  }
0x6b: {  	v13 =	vmovc v11;
	v11 =	vmovc v9;
	v9 =	vmov v7;
	v7 =	vmov v5;
	v5 =	vmov v55;
	v55 =	vld [tilespmem:$0x7100]  }
0x6c: {  	v30 =	vmovc v28;
	v28 =	vmovc v26;
	v26 =	vmov v24;
	v24 =	vmov v22;
	v22 =	vmov v20;
	v56 =	vld [tilespmem:$0x7110]  }
0x6d: {  	v20 =	vmovc v18;
	v18 =	vmovc v16;
	v16 =	vmov v14;
	v14 =	vmov v12;
	v12 =	vmov v10;
	v53 =	vld [tilespmem:$0x7120]  }
0x6e: {  	v10 =	vmovc v8;
	v8 =	vmovc v6;
	v6 =	vmov v4;
	v4 =	vmov v3;
	v3 =	vmov v54;
	v54 =	vld [tilespmem:$0x7130]  }
0x6f: {  	v51 =	vld [tilespmem:$0x7140]  }
0x70: {  	v52 =	vld [tilespmem:$0x7150]  }
0x71: {  	v49 =	vld [tilespmem:$0x7160]  }
0x72: {  	s0 =	simm.s32 $0x0;
	v50 =	vld [tilespmem:$0x7170]  }
0x73: {  	v60 =	vld [tilespmem:s0+$0xC80]  }
0x74: {  	v62 =	vld [tilespmem:s0+$0xC90]  }
0x75: {  	v61 =	vld [tilespmem:s0+$0xCA0]  }
0x76: {  	v59 =	vld [tilespmem:s0+$0xCB0]  }
0x77: {  	v57 =	vld [tilespmem:s0+$0xCC0]  }
0x78: {  	v58 =	vld [tilespmem:s0+$0xCD0];
	v63 =	vadd.f32 v60, v47  }
0x79: {  	s2 =	simm.s32 $0x200;
	v62 =	vadd.f32 v62, v48;
	v60 =	vld [tilespmem:s0+$0xCE0]  }
.LBB2_3:
0x7a: {  	s5 =	sshra.s32 s2, $0x2;
	p1 =	sne.s32 s2, $0x18E00;
	[tilespmem:s0+$0xC80] =	vst v63;
	v61 =	vadd.f32 v61, v45;
	v63 =	vld [tilespmem:s0+$0xCF0]  }
0x7b: {  	v1 =	vld [tilespmem:s5+$0xC80];
	[tilespmem:s0+$0xC90] =	vst v62;
	v59 =	vadd.f32 v59, v46  }
0x7c: {  	v62 =	vld [tilespmem:s5+$0xC90];
	[tilespmem:s0+$0xCA0] =	vst v61;
	v57 =	vadd.f32 v57, v43  }
.Ltmp1:
0x7d: {  	v61 =	vld [tilespmem:s5+$0xCA0];
	[tilespmem:s0+$0xCB0] =	vst v59;
	v58 =	vadd.f32 v58, v44;
	(pc) =	sbr.rel @p1 .LBB2_3-.Ltmp1, $4  }
0x7e: {  	v59 =	vld [tilespmem:s5+$0xCB0];
	[tilespmem:s0+$0xCC0] =	vst v57;
	v60 =	vadd.f32 v60, v41  }
0x7f: {  	v57 =	vld [tilespmem:s5+$0xCC0];
	[tilespmem:s0+$0xCD0] =	vst v58;
	v2 =	vadd.f32 v63, v42  }
0x80: {  	v63 =	vadd.f32 v1, v47;
	v58 =	vld [tilespmem:s5+$0xCD0];
	[tilespmem:s0+$0xCE0] =	vst v60  }
0x81: {  	s2 =	sadd.s32 $0x200, s2;
	v62 =	vadd.f32 v62, v48;
	v60 =	vld [tilespmem:s5+$0xCE0];
	[tilespmem:s0+$0xCF0] =	vst v2;
	s0 =	smov.u32 s5  }
0x82: {  	[tilespmem:s0+$0xC80] =	vst v63;
	v1 =	vadd.f32 v61, v45;
	v2 =	vld [tilespmem:s0+$0xCF0]  }
0x83: {  	[tilespmem:s0+$0xC90] =	vst v62;
	v59 =	vadd.f32 v59, v46  }
0x84: {  	[tilespmem:s0+$0xCA0] =	vst v1;
	v1 =	vadd.f32 v57, v43  }
0x85: {  	[tilespmem:s0+$0xCB0] =	vst v59;
	v63 =	vadd.f32 v58, v44  }
0x86: {  	[tilespmem:s0+$0xCC0] =	vst v1;
	v1 =	vadd.f32 v60, v41  }
0x87: {  	[tilespmem:s0+$0xCD0] =	vst v63;
	v2 =	vadd.f32 v2, v42  }
0x88: {  	[tilespmem:s0+$0xCE0] =	vst v1  }
0x89: {  	s12 =	simm.s32 $0xC80;
	s17 =	simm.s32 $0x10;
	[tilespmem:s0+$0xCF0] =	vst v2  }
0x8a: {  	[spmem:s8] =	stream.linear.scatter [tilespmem:s12], [sflag:$0x10], $0x6400, $0x38;
	[tilespmem:$0x1F600] =	vst v63  }
0x8b: {  	_ =	swait.ge [sflag:s17], $0x6400  }
0x8c: {  	[sflag:s17] =	ssyncset.done $0x0  }
0x8d: {  	s0 =	simm.s32 $0x0;
	[sflag:s17] =	ssyncadd.s32 $0xFFFF9C00  }
0x8e: {  	v1 =	vld [tilespmem:s0+$0xC80]  }
0x8f: {  	v47 =	vsub.f32 v55, v47;
	v2 =	vld [tilespmem:s0+$0xC90]  }
0x90: {  	v55 =	vsub.f32 v56, v48;
	v48 =	vsub.f32 v53, v45;
	v56 =	vld [tilespmem:s0+$0xCA0]  }
0x91: {  	v45 =	vsub.f32 v54, v46;
	v46 =	vsub.f32 v51, v43;
	v53 =	vld [tilespmem:s0+$0xCB0]  }
0x92: {  	v43 =	vsub.f32 v52, v44;
	v44 =	vsub.f32 v49, v41;
	v51 =	vld [tilespmem:s0+$0xCC0]  }
0x93: {  	v41 =	vsub.f32 v50, v42;
	v42 =	vld [tilespmem:s0+$0xCD0];
	v52 =	vadd.f32 v1, v47  }
0x94: {  	s2 =	simm.s32 $0x200;
	v49 =	vld [tilespmem:s0+$0xCE0];
	v50 =	vadd.f32 v2, v55  }
.LBB2_5:
0x95: {  	s5 =	sshra.s32 s2, $0x2;
	p1 =	sne.s32 s2, $0x18E00;
	[tilespmem:s0+$0xC80] =	vst v52;
	v1 =	vadd.f32 v56, v48;
	v2 =	vld [tilespmem:s0+$0xCF0]  }
0x96: {  	v52 =	vld [tilespmem:s5+$0xC80];
	[tilespmem:s0+$0xC90] =	vst v50;
	v50 =	vadd.f32 v53, v45  }
0x97: {  	v54 =	vld [tilespmem:s5+$0xC90];
	[tilespmem:s0+$0xCA0] =	vst v1;
	v1 =	vadd.f32 v51, v46  }
.Ltmp2:
0x98: {  	v56 =	vld [tilespmem:s5+$0xCA0];
	[tilespmem:s0+$0xCB0] =	vst v50;
	v42 =	vadd.f32 v42, v43;
	(pc) =	sbr.rel @p1 .LBB2_5-.Ltmp2, $4  }
0x99: {  	v53 =	vld [tilespmem:s5+$0xCB0];
	[tilespmem:s0+$0xCC0] =	vst v1;
	v1 =	vadd.f32 v49, v44  }
0x9a: {  	v51 =	vld [tilespmem:s5+$0xCC0];
	[tilespmem:s0+$0xCD0] =	vst v42;
	v2 =	vadd.f32 v2, v41  }
0x9b: {  	v52 =	vadd.f32 v52, v47;
	v42 =	vld [tilespmem:s5+$0xCD0];
	[tilespmem:s0+$0xCE0] =	vst v1  }
0x9c: {  	s2 =	sadd.s32 $0x200, s2;
	v50 =	vadd.f32 v54, v55;
	v49 =	vld [tilespmem:s5+$0xCE0];
	[tilespmem:s0+$0xCF0] =	vst v2;
	s0 =	smov.u32 s5  }
0x9d: {  	[tilespmem:s0+$0xC80] =	vst v52;
	v1 =	vadd.f32 v56, v48;
	v2 =	vld [tilespmem:s0+$0xCF0]  }
0x9e: {  	[tilespmem:s0+$0xC90] =	vst v50;
	v45 =	vadd.f32 v53, v45  }
0x9f: {  	[tilespmem:s0+$0xCA0] =	vst v1;
	v1 =	vadd.f32 v51, v46  }
0xa0: {  	[tilespmem:s0+$0xCB0] =	vst v45;
	v42 =	vadd.f32 v42, v43  }
0xa1: {  	v54 =	vmovc v3;
	v3 =	vmovc v4;
	v55 =	vmov v5;
	v4 =	vmov v6;
	[tilespmem:s0+$0xCC0] =	vst v1;
	v1 =	vadd.f32 v49, v44  }
0xa2: {  	v5 =	vmovc v7;
	v6 =	vmovc v8;
	v7 =	vmov v9;
	v8 =	vmov v10;
	[tilespmem:s0+$0xCD0] =	vst v42;
	v2 =	vadd.f32 v2, v41  }
0xa3: {  	v9 =	vmovc v11;
	v10 =	vmovc v12;
	v11 =	vmov v13;
	v12 =	vmov v14;
	v13 =	vmov v15;
	[tilespmem:s0+$0xCE0] =	vst v1  }
0xa4: {  	s12 =	rddreg [dreg:$0x1c];
	s2 =	simm.s32 $0xC80;
	s17 =	simm.s32 $0x10;
	v14 =	vmovc v16;
	v15 =	vmovc v17;
	v16 =	vmov v18;
	v17 =	vmov v19;
	v18 =	vmov v20;
	[tilespmem:s0+$0xCF0] =	vst v2  }
0xa5: {  	v19 =	vmovc v21;
	v20 =	vmovc v22;
	v21 =	vmov v23;
	v22 =	vmov v24;
	v23 =	vmov v25;
	[spmem:s12] =	stream.linear.scatter [tilespmem:s2], [sflag:$0x10], $0x6400, $0x38;
	[tilespmem:$0x1F600] =	vst v63  }
0xa6: {  	v24 =	vmovc v26;
	v25 =	vmovc v27;
	v26 =	vmov v28;
	v27 =	vmov v29;
	v28 =	vmov v30;
	_ =	swait.ge [sflag:s17], $0x6400  }
0xa7: {  	v29 =	vmovc v31;
	v31 =	vmovc v33;
	v33 =	vmov v35;
	v35 =	vmov v37;
	v37 =	vmov v39;
	[sflag:s17] =	ssyncset.done $0x0;
	v39 =	vld [tilespmem:$0x1FFE0]  }
0xa8: {  	v30 =	vmovc v32;
	v32 =	vmovc v34;
	v34 =	vmov v36;
	v36 =	vmov v38;
	v38 =	vmov v40;
	v40 =	vld [tilespmem:$0x1FFF0];
	[sflag:s17] =	ssyncadd.s32 $0xFFFF9C00  }
.LBB2_7:
0xa9: {  	[bflag:$0x0] =	sbarrier.arrive $0xFFFF  }
0xaa: {  	_ =	swait.ge [sflag:s18], $0x80  }
0xab: {  	[sflag:s18] =	ssyncset.done $0x0  }
0xac: {  	[sflag:s18] =	ssyncadd.s32 $0xFFFFFF80  }
0xad: {  	_ =	swait.ge [sflag:s19], $0x80  }
0xae: {  	[sflag:s19] =	ssyncset.done $0x0  }
0xaf: {  	[sflag:s19] =	ssyncadd.s32 $0xFFFFFF80  }
0xb0: {  	s2 =	simm.s32 $0x7600;
	s0 =	rddreg [dreg:$0x1]  }
0xb1: {  	[tilespmem:s2], [sflag:$0x1] =	stream.indirect.gather [hbm4b:s0+s20], $0x80, s22, s20, $0xb8;
	[tilespmem:$0x1F600] =	vst v63  }
0xb2: {  	v1 =	vld [tilespmem:$0x7300]  }
0xb3: {  	v2 =	vld [tilespmem:$0x7310]  }
0xb4: {  	v41 =	vld [tilespmem:$0x7320]  }
0xb5: {  	v42 =	vld [tilespmem:$0x7330]  }
0xb6: {  	v43 =	vld [tilespmem:$0x7340]  }
0xb7: {  	v44 =	vld [tilespmem:$0x7350];
	v1 =	vmul.u32 $0xC8, v1  }
0xb8: {  	v45 =	vld [tilespmem:$0x7360];
	v2 =	vmul.u32 $0xC8, v2  }
0xb9: {  	v46 =	vld [tilespmem:$0x7370];
	v41 =	vmul.u32 $0xC8, v41;
	v1 =	vadd.s32 v54, v1  }
0xba: {  	[tilespmem:$0x7480] =	vst v1;
	v1 =	vadd.s32 v3, v2;
	v2 =	vmul.u32 $0xC8, v42  }
0xbb: {  	v52 =	vmul.u32 $0xC8, v43;
	[tilespmem:$0x7490] =	vst v1;
	v1 =	vadd.s32 v55, v41  }
0xbc: {  	[tilespmem:$0x74A0] =	vst v1;
	v1 =	vadd.s32 v4, v2;
	v2 =	vmul.u32 $0xC8, v44  }
0xbd: {  	v53 =	vmul.u32 $0xC8, v45;
	[tilespmem:$0x74B0] =	vst v1;
	v1 =	vadd.s32 v5, v52  }
0xbe: {  	[tilespmem:$0x74C0] =	vst v1;
	v1 =	vadd.s32 v6, v2;
	v2 =	vmul.u32 $0xC8, v46  }
0xbf: {  	[tilespmem:$0x74D0] =	vst v1;
	v1 =	vadd.s32 v7, v53  }
0xc0: {  	[tilespmem:$0x74E0] =	vst v1;
	v1 =	vadd.s32 v8, v2  }
0xc1: {  	s17 =	simm.s32 $0x7480;
	s5 =	simm.s32 $0x13600;
	[tilespmem:$0x74F0] =	vst v1  }
0xc2: {  	[tilespmem:s5], [sflag:$0x4] =	stream.indirect.gather [spmem:s8], $0x80, s17, s20, $0xb8;
	[tilespmem:$0x1F600] =	vst v63  }
0xc3: {  	_ =	swait.ge [sflag:s25], $0x80  }
0xc4: {  	[sflag:s25] =	ssyncset.done $0x0  }
0xc5: {  	[sflag:s25] =	ssyncadd.s32 $0xFFFFFF80  }
0xc6: {  	_ =	swait.ge [sflag:s26], $0x80  }
0xc7: {  	[sflag:s26] =	ssyncset.done $0x0  }
0xc8: {  	[sflag:s26] =	ssyncadd.s32 $0xFFFFFF80  }
0xc9: {  	[tilespmem:s28], [sflag:$0x2] =	stream.indirect.gather [hbm4b:s0+s20], $0x80, s14, s20, $0xb8;
	[tilespmem:$0x1F600] =	vst v63  }
0xca: {  	v1 =	vld [tilespmem:$0x7380]  }
0xcb: {  	v2 =	vld [tilespmem:$0x7390]  }
0xcc: {  	v56 =	vld [tilespmem:$0x73A0]  }
0xcd: {  	v57 =	vld [tilespmem:$0x73B0]  }
0xce: {  	v58 =	vld [tilespmem:$0x73C0]  }
0xcf: {  	v59 =	vld [tilespmem:$0x73D0];
	v1 =	vmul.u32 $0xC8, v1  }
0xd0: {  	v60 =	vld [tilespmem:$0x73E0];
	v2 =	vmul.u32 $0xC8, v2  }
0xd1: {  	v61 =	vld [tilespmem:$0x73F0];
	v41 =	vmul.u32 $0xC8, v56;
	v1 =	vadd.s32 v9, v1  }
0xd2: {  	[tilespmem:$0x7500] =	vst v1;
	v1 =	vadd.s32 v10, v2;
	v2 =	vmul.u32 $0xC8, v57  }
0xd3: {  	v62 =	vmul.u32 $0xC8, v58;
	[tilespmem:$0x7510] =	vst v1;
	v1 =	vadd.s32 v11, v41  }
0xd4: {  	[tilespmem:$0x7520] =	vst v1;
	v1 =	vadd.s32 v12, v2;
	v2 =	vmul.u32 $0xC8, v59  }
0xd5: {  	v63 =	vmul.u32 $0xC8, v60;
	[tilespmem:$0x7530] =	vst v1;
	v1 =	vadd.s32 v13, v62  }
0xd6: {  	[tilespmem:$0x7540] =	vst v1;
	v1 =	vadd.s32 v14, v2;
	v2 =	vmul.u32 $0xC8, v61  }
0xd7: {  	[tilespmem:$0x7550] =	vst v1;
	v1 =	vadd.s32 v15, v63  }
0xd8: {  	[tilespmem:$0x7560] =	vst v1;
	v1 =	vadd.s32 v16, v2  }
0xd9: {  	s6 =	simm.s32 $0x17600;
	s5 =	simm.s32 $0x7500;
	[tilespmem:$0x7570] =	vst v1  }
0xda: {  	[tilespmem:s6], [sflag:$0x5] =	stream.indirect.gather [spmem:s8], $0x80, s5, s20, $0xb8;
	[tilespmem:$0x1F600] =	vst v63  }
0xdb: {  	_ =	swait.ge [sflag:s4], $0x4000  }
0xdc: {  	[sflag:s4] =	ssyncset.done $0x0  }
0xdd: {  	[sflag:s4] =	ssyncadd.s32 $0xFFFFC000  }
0xde: {  	_ =	swait.ge [sflag:s21], $0x4000  }
0xdf: {  	[sflag:s21] =	ssyncset.done $0x0  }
0xe0: {  	s7 =	simm.s32 $0x0;
	s12 =	rddreg [dreg:$0x11];
	[sflag:s21] =	ssyncadd.s32 $0xFFFFC000  }
0xe1: {  	[tilespmem:s22], [sflag:$0x7] =	stream.linear.gather [hbm4b:s12+s7], $0x80, $0x38;
	[tilespmem:$0x1F600] =	vst v63  }
0xe2: {  	s0 =	simm.s32 $0x0;
	s17 =	rddreg [dreg:$0x12]  }
0xe3: {  	[tilespmem:s13], [sflag:$0xA] =	stream.linear.gather [hbm4b:s17+s7], $0x80, $0x38;
	[tilespmem:$0x1F600] =	vst v63  }
0xe4: {  	v1 =	vld [tilespmem:s0+$0x13600]  }
0xe5: {  	v2 =	vld [tilespmem:s0+$0x13610]  }
0xe6: {  	v46 =	vld [tilespmem:s0+$0x13620]  }
0xe7: {  	v45 =	vld [tilespmem:s0+$0x13630]  }
0xe8: {  	v44 =	vld [tilespmem:s0+$0x13640]  }
0xe9: {  	v43 =	vld [tilespmem:s0+$0x13650]  }
0xea: {  	v42 =	vld [tilespmem:s0+$0x13660]  }
0xeb: {  	v41 =	vld [tilespmem:s0+$0x13670]  }
0xec: {  	v48 =	vld [tilespmem:s0+$0x7600]  }
0xed: {  	v52 =	vld [tilespmem:s0+$0x7610]  }
0xee: {  	v51 =	vld [tilespmem:s0+$0x7620]  }
0xef: {  	v50 =	vld [tilespmem:s0+$0x7630]  }
0xf0: {  	v49 =	vld [tilespmem:s0+$0x7640]  }
0xf1: {  	v47 =	vld [tilespmem:s0+$0x7650];
	v53 =	vadd.f32 v1, v48  }
0xf2: {  	s2 =	simm.s32 $0x200;
	v52 =	vadd.f32 v2, v52;
	v48 =	vld [tilespmem:s0+$0x7660]  }
.LBB2_8:
0xf3: {  	s5 =	sshra.s32 s2, $0x2;
	p1 =	sne.s32 s2, $0xFE00;
	[tilespmem:s0+$0x7600] =	vst v53;
	v1 =	vadd.f32 v46, v51;
	v2 =	vld [tilespmem:s0+$0x7670]  }
0xf4: {  	v53 =	vld [tilespmem:s5+$0x13600];
	[tilespmem:s0+$0x7610] =	vst v52;
	v45 =	vadd.f32 v45, v50  }
0xf5: {  	v52 =	vld [tilespmem:s5+$0x13610];
	[tilespmem:s0+$0x7620] =	vst v1;
	v1 =	vadd.f32 v44, v49  }
0xf6: {  	v46 =	vld [tilespmem:s5+$0x13620];
	[tilespmem:s0+$0x7630] =	vst v45;
	v43 =	vadd.f32 v43, v47  }
0xf7: {  	v45 =	vld [tilespmem:s5+$0x13630];
	[tilespmem:s0+$0x7640] =	vst v1;
	v1 =	vadd.f32 v42, v48  }
0xf8: {  	v44 =	vld [tilespmem:s5+$0x13640];
	[tilespmem:s0+$0x7650] =	vst v43;
	v2 =	vadd.f32 v41, v2  }
0xf9: {  	v43 =	vld [tilespmem:s5+$0x13650];
	[tilespmem:s0+$0x7660] =	vst v1  }
0xfa: {  	v42 =	vld [tilespmem:s5+$0x13660];
	[tilespmem:s0+$0x7670] =	vst v2;
	s0 =	smov.u32 s5  }
0xfb: {  	v41 =	vld [tilespmem:s0+$0x13670]  }
0xfc: {  	v1 =	vld [tilespmem:s0+$0x7600]  }
0xfd: {  	v2 =	vld [tilespmem:s0+$0x7610]  }
.Ltmp3:
0xfe: {  	v51 =	vld [tilespmem:s0+$0x7620];
	(pc) =	sbr.rel @p1 .LBB2_8-.Ltmp3, $4  }
0xff: {  	v50 =	vld [tilespmem:s0+$0x7630]  }
0x100: {  	v49 =	vld [tilespmem:s0+$0x7640]  }
0x101: {  	v53 =	vadd.f32 v53, v1;
	v47 =	vld [tilespmem:s0+$0x7650]  }
0x102: {  	s2 =	sadd.s32 $0x200, s2;
	v52 =	vadd.f32 v52, v2;
	v48 =	vld [tilespmem:s0+$0x7660]  }
0x103: {  	[tilespmem:s0+$0x7600] =	vst v53;
	v1 =	vadd.f32 v46, v51;
	v2 =	vld [tilespmem:s0+$0x7670]  }
0x104: {  	[tilespmem:s0+$0x7610] =	vst v52;
	v45 =	vadd.f32 v45, v50  }
0x105: {  	[tilespmem:s0+$0x7620] =	vst v1;
	v1 =	vadd.f32 v44, v49  }
0x106: {  	[tilespmem:s0+$0x7630] =	vst v45;
	v43 =	vadd.f32 v43, v47  }
0x107: {  	[tilespmem:s0+$0x7640] =	vst v1;
	v1 =	vadd.f32 v42, v48  }
0x108: {  	[tilespmem:s0+$0x7650] =	vst v43;
	v2 =	vadd.f32 v41, v2  }
0x109: {  	[tilespmem:s0+$0x7660] =	vst v1  }
0x10a: {  	s17 =	simm.s32 $0x0;
	s2 =	rddreg [dreg:$0x13];
	s5 =	simm.s32 $0x7600;
	[tilespmem:s0+$0x7670] =	vst v2  }
0x10b: {  	[hbm4b:s2+s17] =	stream.linear.scatter [tilespmem:s5], [sflag:$0xD], $0x4000, $0x38;
	[tilespmem:$0x1F600] =	vst v63  }
0x10c: {  	_ =	swait.ge [sflag:s16], $0x80  }
0x10d: {  	[sflag:s16] =	ssyncset.done $0x0  }
0x10e: {  	[sflag:s16] =	ssyncadd.s32 $0xFFFFFF80  }
0x10f: {  	_ =	swait.ge [sflag:s31], $0x80  }
0x110: {  	[sflag:s31] =	ssyncset.done $0x0  }
0x111: {  	[sflag:s31] =	ssyncadd.s32 $0xFFFFFF80  }
0x112: {  	s6 =	simm.s32 $0x7280;
	s12 =	simm.s32 $0xF600;
	s7 =	rddreg [dreg:$0x1]  }
0x113: {  	[tilespmem:s12], [sflag:$0x3] =	stream.indirect.gather [hbm4b:s7+s20], $0x80, s6, s20, $0xb8;
	[tilespmem:$0x1F600] =	vst v63  }
0x114: {  	v1 =	vld [tilespmem:$0x7400]  }
0x115: {  	v2 =	vld [tilespmem:$0x7410]  }
0x116: {  	v52 =	vld [tilespmem:$0x7420]  }
0x117: {  	v53 =	vld [tilespmem:$0x7430]  }
0x118: {  	v56 =	vld [tilespmem:$0x7440]  }
0x119: {  	v57 =	vld [tilespmem:$0x7450];
	v1 =	vmul.u32 $0xC8, v1  }
0x11a: {  	v58 =	vld [tilespmem:$0x7460];
	v2 =	vmul.u32 $0xC8, v2  }
0x11b: {  	v59 =	vld [tilespmem:$0x7470];
	v41 =	vmul.u32 $0xC8, v52;
	v1 =	vadd.s32 v17, v1  }
0x11c: {  	[tilespmem:$0x7580] =	vst v1;
	v1 =	vadd.s32 v18, v2;
	v2 =	vmul.u32 $0xC8, v53  }
0x11d: {  	v60 =	vmul.u32 $0xC8, v56;
	[tilespmem:$0x7590] =	vst v1;
	v1 =	vadd.s32 v19, v41  }
0x11e: {  	[tilespmem:$0x75A0] =	vst v1;
	v1 =	vadd.s32 v20, v2;
	v2 =	vmul.u32 $0xC8, v57  }
0x11f: {  	v61 =	vmul.u32 $0xC8, v58;
	[tilespmem:$0x75B0] =	vst v1;
	v1 =	vadd.s32 v21, v60  }
0x120: {  	[tilespmem:$0x75C0] =	vst v1;
	v1 =	vadd.s32 v22, v2;
	v2 =	vmul.u32 $0xC8, v59  }
0x121: {  	[tilespmem:$0x75D0] =	vst v1;
	v1 =	vadd.s32 v23, v61  }
0x122: {  	[tilespmem:$0x75E0] =	vst v1;
	v1 =	vadd.s32 v24, v2  }
0x123: {  	s13 =	simm.s32 $0x7580;
	s17 =	simm.s32 $0x1B600;
	[tilespmem:$0x75F0] =	vst v1  }
0x124: {  	[tilespmem:s17], [sflag:$0x6] =	stream.indirect.gather [spmem:s8], $0x80, s13, s20, $0xb8;
	[tilespmem:$0x1F600] =	vst v63  }
0x125: {  	_ =	swait.ge [sflag:s15], $0x4000  }
0x126: {  	[sflag:s15] =	ssyncset.done $0x0  }
0x127: {  	[sflag:s15] =	ssyncadd.s32 $0xFFFFC000  }
0x128: {  	_ =	swait.ge [sflag:s23], $0x4000  }
0x129: {  	[sflag:s23] =	ssyncset.done $0x0  }
0x12a: {  	s0 =	simm.s32 $0x0;
	[sflag:s23] =	ssyncadd.s32 $0xFFFFC000  }
0x12b: {  	v1 =	vld [tilespmem:s0+$0x17600]  }
0x12c: {  	v2 =	vld [tilespmem:s0+$0x17610]  }
0x12d: {  	v46 =	vld [tilespmem:s0+$0x17620]  }
0x12e: {  	v45 =	vld [tilespmem:s0+$0x17630]  }
0x12f: {  	v44 =	vld [tilespmem:s0+$0x17640]  }
0x130: {  	v43 =	vld [tilespmem:s0+$0x17650]  }
0x131: {  	v42 =	vld [tilespmem:s0+$0x17660]  }
0x132: {  	v41 =	vld [tilespmem:s0+$0x17670]  }
0x133: {  	v62 =	vld [tilespmem:s0+$0xB600]  }
0x134: {  	v63 =	vld [tilespmem:s0+$0xB610]  }
0x135: {  	v51 =	vld [tilespmem:s0+$0xB620]  }
0x136: {  	v50 =	vld [tilespmem:s0+$0xB630]  }
0x137: {  	v49 =	vld [tilespmem:s0+$0xB640]  }
0x138: {  	v47 =	vld [tilespmem:s0+$0xB650];
	v53 =	vadd.f32 v1, v62  }
0x139: {  	s2 =	simm.s32 $0x200;
	v48 =	vld [tilespmem:s0+$0xB660];
	v52 =	vadd.f32 v2, v63  }
.LBB2_10:
0x13a: {  	s5 =	sshra.s32 s2, $0x2;
	p1 =	sne.s32 s2, $0xFE00;
	[tilespmem:s0+$0xB600] =	vst v53;
	v1 =	vadd.f32 v46, v51;
	v2 =	vld [tilespmem:s0+$0xB670]  }
0x13b: {  	v53 =	vld [tilespmem:s5+$0x17600];
	[tilespmem:s0+$0xB610] =	vst v52;
	v45 =	vadd.f32 v45, v50  }
0x13c: {  	v52 =	vld [tilespmem:s5+$0x17610];
	[tilespmem:s0+$0xB620] =	vst v1;
	v1 =	vadd.f32 v44, v49  }
0x13d: {  	v46 =	vld [tilespmem:s5+$0x17620];
	[tilespmem:s0+$0xB630] =	vst v45;
	v43 =	vadd.f32 v43, v47  }
0x13e: {  	v45 =	vld [tilespmem:s5+$0x17630];
	[tilespmem:s0+$0xB640] =	vst v1;
	v1 =	vadd.f32 v42, v48  }
0x13f: {  	v44 =	vld [tilespmem:s5+$0x17640];
	[tilespmem:s0+$0xB650] =	vst v43;
	v2 =	vadd.f32 v41, v2  }
0x140: {  	v43 =	vld [tilespmem:s5+$0x17650];
	[tilespmem:s0+$0xB660] =	vst v1  }
0x141: {  	v42 =	vld [tilespmem:s5+$0x17660];
	[tilespmem:s0+$0xB670] =	vst v2;
	s0 =	smov.u32 s5  }
0x142: {  	v41 =	vld [tilespmem:s0+$0x17670]  }
0x143: {  	v1 =	vld [tilespmem:s0+$0xB600]  }
0x144: {  	v2 =	vld [tilespmem:s0+$0xB610]  }
.Ltmp4:
0x145: {  	v51 =	vld [tilespmem:s0+$0xB620];
	(pc) =	sbr.rel @p1 .LBB2_10-.Ltmp4, $4  }
0x146: {  	v50 =	vld [tilespmem:s0+$0xB630]  }
0x147: {  	v49 =	vld [tilespmem:s0+$0xB640]  }
0x148: {  	v53 =	vadd.f32 v53, v1;
	v47 =	vld [tilespmem:s0+$0xB650]  }
0x149: {  	s2 =	sadd.s32 $0x200, s2;
	v52 =	vadd.f32 v52, v2;
	v48 =	vld [tilespmem:s0+$0xB660]  }
0x14a: {  	[tilespmem:s0+$0xB600] =	vst v53;
	v1 =	vadd.f32 v46, v51;
	v2 =	vld [tilespmem:s0+$0xB670]  }
0x14b: {  	[tilespmem:s0+$0xB610] =	vst v52;
	v45 =	vadd.f32 v45, v50  }
0x14c: {  	[tilespmem:s0+$0xB620] =	vst v1;
	v1 =	vadd.f32 v44, v49  }
0x14d: {  	[tilespmem:s0+$0xB630] =	vst v45;
	v43 =	vadd.f32 v43, v47  }
0x14e: {  	[tilespmem:s0+$0xB640] =	vst v1;
	v1 =	vadd.f32 v42, v48  }
0x14f: {  	[tilespmem:s0+$0xB650] =	vst v43;
	v2 =	vadd.f32 v41, v2  }
0x150: {  	[tilespmem:s0+$0xB660] =	vst v1  }
0x151: {  	s2 =	rddreg [dreg:$0x14];
	[tilespmem:s0+$0xB670] =	vst v2;
	s0 =	simm.s32 $0x0  }
0x152: {  	[hbm4b:s2+s0] =	stream.linear.scatter [tilespmem:s28], [sflag:$0xE], $0x4000, $0x38;
	[tilespmem:$0x1F600] =	vst v63  }
0x153: {  	s2 =	simm.s32 $0x0  }
.LBB2_12:
0x154: {  	s2 =	sadd.s32 $0x1, s2  }
0x155: {  	s7 =	smul.u32 $0x180, s2  }
0x156: {  	s5 =	rddreg [dreg:$0x8]  }
0x157: {  	s17 =	sadd.s32 s7, s5  }
0x158: {  	s5 =	sshrl.u32 s17, $0x3  }
0x159: {  	s12 =	sadd.s32 s10, s5  }
0x15a: {  	[tilespmem:s14], [sflag:$0x8] =	stream.linear.gather [hbm4b:s12+s0], $0x80, $0x38;
	[tilespmem:$0x1F600] =	vst v63  }
0x15b: {  	s6 =	simm.s32 $0x7380;
	s5 =	sadd.s32 s11, s5  }
0x15c: {  	[tilespmem:s6], [sflag:$0xB] =	stream.linear.gather [hbm4b:s5+s0], $0x80, $0x38;
	[tilespmem:$0x1F600] =	vst v63  }
0x15d: {  	_ =	swait.ge [sflag:s24], $0x4000  }
0x15e: {  	[sflag:s24] =	ssyncset.done $0x0  }
0x15f: {  	[sflag:s24] =	ssyncadd.s32 $0xFFFFC000  }
0x160: {  	_ =	swait.ge [sflag:s18], $0x80  }
0x161: {  	[sflag:s18] =	ssyncset.done $0x0  }
0x162: {  	[sflag:s18] =	ssyncadd.s32 $0xFFFFFF80  }
0x163: {  	_ =	swait.ge [sflag:s19], $0x80  }
0x164: {  	[sflag:s19] =	ssyncset.done $0x0;
	s12 =	rddreg [dreg:$0x7]  }
0x165: {  	s14 =	sadd.s32 s12, s7;
	[sflag:s19] =	ssyncadd.s32 $0xFFFFFF80  }
0x166: {  	s6 =	simm.s32 $0x7600;
	s13 =	rddreg [dreg:$0x1];
	s12 =	sor.u32 $0x30, s14  }
0x167: {  	v1 =	vor.u32 s14, v0;
	[tilespmem:s6], [sflag:$0x1] =	stream.indirect.gather [hbm4b:s13+s20], $0x80, s22, s20, $0xb8;
	[tilespmem:$0x1F600] =	vst v63  }
0x168: {  	v41 =	vmulhi.u32 $0x51EB851F, v1;
	s22 =	sor.u32 $0x10, s14;
	v48 =	vor.u32 s12, v0  }
0x169: {  	s6 =	sor.u32 $0x20, s14;
	v2 =	vld [tilespmem:$0x7300];
	v42 =	vor.u32 s22, v0;
	v59 =	vmulhi.u32 $0x51EB851F, v48  }
0x16a: {  	s13 =	sor.u32 $0x40, s14;
	v44 =	vld [tilespmem:$0x7310];
	v45 =	vor.u32 s6, v0;
	v43 =	vmulhi.u32 $0x51EB851F, v42  }
0x16b: {  	v46 =	vld [tilespmem:$0x7320];
	v63 =	vor.u32 s13, v0;
	v41 =	vshrl.u32 v41, $0x6;
	v47 =	vmulhi.u32 $0x51EB851F, v45  }
0x16c: {  	s12 =	sor.u32 $0x70, s14;
	v57 =	vmulhi.u32 $0x51EB851F, v63;
	v41 =	vmul.u32 $0xC8, v41  }
0x16d: {  	v49 =	vld [tilespmem:$0x7330];
	v52 =	vor.u32 s12, v0;
	v43 =	vshrl.u32 v43, $0x6;
	v60 =	vshrl.u32 v47, $0x6  }
0x16e: {  	s22 =	sor.u32 $0x50, s14;
	v58 =	vshrl.u32 v57, $0x6;
	v43 =	vmul.u32 $0xC8, v43;
	v1 =	vsub.s32 v1, v41  }
0x16f: {  	v41 =	vshrl.u32 v59, $0x6;
	v59 =	vor.u32 s22, v0;
	v2 =	vmul.u32 $0xC8, v2  }
0x170: {  	v53 =	vld [tilespmem:$0x7340];
	v61 =	vmul.u32 $0xC8, v44;
	v62 =	vmul.u32 $0xC8, v46;
	v41 =	vmul.u32 $0xC8, v41  }
0x171: {  	v1 =	vadd.s32 v1, v2;
	v2 =	vsub.s32 v42, v43;
	v42 =	vmul.u32 $0xC8, v60  }
0x172: {  	v56 =	vmul.u32 $0xC8, v49;
	v41 =	vsub.s32 v48, v41;
	v43 =	vmul.u32 $0xC8, v58  }
0x173: {  	s6 =	sor.u32 $0x60, s14;
	v60 =	vld [tilespmem:$0x7350];
	v48 =	vmulhi.u32 $0x51EB851F, v52;
	v2 =	vadd.s32 v2, v61;
	v42 =	vsub.s32 v45, v42  }
0x174: {  	v50 =	vld [tilespmem:$0x7360];
	v61 =	vmulhi.u32 $0x51EB851F, v59;
	v42 =	vadd.s32 v42, v62;
	v62 =	vor.u32 s6, v0  }
0x175: {  	v47 =	vmul.u32 $0xC8, v53;
	v53 =	vld [tilespmem:$0x7370];
	v51 =	vmulhi.u32 $0x51EB851F, v62  }
0x176: {  	v41 =	vadd.s32 v41, v56;
	[tilespmem:$0x7480] =	vst v1;
	v1 =	vsub.s32 v63, v43;
	v63 =	vshrl.u32 v61, $0x6  }
0x177: {  	[tilespmem:$0x7490] =	vst v2;
	v58 =	vshrl.u32 v48, $0x6;
	v2 =	vmul.u32 $0xC8, v63;
	v56 =	vshrl.u32 v51, $0x6  }
0x178: {  	[tilespmem:$0x74B0] =	vst v41;
	v1 =	vadd.s32 v1, v47;
	v57 =	vmul.u32 $0xC8, v60;
	v43 =	vmul.u32 $0xC8, v56  }
0x179: {  	[tilespmem:$0x74A0] =	vst v42;
	v60 =	vmul.u32 $0xC8, v58;
	v2 =	vsub.s32 v59, v2;
	v59 =	vmul.u32 $0xC8, v50  }
0x17a: {  	v61 =	vmul.u32 $0xC8, v53;
	[tilespmem:$0x74C0] =	vst v1;
	v1 =	vadd.s32 v2, v57;
	v2 =	vsub.s32 v62, v43  }
0x17b: {  	[tilespmem:$0x74D0] =	vst v1;
	v1 =	vadd.s32 v2, v59;
	v2 =	vsub.s32 v52, v60  }
0x17c: {  	[tilespmem:$0x74E0] =	vst v1;
	v1 =	vadd.s32 v2, v61  }
0x17d: {  	s13 =	simm.s32 $0x7480;
	s22 =	simm.s32 $0x13600;
	[tilespmem:$0x74F0] =	vst v1  }
0x17e: {  	[tilespmem:s22], [sflag:$0x4] =	stream.indirect.gather [spmem:s8], $0x80, s13, s20, $0xb8;
	[tilespmem:$0x1F600] =	vst v63  }
0x17f: {  	_ =	swait.ge [sflag:s29], $0x4000  }
0x180: {  	[sflag:s29] =	ssyncset.done $0x0  }
0x181: {  	[sflag:s29] =	ssyncadd.s32 $0xFFFFC000  }
0x182: {  	_ =	swait.ge [sflag:s30], $0x4000  }
0x183: {  	[sflag:s30] =	ssyncset.done $0x0  }
0x184: {  	s5 =	simm.s32 $0x0;
	[sflag:s30] =	ssyncadd.s32 $0xFFFFC000  }
0x185: {  	v1 =	vld [tilespmem:s5+$0x1B600]  }
0x186: {  	v2 =	vld [tilespmem:s5+$0x1B610]  }
0x187: {  	v46 =	vld [tilespmem:s5+$0x1B620]  }
0x188: {  	v45 =	vld [tilespmem:s5+$0x1B630]  }
0x189: {  	v44 =	vld [tilespmem:s5+$0x1B640]  }
0x18a: {  	v43 =	vld [tilespmem:s5+$0x1B650]  }
0x18b: {  	v42 =	vld [tilespmem:s5+$0x1B660]  }
0x18c: {  	v41 =	vld [tilespmem:s5+$0x1B670]  }
0x18d: {  	v62 =	vld [tilespmem:s5+$0xF600]  }
0x18e: {  	v63 =	vld [tilespmem:s5+$0xF610]  }
0x18f: {  	v51 =	vld [tilespmem:s5+$0xF620]  }
0x190: {  	v50 =	vld [tilespmem:s5+$0xF630]  }
0x191: {  	v49 =	vld [tilespmem:s5+$0xF640]  }
0x192: {  	v47 =	vld [tilespmem:s5+$0xF650];
	v53 =	vadd.f32 v1, v62  }
0x193: {  	s28 =	simm.s32 $0x7200;
	s13 =	simm.s32 $0x200;
	v48 =	vld [tilespmem:s5+$0xF660];
	v52 =	vadd.f32 v2, v63  }
.LBB2_13:
0x194: {  	s12 =	sshra.s32 s13, $0x2;
	p1 =	sne.s32 s13, $0xFE00;
	[tilespmem:s5+$0xF600] =	vst v53;
	v1 =	vadd.f32 v46, v51;
	v2 =	vld [tilespmem:s5+$0xF670]  }
0x195: {  	v53 =	vld [tilespmem:s12+$0x1B600];
	[tilespmem:s5+$0xF610] =	vst v52;
	v45 =	vadd.f32 v45, v50  }
0x196: {  	v52 =	vld [tilespmem:s12+$0x1B610];
	[tilespmem:s5+$0xF620] =	vst v1;
	v1 =	vadd.f32 v44, v49  }
0x197: {  	v46 =	vld [tilespmem:s12+$0x1B620];
	[tilespmem:s5+$0xF630] =	vst v45;
	v43 =	vadd.f32 v43, v47  }
0x198: {  	v45 =	vld [tilespmem:s12+$0x1B630];
	[tilespmem:s5+$0xF640] =	vst v1;
	v1 =	vadd.f32 v42, v48  }
0x199: {  	v44 =	vld [tilespmem:s12+$0x1B640];
	[tilespmem:s5+$0xF650] =	vst v43;
	v2 =	vadd.f32 v41, v2  }
0x19a: {  	v43 =	vld [tilespmem:s12+$0x1B650];
	[tilespmem:s5+$0xF660] =	vst v1  }
0x19b: {  	v42 =	vld [tilespmem:s12+$0x1B660];
	[tilespmem:s5+$0xF670] =	vst v2;
	s5 =	smov.u32 s12  }
0x19c: {  	v41 =	vld [tilespmem:s5+$0x1B670]  }
0x19d: {  	v1 =	vld [tilespmem:s5+$0xF600]  }
0x19e: {  	v2 =	vld [tilespmem:s5+$0xF610]  }
.Ltmp5:
0x19f: {  	v51 =	vld [tilespmem:s5+$0xF620];
	(pc) =	sbr.rel @p1 .LBB2_13-.Ltmp5, $4  }
0x1a0: {  	v50 =	vld [tilespmem:s5+$0xF630]  }
0x1a1: {  	v49 =	vld [tilespmem:s5+$0xF640]  }
0x1a2: {  	v53 =	vadd.f32 v53, v1;
	v47 =	vld [tilespmem:s5+$0xF650]  }
0x1a3: {  	s13 =	sadd.s32 $0x200, s13;
	v52 =	vadd.f32 v52, v2;
	v48 =	vld [tilespmem:s5+$0xF660]  }
0x1a4: {  	[tilespmem:s5+$0xF600] =	vst v53;
	v1 =	vadd.f32 v46, v51;
	v2 =	vld [tilespmem:s5+$0xF670]  }
0x1a5: {  	[tilespmem:s5+$0xF610] =	vst v52;
	v45 =	vadd.f32 v45, v50  }
0x1a6: {  	[tilespmem:s5+$0xF620] =	vst v1;
	v1 =	vadd.f32 v44, v49  }
0x1a7: {  	[tilespmem:s5+$0xF630] =	vst v45;
	v43 =	vadd.f32 v43, v47  }
0x1a8: {  	s12 =	rddreg [dreg:$0x1d];
	[tilespmem:s5+$0xF640] =	vst v1;
	v1 =	vadd.f32 v42, v48  }
0x1a9: {  	s12 =	sadd.s32 s7, s12;
	[tilespmem:s5+$0xF650] =	vst v43;
	v2 =	vadd.f32 v41, v2  }
0x1aa: {  	s6 =	simm.s32 $0xF600;
	s13 =	rddreg [dreg:$0x9];
	s12 =	sshll.u32 s12, $0x4;
	[tilespmem:s5+$0xF660] =	vst v1  }
0x1ab: {  	s22 =	sadd.s32 s3, s12;
	s12 =	simm.s32 $0x0;
	[tilespmem:s5+$0xF670] =	vst v2;
	s5 =	sadd.s32 s7, s13  }
0x1ac: {  	[hbm4b:s22+s12] =	stream.linear.scatter [tilespmem:s6], [sflag:$0xF], $0x4000, $0x38;
	[tilespmem:$0x1F600] =	vst v63  }
0x1ad: {  	s13 =	sshrl.u32 s5, $0x3  }
0x1ae: {  	s6 =	simm.s32 $0x7280;
	s22 =	sadd.s32 s10, s13  }
0x1af: {  	[tilespmem:s6], [sflag:$0x9] =	stream.linear.gather [hbm4b:s22+s12], $0x80, $0x38;
	[tilespmem:$0x1F600] =	vst v63  }
0x1b0: {  	s13 =	sadd.s32 s11, s13;
	s22 =	simm.s32 $0x7400  }
0x1b1: {  	[tilespmem:s22], [sflag:$0xC] =	stream.linear.gather [hbm4b:s13+s12], $0x80, $0x38;
	[tilespmem:$0x1F600] =	vst v63  }
0x1b2: {  	_ =	swait.ge [sflag:s9], $0x4000  }
0x1b3: {  	[sflag:s9] =	ssyncset.done $0x0  }
0x1b4: {  	[sflag:s9] =	ssyncadd.s32 $0xFFFFC000  }
0x1b5: {  	_ =	swait.ge [sflag:s25], $0x80  }
0x1b6: {  	[sflag:s25] =	ssyncset.done $0x0  }
0x1b7: {  	[sflag:s25] =	ssyncadd.s32 $0xFFFFFF80  }
0x1b8: {  	_ =	swait.ge [sflag:s26], $0x80  }
0x1b9: {  	v1 =	vor.u32 s17, v0;
	[sflag:s26] =	ssyncset.done $0x0  }
0x1ba: {  	v62 =	vmulhi.u32 $0x51EB851F, v1;
	[sflag:s26] =	ssyncadd.s32 $0xFFFFFF80  }
0x1bb: {  	s6 =	sor.u32 $0x10, s17;
	s22 =	simm.s32 $0xB600;
	s13 =	rddreg [dreg:$0x1]  }
0x1bc: {  	v41 =	vshrl.u32 v62, $0x6;
	[tilespmem:s22], [sflag:$0x2] =	stream.indirect.gather [hbm4b:s13+s20], $0x80, s28, s20, $0xb8;
	[tilespmem:$0x1F600] =	vst v63  }
0x1bd: {  	v41 =	vmul.u32 $0xC8, v41;
	v63 =	vor.u32 s6, v0;
	v2 =	vld [tilespmem:$0x7380]  }
0x1be: {  	v51 =	vmulhi.u32 $0x51EB851F, v63;
	s13 =	sor.u32 $0x20, s17;
	v52 =	vld [tilespmem:$0x7390]  }
0x1bf: {  	v1 =	vsub.s32 v1, v41;
	s22 =	sor.u32 $0x30, s17;
	v45 =	vor.u32 s13, v0  }
0x1c0: {  	v43 =	vshrl.u32 v51, $0x6;
	v53 =	vld [tilespmem:$0x73A0];
	v57 =	vor.u32 s22, v0;
	s13 =	sor.u32 $0x50, s17;
	v56 =	vmulhi.u32 $0x51EB851F, v45  }
0x1c1: {  	v43 =	vmul.u32 $0xC8, v43;
	v58 =	vld [tilespmem:$0x73B0];
	s22 =	sor.u32 $0x60, s17;
	v59 =	vmulhi.u32 $0x51EB851F, v57;
	v44 =	vor.u32 s13, v0  }
0x1c2: {  	v49 =	vor.u32 s22, v0;
	v60 =	vshrl.u32 v56, $0x6;
	v2 =	vmul.u32 $0xC8, v2  }
0x1c3: {  	s6 =	sor.u32 $0x40, s17;
	v41 =	vshrl.u32 v59, $0x6;
	v42 =	vmul.u32 $0xC8, v60;
	v61 =	vmul.u32 $0xC8, v52  }
0x1c4: {  	v52 =	vld [tilespmem:$0x73C0];
	v1 =	vadd.s32 v1, v2;
	v2 =	vsub.s32 v63, v43;
	v63 =	vor.u32 s6, v0  }
0x1c5: {  	v41 =	vmul.u32 $0xC8, v41;
	v62 =	vmul.u32 $0xC8, v53;
	v56 =	vmulhi.u32 $0x51EB851F, v63  }
0x1c6: {  	v59 =	vmulhi.u32 $0x51EB851F, v44;
	v53 =	vmul.u32 $0xC8, v58;
	v58 =	vld [tilespmem:$0x73D0];
	v42 =	vsub.s32 v45, v42  }
0x1c7: {  	v60 =	vld [tilespmem:$0x73E0];
	v41 =	vsub.s32 v57, v41;
	v42 =	vadd.s32 v42, v62;
	v57 =	vshrl.u32 v56, $0x6  }
0x1c8: {  	v41 =	vadd.s32 v41, v53;
	s6 =	sor.u32 $0x70, s17;
	v2 =	vadd.s32 v2, v61;
	v43 =	vmul.u32 $0xC8, v57  }
0x1c9: {  	v62 =	vld [tilespmem:$0x73F0];
	v61 =	vmulhi.u32 $0x51EB851F, v49;
	v47 =	vmul.u32 $0xC8, v52;
	v52 =	vor.u32 s6, v0  }
0x1ca: {  	[tilespmem:$0x7500] =	vst v1;
	v48 =	vmulhi.u32 $0x51EB851F, v52;
	v1 =	vsub.s32 v63, v43;
	v63 =	vshrl.u32 v59, $0x6  }
0x1cb: {  	[tilespmem:$0x7510] =	vst v2;
	v56 =	vshrl.u32 v61, $0x6;
	v57 =	vmul.u32 $0xC8, v58;
	v2 =	vmul.u32 $0xC8, v63  }
0x1cc: {  	[tilespmem:$0x7520] =	vst v42;
	v43 =	vmul.u32 $0xC8, v56;
	v58 =	vshrl.u32 v48, $0x6;
	v59 =	vmul.u32 $0xC8, v60  }
0x1cd: {  	[tilespmem:$0x7530] =	vst v41;
	v1 =	vadd.s32 v1, v47;
	v60 =	vmul.u32 $0xC8, v58;
	v2 =	vsub.s32 v44, v2  }
0x1ce: {  	v61 =	vmul.u32 $0xC8, v62;
	[tilespmem:$0x7540] =	vst v1;
	v1 =	vadd.s32 v2, v57;
	v2 =	vsub.s32 v49, v43  }
0x1cf: {  	[tilespmem:$0x7550] =	vst v1;
	v1 =	vadd.s32 v2, v59;
	v2 =	vsub.s32 v52, v60  }
0x1d0: {  	[tilespmem:$0x7560] =	vst v1;
	v1 =	vadd.s32 v2, v61  }
0x1d1: {  	s13 =	simm.s32 $0x7500;
	s22 =	simm.s32 $0x17600;
	[tilespmem:$0x7570] =	vst v1  }
0x1d2: {  	[tilespmem:s22], [sflag:$0x5] =	stream.indirect.gather [spmem:s8], $0x80, s13, s20, $0xb8;
	[tilespmem:$0x1F600] =	vst v63  }
0x1d3: {  	_ =	swait.ge [sflag:s4], $0x4000  }
0x1d4: {  	[sflag:s4] =	ssyncset.done $0x0  }
0x1d5: {  	[sflag:s4] =	ssyncadd.s32 $0xFFFFC000  }
0x1d6: {  	_ =	swait.ge [sflag:s21], $0x4000  }
0x1d7: {  	[sflag:s21] =	ssyncset.done $0x0  }
0x1d8: {  	s13 =	simm.s32 $0x0;
	[sflag:s21] =	ssyncadd.s32 $0xFFFFC000  }
0x1d9: {  	v1 =	vld [tilespmem:s13+$0x13600]  }
0x1da: {  	v2 =	vld [tilespmem:s13+$0x13610]  }
0x1db: {  	v46 =	vld [tilespmem:s13+$0x13620]  }
0x1dc: {  	v45 =	vld [tilespmem:s13+$0x13630]  }
0x1dd: {  	v44 =	vld [tilespmem:s13+$0x13640]  }
0x1de: {  	v43 =	vld [tilespmem:s13+$0x13650]  }
0x1df: {  	v42 =	vld [tilespmem:s13+$0x13660]  }
0x1e0: {  	v41 =	vld [tilespmem:s13+$0x13670]  }
0x1e1: {  	v62 =	vld [tilespmem:s13+$0x7600]  }
0x1e2: {  	v63 =	vld [tilespmem:s13+$0x7610]  }
0x1e3: {  	v51 =	vld [tilespmem:s13+$0x7620]  }
0x1e4: {  	v50 =	vld [tilespmem:s13+$0x7630]  }
0x1e5: {  	v49 =	vld [tilespmem:s13+$0x7640]  }
0x1e6: {  	v47 =	vld [tilespmem:s13+$0x7650];
	v53 =	vadd.f32 v1, v62  }
0x1e7: {  	s12 =	simm.s32 $0x200;
	s28 =	simm.s32 $0xB600;
	v48 =	vld [tilespmem:s13+$0x7660];
	v52 =	vadd.f32 v2, v63  }
.LBB2_15:
0x1e8: {  	s22 =	sshra.s32 s12, $0x2;
	p1 =	sne.s32 s12, $0xFE00;
	[tilespmem:s13+$0x7600] =	vst v53;
	v1 =	vadd.f32 v46, v51;
	v2 =	vld [tilespmem:s13+$0x7670]  }
0x1e9: {  	v53 =	vld [tilespmem:s22+$0x13600];
	[tilespmem:s13+$0x7610] =	vst v52;
	v45 =	vadd.f32 v45, v50  }
0x1ea: {  	v52 =	vld [tilespmem:s22+$0x13610];
	[tilespmem:s13+$0x7620] =	vst v1;
	v1 =	vadd.f32 v44, v49  }
0x1eb: {  	v46 =	vld [tilespmem:s22+$0x13620];
	[tilespmem:s13+$0x7630] =	vst v45;
	v43 =	vadd.f32 v43, v47  }
0x1ec: {  	v45 =	vld [tilespmem:s22+$0x13630];
	[tilespmem:s13+$0x7640] =	vst v1;
	v1 =	vadd.f32 v42, v48  }
0x1ed: {  	v44 =	vld [tilespmem:s22+$0x13640];
	[tilespmem:s13+$0x7650] =	vst v43;
	v2 =	vadd.f32 v41, v2  }
0x1ee: {  	v43 =	vld [tilespmem:s22+$0x13650];
	[tilespmem:s13+$0x7660] =	vst v1  }
0x1ef: {  	v42 =	vld [tilespmem:s22+$0x13660];
	[tilespmem:s13+$0x7670] =	vst v2;
	s13 =	smov.u32 s22  }
0x1f0: {  	v41 =	vld [tilespmem:s13+$0x13670]  }
0x1f1: {  	v1 =	vld [tilespmem:s13+$0x7600]  }
0x1f2: {  	v2 =	vld [tilespmem:s13+$0x7610]  }
.Ltmp6:
0x1f3: {  	v51 =	vld [tilespmem:s13+$0x7620];
	(pc) =	sbr.rel @p1 .LBB2_15-.Ltmp6, $4  }
0x1f4: {  	v50 =	vld [tilespmem:s13+$0x7630]  }
0x1f5: {  	v49 =	vld [tilespmem:s13+$0x7640]  }
0x1f6: {  	v53 =	vadd.f32 v53, v1;
	v47 =	vld [tilespmem:s13+$0x7650]  }
0x1f7: {  	s12 =	sadd.s32 $0x200, s12;
	v52 =	vadd.f32 v52, v2;
	v48 =	vld [tilespmem:s13+$0x7660]  }
0x1f8: {  	[tilespmem:s13+$0x7600] =	vst v53;
	v1 =	vadd.f32 v46, v51;
	v2 =	vld [tilespmem:s13+$0x7670]  }
0x1f9: {  	[tilespmem:s13+$0x7610] =	vst v52;
	v45 =	vadd.f32 v45, v50  }
0x1fa: {  	[tilespmem:s13+$0x7620] =	vst v1;
	v1 =	vadd.f32 v44, v49  }
0x1fb: {  	[tilespmem:s13+$0x7630] =	vst v45;
	v43 =	vadd.f32 v43, v47  }
0x1fc: {  	[tilespmem:s13+$0x7640] =	vst v1;
	v1 =	vadd.f32 v42, v48  }
0x1fd: {  	[tilespmem:s13+$0x7650] =	vst v43;
	v2 =	vadd.f32 v41, v2  }
0x1fe: {  	s12 =	sshll.u32 s14, $0x4;
	[tilespmem:s13+$0x7660] =	vst v1  }
0x1ff: {  	s6 =	simm.s32 $0x7600;
	s12 =	sadd.s32 s3, s12;
	[tilespmem:s13+$0x7670] =	vst v2;
	s13 =	simm.s32 $0x0  }
0x200: {  	[hbm4b:s12+s13] =	stream.linear.scatter [tilespmem:s6], [sflag:$0xD], $0x4000, $0x38;
	[tilespmem:$0x1F600] =	vst v63  }
0x201: {  	s6 =	rddreg [dreg:$0xf]  }
0x202: {  	s7 =	sadd.s32 s7, s6  }
0x203: {  	s7 =	sshrl.u32 s7, $0x3  }
0x204: {  	s22 =	simm.s32 $0x7180;
	s14 =	sadd.s32 s10, s7  }
0x205: {  	[tilespmem:s22], [sflag:$0x7] =	stream.linear.gather [hbm4b:s14+s13], $0x80, $0x38;
	[tilespmem:$0x1F600] =	vst v63  }
0x206: {  	s6 =	simm.s32 $0x7300;
	s7 =	sadd.s32 s11, s7  }
0x207: {  	[tilespmem:s6], [sflag:$0xA] =	stream.linear.gather [hbm4b:s7+s13], $0x80, $0x38;
	[tilespmem:$0x1F600] =	vst v63  }
0x208: {  	_ =	swait.ge [sflag:s1], $0x4000  }
0x209: {  	[sflag:s1] =	ssyncset.done $0x0  }
0x20a: {  	[sflag:s1] =	ssyncadd.s32 $0xFFFFC000  }
0x20b: {  	_ =	swait.ge [sflag:s16], $0x80  }
0x20c: {  	[sflag:s16] =	ssyncset.done $0x0  }
0x20d: {  	[sflag:s16] =	ssyncadd.s32 $0xFFFFFF80  }
0x20e: {  	_ =	swait.ge [sflag:s31], $0x80  }
0x20f: {  	[sflag:s31] =	ssyncset.done $0x0  }
0x210: {  	v1 =	vor.u32 s5, v0;
	s14 =	simm.s32 $0xF600;
	[sflag:s31] =	ssyncadd.s32 $0xFFFFFF80  }
0x211: {  	v62 =	vmulhi.u32 $0x51EB851F, v1;
	s7 =	simm.s32 $0x7280;
	s6 =	sor.u32 $0x30, s5;
	s12 =	rddreg [dreg:$0x1]  }
0x212: {  	[tilespmem:s14], [sflag:$0x3] =	stream.indirect.gather [hbm4b:s12+s20], $0x80, s7, s20, $0xb8;
	[tilespmem:$0x1F600] =	vst v63  }
0x213: {  	v41 =	vshrl.u32 v62, $0x6;
	v57 =	vor.u32 s6, v0;
	s12 =	sor.u32 $0x10, s5;
	v2 =	vld [tilespmem:$0x7400]  }
0x214: {  	v41 =	vmul.u32 $0xC8, v41;
	v59 =	vmulhi.u32 $0x51EB851F, v57;
	s14 =	sor.u32 $0x20, s5;
	v63 =	vor.u32 s12, v0;
	v52 =	vld [tilespmem:$0x7410]  }
0x215: {  	v45 =	vor.u32 s14, v0;
	v51 =	vmulhi.u32 $0x51EB851F, v63  }
0x216: {  	v1 =	vsub.s32 v1, v41;
	s6 =	sor.u32 $0x60, s5;
	v53 =	vld [tilespmem:$0x7420];
	v56 =	vmulhi.u32 $0x51EB851F, v45  }
0x217: {  	v49 =	vor.u32 s6, v0;
	v41 =	vshrl.u32 v59, $0x6;
	v58 =	vld [tilespmem:$0x7430];
	v43 =	vshrl.u32 v51, $0x6  }
0x218: {  	v60 =	vshrl.u32 v56, $0x6;
	v43 =	vmul.u32 $0xC8, v43;
	v2 =	vmul.u32 $0xC8, v2  }
0x219: {  	v41 =	vmul.u32 $0xC8, v41;
	s12 =	sor.u32 $0x40, s5;
	v42 =	vmul.u32 $0xC8, v60;
	v61 =	vmul.u32 $0xC8, v52  }
0x21a: {  	v52 =	vld [tilespmem:$0x7440];
	v1 =	vadd.s32 v1, v2;
	v2 =	vsub.s32 v63, v43;
	v63 =	vor.u32 s12, v0  }
0x21b: {  	v41 =	vsub.s32 v57, v41;
	s14 =	sor.u32 $0x50, s5;
	v62 =	vmul.u32 $0xC8, v53;
	v56 =	vmulhi.u32 $0x51EB851F, v63  }
0x21c: {  	v44 =	vor.u32 s14, v0;
	v53 =	vmul.u32 $0xC8, v58;
	v58 =	vld [tilespmem:$0x7450];
	v42 =	vsub.s32 v45, v42  }
0x21d: {  	v59 =	vmulhi.u32 $0x51EB851F, v44;
	v60 =	vld [tilespmem:$0x7460];
	v42 =	vadd.s32 v42, v62;
	v57 =	vshrl.u32 v56, $0x6  }
0x21e: {  	s7 =	sor.u32 $0x70, s5;
	v41 =	vadd.s32 v41, v53;
	v2 =	vadd.s32 v2, v61;
	v43 =	vmul.u32 $0xC8, v57  }
0x21f: {  	v62 =	vld [tilespmem:$0x7470];
	v61 =	vmulhi.u32 $0x51EB851F, v49;
	v47 =	vmul.u32 $0xC8, v52;
	v52 =	vor.u32 s7, v0  }
0x220: {  	[tilespmem:$0x7580] =	vst v1;
	v48 =	vmulhi.u32 $0x51EB851F, v52;
	v1 =	vsub.s32 v63, v43;
	v63 =	vshrl.u32 v59, $0x6  }
0x221: {  	[tilespmem:$0x7590] =	vst v2;
	v56 =	vshrl.u32 v61, $0x6;
	v57 =	vmul.u32 $0xC8, v58;
	v2 =	vmul.u32 $0xC8, v63  }
0x222: {  	[tilespmem:$0x75A0] =	vst v42;
	v43 =	vmul.u32 $0xC8, v56;
	v58 =	vshrl.u32 v48, $0x6;
	v59 =	vmul.u32 $0xC8, v60  }
0x223: {  	[tilespmem:$0x75B0] =	vst v41;
	v1 =	vadd.s32 v1, v47;
	v60 =	vmul.u32 $0xC8, v58;
	v2 =	vsub.s32 v44, v2  }
0x224: {  	v61 =	vmul.u32 $0xC8, v62;
	[tilespmem:$0x75C0] =	vst v1;
	v1 =	vadd.s32 v2, v57;
	v2 =	vsub.s32 v49, v43  }
0x225: {  	[tilespmem:$0x75D0] =	vst v1;
	v1 =	vadd.s32 v2, v59;
	v2 =	vsub.s32 v52, v60  }
0x226: {  	[tilespmem:$0x75E0] =	vst v1;
	v1 =	vadd.s32 v2, v61  }
0x227: {  	s14 =	simm.s32 $0x1B600;
	s12 =	simm.s32 $0x7580;
	[tilespmem:$0x75F0] =	vst v1  }
0x228: {  	[tilespmem:s14], [sflag:$0x6] =	stream.indirect.gather [spmem:s8], $0x80, s12, s20, $0xb8;
	[tilespmem:$0x1F600] =	vst v63  }
0x229: {  	_ =	swait.ge [sflag:s15], $0x4000  }
0x22a: {  	[sflag:s15] =	ssyncset.done $0x0  }
0x22b: {  	[sflag:s15] =	ssyncadd.s32 $0xFFFFC000  }
0x22c: {  	_ =	swait.ge [sflag:s23], $0x4000  }
0x22d: {  	[sflag:s23] =	ssyncset.done $0x0  }
0x22e: {  	s5 =	simm.s32 $0x0;
	[sflag:s23] =	ssyncadd.s32 $0xFFFFC000  }
0x22f: {  	v1 =	vld [tilespmem:s5+$0x17600]  }
0x230: {  	v2 =	vld [tilespmem:s5+$0x17610]  }
0x231: {  	v46 =	vld [tilespmem:s5+$0x17620]  }
0x232: {  	v45 =	vld [tilespmem:s5+$0x17630]  }
0x233: {  	v44 =	vld [tilespmem:s5+$0x17640]  }
0x234: {  	v43 =	vld [tilespmem:s5+$0x17650]  }
0x235: {  	v42 =	vld [tilespmem:s5+$0x17660]  }
0x236: {  	v41 =	vld [tilespmem:s5+$0x17670]  }
0x237: {  	v62 =	vld [tilespmem:s5+$0xB600]  }
0x238: {  	v63 =	vld [tilespmem:s5+$0xB610]  }
0x239: {  	v51 =	vld [tilespmem:s5+$0xB620]  }
0x23a: {  	v50 =	vld [tilespmem:s5+$0xB630]  }
0x23b: {  	v49 =	vld [tilespmem:s5+$0xB640]  }
0x23c: {  	v47 =	vld [tilespmem:s5+$0xB650];
	v53 =	vadd.f32 v1, v62  }
0x23d: {  	s13 =	simm.s32 $0x7300;
	s7 =	simm.s32 $0x200;
	v48 =	vld [tilespmem:s5+$0xB660];
	v52 =	vadd.f32 v2, v63  }
.LBB2_17:
0x23e: {  	s12 =	sshra.s32 s7, $0x2;
	p1 =	sne.s32 s7, $0xFE00;
	[tilespmem:s5+$0xB600] =	vst v53;
	v1 =	vadd.f32 v46, v51;
	v2 =	vld [tilespmem:s5+$0xB670]  }
0x23f: {  	v53 =	vld [tilespmem:s12+$0x17600];
	[tilespmem:s5+$0xB610] =	vst v52;
	v45 =	vadd.f32 v45, v50  }
0x240: {  	v52 =	vld [tilespmem:s12+$0x17610];
	[tilespmem:s5+$0xB620] =	vst v1;
	v1 =	vadd.f32 v44, v49  }
0x241: {  	v46 =	vld [tilespmem:s12+$0x17620];
	[tilespmem:s5+$0xB630] =	vst v45;
	v43 =	vadd.f32 v43, v47  }
0x242: {  	v45 =	vld [tilespmem:s12+$0x17630];
	[tilespmem:s5+$0xB640] =	vst v1;
	v1 =	vadd.f32 v42, v48  }
0x243: {  	v44 =	vld [tilespmem:s12+$0x17640];
	[tilespmem:s5+$0xB650] =	vst v43;
	v2 =	vadd.f32 v41, v2  }
0x244: {  	v43 =	vld [tilespmem:s12+$0x17650];
	[tilespmem:s5+$0xB660] =	vst v1  }
0x245: {  	v42 =	vld [tilespmem:s12+$0x17660];
	[tilespmem:s5+$0xB670] =	vst v2;
	s5 =	smov.u32 s12  }
0x246: {  	v41 =	vld [tilespmem:s5+$0x17670]  }
0x247: {  	v1 =	vld [tilespmem:s5+$0xB600]  }
0x248: {  	v2 =	vld [tilespmem:s5+$0xB610]  }
.Ltmp7:
0x249: {  	v51 =	vld [tilespmem:s5+$0xB620];
	(pc) =	sbr.rel @p1 .LBB2_17-.Ltmp7, $4  }
0x24a: {  	v50 =	vld [tilespmem:s5+$0xB630]  }
0x24b: {  	v49 =	vld [tilespmem:s5+$0xB640]  }
0x24c: {  	v53 =	vadd.f32 v53, v1;
	v47 =	vld [tilespmem:s5+$0xB650]  }
0x24d: {  	s7 =	sadd.s32 $0x200, s7;
	v52 =	vadd.f32 v52, v2;
	v48 =	vld [tilespmem:s5+$0xB660]  }
0x24e: {  	[tilespmem:s5+$0xB600] =	vst v53;
	v1 =	vadd.f32 v46, v51;
	v2 =	vld [tilespmem:s5+$0xB670]  }
0x24f: {  	[tilespmem:s5+$0xB610] =	vst v52;
	v45 =	vadd.f32 v45, v50  }
0x250: {  	[tilespmem:s5+$0xB620] =	vst v1;
	v1 =	vadd.f32 v44, v49  }
0x251: {  	[tilespmem:s5+$0xB630] =	vst v45;
	v43 =	vadd.f32 v43, v47  }
0x252: {  	p1 =	sne.s32 s2, $0x41;
	[tilespmem:s5+$0xB640] =	vst v1;
	v1 =	vadd.f32 v42, v48  }
.Ltmp8:
0x253: {  	[tilespmem:s5+$0xB650] =	vst v43;
	v2 =	vadd.f32 v41, v2;
	(pc) =	sbr.rel @p1 .LBB2_12-.Ltmp8, $4  }
0x254: {  	s7 =	sshll.u32 s17, $0x4;
	[tilespmem:s5+$0xB660] =	vst v1  }
0x255: {  	s17 =	simm.s32 $0x0;
	s14 =	sadd.s32 s3, s7;
	[tilespmem:s5+$0xB670] =	vst v2  }
0x256: {  	[hbm4b:s14+s17] =	stream.linear.scatter [tilespmem:s28], [sflag:$0xE], $0x4000, $0x38;
	[tilespmem:$0x1F600] =	vst v63  }
0x257: {  	s14 =	simm.s32 $0x7200  }
0x258: {  	s0 =	simm.s32 $0x0;
	s2 =	rddreg [dreg:$0x15]  }
0x259: {  	[tilespmem:s14], [sflag:$0x8] =	stream.linear.gather [hbm4b:s2+s0], $0x80, $0x38;
	[tilespmem:$0x1F600] =	vst v63  }
0x25a: {  	s12 =	rddreg [dreg:$0x16];
	s5 =	simm.s32 $0x7380  }
0x25b: {  	[tilespmem:s5], [sflag:$0xB] =	stream.linear.gather [hbm4b:s12+s0], $0x80, $0x38;
	[tilespmem:$0x1F600] =	vst v63  }
0x25c: {  	_ =	swait.ge [sflag:s24], $0x4000  }
0x25d: {  	[sflag:s24] =	ssyncset.done $0x0  }
0x25e: {  	[sflag:s24] =	ssyncadd.s32 $0xFFFFC000  }
0x25f: {  	_ =	swait.ge [sflag:s18], $0x80  }
0x260: {  	[sflag:s18] =	ssyncset.done $0x0  }
0x261: {  	[sflag:s18] =	ssyncadd.s32 $0xFFFFFF80  }
0x262: {  	_ =	swait.ge [sflag:s19], $0x80  }
0x263: {  	[sflag:s19] =	ssyncset.done $0x0  }
0x264: {  	[sflag:s19] =	ssyncadd.s32 $0xFFFFFF80  }
0x265: {  	s6 =	simm.s32 $0x7600;
	s5 =	rddreg [dreg:$0x1]  }
0x266: {  	[tilespmem:s6], [sflag:$0x1] =	stream.indirect.gather [hbm4b:s5+s20], $0x80, s22, s20, $0xb8;
	[tilespmem:$0x1F600] =	vst v63  }
0x267: {  	v1 =	vld [tilespmem:$0x7300]  }
0x268: {  	v2 =	vld [tilespmem:$0x7310]  }
0x269: {  	v41 =	vld [tilespmem:$0x7320]  }
0x26a: {  	v42 =	vld [tilespmem:$0x7330]  }
0x26b: {  	v43 =	vld [tilespmem:$0x7340]  }
0x26c: {  	v44 =	vld [tilespmem:$0x7350];
	v1 =	vmul.u32 $0xC8, v1  }
0x26d: {  	v45 =	vld [tilespmem:$0x7360];
	v2 =	vmul.u32 $0xC8, v2  }
0x26e: {  	v46 =	vld [tilespmem:$0x7370];
	v41 =	vmul.u32 $0xC8, v41;
	v1 =	vadd.s32 v25, v1  }
0x26f: {  	[tilespmem:$0x7480] =	vst v1;
	v1 =	vadd.s32 v26, v2;
	v2 =	vmul.u32 $0xC8, v42  }
0x270: {  	v62 =	vmul.u32 $0xC8, v43;
	[tilespmem:$0x7490] =	vst v1;
	v1 =	vadd.s32 v27, v41  }
0x271: {  	[tilespmem:$0x74A0] =	vst v1;
	v1 =	vadd.s32 v28, v2;
	v2 =	vmul.u32 $0xC8, v44  }
0x272: {  	v63 =	vmul.u32 $0xC8, v45;
	[tilespmem:$0x74B0] =	vst v1;
	v1 =	vadd.s32 v29, v62  }
0x273: {  	[tilespmem:$0x74C0] =	vst v1;
	v1 =	vadd.s32 v30, v2;
	v2 =	vmul.u32 $0xC8, v46  }
0x274: {  	[tilespmem:$0x74D0] =	vst v1;
	v1 =	vadd.s32 v31, v63  }
0x275: {  	[tilespmem:$0x74E0] =	vst v1;
	v1 =	vadd.s32 v32, v2  }
0x276: {  	s7 =	simm.s32 $0x7480;
	s12 =	simm.s32 $0x13600;
	[tilespmem:$0x74F0] =	vst v1  }
0x277: {  	[tilespmem:s12], [sflag:$0x4] =	stream.indirect.gather [spmem:s8], $0x80, s7, s20, $0xb8;
	[tilespmem:$0x1F600] =	vst v63  }
0x278: {  	_ =	swait.ge [sflag:s29], $0x4000  }
0x279: {  	[sflag:s29] =	ssyncset.done $0x0  }
0x27a: {  	[sflag:s29] =	ssyncadd.s32 $0xFFFFC000  }
0x27b: {  	_ =	swait.ge [sflag:s30], $0x4000  }
0x27c: {  	[sflag:s30] =	ssyncset.done $0x0  }
0x27d: {  	s0 =	simm.s32 $0x0;
	[sflag:s30] =	ssyncadd.s32 $0xFFFFC000  }
0x27e: {  	v1 =	vld [tilespmem:s0+$0x1B600]  }
0x27f: {  	v2 =	vld [tilespmem:s0+$0x1B610]  }
0x280: {  	v46 =	vld [tilespmem:s0+$0x1B620]  }
0x281: {  	v45 =	vld [tilespmem:s0+$0x1B630]  }
0x282: {  	v44 =	vld [tilespmem:s0+$0x1B640]  }
0x283: {  	v43 =	vld [tilespmem:s0+$0x1B650]  }
0x284: {  	v42 =	vld [tilespmem:s0+$0x1B660]  }
0x285: {  	v41 =	vld [tilespmem:s0+$0x1B670]  }
0x286: {  	v48 =	vld [tilespmem:s0+$0xF600]  }
0x287: {  	v52 =	vld [tilespmem:s0+$0xF610]  }
0x288: {  	v51 =	vld [tilespmem:s0+$0xF620]  }
0x289: {  	v50 =	vld [tilespmem:s0+$0xF630]  }
0x28a: {  	v49 =	vld [tilespmem:s0+$0xF640]  }
0x28b: {  	v47 =	vld [tilespmem:s0+$0xF650];
	v53 =	vadd.f32 v1, v48  }
0x28c: {  	s2 =	simm.s32 $0x200;
	v52 =	vadd.f32 v2, v52;
	v48 =	vld [tilespmem:s0+$0xF660]  }
.LBB2_20:
0x28d: {  	s5 =	sshra.s32 s2, $0x2;
	p1 =	sne.s32 s2, $0xFE00;
	[tilespmem:s0+$0xF600] =	vst v53;
	v1 =	vadd.f32 v46, v51;
	v2 =	vld [tilespmem:s0+$0xF670]  }
0x28e: {  	v53 =	vld [tilespmem:s5+$0x1B600];
	[tilespmem:s0+$0xF610] =	vst v52;
	v45 =	vadd.f32 v45, v50  }
0x28f: {  	v52 =	vld [tilespmem:s5+$0x1B610];
	[tilespmem:s0+$0xF620] =	vst v1;
	v1 =	vadd.f32 v44, v49  }
0x290: {  	v46 =	vld [tilespmem:s5+$0x1B620];
	[tilespmem:s0+$0xF630] =	vst v45;
	v43 =	vadd.f32 v43, v47  }
0x291: {  	v45 =	vld [tilespmem:s5+$0x1B630];
	[tilespmem:s0+$0xF640] =	vst v1;
	v1 =	vadd.f32 v42, v48  }
0x292: {  	v44 =	vld [tilespmem:s5+$0x1B640];
	[tilespmem:s0+$0xF650] =	vst v43;
	v2 =	vadd.f32 v41, v2  }
0x293: {  	v43 =	vld [tilespmem:s5+$0x1B650];
	[tilespmem:s0+$0xF660] =	vst v1  }
0x294: {  	v42 =	vld [tilespmem:s5+$0x1B660];
	[tilespmem:s0+$0xF670] =	vst v2;
	s0 =	smov.u32 s5  }
0x295: {  	v41 =	vld [tilespmem:s0+$0x1B670]  }
0x296: {  	v1 =	vld [tilespmem:s0+$0xF600]  }
0x297: {  	v2 =	vld [tilespmem:s0+$0xF610]  }
.Ltmp9:
0x298: {  	v51 =	vld [tilespmem:s0+$0xF620];
	(pc) =	sbr.rel @p1 .LBB2_20-.Ltmp9, $4  }
0x299: {  	v50 =	vld [tilespmem:s0+$0xF630]  }
0x29a: {  	v49 =	vld [tilespmem:s0+$0xF640]  }
0x29b: {  	v53 =	vadd.f32 v53, v1;
	v47 =	vld [tilespmem:s0+$0xF650]  }
0x29c: {  	s2 =	sadd.s32 $0x200, s2;
	v52 =	vadd.f32 v52, v2;
	v48 =	vld [tilespmem:s0+$0xF660]  }
0x29d: {  	[tilespmem:s0+$0xF600] =	vst v53;
	v1 =	vadd.f32 v46, v51;
	v2 =	vld [tilespmem:s0+$0xF670]  }
0x29e: {  	[tilespmem:s0+$0xF610] =	vst v52;
	v45 =	vadd.f32 v45, v50  }
0x29f: {  	[tilespmem:s0+$0xF620] =	vst v1;
	v1 =	vadd.f32 v44, v49  }
0x2a0: {  	[tilespmem:s0+$0xF630] =	vst v45;
	v43 =	vadd.f32 v43, v47  }
0x2a1: {  	[tilespmem:s0+$0xF640] =	vst v1;
	v1 =	vadd.f32 v42, v48  }
0x2a2: {  	[tilespmem:s0+$0xF650] =	vst v43;
	v2 =	vadd.f32 v41, v2  }
0x2a3: {  	[tilespmem:s0+$0xF660] =	vst v1  }
0x2a4: {  	s2 =	rddreg [dreg:$0x1e];
	s5 =	simm.s32 $0xF600;
	[tilespmem:s0+$0xF670] =	vst v2;
	s0 =	simm.s32 $0x0  }
0x2a5: {  	[hbm4b:s2+s0] =	stream.linear.scatter [tilespmem:s5], [sflag:$0xF], $0x4000, $0x38;
	[tilespmem:$0x1F600] =	vst v63  }
0x2a6: {  	s6 =	simm.s32 $0x7280;
	s5 =	rddreg [dreg:$0x17]  }
0x2a7: {  	[tilespmem:s6], [sflag:$0x9] =	stream.linear.gather [hbm4b:s5+s0], $0x80, $0x38;
	[tilespmem:$0x1F600] =	vst v63  }
0x2a8: {  	s7 =	rddreg [dreg:$0x18];
	s12 =	simm.s32 $0x7400  }
0x2a9: {  	[tilespmem:s12], [sflag:$0xC] =	stream.linear.gather [hbm4b:s7+s0], $0x80, $0x38;
	[tilespmem:$0x1F600] =	vst v63  }
0x2aa: {  	_ =	swait.ge [sflag:s9], $0x4000  }
0x2ab: {  	[sflag:s9] =	ssyncset.done $0x0  }
0x2ac: {  	[sflag:s9] =	ssyncadd.s32 $0xFFFFC000  }
0x2ad: {  	_ =	swait.ge [sflag:s25], $0x80  }
0x2ae: {  	[sflag:s25] =	ssyncset.done $0x0  }
0x2af: {  	[sflag:s25] =	ssyncadd.s32 $0xFFFFFF80  }
0x2b0: {  	_ =	swait.ge [sflag:s26], $0x80  }
0x2b1: {  	[sflag:s26] =	ssyncset.done $0x0  }
0x2b2: {  	[sflag:s26] =	ssyncadd.s32 $0xFFFFFF80  }
0x2b3: {  	s6 =	rddreg [dreg:$0x1]  }
0x2b4: {  	[tilespmem:s28], [sflag:$0x2] =	stream.indirect.gather [hbm4b:s6+s20], $0x80, s14, s20, $0xb8;
	[tilespmem:$0x1F600] =	vst v63  }
0x2b5: {  	v1 =	vld [tilespmem:$0x7380]  }
0x2b6: {  	v2 =	vld [tilespmem:$0x7390]  }
0x2b7: {  	v52 =	vld [tilespmem:$0x73A0]  }
0x2b8: {  	v53 =	vld [tilespmem:$0x73B0]  }
0x2b9: {  	v56 =	vld [tilespmem:$0x73C0]  }
0x2ba: {  	v57 =	vld [tilespmem:$0x73D0];
	v1 =	vmul.u32 $0xC8, v1  }
0x2bb: {  	v58 =	vld [tilespmem:$0x73E0];
	v2 =	vmul.u32 $0xC8, v2  }
0x2bc: {  	v59 =	vld [tilespmem:$0x73F0];
	v41 =	vmul.u32 $0xC8, v52;
	v1 =	vadd.s32 v33, v1  }
0x2bd: {  	[tilespmem:$0x7500] =	vst v1;
	v1 =	vadd.s32 v34, v2;
	v2 =	vmul.u32 $0xC8, v53  }
0x2be: {  	v60 =	vmul.u32 $0xC8, v56;
	[tilespmem:$0x7510] =	vst v1;
	v1 =	vadd.s32 v35, v41  }
0x2bf: {  	[tilespmem:$0x7520] =	vst v1;
	v1 =	vadd.s32 v36, v2;
	v2 =	vmul.u32 $0xC8, v57  }
0x2c0: {  	v61 =	vmul.u32 $0xC8, v58;
	[tilespmem:$0x7530] =	vst v1;
	v1 =	vadd.s32 v37, v60  }
0x2c1: {  	[tilespmem:$0x7540] =	vst v1;
	v1 =	vadd.s32 v38, v2;
	v2 =	vmul.u32 $0xC8, v59  }
0x2c2: {  	[tilespmem:$0x7550] =	vst v1;
	v1 =	vadd.s32 v39, v61  }
0x2c3: {  	[tilespmem:$0x7560] =	vst v1;
	v1 =	vadd.s32 v40, v2  }
0x2c4: {  	s7 =	simm.s32 $0x7500;
	s12 =	simm.s32 $0x17600;
	[tilespmem:$0x7570] =	vst v1  }
0x2c5: {  	[tilespmem:s12], [sflag:$0x5] =	stream.indirect.gather [spmem:s8], $0x80, s7, s20, $0xb8;
	[tilespmem:$0x1F600] =	vst v63  }
0x2c6: {  	_ =	swait.ge [sflag:s4], $0x4000  }
0x2c7: {  	[sflag:s4] =	ssyncset.done $0x0  }
0x2c8: {  	[sflag:s4] =	ssyncadd.s32 $0xFFFFC000  }
0x2c9: {  	_ =	swait.ge [sflag:s21], $0x4000  }
0x2ca: {  	[sflag:s21] =	ssyncset.done $0x0  }
0x2cb: {  	s0 =	simm.s32 $0x0;
	[sflag:s21] =	ssyncadd.s32 $0xFFFFC000  }
0x2cc: {  	v1 =	vld [tilespmem:s0+$0x13600]  }
0x2cd: {  	v2 =	vld [tilespmem:s0+$0x13610]  }
0x2ce: {  	v46 =	vld [tilespmem:s0+$0x13620]  }
0x2cf: {  	v45 =	vld [tilespmem:s0+$0x13630]  }
0x2d0: {  	v44 =	vld [tilespmem:s0+$0x13640]  }
0x2d1: {  	v43 =	vld [tilespmem:s0+$0x13650]  }
0x2d2: {  	v42 =	vld [tilespmem:s0+$0x13660]  }
0x2d3: {  	v41 =	vld [tilespmem:s0+$0x13670]  }
0x2d4: {  	v62 =	vld [tilespmem:s0+$0x7600]  }
0x2d5: {  	v63 =	vld [tilespmem:s0+$0x7610]  }
0x2d6: {  	v51 =	vld [tilespmem:s0+$0x7620]  }
0x2d7: {  	v50 =	vld [tilespmem:s0+$0x7630]  }
0x2d8: {  	v49 =	vld [tilespmem:s0+$0x7640]  }
0x2d9: {  	v47 =	vld [tilespmem:s0+$0x7650];
	v53 =	vadd.f32 v1, v62  }
0x2da: {  	s2 =	simm.s32 $0x200;
	v48 =	vld [tilespmem:s0+$0x7660];
	v52 =	vadd.f32 v2, v63  }
.LBB2_22:
0x2db: {  	s5 =	sshra.s32 s2, $0x2;
	p1 =	sne.s32 s2, $0xFE00;
	[tilespmem:s0+$0x7600] =	vst v53;
	v1 =	vadd.f32 v46, v51;
	v2 =	vld [tilespmem:s0+$0x7670]  }
0x2dc: {  	v53 =	vld [tilespmem:s5+$0x13600];
	[tilespmem:s0+$0x7610] =	vst v52;
	v45 =	vadd.f32 v45, v50  }
0x2dd: {  	v52 =	vld [tilespmem:s5+$0x13610];
	[tilespmem:s0+$0x7620] =	vst v1;
	v1 =	vadd.f32 v44, v49  }
0x2de: {  	v46 =	vld [tilespmem:s5+$0x13620];
	[tilespmem:s0+$0x7630] =	vst v45;
	v43 =	vadd.f32 v43, v47  }
0x2df: {  	v45 =	vld [tilespmem:s5+$0x13630];
	[tilespmem:s0+$0x7640] =	vst v1;
	v1 =	vadd.f32 v42, v48  }
0x2e0: {  	v44 =	vld [tilespmem:s5+$0x13640];
	[tilespmem:s0+$0x7650] =	vst v43;
	v2 =	vadd.f32 v41, v2  }
0x2e1: {  	v43 =	vld [tilespmem:s5+$0x13650];
	[tilespmem:s0+$0x7660] =	vst v1  }
0x2e2: {  	v42 =	vld [tilespmem:s5+$0x13660];
	[tilespmem:s0+$0x7670] =	vst v2;
	s0 =	smov.u32 s5  }
0x2e3: {  	v41 =	vld [tilespmem:s0+$0x13670]  }
0x2e4: {  	v1 =	vld [tilespmem:s0+$0x7600]  }
0x2e5: {  	v2 =	vld [tilespmem:s0+$0x7610]  }
.Ltmp10:
0x2e6: {  	v51 =	vld [tilespmem:s0+$0x7620];
	(pc) =	sbr.rel @p1 .LBB2_22-.Ltmp10, $4  }
0x2e7: {  	v50 =	vld [tilespmem:s0+$0x7630]  }
0x2e8: {  	v49 =	vld [tilespmem:s0+$0x7640]  }
0x2e9: {  	v53 =	vadd.f32 v53, v1;
	v47 =	vld [tilespmem:s0+$0x7650]  }
0x2ea: {  	s2 =	sadd.s32 $0x200, s2;
	v52 =	vadd.f32 v52, v2;
	v48 =	vld [tilespmem:s0+$0x7660]  }
0x2eb: {  	[tilespmem:s0+$0x7600] =	vst v53;
	v1 =	vadd.f32 v46, v51;
	v2 =	vld [tilespmem:s0+$0x7670]  }
0x2ec: {  	[tilespmem:s0+$0x7610] =	vst v52;
	v45 =	vadd.f32 v45, v50  }
0x2ed: {  	[tilespmem:s0+$0x7620] =	vst v1;
	v1 =	vadd.f32 v44, v49  }
0x2ee: {  	[tilespmem:s0+$0x7630] =	vst v45;
	v43 =	vadd.f32 v43, v47  }
0x2ef: {  	[tilespmem:s0+$0x7640] =	vst v1;
	v1 =	vadd.f32 v42, v48  }
0x2f0: {  	[tilespmem:s0+$0x7650] =	vst v43;
	v2 =	vadd.f32 v41, v2  }
0x2f1: {  	[tilespmem:s0+$0x7660] =	vst v1  }
0x2f2: {  	s12 =	simm.s32 $0x0;
	s2 =	rddreg [dreg:$0x19];
	s5 =	simm.s32 $0x7600;
	[tilespmem:s0+$0x7670] =	vst v2  }
0x2f3: {  	[hbm4b:s2+s12] =	stream.linear.scatter [tilespmem:s5], [sflag:$0xD], $0x4000, $0x38;
	[tilespmem:$0x1F600] =	vst v63  }
0x2f4: {  	_ =	swait.ge [sflag:s1], $0x4000  }
0x2f5: {  	[sflag:s1] =	ssyncset.done $0x0  }
0x2f6: {  	[sflag:s1] =	ssyncadd.s32 $0xFFFFC000  }
0x2f7: {  	_ =	swait.ge [sflag:s15], $0x4000  }
0x2f8: {  	[sflag:s15] =	ssyncset.done $0x0  }
0x2f9: {  	[sflag:s15] =	ssyncadd.s32 $0xFFFFC000  }
0x2fa: {  	_ =	swait.ge [sflag:s23], $0x4000  }
0x2fb: {  	[sflag:s23] =	ssyncset.done $0x0  }
0x2fc: {  	s0 =	simm.s32 $0x0;
	[sflag:s23] =	ssyncadd.s32 $0xFFFFC000  }
0x2fd: {  	v1 =	vld [tilespmem:s0+$0x17600]  }
0x2fe: {  	v2 =	vld [tilespmem:s0+$0x17610]  }
0x2ff: {  	v46 =	vld [tilespmem:s0+$0x17620]  }
0x300: {  	v45 =	vld [tilespmem:s0+$0x17630]  }
0x301: {  	v44 =	vld [tilespmem:s0+$0x17640]  }
0x302: {  	v43 =	vld [tilespmem:s0+$0x17650]  }
0x303: {  	v42 =	vld [tilespmem:s0+$0x17660]  }
0x304: {  	v41 =	vld [tilespmem:s0+$0x17670]  }
0x305: {  	v62 =	vld [tilespmem:s0+$0xB600]  }
0x306: {  	v63 =	vld [tilespmem:s0+$0xB610]  }
0x307: {  	v51 =	vld [tilespmem:s0+$0xB620]  }
0x308: {  	v50 =	vld [tilespmem:s0+$0xB630]  }
0x309: {  	v49 =	vld [tilespmem:s0+$0xB640]  }
0x30a: {  	v47 =	vld [tilespmem:s0+$0xB650];
	v53 =	vadd.f32 v1, v62  }
0x30b: {  	s2 =	simm.s32 $0x200;
	v48 =	vld [tilespmem:s0+$0xB660];
	v52 =	vadd.f32 v2, v63  }
.LBB2_24:
0x30c: {  	s5 =	sshra.s32 s2, $0x2;
	p1 =	sne.s32 s2, $0xFE00;
	[tilespmem:s0+$0xB600] =	vst v53;
	v1 =	vadd.f32 v46, v51;
	v2 =	vld [tilespmem:s0+$0xB670]  }
0x30d: {  	v53 =	vld [tilespmem:s5+$0x17600];
	[tilespmem:s0+$0xB610] =	vst v52;
	v45 =	vadd.f32 v45, v50  }
0x30e: {  	v52 =	vld [tilespmem:s5+$0x17610];
	[tilespmem:s0+$0xB620] =	vst v1;
	v1 =	vadd.f32 v44, v49  }
0x30f: {  	v46 =	vld [tilespmem:s5+$0x17620];
	[tilespmem:s0+$0xB630] =	vst v45;
	v43 =	vadd.f32 v43, v47  }
0x310: {  	v45 =	vld [tilespmem:s5+$0x17630];
	[tilespmem:s0+$0xB640] =	vst v1;
	v1 =	vadd.f32 v42, v48  }
0x311: {  	v44 =	vld [tilespmem:s5+$0x17640];
	[tilespmem:s0+$0xB650] =	vst v43;
	v2 =	vadd.f32 v41, v2  }
0x312: {  	v43 =	vld [tilespmem:s5+$0x17650];
	[tilespmem:s0+$0xB660] =	vst v1  }
0x313: {  	v42 =	vld [tilespmem:s5+$0x17660];
	[tilespmem:s0+$0xB670] =	vst v2;
	s0 =	smov.u32 s5  }
0x314: {  	v41 =	vld [tilespmem:s0+$0x17670]  }
0x315: {  	v1 =	vld [tilespmem:s0+$0xB600]  }
0x316: {  	v2 =	vld [tilespmem:s0+$0xB610]  }
.Ltmp11:
0x317: {  	v51 =	vld [tilespmem:s0+$0xB620];
	(pc) =	sbr.rel @p1 .LBB2_24-.Ltmp11, $4  }
0x318: {  	v50 =	vld [tilespmem:s0+$0xB630]  }
0x319: {  	v49 =	vld [tilespmem:s0+$0xB640]  }
0x31a: {  	v53 =	vadd.f32 v53, v1;
	v47 =	vld [tilespmem:s0+$0xB650]  }
0x31b: {  	s2 =	sadd.s32 $0x200, s2;
	v52 =	vadd.f32 v52, v2;
	v48 =	vld [tilespmem:s0+$0xB660]  }
0x31c: {  	[tilespmem:s0+$0xB600] =	vst v53;
	v1 =	vadd.f32 v46, v51;
	v2 =	vld [tilespmem:s0+$0xB670]  }
0x31d: {  	[tilespmem:s0+$0xB610] =	vst v52;
	v45 =	vadd.f32 v45, v50  }
0x31e: {  	[tilespmem:s0+$0xB620] =	vst v1;
	v1 =	vadd.f32 v44, v49  }
0x31f: {  	[tilespmem:s0+$0xB630] =	vst v45;
	v43 =	vadd.f32 v43, v47  }
0x320: {  	[tilespmem:s0+$0xB640] =	vst v1;
	v1 =	vadd.f32 v42, v48  }
0x321: {  	[tilespmem:s0+$0xB650] =	vst v43;
	v2 =	vadd.f32 v41, v2  }
0x322: {  	[tilespmem:s0+$0xB660] =	vst v1  }
0x323: {  	s7 =	rddreg [dreg:$0x1a];
	[tilespmem:s0+$0xB670] =	vst v2  }
0x324: {  	[hbm4b:s7+s17] =	stream.linear.scatter [tilespmem:s28], [sflag:$0xE], $0x4000, $0x38;
	[tilespmem:$0x1F600] =	vst v63  }
0x325: {  	_ =	swait.ge [sflag:s16], $0x80  }
0x326: {  	[sflag:s16] =	ssyncset.done $0x0  }
0x327: {  	[sflag:s16] =	ssyncadd.s32 $0xFFFFFF80  }
0x328: {  	_ =	swait.ge [sflag:s31], $0x80  }
0x329: {  	[sflag:s31] =	ssyncset.done $0x0  }
0x32a: {  	[sflag:s31] =	ssyncadd.s32 $0xFFFFFF80  }
0x32b: {  	_ =	swait.ge [sflag:s24], $0x4000  }
0x32c: {  	[sflag:s24] =	ssyncset.done $0x0  }
0x32d: {  	[sflag:s24] =	ssyncadd.s32 $0xFFFFC000  }
0x32e: {  	_ =	swait.ge [sflag:s9], $0x4000  }
0x32f: {  	s2 =	rddreg [dreg:$0x1f]  }
0x330: {  	s12 =	rddreg [dreg:$0x1b];
	s2 =	sadd.s32 $0x1, s2  }
0x331: {  	p1 =	sne.s32 s2, s12  }
.Ltmp12:
0x332: {  	_ = 	snop;
	(pc) =	sbr.rel @p1 .LBB2_1-.Ltmp12, $3  }
0x333: {  	_ =	sdelay $0x1  }
0x334: {  	[sflag:s9] =	ssyncset.done $0x0  }
0x335: {  	[sflag:s9] =	ssyncadd.s32 $0xFFFFC000  }
0x336: {  	_ =	sfence.sel $0x180000  }
0x337: {  	[bflag:$0x0] =	sbarrier.arrive $0xFFFF  }
0x338: {  	_ =	strace $0x90000047  }
0x339: {  	[bflag:$0x2] =	sbarrier.arrive $0xFFFF  }
0x33a: {  	s0 =	rddreg [dreg:$0x6]  }
0x33b: {  	s0 =	sadd.s32 @!p0 $0x100000, s0  }
0x33c: {  	[sflag:s0] =	ssyncadd.tile.s32 @!p0 $0x1;
	_ =	shalt  }
.Lfunc_end2:
_tile_overlayer_lowered:
.L_overlay_start_2:
0x33d: {  	(tag) =	ssettag $0x2  }
0x33e: {  	s0 =	rddreg [dreg:$0x0];
	s2 =	stileid.u32  }
0x33f: {  	s1 =	rddreg [dreg:$0x1];
	p0 =	sne.s32 s2, $0x0  }
0x340: {  	s3 =	rddreg [dreg:$0x2];
	[bflag:$0x3] =	sbarrier.arrive $0xFFFF;
	s2 =	simm.s32 @!p0 $0x1C10  }
0x341: {  	[timem:s3], [sflag:s2] =	dma.local @!p0 [hbm:s0], s1  }
0x342: {  	s0 =	simm.s32 @!p0 $0x10  }
0x343: {  	_ =	swait.ge @!p0 [sflag:s0], s1  }
0x344: {  	s1 =	ssub.s32 @!p0 $0x0, s1;
	[sflag:s0] =	ssyncset.done @!p0 $0x0  }
0x345: {  	[sflag:s0] =	ssyncadd.s32 @!p0 s1  }
0x346: {  	[bflag:$0x3] =	sbarrier.arrive $0xFFFF  }
0x347: {  	_ =	shalt  }

</sc_bundles>
